<compile_context>
chip_gen: v7x
topology: tpu7x:2x2x1
jax: 0.10.2.dev20260603
libtpu: 0.0.44.dev20260713+nightly
codegen_flags: <defaults>
</compile_context>

<pallas_src>
import jax
import jax.numpy as jnp
from jax import lax
from jax.experimental import pallas as pl
from jax.experimental.pallas import tpu as pltpu
from jax.experimental.pallas import tpu_sc as plsc

N = 10000
E = 320000
H = 128
L = 16
NC = 2
NS = 16
NW = NC * NS
EPW = E // NW
C = 80
NCHUNK = EPW // C
NBUF = 4


def _pre_body(zs_ref, zd_ref, w1_ref, b1_ref, w2_ref, b2_ref,
              a_ref, b_ref, w2o_ref, b2o_ref):
    dn = (((1,), (1,)), ((), ()))
    w1 = w1_ref[...]
    a_ref[...] = lax.dot_general(zs_ref[...], w1[:, :H], dn,
                                 preferred_element_type=jnp.float32)
    b_ref[...] = lax.dot_general(zd_ref[...], w1[:, H:], dn,
                                 preferred_element_type=jnp.float32) + b1_ref[...]
    w2o_ref[...] = w2_ref[...]
    b2o_ref[...] = jnp.broadcast_to(b2_ref[...], (1, L))


def _lane_shuffle(v, perm):
    dnums = lax.GatherDimensionNumbers(
        offset_dims=(), collapsed_slice_dims=(0,), start_index_map=(0,))
    return lax.gather(v, perm[:, None], dnums, (1,),
                      mode=lax.GatherScatterMode.PROMISE_IN_BOUNDS)


def _edge_body(a_hbm, b_hbm, eli_hbm, w2_hbm, b2_hbm, out_hbm,
               idx_r, idx_c, srows, outv, w2v, b2v, semA, semB):
    wid = lax.axis_index("s") * NC + lax.axis_index("c")

    pltpu.sync_copy(eli_hbm.at[0, wid], idx_r)
    pltpu.sync_copy(eli_hbm.at[1, wid], idx_c)
    pltpu.sync_copy(w2_hbm.at[0], w2v)
    pltpu.sync_copy(b2_hbm.at[0], b2v)

    w2regs = [w2v[pl.ds(L * k, L)] for k in range(H // L)]
    b2reg = b2v[...]
    iota16 = lax.iota(jnp.int32, L)
    perms = {s: iota16 ^ s for s in (1, 2, 4, 8)}
    masks = {s: (iota16 & s) == 0 for s in (1, 2, 4, 8)}
    zeros16 = jnp.zeros((L,), jnp.float32)

    def fire(i, buf):
        pltpu.async_copy(a_hbm.at[idx_r.at[i]], srows.at[buf], semA, add=True)
        pltpu.async_copy(b_hbm.at[idx_c.at[i]], srows.at[buf], semB, add=True)

    def wait(i, buf):
        pltpu.make_async_copy(a_hbm.at[idx_r.at[i]], srows.at[buf], semA).wait()
        pltpu.make_async_copy(b_hbm.at[idx_c.at[i]], srows.at[buf], semB).wait()

    def zero_body(j, carry):
        for b in range(NBUF):
            for k in range(H // L):
                srows[b, j, pl.ds(k * L, L)] = zeros16
        return carry

    lax.fori_loop(0, C, zero_body, 0)
    for b in range(NBUF):
        fire(b, b)

    def chunk_body(i, carry):
        buf = lax.rem(i, NBUF)
        wait(i, buf)

        def group_body(g, gcarry):
            vs = []
            for e16 in range(L):
                e = g * L + e16
                acc = None
                for k in range(H // L):
                    s = srows[buf, e, pl.ds(k * L, L)]
                    t = jnp.maximum(s, 0.0) * w2regs[k]
                    acc = t if acc is None else acc + t
                    srows[buf, e, pl.ds(k * L, L)] = zeros16
                vs.append(acc)
            for s in (1, 2, 4, 8):
                m, p = masks[s], perms[s]
                vs = [jnp.where(m, a, _lane_shuffle(b, p))
                      + jnp.where(m, _lane_shuffle(a, p), b)
                      for a, b in zip(vs[0::2], vs[1::2])]
            zv = vs[0] + b2reg
            sig = 1.0 / (1.0 + jnp.exp(-zv))
            outv[pl.ds(i * C + g * L, L)] = sig
            return gcarry

        lax.fori_loop(0, C // L, group_body, 0)

        @pl.when(i + NBUF < NCHUNK)
        def _():
            fire(i + NBUF, buf)

        return carry

    lax.fori_loop(0, NCHUNK, chunk_body, 0)
    pltpu.sync_copy(outv, out_hbm.at[pl.ds(wid * EPW, EPW)])


@jax.jit
def kernel(z_src, z_dst, edge_label_index, W1, b1, W2, b2):
    eli4 = edge_label_index.reshape(2, NW, NCHUNK, C)
    b1r = b1.reshape(1, H)
    b2r = b2.reshape(1, 1)

    a_nodes, b_nodes, w2o, b2o = pl.pallas_call(
        _pre_body,
        out_shape=[
            jax.ShapeDtypeStruct((N, H), jnp.float32),
            jax.ShapeDtypeStruct((N, H), jnp.float32),
            jax.ShapeDtypeStruct((1, H), jnp.float32),
            jax.ShapeDtypeStruct((1, L), jnp.float32),
        ],
    )(z_src, z_dst, W1, b1r, W2, b2r)

    edge_kernel = pl.kernel(
        _edge_body,
        out_type=jax.ShapeDtypeStruct((E,), jnp.float32),
        mesh=plsc.VectorSubcoreMesh(
            core_axis_name="c", subcore_axis_name="s",
            num_cores=NC, num_subcores=NS),
        scratch_types=[
            pltpu.VMEM((NCHUNK, C), jnp.int32),
            pltpu.VMEM((NCHUNK, C), jnp.int32),
            pltpu.VMEM((NBUF, C, H), jnp.float32),
            pltpu.VMEM((EPW,), jnp.float32),
            pltpu.VMEM((H,), jnp.float32),
            pltpu.VMEM((L,), jnp.float32),
            pltpu.SemaphoreType.DMA,
            pltpu.SemaphoreType.DMA,
        ],
    )
    return edge_kernel(a_nodes, b_nodes, eli4, w2o, b2o)

# --- scband reference (transcript-rebuilt; emitter-appended) ---
"""Pipeline reference for scband-decoder-bipartite-81071802679526 (READ-ONLY COPY).

The authoritative reference and input builder live on the scoring server;
editing this copy changes nothing except your own understanding.
"""

import jax, jax.numpy as jnp
import numpy as np

N_NODES = 10000
N_EDGES = 320000
H = 128


def setup_inputs(seed: int = 0) -> dict:
    key = jax.random.key(seed)
    k1, k2, k3, k4, k5 = jax.random.split(key, 5)
    z_src = jax.random.normal(k1, (N_NODES, H), dtype=jnp.float32)
    z_dst = jax.random.normal(k2, (N_NODES, H), dtype=jnp.float32)
    edge_label_index = jax.random.randint(k3, (2, N_EDGES), 0, N_NODES, dtype=jnp.int32)
    # Learned parameters: torch Linear(2H, H) -> W1 [H, 2H], b1 [H]; Linear(H, 1) -> W2 [1, H], b2 [1]
    W1 = jax.random.normal(k4, (H, 2 * H), dtype=jnp.float32) * (1.0 / np.sqrt(2 * H))
    b1 = jnp.zeros((H,), dtype=jnp.float32)
    W2 = jax.random.normal(k5, (1, H), dtype=jnp.float32) * (1.0 / np.sqrt(H))
    b2 = jnp.zeros((1,), dtype=jnp.float32)
    return {"z_src": z_src, "z_dst": z_dst, "edge_label_index": edge_label_index, "W1": W1, "b1": b1, "W2": W2, "b2": b2}


def reference(z_src, z_dst, edge_label_index, W1, b1, W2, b2):
    row = edge_label_index[0]
    col = edge_label_index[1]
    # gather endpoint embeddings per labeled edge (SparseCore gather)
    z = jnp.concatenate([jnp.take(z_src, row, axis=0), jnp.take(z_dst, col, axis=0)], axis=-1)
    z = jax.nn.relu(z @ W1.T + b1)
    z = z @ W2.T + b2
    z = jax.nn.sigmoid(z)
    return z.reshape(-1)

if __name__ == "__main__":
    import jax
    _d = setup_inputs()
    print(jax.jit(kernel)(*tuple(_d.values())))

</pallas_src>

<mosaic_0001>
#map = affine_map<(d0, d1) -> (0, 0)>
#map1 = affine_map<(d0, d1) -> (0, 0, 0, 0)>
#map2 = affine_map<(d0, d1) -> (0)>
module attributes {stable_mosaic.version = 14 : i64} {
  func.func @_edge_body(%arg0: i32, %arg1: i32, %arg2: memref<10000x128xf32, #tpu.memory_space<hbm>>, %arg3: memref<10000x128xf32, #tpu.memory_space<hbm>>, %arg4: memref<2x32x125x80xi32, #tpu.memory_space<hbm>>, %arg5: memref<1x128xf32, #tpu.memory_space<hbm>>, %arg6: memref<1x16xf32, #tpu.memory_space<hbm>>, %arg7: memref<320000xf32, #tpu.memory_space<hbm>>, %arg8: memref<125x80xi32, #tpu.memory_space<vmem>>, %arg9: memref<125x80xi32, #tpu.memory_space<vmem>>, %arg10: memref<4x80x128xf32, #tpu.memory_space<vmem>>, %arg11: memref<10000xf32, #tpu.memory_space<vmem>>, %arg12: memref<128xf32, #tpu.memory_space<vmem>>, %arg13: memref<16xf32, #tpu.memory_space<vmem>>, %arg14: memref<!tpu.dma_semaphore, #tpu.memory_space<semaphore_mem>>, %arg15: memref<!tpu.dma_semaphore, #tpu.memory_space<semaphore_mem>>) attributes {dimension_semantics = [#tpu.dimension_semantics<core_parallel>, #tpu.dimension_semantics<subcore_parallel>], iteration_bounds = array<i64: 2, 16>, scalar_prefetch = 0 : i64, scratch_operands = 8 : i64, tpu.core_type = #tpu.core_type<sc_vector_subcore>, window_params = [{transform_indices = #map}, {transform_indices = #map}, {transform_indices = #map1}, {transform_indices = #map}, {transform_indices = #map}, {transform_indices = #map2}]} {
    %mul3A = arith.constant 2 : i32
    %mul3A_0 = arith.muli %arg1, %mul3A : i32
    %add3A = arith.addi %mul3A_0, %arg0 : i32
    %run_scoped3A = arith.constant 0 : i32
    "tpu.region"() ({
      %run_scoped3A_172 = tpu.sem_alloc : memref<!tpu.dma_semaphore, #tpu.memory_space<semaphore_mem>>
      %dma_start3A_173 = arith.constant 0 : i32
      %dma_start3A_174 = arith.constant 0 : i32
      %dma_start3A_175 = tpu.memref_slice %arg4[%run_scoped3A, %add3A, %dma_start3A_173, %dma_start3A_174] : memref<2x32x125x80xi32, #tpu.memory_space<hbm>> -> memref<1x1x125x80xi32, #tpu.memory_space<hbm>>
      %dma_start3A_176 = tpu.memref_squeeze %dma_start3A_175 : memref<1x1x125x80xi32, #tpu.memory_space<hbm>> -> memref<125x80xi32, #tpu.memory_space<hbm>>
      %dma_start3A_177 = arith.constant 0 : i32
      %dma_start3A_178 = arith.constant 0 : i32
      %dma_start3A_179 = tpu.memref_slice %arg4[%run_scoped3A, %add3A, %dma_start3A_177, %dma_start3A_178] : memref<2x32x125x80xi32, #tpu.memory_space<hbm>> -> memref<1x1x125x80xi32, #tpu.memory_space<hbm>>
      %dma_start3A_180 = tpu.memref_squeeze %dma_start3A_179 : memref<1x1x125x80xi32, #tpu.memory_space<hbm>> -> memref<125x80xi32, #tpu.memory_space<hbm>>
      tpu.enqueue_dma source(%dma_start3A_180 : memref<125x80xi32, #tpu.memory_space<hbm>>) target(%arg8 : memref<125x80xi32, #tpu.memory_space<vmem>>) target_semaphore(%run_scoped3A_172 : memref<!tpu.dma_semaphore, #tpu.memory_space<semaphore_mem>>)
      %dma_wait3A = arith.constant 0 : i32
      %dma_wait3A_181 = arith.constant 0 : i32
      %dma_wait3A_182 = tpu.memref_slice %arg4[%run_scoped3A, %add3A, %dma_wait3A, %dma_wait3A_181] : memref<2x32x125x80xi32, #tpu.memory_space<hbm>> -> memref<1x1x125x80xi32, #tpu.memory_space<hbm>>
      %dma_wait3A_183 = tpu.memref_squeeze %dma_wait3A_182 : memref<1x1x125x80xi32, #tpu.memory_space<hbm>> -> memref<125x80xi32, #tpu.memory_space<hbm>>
      %dma_wait3A_184 = arith.constant 0 : i32
      %dma_wait3A_185 = arith.constant 0 : i32
      %dma_wait3A_186 = tpu.memref_slice %arg4[%run_scoped3A, %add3A, %dma_wait3A_184, %dma_wait3A_185] : memref<2x32x125x80xi32, #tpu.memory_space<hbm>> -> memref<1x1x125x80xi32, #tpu.memory_space<hbm>>
      %dma_wait3A_187 = tpu.memref_squeeze %dma_wait3A_186 : memref<1x1x125x80xi32, #tpu.memory_space<hbm>> -> memref<125x80xi32, #tpu.memory_space<hbm>>
      tpu.wait_dma2 semaphore(%run_scoped3A_172 : memref<!tpu.dma_semaphore, #tpu.memory_space<semaphore_mem>>) src(%dma_wait3A_187 : memref<125x80xi32, #tpu.memory_space<hbm>>) dst(%arg8 : memref<125x80xi32, #tpu.memory_space<vmem>>)
      tpu.yield
    }) : () -> ()
    %run_scoped3A_1 = arith.constant 1 : i32
    "tpu.region"() ({
      %run_scoped3A_172 = tpu.sem_alloc : memref<!tpu.dma_semaphore, #tpu.memory_space<semaphore_mem>>
      %dma_start3A_173 = arith.constant 0 : i32
      %dma_start3A_174 = arith.constant 0 : i32
      %dma_start3A_175 = tpu.memref_slice %arg4[%run_scoped3A_1, %add3A, %dma_start3A_173, %dma_start3A_174] : memref<2x32x125x80xi32, #tpu.memory_space<hbm>> -> memref<1x1x125x80xi32, #tpu.memory_space<hbm>>
      %dma_start3A_176 = tpu.memref_squeeze %dma_start3A_175 : memref<1x1x125x80xi32, #tpu.memory_space<hbm>> -> memref<125x80xi32, #tpu.memory_space<hbm>>
      %dma_start3A_177 = arith.constant 0 : i32
      %dma_start3A_178 = arith.constant 0 : i32
      %dma_start3A_179 = tpu.memref_slice %arg4[%run_scoped3A_1, %add3A, %dma_start3A_177, %dma_start3A_178] : memref<2x32x125x80xi32, #tpu.memory_space<hbm>> -> memref<1x1x125x80xi32, #tpu.memory_space<hbm>>
      %dma_start3A_180 = tpu.memref_squeeze %dma_start3A_179 : memref<1x1x125x80xi32, #tpu.memory_space<hbm>> -> memref<125x80xi32, #tpu.memory_space<hbm>>
      tpu.enqueue_dma source(%dma_start3A_180 : memref<125x80xi32, #tpu.memory_space<hbm>>) target(%arg9 : memref<125x80xi32, #tpu.memory_space<vmem>>) target_semaphore(%run_scoped3A_172 : memref<!tpu.dma_semaphore, #tpu.memory_space<semaphore_mem>>)
      %dma_wait3A = arith.constant 0 : i32
      %dma_wait3A_181 = arith.constant 0 : i32
      %dma_wait3A_182 = tpu.memref_slice %arg4[%run_scoped3A_1, %add3A, %dma_wait3A, %dma_wait3A_181] : memref<2x32x125x80xi32, #tpu.memory_space<hbm>> -> memref<1x1x125x80xi32, #tpu.memory_space<hbm>>
      %dma_wait3A_183 = tpu.memref_squeeze %dma_wait3A_182 : memref<1x1x125x80xi32, #tpu.memory_space<hbm>> -> memref<125x80xi32, #tpu.memory_space<hbm>>
      %dma_wait3A_184 = arith.constant 0 : i32
      %dma_wait3A_185 = arith.constant 0 : i32
      %dma_wait3A_186 = tpu.memref_slice %arg4[%run_scoped3A_1, %add3A, %dma_wait3A_184, %dma_wait3A_185] : memref<2x32x125x80xi32, #tpu.memory_space<hbm>> -> memref<1x1x125x80xi32, #tpu.memory_space<hbm>>
      %dma_wait3A_187 = tpu.memref_squeeze %dma_wait3A_186 : memref<1x1x125x80xi32, #tpu.memory_space<hbm>> -> memref<125x80xi32, #tpu.memory_space<hbm>>
      tpu.wait_dma2 semaphore(%run_scoped3A_172 : memref<!tpu.dma_semaphore, #tpu.memory_space<semaphore_mem>>) src(%dma_wait3A_187 : memref<125x80xi32, #tpu.memory_space<hbm>>) dst(%arg9 : memref<125x80xi32, #tpu.memory_space<vmem>>)
      tpu.yield
    }) : () -> ()
    %run_scoped3A_2 = arith.constant 0 : i32
    "tpu.region"() ({
      %run_scoped3A_172 = tpu.sem_alloc : memref<!tpu.dma_semaphore, #tpu.memory_space<semaphore_mem>>
      %dma_start3A_173 = arith.constant 0 : i32
      %dma_start3A_174 = tpu.memref_slice %arg5[%run_scoped3A_2, %dma_start3A_173] : memref<1x128xf32, #tpu.memory_space<hbm>> -> memref<1x128xf32, #tpu.memory_space<hbm>>
      %dma_start3A_175 = tpu.memref_squeeze %dma_start3A_174 : memref<1x128xf32, #tpu.memory_space<hbm>> -> memref<128xf32, #tpu.memory_space<hbm>>
      %dma_start3A_176 = arith.constant 0 : i32
      %dma_start3A_177 = tpu.memref_slice %arg5[%run_scoped3A_2, %dma_start3A_176] : memref<1x128xf32, #tpu.memory_space<hbm>> -> memref<1x128xf32, #tpu.memory_space<hbm>>
      %dma_start3A_178 = tpu.memref_squeeze %dma_start3A_177 : memref<1x128xf32, #tpu.memory_space<hbm>> -> memref<128xf32, #tpu.memory_space<hbm>>
      tpu.enqueue_dma source(%dma_start3A_178 : memref<128xf32, #tpu.memory_space<hbm>>) target(%arg12 : memref<128xf32, #tpu.memory_space<vmem>>) target_semaphore(%run_scoped3A_172 : memref<!tpu.dma_semaphore, #tpu.memory_space<semaphore_mem>>)
      %dma_wait3A = arith.constant 0 : i32
      %dma_wait3A_179 = tpu.memref_slice %arg5[%run_scoped3A_2, %dma_wait3A] : memref<1x128xf32, #tpu.memory_space<hbm>> -> memref<1x128xf32, #tpu.memory_space<hbm>>
      %dma_wait3A_180 = tpu.memref_squeeze %dma_wait3A_179 : memref<1x128xf32, #tpu.memory_space<hbm>> -> memref<128xf32, #tpu.memory_space<hbm>>
      %dma_wait3A_181 = arith.constant 0 : i32
      %dma_wait3A_182 = tpu.memref_slice %arg5[%run_scoped3A_2, %dma_wait3A_181] : memref<1x128xf32, #tpu.memory_space<hbm>> -> memref<1x128xf32, #tpu.memory_space<hbm>>
      %dma_wait3A_183 = tpu.memref_squeeze %dma_wait3A_182 : memref<1x128xf32, #tpu.memory_space<hbm>> -> memref<128xf32, #tpu.memory_space<hbm>>
      tpu.wait_dma2 semaphore(%run_scoped3A_172 : memref<!tpu.dma_semaphore, #tpu.memory_space<semaphore_mem>>) src(%dma_wait3A_183 : memref<128xf32, #tpu.memory_space<hbm>>) dst(%arg12 : memref<128xf32, #tpu.memory_space<vmem>>)
      tpu.yield
    }) : () -> ()
    %run_scoped3A_3 = arith.constant 0 : i32
    "tpu.region"() ({
      %run_scoped3A_172 = tpu.sem_alloc : memref<!tpu.dma_semaphore, #tpu.memory_space<semaphore_mem>>
      %dma_start3A_173 = arith.constant 0 : i32
      %dma_start3A_174 = tpu.memref_slice %arg6[%run_scoped3A_3, %dma_start3A_173] : memref<1x16xf32, #tpu.memory_space<hbm>> -> memref<1x16xf32, #tpu.memory_space<hbm>>
      %dma_start3A_175 = tpu.memref_squeeze %dma_start3A_174 : memref<1x16xf32, #tpu.memory_space<hbm>> -> memref<16xf32, #tpu.memory_space<hbm>>
      %dma_start3A_176 = arith.constant 0 : i32
      %dma_start3A_177 = tpu.memref_slice %arg6[%run_scoped3A_3, %dma_start3A_176] : memref<1x16xf32, #tpu.memory_space<hbm>> -> memref<1x16xf32, #tpu.memory_space<hbm>>
      %dma_start3A_178 = tpu.memref_squeeze %dma_start3A_177 : memref<1x16xf32, #tpu.memory_space<hbm>> -> memref<16xf32, #tpu.memory_space<hbm>>
      tpu.enqueue_dma source(%dma_start3A_178 : memref<16xf32, #tpu.memory_space<hbm>>) target(%arg13 : memref<16xf32, #tpu.memory_space<vmem>>) target_semaphore(%run_scoped3A_172 : memref<!tpu.dma_semaphore, #tpu.memory_space<semaphore_mem>>)
      %dma_wait3A = arith.constant 0 : i32
      %dma_wait3A_179 = tpu.memref_slice %arg6[%run_scoped3A_3, %dma_wait3A] : memref<1x16xf32, #tpu.memory_space<hbm>> -> memref<1x16xf32, #tpu.memory_space<hbm>>
      %dma_wait3A_180 = tpu.memref_squeeze %dma_wait3A_179 : memref<1x16xf32, #tpu.memory_space<hbm>> -> memref<16xf32, #tpu.memory_space<hbm>>
      %dma_wait3A_181 = arith.constant 0 : i32
      %dma_wait3A_182 = tpu.memref_slice %arg6[%run_scoped3A_3, %dma_wait3A_181] : memref<1x16xf32, #tpu.memory_space<hbm>> -> memref<1x16xf32, #tpu.memory_space<hbm>>
      %dma_wait3A_183 = tpu.memref_squeeze %dma_wait3A_182 : memref<1x16xf32, #tpu.memory_space<hbm>> -> memref<16xf32, #tpu.memory_space<hbm>>
      tpu.wait_dma2 semaphore(%run_scoped3A_172 : memref<!tpu.dma_semaphore, #tpu.memory_space<semaphore_mem>>) src(%dma_wait3A_183 : memref<16xf32, #tpu.memory_space<hbm>>) dst(%arg13 : memref<16xf32, #tpu.memory_space<vmem>>)
      tpu.yield
    }) : () -> ()
    %get3A = arith.constant 0 : index
    %get3A_4 = tpu.vector_load %arg12[%get3A] {strides = array<i32>} : memref<128xf32, #tpu.memory_space<vmem>>, vector<16xf32>,
    %get3A_5 = vector.shape_cast %get3A_4 : vector<16xf32> to vector<16xf32>
    %get3A_6 = arith.constant 16 : index
    %get3A_7 = tpu.vector_load %arg12[%get3A_6] {strides = array<i32>} : memref<128xf32, #tpu.memory_space<vmem>>, vector<16xf32>,
    %get3A_8 = vector.shape_cast %get3A_7 : vector<16xf32> to vector<16xf32>
    %get3A_9 = arith.constant 32 : index
    %get3A_10 = tpu.vector_load %arg12[%get3A_9] {strides = array<i32>} : memref<128xf32, #tpu.memory_space<vmem>>, vector<16xf32>,
    %get3A_11 = vector.shape_cast %get3A_10 : vector<16xf32> to vector<16xf32>
    %get3A_12 = arith.constant 48 : index
    %get3A_13 = tpu.vector_load %arg12[%get3A_12] {strides = array<i32>} : memref<128xf32, #tpu.memory_space<vmem>>, vector<16xf32>,
    %get3A_14 = vector.shape_cast %get3A_13 : vector<16xf32> to vector<16xf32>
    %get3A_15 = arith.constant 64 : index
    %get3A_16 = tpu.vector_load %arg12[%get3A_15] {strides = array<i32>} : memref<128xf32, #tpu.memory_space<vmem>>, vector<16xf32>,
    %get3A_17 = vector.shape_cast %get3A_16 : vector<16xf32> to vector<16xf32>
    %get3A_18 = arith.constant 80 : index
    %get3A_19 = tpu.vector_load %arg12[%get3A_18] {strides = array<i32>} : memref<128xf32, #tpu.memory_space<vmem>>, vector<16xf32>,
    %get3A_20 = vector.shape_cast %get3A_19 : vector<16xf32> to vector<16xf32>
    %get3A_21 = arith.constant 96 : index
    %get3A_22 = tpu.vector_load %arg12[%get3A_21] {strides = array<i32>} : memref<128xf32, #tpu.memory_space<vmem>>, vector<16xf32>,
    %get3A_23 = vector.shape_cast %get3A_22 : vector<16xf32> to vector<16xf32>
    %get3A_24 = arith.constant 112 : index
    %get3A_25 = tpu.vector_load %arg12[%get3A_24] {strides = array<i32>} : memref<128xf32, #tpu.memory_space<vmem>>, vector<16xf32>,
    %get3A_26 = vector.shape_cast %get3A_25 : vector<16xf32> to vector<16xf32>
    %get3A_27 = arith.constant 0 : index
    %get3A_28 = tpu.vector_load %arg13[%get3A_27] {strides = array<i32>} : memref<16xf32, #tpu.memory_space<vmem>>, vector<16xf32>,
    %get3A_29 = vector.shape_cast %get3A_28 : vector<16xf32> to vector<16xf32>
    %iota3A = tpu.iota {dimensions = array<i32: 0>} : vector<16xi32>
    %xor3A = arith.constant 1 : i32
    %xor3A_30 = vector.broadcast %xor3A : i32 to vector<16xi32>
    %xor3A_31 = arith.xori %iota3A, %xor3A_30 : vector<16xi32>
    %xor3A_32 = arith.constant 2 : i32
    %xor3A_33 = vector.broadcast %xor3A_32 : i32 to vector<16xi32>
    %xor3A_34 = arith.xori %iota3A, %xor3A_33 : vector<16xi32>
    %xor3A_35 = arith.constant 4 : i32
    %xor3A_36 = vector.broadcast %xor3A_35 : i32 to vector<16xi32>
    %xor3A_37 = arith.xori %iota3A, %xor3A_36 : vector<16xi32>
    %xor3A_38 = arith.constant 8 : i32
    %xor3A_39 = vector.broadcast %xor3A_38 : i32 to vector<16xi32>
    %xor3A_40 = arith.xori %iota3A, %xor3A_39 : vector<16xi32>
    %and3A = arith.constant 1 : i32
    %and3A_41 = vector.broadcast %and3A : i32 to vector<16xi32>
    %and3A_42 = arith.andi %iota3A, %and3A_41 : vector<16xi32>
    %eq3A = arith.constant 0 : i32
    %eq3A_43 = vector.broadcast %eq3A : i32 to vector<16xi32>
    %eq3A_44 = arith.cmpi eq, %and3A_42, %eq3A_43 : vector<16xi32>
    %and3A_45 = arith.constant 2 : i32
    %and3A_46 = vector.broadcast %and3A_45 : i32 to vector<16xi32>
    %and3A_47 = arith.andi %iota3A, %and3A_46 : vector<16xi32>
    %eq3A_48 = arith.constant 0 : i32
    %eq3A_49 = vector.broadcast %eq3A_48 : i32 to vector<16xi32>
    %eq3A_50 = arith.cmpi eq, %and3A_47, %eq3A_49 : vector<16xi32>
    %and3A_51 = arith.constant 4 : i32
    %and3A_52 = vector.broadcast %and3A_51 : i32 to vector<16xi32>
    %and3A_53 = arith.andi %iota3A, %and3A_52 : vector<16xi32>
    %eq3A_54 = arith.constant 0 : i32
    %eq3A_55 = vector.broadcast %eq3A_54 : i32 to vector<16xi32>
    %eq3A_56 = arith.cmpi eq, %and3A_53, %eq3A_55 : vector<16xi32>
    %and3A_57 = arith.constant 8 : i32
    %and3A_58 = vector.broadcast %and3A_57 : i32 to vector<16xi32>
    %and3A_59 = arith.andi %iota3A, %and3A_58 : vector<16xi32>
    %eq3A_60 = arith.constant 0 : i32
    %eq3A_61 = vector.broadcast %eq3A_60 : i32 to vector<16xi32>
    %eq3A_62 = arith.cmpi eq, %and3A_59, %eq3A_61 : vector<16xi32>
    %broadcast_in_dim3A = arith.constant 0.000000e+00 : f32
    %broadcast_in_dim3A_63 = vector.broadcast %broadcast_in_dim3A : f32 to vector<16xf32>
    %scan3A = arith.constant 0 : i32
    %scan3A_64 = arith.constant 0 : i32
    %scan3A_65 = arith.constant 80 : i32
    %scan3A_66 = arith.addi %scan3A_64, %scan3A_65 : i32
    %scan3A_67 = arith.constant 1 : i32
    scf.for %scan3A_172 = %scan3A_64 to %scan3A_66 step %scan3A_67  : i32 {
      %swap3A = arith.constant 0 : i32
      %swap3A_173 = arith.index_cast %swap3A : i32 to index
      %swap3A_174 = arith.index_cast %scan3A_172 : i32 to index
      %swap3A_175 = arith.constant 0 : index
      %swap3A_176 = tpu.vector_load %arg10[%swap3A_173, %swap3A_174, %swap3A_175] {strides = array<i32>} : memref<4x80x128xf32, #tpu.memory_space<vmem>>, vector<1x1x16xf32>,
      %swap3A_177 = vector.shape_cast %swap3A_176 : vector<1x1x16xf32> to vector<16xf32>
      %swap3A_178 = vector.shape_cast %broadcast_in_dim3A_63 : vector<16xf32> to vector<1x1x16xf32>
      tpu.vector_store %arg10[%swap3A_173, %swap3A_174, %swap3A_175], %swap3A_178 {strides = array<i32>} : memref<4x80x128xf32, #tpu.memory_space<vmem>>, vector<1x1x16xf32>,
      %swap3A_179 = arith.constant 0 : i32
      %swap3A_180 = arith.index_cast %swap3A_179 : i32 to index
      %swap3A_181 = arith.index_cast %scan3A_172 : i32 to index
      %swap3A_182 = arith.constant 16 : index
      %swap3A_183 = tpu.vector_load %arg10[%swap3A_180, %swap3A_181, %swap3A_182] {strides = array<i32>} : memref<4x80x128xf32, #tpu.memory_space<vmem>>, vector<1x1x16xf32>,
      %swap3A_184 = vector.shape_cast %swap3A_183 : vector<1x1x16xf32> to vector<16xf32>
      %swap3A_185 = vector.shape_cast %broadcast_in_dim3A_63 : vector<16xf32> to vector<1x1x16xf32>
      tpu.vector_store %arg10[%swap3A_180, %swap3A_181, %swap3A_182], %swap3A_185 {strides = array<i32>} : memref<4x80x128xf32, #tpu.memory_space<vmem>>, vector<1x1x16xf32>,
      %swap3A_186 = arith.constant 0 : i32
      %swap3A_187 = arith.index_cast %swap3A_186 : i32 to index
      %swap3A_188 = arith.index_cast %scan3A_172 : i32 to index
      %swap3A_189 = arith.constant 32 : index
      %swap3A_190 = tpu.vector_load %arg10[%swap3A_187, %swap3A_188, %swap3A_189] {strides = array<i32>} : memref<4x80x128xf32, #tpu.memory_space<vmem>>, vector<1x1x16xf32>,
      %swap3A_191 = vector.shape_cast %swap3A_190 : vector<1x1x16xf32> to vector<16xf32>
      %swap3A_192 = vector.shape_cast %broadcast_in_dim3A_63 : vector<16xf32> to vector<1x1x16xf32>
      tpu.vector_store %arg10[%swap3A_187, %swap3A_188, %swap3A_189], %swap3A_192 {strides = array<i32>} : memref<4x80x128xf32, #tpu.memory_space<vmem>>, vector<1x1x16xf32>,
      %swap3A_193 = arith.constant 0 : i32
      %swap3A_194 = arith.index_cast %swap3A_193 : i32 to index
      %swap3A_195 = arith.index_cast %scan3A_172 : i32 to index
      %swap3A_196 = arith.constant 48 : index
      %swap3A_197 = tpu.vector_load %arg10[%swap3A_194, %swap3A_195, %swap3A_196] {strides = array<i32>} : memref<4x80x128xf32, #tpu.memory_space<vmem>>, vector<1x1x16xf32>,
      %swap3A_198 = vector.shape_cast %swap3A_197 : vector<1x1x16xf32> to vector<16xf32>
      %swap3A_199 = vector.shape_cast %broadcast_in_dim3A_63 : vector<16xf32> to vector<1x1x16xf32>
      tpu.vector_store %arg10[%swap3A_194, %swap3A_195, %swap3A_196], %swap3A_199 {strides = array<i32>} : memref<4x80x128xf32, #tpu.memory_space<vmem>>, vector<1x1x16xf32>,
      %swap3A_200 = arith.constant 0 : i32
      %swap3A_201 = arith.index_cast %swap3A_200 : i32 to index
      %swap3A_202 = arith.index_cast %scan3A_172 : i32 to index
      %swap3A_203 = arith.constant 64 : index
      %swap3A_204 = tpu.vector_load %arg10[%swap3A_201, %swap3A_202, %swap3A_203] {strides = array<i32>} : memref<4x80x128xf32, #tpu.memory_space<vmem>>, vector<1x1x16xf32>,
      %swap3A_205 = vector.shape_cast %swap3A_204 : vector<1x1x16xf32> to vector<16xf32>
      %swap3A_206 = vector.shape_cast %broadcast_in_dim3A_63 : vector<16xf32> to vector<1x1x16xf32>
      tpu.vector_store %arg10[%swap3A_201, %swap3A_202, %swap3A_203], %swap3A_206 {strides = array<i32>} : memref<4x80x128xf32, #tpu.memory_space<vmem>>, vector<1x1x16xf32>,
      %swap3A_207 = arith.constant 0 : i32
      %swap3A_208 = arith.index_cast %swap3A_207 : i32 to index
      %swap3A_209 = arith.index_cast %scan3A_172 : i32 to index
      %swap3A_210 = arith.constant 80 : index
      %swap3A_211 = tpu.vector_load %arg10[%swap3A_208, %swap3A_209, %swap3A_210] {strides = array<i32>} : memref<4x80x128xf32, #tpu.memory_space<vmem>>, vector<1x1x16xf32>,
      %swap3A_212 = vector.shape_cast %swap3A_211 : vector<1x1x16xf32> to vector<16xf32>
      %swap3A_213 = vector.shape_cast %broadcast_in_dim3A_63 : vector<16xf32> to vector<1x1x16xf32>
      tpu.vector_store %arg10[%swap3A_208, %swap3A_209, %swap3A_210], %swap3A_213 {strides = array<i32>} : memref<4x80x128xf32, #tpu.memory_space<vmem>>, vector<1x1x16xf32>,
      %swap3A_214 = arith.constant 0 : i32
      %swap3A_215 = arith.index_cast %swap3A_214 : i32 to index
      %swap3A_216 = arith.index_cast %scan3A_172 : i32 to index
      %swap3A_217 = arith.constant 96 : index
      %swap3A_218 = tpu.vector_load %arg10[%swap3A_215, %swap3A_216, %swap3A_217] {strides = array<i32>} : memref<4x80x128xf32, #tpu.memory_space<vmem>>, vector<1x1x16xf32>,
      %swap3A_219 = vector.shape_cast %swap3A_218 : vector<1x1x16xf32> to vector<16xf32>
      %swap3A_220 = vector.shape_cast %broadcast_in_dim3A_63 : vector<16xf32> to vector<1x1x16xf32>
      tpu.vector_store %arg10[%swap3A_215, %swap3A_216, %swap3A_217], %swap3A_220 {strides = array<i32>} : memref<4x80x128xf32, #tpu.memory_space<vmem>>, vector<1x1x16xf32>,
      %swap3A_221 = arith.constant 0 : i32
      %swap3A_222 = arith.index_cast %swap3A_221 : i32 to index
      %swap3A_223 = arith.index_cast %scan3A_172 : i32 to index
      %swap3A_224 = arith.constant 112 : index
      %swap3A_225 = tpu.vector_load %arg10[%swap3A_222, %swap3A_223, %swap3A_224] {strides = array<i32>} : memref<4x80x128xf32, #tpu.memory_space<vmem>>, vector<1x1x16xf32>,
      %swap3A_226 = vector.shape_cast %swap3A_225 : vector<1x1x16xf32> to vector<16xf32>
      %swap3A_227 = vector.shape_cast %broadcast_in_dim3A_63 : vector<16xf32> to vector<1x1x16xf32>
      tpu.vector_store %arg10[%swap3A_222, %swap3A_223, %swap3A_224], %swap3A_227 {strides = array<i32>} : memref<4x80x128xf32, #tpu.memory_space<vmem>>, vector<1x1x16xf32>,
      %swap3A_228 = arith.constant 1 : i32
      %swap3A_229 = arith.index_cast %swap3A_228 : i32 to index
      %swap3A_230 = arith.index_cast %scan3A_172 : i32 to index
      %swap3A_231 = arith.constant 0 : index
      %swap3A_232 = tpu.vector_load %arg10[%swap3A_229, %swap3A_230, %swap3A_231] {strides = array<i32>} : memref<4x80x128xf32, #tpu.memory_space<vmem>>, vector<1x1x16xf32>,
      %swap3A_233 = vector.shape_cast %swap3A_232 : vector<1x1x16xf32> to vector<16xf32>
      %swap3A_234 = vector.shape_cast %broadcast_in_dim3A_63 : vector<16xf32> to vector<1x1x16xf32>
      tpu.vector_store %arg10[%swap3A_229, %swap3A_230, %swap3A_231], %swap3A_234 {strides = array<i32>} : memref<4x80x128xf32, #tpu.memory_space<vmem>>, vector<1x1x16xf32>,
      %swap3A_235 = arith.constant 1 : i32
      %swap3A_236 = arith.index_cast %swap3A_235 : i32 to index
      %swap3A_237 = arith.index_cast %scan3A_172 : i32 to index
      %swap3A_238 = arith.constant 16 : index
      %swap3A_239 = tpu.vector_load %arg10[%swap3A_236, %swap3A_237, %swap3A_238] {strides = array<i32>} : memref<4x80x128xf32, #tpu.memory_space<vmem>>, vector<1x1x16xf32>,
      %swap3A_240 = vector.shape_cast %swap3A_239 : vector<1x1x16xf32> to vector<16xf32>
      %swap3A_241 = vector.shape_cast %broadcast_in_dim3A_63 : vector<16xf32> to vector<1x1x16xf32>
      tpu.vector_store %arg10[%swap3A_236, %swap3A_237, %swap3A_238], %swap3A_241 {strides = array<i32>} : memref<4x80x128xf32, #tpu.memory_space<vmem>>, vector<1x1x16xf32>,
      %swap3A_242 = arith.constant 1 : i32
      %swap3A_243 = arith.index_cast %swap3A_242 : i32 to index
      %swap3A_244 = arith.index_cast %scan3A_172 : i32 to index
      %swap3A_245 = arith.constant 32 : index
      %swap3A_246 = tpu.vector_load %arg10[%swap3A_243, %swap3A_244, %swap3A_245] {strides = array<i32>} : memref<4x80x128xf32, #tpu.memory_space<vmem>>, vector<1x1x16xf32>,
      %swap3A_247 = vector.shape_cast %swap3A_246 : vector<1x1x16xf32> to vector<16xf32>
      %swap3A_248 = vector.shape_cast %broadcast_in_dim3A_63 : vector<16xf32> to vector<1x1x16xf32>
      tpu.vector_store %arg10[%swap3A_243, %swap3A_244, %swap3A_245], %swap3A_248 {strides = array<i32>} : memref<4x80x128xf32, #tpu.memory_space<vmem>>, vector<1x1x16xf32>,
      %swap3A_249 = arith.constant 1 : i32
      %swap3A_250 = arith.index_cast %swap3A_249 : i32 to index
      %swap3A_251 = arith.index_cast %scan3A_172 : i32 to index
      %swap3A_252 = arith.constant 48 : index
      %swap3A_253 = tpu.vector_load %arg10[%swap3A_250, %swap3A_251, %swap3A_252] {strides = array<i32>} : memref<4x80x128xf32, #tpu.memory_space<vmem>>, vector<1x1x16xf32>,
      %swap3A_254 = vector.shape_cast %swap3A_253 : vector<1x1x16xf32> to vector<16xf32>
      %swap3A_255 = vector.shape_cast %broadcast_in_dim3A_63 : vector<16xf32> to vector<1x1x16xf32>
      tpu.vector_store %arg10[%swap3A_250, %swap3A_251, %swap3A_252], %swap3A_255 {strides = array<i32>} : memref<4x80x128xf32, #tpu.memory_space<vmem>>, vector<1x1x16xf32>,
      %swap3A_256 = arith.constant 1 : i32
      %swap3A_257 = arith.index_cast %swap3A_256 : i32 to index
      %swap3A_258 = arith.index_cast %scan3A_172 : i32 to index
      %swap3A_259 = arith.constant 64 : index
      %swap3A_260 = tpu.vector_load %arg10[%swap3A_257, %swap3A_258, %swap3A_259] {strides = array<i32>} : memref<4x80x128xf32, #tpu.memory_space<vmem>>, vector<1x1x16xf32>,
      %swap3A_261 = vector.shape_cast %swap3A_260 : vector<1x1x16xf32> to vector<16xf32>
      %swap3A_262 = vector.shape_cast %broadcast_in_dim3A_63 : vector<16xf32> to vector<1x1x16xf32>
      tpu.vector_store %arg10[%swap3A_257, %swap3A_258, %swap3A_259], %swap3A_262 {strides = array<i32>} : memref<4x80x128xf32, #tpu.memory_space<vmem>>, vector<1x1x16xf32>,
      %swap3A_263 = arith.constant 1 : i32
      %swap3A_264 = arith.index_cast %swap3A_263 : i32 to index
      %swap3A_265 = arith.index_cast %scan3A_172 : i32 to index
      %swap3A_266 = arith.constant 80 : index
      %swap3A_267 = tpu.vector_load %arg10[%swap3A_264, %swap3A_265, %swap3A_266] {strides = array<i32>} : memref<4x80x128xf32, #tpu.memory_space<vmem>>, vector<1x1x16xf32>,
      %swap3A_268 = vector.shape_cast %swap3A_267 : vector<1x1x16xf32> to vector<16xf32>
      %swap3A_269 = vector.shape_cast %broadcast_in_dim3A_63 : vector<16xf32> to vector<1x1x16xf32>
      tpu.vector_store %arg10[%swap3A_264, %swap3A_265, %swap3A_266], %swap3A_269 {strides = array<i32>} : memref<4x80x128xf32, #tpu.memory_space<vmem>>, vector<1x1x16xf32>,
      %swap3A_270 = arith.constant 1 : i32
      %swap3A_271 = arith.index_cast %swap3A_270 : i32 to index
      %swap3A_272 = arith.index_cast %scan3A_172 : i32 to index
      %swap3A_273 = arith.constant 96 : index
      %swap3A_274 = tpu.vector_load %arg10[%swap3A_271, %swap3A_272, %swap3A_273] {strides = array<i32>} : memref<4x80x128xf32, #tpu.memory_space<vmem>>, vector<1x1x16xf32>,
      %swap3A_275 = vector.shape_cast %swap3A_274 : vector<1x1x16xf32> to vector<16xf32>
      %swap3A_276 = vector.shape_cast %broadcast_in_dim3A_63 : vector<16xf32> to vector<1x1x16xf32>
      tpu.vector_store %arg10[%swap3A_271, %swap3A_272, %swap3A_273], %swap3A_276 {strides = array<i32>} : memref<4x80x128xf32, #tpu.memory_space<vmem>>, vector<1x1x16xf32>,
      %swap3A_277 = arith.constant 1 : i32
      %swap3A_278 = arith.index_cast %swap3A_277 : i32 to index
      %swap3A_279 = arith.index_cast %scan3A_172 : i32 to index
      %swap3A_280 = arith.constant 112 : index
      %swap3A_281 = tpu.vector_load %arg10[%swap3A_278, %swap3A_279, %swap3A_280] {strides = array<i32>} : memref<4x80x128xf32, #tpu.memory_space<vmem>>, vector<1x1x16xf32>,
      %swap3A_282 = vector.shape_cast %swap3A_281 : vector<1x1x16xf32> to vector<16xf32>
      %swap3A_283 = vector.shape_cast %broadcast_in_dim3A_63 : vector<16xf32> to vector<1x1x16xf32>
      tpu.vector_store %arg10[%swap3A_278, %swap3A_279, %swap3A_280], %swap3A_283 {strides = array<i32>} : memref<4x80x128xf32, #tpu.memory_space<vmem>>, vector<1x1x16xf32>,
      %swap3A_284 = arith.constant 2 : i32
      %swap3A_285 = arith.index_cast %swap3A_284 : i32 to index
      %swap3A_286 = arith.index_cast %scan3A_172 : i32 to index
      %swap3A_287 = arith.constant 0 : index
      %swap3A_288 = tpu.vector_load %arg10[%swap3A_285, %swap3A_286, %swap3A_287] {strides = array<i32>} : memref<4x80x128xf32, #tpu.memory_space<vmem>>, vector<1x1x16xf32>,
      %swap3A_289 = vector.shape_cast %swap3A_288 : vector<1x1x16xf32> to vector<16xf32>
      %swap3A_290 = vector.shape_cast %broadcast_in_dim3A_63 : vector<16xf32> to vector<1x1x16xf32>
      tpu.vector_store %arg10[%swap3A_285, %swap3A_286, %swap3A_287], %swap3A_290 {strides = array<i32>} : memref<4x80x128xf32, #tpu.memory_space<vmem>>, vector<1x1x16xf32>,
      %swap3A_291 = arith.constant 2 : i32
      %swap3A_292 = arith.index_cast %swap3A_291 : i32 to index
      %swap3A_293 = arith.index_cast %scan3A_172 : i32 to index
      %swap3A_294 = arith.constant 16 : index
      %swap3A_295 = tpu.vector_load %arg10[%swap3A_292, %swap3A_293, %swap3A_294] {strides = array<i32>} : memref<4x80x128xf32, #tpu.memory_space<vmem>>, vector<1x1x16xf32>,
      %swap3A_296 = vector.shape_cast %swap3A_295 : vector<1x1x16xf32> to vector<16xf32>
      %swap3A_297 = vector.shape_cast %broadcast_in_dim3A_63 : vector<16xf32> to vector<1x1x16xf32>
      tpu.vector_store %arg10[%swap3A_292, %swap3A_293, %swap3A_294], %swap3A_297 {strides = array<i32>} : memref<4x80x128xf32, #tpu.memory_space<vmem>>, vector<1x1x16xf32>,
      %swap3A_298 = arith.constant 2 : i32
      %swap3A_299 = arith.index_cast %swap3A_298 : i32 to index
      %swap3A_300 = arith.index_cast %scan3A_172 : i32 to index
      %swap3A_301 = arith.constant 32 : index
      %swap3A_302 = tpu.vector_load %arg10[%swap3A_299, %swap3A_300, %swap3A_301] {strides = array<i32>} : memref<4x80x128xf32, #tpu.memory_space<vmem>>, vector<1x1x16xf32>,
      %swap3A_303 = vector.shape_cast %swap3A_302 : vector<1x1x16xf32> to vector<16xf32>
      %swap3A_304 = vector.shape_cast %broadcast_in_dim3A_63 : vector<16xf32> to vector<1x1x16xf32>
      tpu.vector_store %arg10[%swap3A_299, %swap3A_300, %swap3A_301], %swap3A_304 {strides = array<i32>} : memref<4x80x128xf32, #tpu.memory_space<vmem>>, vector<1x1x16xf32>,
      %swap3A_305 = arith.constant 2 : i32
      %swap3A_306 = arith.index_cast %swap3A_305 : i32 to index
      %swap3A_307 = arith.index_cast %scan3A_172 : i32 to index
      %swap3A_308 = arith.constant 48 : index
      %swap3A_309 = tpu.vector_load %arg10[%swap3A_306, %swap3A_307, %swap3A_308] {strides = array<i32>} : memref<4x80x128xf32, #tpu.memory_space<vmem>>, vector<1x1x16xf32>,
      %swap3A_310 = vector.shape_cast %swap3A_309 : vector<1x1x16xf32> to vector<16xf32>
      %swap3A_311 = vector.shape_cast %broadcast_in_dim3A_63 : vector<16xf32> to vector<1x1x16xf32>
      tpu.vector_store %arg10[%swap3A_306, %swap3A_307, %swap3A_308], %swap3A_311 {strides = array<i32>} : memref<4x80x128xf32, #tpu.memory_space<vmem>>, vector<1x1x16xf32>,
      %swap3A_312 = arith.constant 2 : i32
      %swap3A_313 = arith.index_cast %swap3A_312 : i32 to index
      %swap3A_314 = arith.index_cast %scan3A_172 : i32 to index
      %swap3A_315 = arith.constant 64 : index
      %swap3A_316 = tpu.vector_load %arg10[%swap3A_313, %swap3A_314, %swap3A_315] {strides = array<i32>} : memref<4x80x128xf32, #tpu.memory_space<vmem>>, vector<1x1x16xf32>,
      %swap3A_317 = vector.shape_cast %swap3A_316 : vector<1x1x16xf32> to vector<16xf32>
      %swap3A_318 = vector.shape_cast %broadcast_in_dim3A_63 : vector<16xf32> to vector<1x1x16xf32>
      tpu.vector_store %arg10[%swap3A_313, %swap3A_314, %swap3A_315], %swap3A_318 {strides = array<i32>} : memref<4x80x128xf32, #tpu.memory_space<vmem>>, vector<1x1x16xf32>,
      %swap3A_319 = arith.constant 2 : i32
      %swap3A_320 = arith.index_cast %swap3A_319 : i32 to index
      %swap3A_321 = arith.index_cast %scan3A_172 : i32 to index
      %swap3A_322 = arith.constant 80 : index
      %swap3A_323 = tpu.vector_load %arg10[%swap3A_320, %swap3A_321, %swap3A_322] {strides = array<i32>} : memref<4x80x128xf32, #tpu.memory_space<vmem>>, vector<1x1x16xf32>,
      %swap3A_324 = vector.shape_cast %swap3A_323 : vector<1x1x16xf32> to vector<16xf32>
      %swap3A_325 = vector.shape_cast %broadcast_in_dim3A_63 : vector<16xf32> to vector<1x1x16xf32>
      tpu.vector_store %arg10[%swap3A_320, %swap3A_321, %swap3A_322], %swap3A_325 {strides = array<i32>} : memref<4x80x128xf32, #tpu.memory_space<vmem>>, vector<1x1x16xf32>,
      %swap3A_326 = arith.constant 2 : i32
      %swap3A_327 = arith.index_cast %swap3A_326 : i32 to index
      %swap3A_328 = arith.index_cast %scan3A_172 : i32 to index
      %swap3A_329 = arith.constant 96 : index
      %swap3A_330 = tpu.vector_load %arg10[%swap3A_327, %swap3A_328, %swap3A_329] {strides = array<i32>} : memref<4x80x128xf32, #tpu.memory_space<vmem>>, vector<1x1x16xf32>,
      %swap3A_331 = vector.shape_cast %swap3A_330 : vector<1x1x16xf32> to vector<16xf32>
      %swap3A_332 = vector.shape_cast %broadcast_in_dim3A_63 : vector<16xf32> to vector<1x1x16xf32>
      tpu.vector_store %arg10[%swap3A_327, %swap3A_328, %swap3A_329], %swap3A_332 {strides = array<i32>} : memref<4x80x128xf32, #tpu.memory_space<vmem>>, vector<1x1x16xf32>,
      %swap3A_333 = arith.constant 2 : i32
      %swap3A_334 = arith.index_cast %swap3A_333 : i32 to index
      %swap3A_335 = arith.index_cast %scan3A_172 : i32 to index
      %swap3A_336 = arith.constant 112 : index
      %swap3A_337 = tpu.vector_load %arg10[%swap3A_334, %swap3A_335, %swap3A_336] {strides = array<i32>} : memref<4x80x128xf32, #tpu.memory_space<vmem>>, vector<1x1x16xf32>,
      %swap3A_338 = vector.shape_cast %swap3A_337 : vector<1x1x16xf32> to vector<16xf32>
      %swap3A_339 = vector.shape_cast %broadcast_in_dim3A_63 : vector<16xf32> to vector<1x1x16xf32>
      tpu.vector_store %arg10[%swap3A_334, %swap3A_335, %swap3A_336], %swap3A_339 {strides = array<i32>} : memref<4x80x128xf32, #tpu.memory_space<vmem>>, vector<1x1x16xf32>,
      %swap3A_340 = arith.constant 3 : i32
      %swap3A_341 = arith.index_cast %swap3A_340 : i32 to index
      %swap3A_342 = arith.index_cast %scan3A_172 : i32 to index
      %swap3A_343 = arith.constant 0 : index
      %swap3A_344 = tpu.vector_load %arg10[%swap3A_341, %swap3A_342, %swap3A_343] {strides = array<i32>} : memref<4x80x128xf32, #tpu.memory_space<vmem>>, vector<1x1x16xf32>,
      %swap3A_345 = vector.shape_cast %swap3A_344 : vector<1x1x16xf32> to vector<16xf32>
      %swap3A_346 = vector.shape_cast %broadcast_in_dim3A_63 : vector<16xf32> to vector<1x1x16xf32>
      tpu.vector_store %arg10[%swap3A_341, %swap3A_342, %swap3A_343], %swap3A_346 {strides = array<i32>} : memref<4x80x128xf32, #tpu.memory_space<vmem>>, vector<1x1x16xf32>,
      %swap3A_347 = arith.constant 3 : i32
      %swap3A_348 = arith.index_cast %swap3A_347 : i32 to index
      %swap3A_349 = arith.index_cast %scan3A_172 : i32 to index
      %swap3A_350 = arith.constant 16 : index
      %swap3A_351 = tpu.vector_load %arg10[%swap3A_348, %swap3A_349, %swap3A_350] {strides = array<i32>} : memref<4x80x128xf32, #tpu.memory_space<vmem>>, vector<1x1x16xf32>,
      %swap3A_352 = vector.shape_cast %swap3A_351 : vector<1x1x16xf32> to vector<16xf32>
      %swap3A_353 = vector.shape_cast %broadcast_in_dim3A_63 : vector<16xf32> to vector<1x1x16xf32>
      tpu.vector_store %arg10[%swap3A_348, %swap3A_349, %swap3A_350], %swap3A_353 {strides = array<i32>} : memref<4x80x128xf32, #tpu.memory_space<vmem>>, vector<1x1x16xf32>,
      %swap3A_354 = arith.constant 3 : i32
      %swap3A_355 = arith.index_cast %swap3A_354 : i32 to index
      %swap3A_356 = arith.index_cast %scan3A_172 : i32 to index
      %swap3A_357 = arith.constant 32 : index
      %swap3A_358 = tpu.vector_load %arg10[%swap3A_355, %swap3A_356, %swap3A_357] {strides = array<i32>} : memref<4x80x128xf32, #tpu.memory_space<vmem>>, vector<1x1x16xf32>,
      %swap3A_359 = vector.shape_cast %swap3A_358 : vector<1x1x16xf32> to vector<16xf32>
      %swap3A_360 = vector.shape_cast %broadcast_in_dim3A_63 : vector<16xf32> to vector<1x1x16xf32>
      tpu.vector_store %arg10[%swap3A_355, %swap3A_356, %swap3A_357], %swap3A_360 {strides = array<i32>} : memref<4x80x128xf32, #tpu.memory_space<vmem>>, vector<1x1x16xf32>,
      %swap3A_361 = arith.constant 3 : i32
      %swap3A_362 = arith.index_cast %swap3A_361 : i32 to index
      %swap3A_363 = arith.index_cast %scan3A_172 : i32 to index
      %swap3A_364 = arith.constant 48 : index
      %swap3A_365 = tpu.vector_load %arg10[%swap3A_362, %swap3A_363, %swap3A_364] {strides = array<i32>} : memref<4x80x128xf32, #tpu.memory_space<vmem>>, vector<1x1x16xf32>,
      %swap3A_366 = vector.shape_cast %swap3A_365 : vector<1x1x16xf32> to vector<16xf32>
      %swap3A_367 = vector.shape_cast %broadcast_in_dim3A_63 : vector<16xf32> to vector<1x1x16xf32>
      tpu.vector_store %arg10[%swap3A_362, %swap3A_363, %swap3A_364], %swap3A_367 {strides = array<i32>} : memref<4x80x128xf32, #tpu.memory_space<vmem>>, vector<1x1x16xf32>,
      %swap3A_368 = arith.constant 3 : i32
      %swap3A_369 = arith.index_cast %swap3A_368 : i32 to index
      %swap3A_370 = arith.index_cast %scan3A_172 : i32 to index
      %swap3A_371 = arith.constant 64 : index
      %swap3A_372 = tpu.vector_load %arg10[%swap3A_369, %swap3A_370, %swap3A_371] {strides = array<i32>} : memref<4x80x128xf32, #tpu.memory_space<vmem>>, vector<1x1x16xf32>,
      %swap3A_373 = vector.shape_cast %swap3A_372 : vector<1x1x16xf32> to vector<16xf32>
      %swap3A_374 = vector.shape_cast %broadcast_in_dim3A_63 : vector<16xf32> to vector<1x1x16xf32>
      tpu.vector_store %arg10[%swap3A_369, %swap3A_370, %swap3A_371], %swap3A_374 {strides = array<i32>} : memref<4x80x128xf32, #tpu.memory_space<vmem>>, vector<1x1x16xf32>,
      %swap3A_375 = arith.constant 3 : i32
      %swap3A_376 = arith.index_cast %swap3A_375 : i32 to index
      %swap3A_377 = arith.index_cast %scan3A_172 : i32 to index
      %swap3A_378 = arith.constant 80 : index
      %swap3A_379 = tpu.vector_load %arg10[%swap3A_376, %swap3A_377, %swap3A_378] {strides = array<i32>} : memref<4x80x128xf32, #tpu.memory_space<vmem>>, vector<1x1x16xf32>,
      %swap3A_380 = vector.shape_cast %swap3A_379 : vector<1x1x16xf32> to vector<16xf32>
      %swap3A_381 = vector.shape_cast %broadcast_in_dim3A_63 : vector<16xf32> to vector<1x1x16xf32>
      tpu.vector_store %arg10[%swap3A_376, %swap3A_377, %swap3A_378], %swap3A_381 {strides = array<i32>} : memref<4x80x128xf32, #tpu.memory_space<vmem>>, vector<1x1x16xf32>,
      %swap3A_382 = arith.constant 3 : i32
      %swap3A_383 = arith.index_cast %swap3A_382 : i32 to index
      %swap3A_384 = arith.index_cast %scan3A_172 : i32 to index
      %swap3A_385 = arith.constant 96 : index
      %swap3A_386 = tpu.vector_load %arg10[%swap3A_383, %swap3A_384, %swap3A_385] {strides = array<i32>} : memref<4x80x128xf32, #tpu.memory_space<vmem>>, vector<1x1x16xf32>,
      %swap3A_387 = vector.shape_cast %swap3A_386 : vector<1x1x16xf32> to vector<16xf32>
      %swap3A_388 = vector.shape_cast %broadcast_in_dim3A_63 : vector<16xf32> to vector<1x1x16xf32>
      tpu.vector_store %arg10[%swap3A_383, %swap3A_384, %swap3A_385], %swap3A_388 {strides = array<i32>} : memref<4x80x128xf32, #tpu.memory_space<vmem>>, vector<1x1x16xf32>,
      %swap3A_389 = arith.constant 3 : i32
      %swap3A_390 = arith.index_cast %swap3A_389 : i32 to index
      %swap3A_391 = arith.index_cast %scan3A_172 : i32 to index
      %swap3A_392 = arith.constant 112 : index
      %swap3A_393 = tpu.vector_load %arg10[%swap3A_390, %swap3A_391, %swap3A_392] {strides = array<i32>} : memref<4x80x128xf32, #tpu.memory_space<vmem>>, vector<1x1x16xf32>,
      %swap3A_394 = vector.shape_cast %swap3A_393 : vector<1x1x16xf32> to vector<16xf32>
      %swap3A_395 = vector.shape_cast %broadcast_in_dim3A_63 : vector<16xf32> to vector<1x1x16xf32>
      tpu.vector_store %arg10[%swap3A_390, %swap3A_391, %swap3A_392], %swap3A_395 {strides = array<i32>} : memref<4x80x128xf32, #tpu.memory_space<vmem>>, vector<1x1x16xf32>,
    }
    %scan3A_68 = arith.constant 80 : i32
    %dma_start3A = arith.constant 0 : i32
    %dma_start3A_69 = arith.constant 0 : i32
    %dma_start3A_70 = arith.constant 0 : i32
    %dma_start3A_71 = arith.constant 0 : i32
    %dma_start3A_72 = tpu.memref_slice %arg10[%dma_start3A_69, %dma_start3A_70, %dma_start3A_71] : memref<4x80x128xf32, #tpu.memory_space<vmem>> -> memref<1x80x128xf32, #tpu.memory_space<vmem>>
    %dma_start3A_73 = tpu.memref_squeeze %dma_start3A_72 : memref<1x80x128xf32, #tpu.memory_space<vmem>> -> memref<80x128xf32, #tpu.memory_space<vmem>>
    %dma_start3A_74 = arith.constant 0 : i32
    %dma_start3A_75 = tpu.memref_slice %arg8[%dma_start3A, %dma_start3A_74] : memref<125x80xi32, #tpu.memory_space<vmem>> -> memref<1x80xi32, #tpu.memory_space<vmem>>
    %dma_start3A_76 = tpu.memref_squeeze %dma_start3A_75 : memref<1x80xi32, #tpu.memory_space<vmem>> -> memref<80xi32, #tpu.memory_space<vmem>>
    %dma_start3A_77 = arith.constant 0 : i32
    %dma_start3A_78 = arith.constant 0 : i32
    %dma_start3A_79 = tpu.memref_slice %arg2[%dma_start3A_77, %dma_start3A_78] : memref<10000x128xf32, #tpu.memory_space<hbm>> -> memref<10000x128xf32, #tpu.memory_space<hbm>>
    tpu.enqueue_indirect_dma source(%dma_start3A_79 : memref<10000x128xf32, #tpu.memory_space<hbm>>) target(%dma_start3A_73 : memref<80x128xf32, #tpu.memory_space<vmem>>) offsets(%dma_start3A_76 : memref<80xi32, #tpu.memory_space<vmem>>) semaphore(%arg14 : memref<!tpu.dma_semaphore, #tpu.memory_space<semaphore_mem>>) {add = true}
    %dma_start3A_80 = arith.constant 0 : i32
    %dma_start3A_81 = arith.constant 0 : i32
    %dma_start3A_82 = arith.constant 0 : i32
    %dma_start3A_83 = arith.constant 0 : i32
    %dma_start3A_84 = tpu.memref_slice %arg10[%dma_start3A_81, %dma_start3A_82, %dma_start3A_83] : memref<4x80x128xf32, #tpu.memory_space<vmem>> -> memref<1x80x128xf32, #tpu.memory_space<vmem>>
    %dma_start3A_85 = tpu.memref_squeeze %dma_start3A_84 : memref<1x80x128xf32, #tpu.memory_space<vmem>> -> memref<80x128xf32, #tpu.memory_space<vmem>>
    %dma_start3A_86 = arith.constant 0 : i32
    %dma_start3A_87 = tpu.memref_slice %arg9[%dma_start3A_80, %dma_start3A_86] : memref<125x80xi32, #tpu.memory_space<vmem>> -> memref<1x80xi32, #tpu.memory_space<vmem>>
    %dma_start3A_88 = tpu.memref_squeeze %dma_start3A_87 : memref<1x80xi32, #tpu.memory_space<vmem>> -> memref<80xi32, #tpu.memory_space<vmem>>
    %dma_start3A_89 = arith.constant 0 : i32
    %dma_start3A_90 = arith.constant 0 : i32
    %dma_start3A_91 = tpu.memref_slice %arg3[%dma_start3A_89, %dma_start3A_90] : memref<10000x128xf32, #tpu.memory_space<hbm>> -> memref<10000x128xf32, #tpu.memory_space<hbm>>
    tpu.enqueue_indirect_dma source(%dma_start3A_91 : memref<10000x128xf32, #tpu.memory_space<hbm>>) target(%dma_start3A_85 : memref<80x128xf32, #tpu.memory_space<vmem>>) offsets(%dma_start3A_88 : memref<80xi32, #tpu.memory_space<vmem>>) semaphore(%arg15 : memref<!tpu.dma_semaphore, #tpu.memory_space<semaphore_mem>>) {add = true}
    %dma_start3A_92 = arith.constant 1 : i32
    %dma_start3A_93 = arith.constant 1 : i32
    %dma_start3A_94 = arith.constant 0 : i32
    %dma_start3A_95 = arith.constant 0 : i32
    %dma_start3A_96 = tpu.memref_slice %arg10[%dma_start3A_93, %dma_start3A_94, %dma_start3A_95] : memref<4x80x128xf32, #tpu.memory_space<vmem>> -> memref<1x80x128xf32, #tpu.memory_space<vmem>>
    %dma_start3A_97 = tpu.memref_squeeze %dma_start3A_96 : memref<1x80x128xf32, #tpu.memory_space<vmem>> -> memref<80x128xf32, #tpu.memory_space<vmem>>
    %dma_start3A_98 = arith.constant 0 : i32
    %dma_start3A_99 = tpu.memref_slice %arg8[%dma_start3A_92, %dma_start3A_98] : memref<125x80xi32, #tpu.memory_space<vmem>> -> memref<1x80xi32, #tpu.memory_space<vmem>>
    %dma_start3A_100 = tpu.memref_squeeze %dma_start3A_99 : memref<1x80xi32, #tpu.memory_space<vmem>> -> memref<80xi32, #tpu.memory_space<vmem>>
    %dma_start3A_101 = arith.constant 0 : i32
    %dma_start3A_102 = arith.constant 0 : i32
    %dma_start3A_103 = tpu.memref_slice %arg2[%dma_start3A_101, %dma_start3A_102] : memref<10000x128xf32, #tpu.memory_space<hbm>> -> memref<10000x128xf32, #tpu.memory_space<hbm>>
    tpu.enqueue_indirect_dma source(%dma_start3A_103 : memref<10000x128xf32, #tpu.memory_space<hbm>>) target(%dma_start3A_97 : memref<80x128xf32, #tpu.memory_space<vmem>>) offsets(%dma_start3A_100 : memref<80xi32, #tpu.memory_space<vmem>>) semaphore(%arg14 : memref<!tpu.dma_semaphore, #tpu.memory_space<semaphore_mem>>) {add = true}
    %dma_start3A_104 = arith.constant 1 : i32
    %dma_start3A_105 = arith.constant 1 : i32
    %dma_start3A_106 = arith.constant 0 : i32
    %dma_start3A_107 = arith.constant 0 : i32
    %dma_start3A_108 = tpu.memref_slice %arg10[%dma_start3A_105, %dma_start3A_106, %dma_start3A_107] : memref<4x80x128xf32, #tpu.memory_space<vmem>> -> memref<1x80x128xf32, #tpu.memory_space<vmem>>
    %dma_start3A_109 = tpu.memref_squeeze %dma_start3A_108 : memref<1x80x128xf32, #tpu.memory_space<vmem>> -> memref<80x128xf32, #tpu.memory_space<vmem>>
    %dma_start3A_110 = arith.constant 0 : i32
    %dma_start3A_111 = tpu.memref_slice %arg9[%dma_start3A_104, %dma_start3A_110] : memref<125x80xi32, #tpu.memory_space<vmem>> -> memref<1x80xi32, #tpu.memory_space<vmem>>
    %dma_start3A_112 = tpu.memref_squeeze %dma_start3A_111 : memref<1x80xi32, #tpu.memory_space<vmem>> -> memref<80xi32, #tpu.memory_space<vmem>>
    %dma_start3A_113 = arith.constant 0 : i32
    %dma_start3A_114 = arith.constant 0 : i32
    %dma_start3A_115 = tpu.memref_slice %arg3[%dma_start3A_113, %dma_start3A_114] : memref<10000x128xf32, #tpu.memory_space<hbm>> -> memref<10000x128xf32, #tpu.memory_space<hbm>>
    tpu.enqueue_indirect_dma source(%dma_start3A_115 : memref<10000x128xf32, #tpu.memory_space<hbm>>) target(%dma_start3A_109 : memref<80x128xf32, #tpu.memory_space<vmem>>) offsets(%dma_start3A_112 : memref<80xi32, #tpu.memory_space<vmem>>) semaphore(%arg15 : memref<!tpu.dma_semaphore, #tpu.memory_space<semaphore_mem>>) {add = true}
    %dma_start3A_116 = arith.constant 2 : i32
    %dma_start3A_117 = arith.constant 2 : i32
    %dma_start3A_118 = arith.constant 0 : i32
    %dma_start3A_119 = arith.constant 0 : i32
    %dma_start3A_120 = tpu.memref_slice %arg10[%dma_start3A_117, %dma_start3A_118, %dma_start3A_119] : memref<4x80x128xf32, #tpu.memory_space<vmem>> -> memref<1x80x128xf32, #tpu.memory_space<vmem>>
    %dma_start3A_121 = tpu.memref_squeeze %dma_start3A_120 : memref<1x80x128xf32, #tpu.memory_space<vmem>> -> memref<80x128xf32, #tpu.memory_space<vmem>>
    %dma_start3A_122 = arith.constant 0 : i32
    %dma_start3A_123 = tpu.memref_slice %arg8[%dma_start3A_116, %dma_start3A_122] : memref<125x80xi32, #tpu.memory_space<vmem>> -> memref<1x80xi32, #tpu.memory_space<vmem>>
    %dma_start3A_124 = tpu.memref_squeeze %dma_start3A_123 : memref<1x80xi32, #tpu.memory_space<vmem>> -> memref<80xi32, #tpu.memory_space<vmem>>
    %dma_start3A_125 = arith.constant 0 : i32
    %dma_start3A_126 = arith.constant 0 : i32
    %dma_start3A_127 = tpu.memref_slice %arg2[%dma_start3A_125, %dma_start3A_126] : memref<10000x128xf32, #tpu.memory_space<hbm>> -> memref<10000x128xf32, #tpu.memory_space<hbm>>
    tpu.enqueue_indirect_dma source(%dma_start3A_127 : memref<10000x128xf32, #tpu.memory_space<hbm>>) target(%dma_start3A_121 : memref<80x128xf32, #tpu.memory_space<vmem>>) offsets(%dma_start3A_124 : memref<80xi32, #tpu.memory_space<vmem>>) semaphore(%arg14 : memref<!tpu.dma_semaphore, #tpu.memory_space<semaphore_mem>>) {add = true}
    %dma_start3A_128 = arith.constant 2 : i32
    %dma_start3A_129 = arith.constant 2 : i32
    %dma_start3A_130 = arith.constant 0 : i32
    %dma_start3A_131 = arith.constant 0 : i32
    %dma_start3A_132 = tpu.memref_slice %arg10[%dma_start3A_129, %dma_start3A_130, %dma_start3A_131] : memref<4x80x128xf32, #tpu.memory_space<vmem>> -> memref<1x80x128xf32, #tpu.memory_space<vmem>>
    %dma_start3A_133 = tpu.memref_squeeze %dma_start3A_132 : memref<1x80x128xf32, #tpu.memory_space<vmem>> -> memref<80x128xf32, #tpu.memory_space<vmem>>
    %dma_start3A_134 = arith.constant 0 : i32
    %dma_start3A_135 = tpu.memref_slice %arg9[%dma_start3A_128, %dma_start3A_134] : memref<125x80xi32, #tpu.memory_space<vmem>> -> memref<1x80xi32, #tpu.memory_space<vmem>>
    %dma_start3A_136 = tpu.memref_squeeze %dma_start3A_135 : memref<1x80xi32, #tpu.memory_space<vmem>> -> memref<80xi32, #tpu.memory_space<vmem>>
    %dma_start3A_137 = arith.constant 0 : i32
    %dma_start3A_138 = arith.constant 0 : i32
    %dma_start3A_139 = tpu.memref_slice %arg3[%dma_start3A_137, %dma_start3A_138] : memref<10000x128xf32, #tpu.memory_space<hbm>> -> memref<10000x128xf32, #tpu.memory_space<hbm>>
    tpu.enqueue_indirect_dma source(%dma_start3A_139 : memref<10000x128xf32, #tpu.memory_space<hbm>>) target(%dma_start3A_133 : memref<80x128xf32, #tpu.memory_space<vmem>>) offsets(%dma_start3A_136 : memref<80xi32, #tpu.memory_space<vmem>>) semaphore(%arg15 : memref<!tpu.dma_semaphore, #tpu.memory_space<semaphore_mem>>) {add = true}
    %dma_start3A_140 = arith.constant 3 : i32
    %dma_start3A_141 = arith.constant 3 : i32
    %dma_start3A_142 = arith.constant 0 : i32
    %dma_start3A_143 = arith.constant 0 : i32
    %dma_start3A_144 = tpu.memref_slice %arg10[%dma_start3A_141, %dma_start3A_142, %dma_start3A_143] : memref<4x80x128xf32, #tpu.memory_space<vmem>> -> memref<1x80x128xf32, #tpu.memory_space<vmem>>
    %dma_start3A_145 = tpu.memref_squeeze %dma_start3A_144 : memref<1x80x128xf32, #tpu.memory_space<vmem>> -> memref<80x128xf32, #tpu.memory_space<vmem>>
    %dma_start3A_146 = arith.constant 0 : i32
    %dma_start3A_147 = tpu.memref_slice %arg8[%dma_start3A_140, %dma_start3A_146] : memref<125x80xi32, #tpu.memory_space<vmem>> -> memref<1x80xi32, #tpu.memory_space<vmem>>
    %dma_start3A_148 = tpu.memref_squeeze %dma_start3A_147 : memref<1x80xi32, #tpu.memory_space<vmem>> -> memref<80xi32, #tpu.memory_space<vmem>>
    %dma_start3A_149 = arith.constant 0 : i32
    %dma_start3A_150 = arith.constant 0 : i32
    %dma_start3A_151 = tpu.memref_slice %arg2[%dma_start3A_149, %dma_start3A_150] : memref<10000x128xf32, #tpu.memory_space<hbm>> -> memref<10000x128xf32, #tpu.memory_space<hbm>>
    tpu.enqueue_indirect_dma source(%dma_start3A_151 : memref<10000x128xf32, #tpu.memory_space<hbm>>) target(%dma_start3A_145 : memref<80x128xf32, #tpu.memory_space<vmem>>) offsets(%dma_start3A_148 : memref<80xi32, #tpu.memory_space<vmem>>) semaphore(%arg14 : memref<!tpu.dma_semaphore, #tpu.memory_space<semaphore_mem>>) {add = true}
    %dma_start3A_152 = arith.constant 3 : i32
    %dma_start3A_153 = arith.constant 3 : i32
    %dma_start3A_154 = arith.constant 0 : i32
    %dma_start3A_155 = arith.constant 0 : i32
    %dma_start3A_156 = tpu.memref_slice %arg10[%dma_start3A_153, %dma_start3A_154, %dma_start3A_155] : memref<4x80x128xf32, #tpu.memory_space<vmem>> -> memref<1x80x128xf32, #tpu.memory_space<vmem>>
    %dma_start3A_157 = tpu.memref_squeeze %dma_start3A_156 : memref<1x80x128xf32, #tpu.memory_space<vmem>> -> memref<80x128xf32, #tpu.memory_space<vmem>>
    %dma_start3A_158 = arith.constant 0 : i32
    %dma_start3A_159 = tpu.memref_slice %arg9[%dma_start3A_152, %dma_start3A_158] : memref<125x80xi32, #tpu.memory_space<vmem>> -> memref<1x80xi32, #tpu.memory_space<vmem>>
    %dma_start3A_160 = tpu.memref_squeeze %dma_start3A_159 : memref<1x80xi32, #tpu.memory_space<vmem>> -> memref<80xi32, #tpu.memory_space<vmem>>
    %dma_start3A_161 = arith.constant 0 : i32
    %dma_start3A_162 = arith.constant 0 : i32
    %dma_start3A_163 = tpu.memref_slice %arg3[%dma_start3A_161, %dma_start3A_162] : memref<10000x128xf32, #tpu.memory_space<hbm>> -> memref<10000x128xf32, #tpu.memory_space<hbm>>
    tpu.enqueue_indirect_dma source(%dma_start3A_163 : memref<10000x128xf32, #tpu.memory_space<hbm>>) target(%dma_start3A_157 : memref<80x128xf32, #tpu.memory_space<vmem>>) offsets(%dma_start3A_160 : memref<80xi32, #tpu.memory_space<vmem>>) semaphore(%arg15 : memref<!tpu.dma_semaphore, #tpu.memory_space<semaphore_mem>>) {add = true}
    %scan3A_164 = arith.constant 0 : i32
    %scan3A_165 = arith.constant 0 : i32
    %scan3A_166 = arith.constant 125 : i32
    %scan3A_167 = arith.addi %scan3A_165, %scan3A_166 : i32
    %scan3A_168 = arith.constant 1 : i32
    scf.for %scan3A_172 = %scan3A_165 to %scan3A_167 step %scan3A_168  : i32 {
      %rem3A = arith.constant 4 : i32
      %rem3A_173 = arith.remsi %scan3A_172, %rem3A : i32
      %dma_wait3A = arith.constant 0 : i32
      %dma_wait3A_174 = arith.constant 0 : i32
      %dma_wait3A_175 = tpu.memref_slice %arg10[%rem3A_173, %dma_wait3A, %dma_wait3A_174] : memref<4x80x128xf32, #tpu.memory_space<vmem>> -> memref<1x80x128xf32, #tpu.memory_space<vmem>>
      %dma_wait3A_176 = tpu.memref_squeeze %dma_wait3A_175 : memref<1x80x128xf32, #tpu.memory_space<vmem>> -> memref<80x128xf32, #tpu.memory_space<vmem>>
      %dma_wait3A_177 = arith.constant 0 : i32
      %dma_wait3A_178 = tpu.memref_slice %arg8[%scan3A_172, %dma_wait3A_177] : memref<125x80xi32, #tpu.memory_space<vmem>> -> memref<1x80xi32, #tpu.memory_space<vmem>>
      %dma_wait3A_179 = tpu.memref_squeeze %dma_wait3A_178 : memref<1x80xi32, #tpu.memory_space<vmem>> -> memref<80xi32, #tpu.memory_space<vmem>>
      %dma_wait3A_180 = arith.constant 0 : i32
      %dma_wait3A_181 = arith.constant 0 : i32
      %dma_wait3A_182 = tpu.memref_slice %arg2[%dma_wait3A_180, %dma_wait3A_181] : memref<10000x128xf32, #tpu.memory_space<hbm>> -> memref<10000x128xf32, #tpu.memory_space<hbm>>
      tpu.wait_indirect_dma semaphore(%arg14 : memref<!tpu.dma_semaphore, #tpu.memory_space<semaphore_mem>>) src(%dma_wait3A_182 : memref<10000x128xf32, #tpu.memory_space<hbm>>) dst(%dma_wait3A_176 : memref<80x128xf32, #tpu.memory_space<vmem>>)
      %dma_wait3A_183 = arith.constant 0 : i32
      %dma_wait3A_184 = arith.constant 0 : i32
      %dma_wait3A_185 = tpu.memref_slice %arg10[%rem3A_173, %dma_wait3A_183, %dma_wait3A_184] : memref<4x80x128xf32, #tpu.memory_space<vmem>> -> memref<1x80x128xf32, #tpu.memory_space<vmem>>
      %dma_wait3A_186 = tpu.memref_squeeze %dma_wait3A_185 : memref<1x80x128xf32, #tpu.memory_space<vmem>> -> memref<80x128xf32, #tpu.memory_space<vmem>>
      %dma_wait3A_187 = arith.constant 0 : i32
      %dma_wait3A_188 = tpu.memref_slice %arg9[%scan3A_172, %dma_wait3A_187] : memref<125x80xi32, #tpu.memory_space<vmem>> -> memref<1x80xi32, #tpu.memory_space<vmem>>
      %dma_wait3A_189 = tpu.memref_squeeze %dma_wait3A_188 : memref<1x80xi32, #tpu.memory_space<vmem>> -> memref<80xi32, #tpu.memory_space<vmem>>
      %dma_wait3A_190 = arith.constant 0 : i32
      %dma_wait3A_191 = arith.constant 0 : i32
      %dma_wait3A_192 = tpu.memref_slice %arg3[%dma_wait3A_190, %dma_wait3A_191] : memref<10000x128xf32, #tpu.memory_space<hbm>> -> memref<10000x128xf32, #tpu.memory_space<hbm>>
      tpu.wait_indirect_dma semaphore(%arg15 : memref<!tpu.dma_semaphore, #tpu.memory_space<semaphore_mem>>) src(%dma_wait3A_192 : memref<10000x128xf32, #tpu.memory_space<hbm>>) dst(%dma_wait3A_186 : memref<80x128xf32, #tpu.memory_space<vmem>>)
      %scan3A_193 = arith.constant 0 : i32
      %scan3A_194 = arith.constant 0 : i32
      %scan3A_195 = arith.constant 5 : i32
      %scan3A_196 = arith.addi %scan3A_194, %scan3A_195 : i32
      %scan3A_197 = arith.constant 1 : i32
      scf.for %scan3A_203 = %scan3A_194 to %scan3A_196 step %scan3A_197  : i32 {
        %mul3A_204 = arith.constant 16 : i32
        %mul3A_205 = arith.muli %scan3A_203, %mul3A_204 : i32
        %add3A_206 = arith.constant 0 : i32
        %add3A_207 = arith.addi %mul3A_205, %add3A_206 : i32
        %get3A_208 = arith.index_cast %rem3A_173 : i32 to index
        %get3A_209 = arith.index_cast %add3A_207 : i32 to index
        %get3A_210 = arith.constant 0 : index
        %get3A_211 = tpu.vector_load %arg10[%get3A_208, %get3A_209, %get3A_210] {strides = array<i32>} : memref<4x80x128xf32, #tpu.memory_space<vmem>>, vector<1x1x16xf32>,
        %get3A_212 = vector.shape_cast %get3A_211 : vector<1x1x16xf32> to vector<16xf32>
        %max3A = arith.constant 0.000000e+00 : f32
        %max3A_213 = vector.broadcast %max3A : f32 to vector<16xf32>
        %max3A_214 = arith.maximumf %get3A_212, %max3A_213 : vector<16xf32>
        %mul3A_215 = arith.mulf %max3A_214, %get3A_5 : vector<16xf32>
        %swap3A = arith.index_cast %rem3A_173 : i32 to index
        %swap3A_216 = arith.index_cast %add3A_207 : i32 to index
        %swap3A_217 = arith.constant 0 : index
        %swap3A_218 = tpu.vector_load %arg10[%swap3A, %swap3A_216, %swap3A_217] {strides = array<i32>} : memref<4x80x128xf32, #tpu.memory_space<vmem>>, vector<1x1x16xf32>,
        %swap3A_219 = vector.shape_cast %swap3A_218 : vector<1x1x16xf32> to vector<16xf32>
        %swap3A_220 = vector.shape_cast %broadcast_in_dim3A_63 : vector<16xf32> to vector<1x1x16xf32>
        tpu.vector_store %arg10[%swap3A, %swap3A_216, %swap3A_217], %swap3A_220 {strides = array<i32>} : memref<4x80x128xf32, #tpu.memory_space<vmem>>, vector<1x1x16xf32>,
        %get3A_221 = arith.index_cast %rem3A_173 : i32 to index
        %get3A_222 = arith.index_cast %add3A_207 : i32 to index
        %get3A_223 = arith.constant 16 : index
        %get3A_224 = tpu.vector_load %arg10[%get3A_221, %get3A_222, %get3A_223] {strides = array<i32>} : memref<4x80x128xf32, #tpu.memory_space<vmem>>, vector<1x1x16xf32>,
        %get3A_225 = vector.shape_cast %get3A_224 : vector<1x1x16xf32> to vector<16xf32>
        %max3A_226 = arith.constant 0.000000e+00 : f32
        %max3A_227 = vector.broadcast %max3A_226 : f32 to vector<16xf32>
        %max3A_228 = arith.maximumf %get3A_225, %max3A_227 : vector<16xf32>
        %mul3A_229 = arith.mulf %max3A_228, %get3A_8 : vector<16xf32>
        %add3A_230 = arith.addf %mul3A_215, %mul3A_229 : vector<16xf32>
        %swap3A_231 = arith.index_cast %rem3A_173 : i32 to index
        %swap3A_232 = arith.index_cast %add3A_207 : i32 to index
        %swap3A_233 = arith.constant 16 : index
        %swap3A_234 = tpu.vector_load %arg10[%swap3A_231, %swap3A_232, %swap3A_233] {strides = array<i32>} : memref<4x80x128xf32, #tpu.memory_space<vmem>>, vector<1x1x16xf32>,
        %swap3A_235 = vector.shape_cast %swap3A_234 : vector<1x1x16xf32> to vector<16xf32>
        %swap3A_236 = vector.shape_cast %broadcast_in_dim3A_63 : vector<16xf32> to vector<1x1x16xf32>
        tpu.vector_store %arg10[%swap3A_231, %swap3A_232, %swap3A_233], %swap3A_236 {strides = array<i32>} : memref<4x80x128xf32, #tpu.memory_space<vmem>>, vector<1x1x16xf32>,
        %get3A_237 = arith.index_cast %rem3A_173 : i32 to index
        %get3A_238 = arith.index_cast %add3A_207 : i32 to index
        %get3A_239 = arith.constant 32 : index
        %get3A_240 = tpu.vector_load %arg10[%get3A_237, %get3A_238, %get3A_239] {strides = array<i32>} : memref<4x80x128xf32, #tpu.memory_space<vmem>>, vector<1x1x16xf32>,
        %get3A_241 = vector.shape_cast %get3A_240 : vector<1x1x16xf32> to vector<16xf32>
        %max3A_242 = arith.constant 0.000000e+00 : f32
        %max3A_243 = vector.broadcast %max3A_242 : f32 to vector<16xf32>
        %max3A_244 = arith.maximumf %get3A_241, %max3A_243 : vector<16xf32>
        %mul3A_245 = arith.mulf %max3A_244, %get3A_11 : vector<16xf32>
        %add3A_246 = arith.addf %add3A_230, %mul3A_245 : vector<16xf32>
        %swap3A_247 = arith.index_cast %rem3A_173 : i32 to index
        %swap3A_248 = arith.index_cast %add3A_207 : i32 to index
        %swap3A_249 = arith.constant 32 : index
        %swap3A_250 = tpu.vector_load %arg10[%swap3A_247, %swap3A_248, %swap3A_249] {strides = array<i32>} : memref<4x80x128xf32, #tpu.memory_space<vmem>>, vector<1x1x16xf32>,
        %swap3A_251 = vector.shape_cast %swap3A_250 : vector<1x1x16xf32> to vector<16xf32>
        %swap3A_252 = vector.shape_cast %broadcast_in_dim3A_63 : vector<16xf32> to vector<1x1x16xf32>
        tpu.vector_store %arg10[%swap3A_247, %swap3A_248, %swap3A_249], %swap3A_252 {strides = array<i32>} : memref<4x80x128xf32, #tpu.memory_space<vmem>>, vector<1x1x16xf32>,
        %get3A_253 = arith.index_cast %rem3A_173 : i32 to index
        %get3A_254 = arith.index_cast %add3A_207 : i32 to index
        %get3A_255 = arith.constant 48 : index
        %get3A_256 = tpu.vector_load %arg10[%get3A_253, %get3A_254, %get3A_255] {strides = array<i32>} : memref<4x80x128xf32, #tpu.memory_space<vmem>>, vector<1x1x16xf32>,
        %get3A_257 = vector.shape_cast %get3A_256 : vector<1x1x16xf32> to vector<16xf32>
        %max3A_258 = arith.constant 0.000000e+00 : f32
        %max3A_259 = vector.broadcast %max3A_258 : f32 to vector<16xf32>
        %max3A_260 = arith.maximumf %get3A_257, %max3A_259 : vector<16xf32>
        %mul3A_261 = arith.mulf %max3A_260, %get3A_14 : vector<16xf32>
        %add3A_262 = arith.addf %add3A_246, %mul3A_261 : vector<16xf32>
        %swap3A_263 = arith.index_cast %rem3A_173 : i32 to index
        %swap3A_264 = arith.index_cast %add3A_207 : i32 to index
        %swap3A_265 = arith.constant 48 : index
        %swap3A_266 = tpu.vector_load %arg10[%swap3A_263, %swap3A_264, %swap3A_265] {strides = array<i32>} : memref<4x80x128xf32, #tpu.memory_space<vmem>>, vector<1x1x16xf32>,
        %swap3A_267 = vector.shape_cast %swap3A_266 : vector<1x1x16xf32> to vector<16xf32>
        %swap3A_268 = vector.shape_cast %broadcast_in_dim3A_63 : vector<16xf32> to vector<1x1x16xf32>
        tpu.vector_store %arg10[%swap3A_263, %swap3A_264, %swap3A_265], %swap3A_268 {strides = array<i32>} : memref<4x80x128xf32, #tpu.memory_space<vmem>>, vector<1x1x16xf32>,
        %get3A_269 = arith.index_cast %rem3A_173 : i32 to index
        %get3A_270 = arith.index_cast %add3A_207 : i32 to index
        %get3A_271 = arith.constant 64 : index
        %get3A_272 = tpu.vector_load %arg10[%get3A_269, %get3A_270, %get3A_271] {strides = array<i32>} : memref<4x80x128xf32, #tpu.memory_space<vmem>>, vector<1x1x16xf32>,
        %get3A_273 = vector.shape_cast %get3A_272 : vector<1x1x16xf32> to vector<16xf32>
        %max3A_274 = arith.constant 0.000000e+00 : f32
        %max3A_275 = vector.broadcast %max3A_274 : f32 to vector<16xf32>
        %max3A_276 = arith.maximumf %get3A_273, %max3A_275 : vector<16xf32>
        %mul3A_277 = arith.mulf %max3A_276, %get3A_17 : vector<16xf32>
        %add3A_278 = arith.addf %add3A_262, %mul3A_277 : vector<16xf32>
        %swap3A_279 = arith.index_cast %rem3A_173 : i32 to index
        %swap3A_280 = arith.index_cast %add3A_207 : i32 to index
        %swap3A_281 = arith.constant 64 : index
        %swap3A_282 = tpu.vector_load %arg10[%swap3A_279, %swap3A_280, %swap3A_281] {strides = array<i32>} : memref<4x80x128xf32, #tpu.memory_space<vmem>>, vector<1x1x16xf32>,
        %swap3A_283 = vector.shape_cast %swap3A_282 : vector<1x1x16xf32> to vector<16xf32>
        %swap3A_284 = vector.shape_cast %broadcast_in_dim3A_63 : vector<16xf32> to vector<1x1x16xf32>
        tpu.vector_store %arg10[%swap3A_279, %swap3A_280, %swap3A_281], %swap3A_284 {strides = array<i32>} : memref<4x80x128xf32, #tpu.memory_space<vmem>>, vector<1x1x16xf32>,
        %get3A_285 = arith.index_cast %rem3A_173 : i32 to index
        %get3A_286 = arith.index_cast %add3A_207 : i32 to index
        %get3A_287 = arith.constant 80 : index
        %get3A_288 = tpu.vector_load %arg10[%get3A_285, %get3A_286, %get3A_287] {strides = array<i32>} : memref<4x80x128xf32, #tpu.memory_space<vmem>>, vector<1x1x16xf32>,
        %get3A_289 = vector.shape_cast %get3A_288 : vector<1x1x16xf32> to vector<16xf32>
        %max3A_290 = arith.constant 0.000000e+00 : f32
        %max3A_291 = vector.broadcast %max3A_290 : f32 to vector<16xf32>
        %max3A_292 = arith.maximumf %get3A_289, %max3A_291 : vector<16xf32>
        %mul3A_293 = arith.mulf %max3A_292, %get3A_20 : vector<16xf32>
        %add3A_294 = arith.addf %add3A_278, %mul3A_293 : vector<16xf32>
        %swap3A_295 = arith.index_cast %rem3A_173 : i32 to index
        %swap3A_296 = arith.index_cast %add3A_207 : i32 to index
        %swap3A_297 = arith.constant 80 : index
        %swap3A_298 = tpu.vector_load %arg10[%swap3A_295, %swap3A_296, %swap3A_297] {strides = array<i32>} : memref<4x80x128xf32, #tpu.memory_space<vmem>>, vector<1x1x16xf32>,
        %swap3A_299 = vector.shape_cast %swap3A_298 : vector<1x1x16xf32> to vector<16xf32>
        %swap3A_300 = vector.shape_cast %broadcast_in_dim3A_63 : vector<16xf32> to vector<1x1x16xf32>
        tpu.vector_store %arg10[%swap3A_295, %swap3A_296, %swap3A_297], %swap3A_300 {strides = array<i32>} : memref<4x80x128xf32, #tpu.memory_space<vmem>>, vector<1x1x16xf32>,
        %get3A_301 = arith.index_cast %rem3A_173 : i32 to index
        %get3A_302 = arith.index_cast %add3A_207 : i32 to index
        %get3A_303 = arith.constant 96 : index
        %get3A_304 = tpu.vector_load %arg10[%get3A_301, %get3A_302, %get3A_303] {strides = array<i32>} : memref<4x80x128xf32, #tpu.memory_space<vmem>>, vector<1x1x16xf32>,
        %get3A_305 = vector.shape_cast %get3A_304 : vector<1x1x16xf32> to vector<16xf32>
        %max3A_306 = arith.constant 0.000000e+00 : f32
        %max3A_307 = vector.broadcast %max3A_306 : f32 to vector<16xf32>
        %max3A_308 = arith.maximumf %get3A_305, %max3A_307 : vector<16xf32>
        %mul3A_309 = arith.mulf %max3A_308, %get3A_23 : vector<16xf32>
        %add3A_310 = arith.addf %add3A_294, %mul3A_309 : vector<16xf32>
        %swap3A_311 = arith.index_cast %rem3A_173 : i32 to index
        %swap3A_312 = arith.index_cast %add3A_207 : i32 to index
        %swap3A_313 = arith.constant 96 : index
        %swap3A_314 = tpu.vector_load %arg10[%swap3A_311, %swap3A_312, %swap3A_313] {strides = array<i32>} : memref<4x80x128xf32, #tpu.memory_space<vmem>>, vector<1x1x16xf32>,
        %swap3A_315 = vector.shape_cast %swap3A_314 : vector<1x1x16xf32> to vector<16xf32>
        %swap3A_316 = vector.shape_cast %broadcast_in_dim3A_63 : vector<16xf32> to vector<1x1x16xf32>
        tpu.vector_store %arg10[%swap3A_311, %swap3A_312, %swap3A_313], %swap3A_316 {strides = array<i32>} : memref<4x80x128xf32, #tpu.memory_space<vmem>>, vector<1x1x16xf32>,
        %get3A_317 = arith.index_cast %rem3A_173 : i32 to index
        %get3A_318 = arith.index_cast %add3A_207 : i32 to index
        %get3A_319 = arith.constant 112 : index
        %get3A_320 = tpu.vector_load %arg10[%get3A_317, %get3A_318, %get3A_319] {strides = array<i32>} : memref<4x80x128xf32, #tpu.memory_space<vmem>>, vector<1x1x16xf32>,
        %get3A_321 = vector.shape_cast %get3A_320 : vector<1x1x16xf32> to vector<16xf32>
        %max3A_322 = arith.constant 0.000000e+00 : f32
        %max3A_323 = vector.broadcast %max3A_322 : f32 to vector<16xf32>
        %max3A_324 = arith.maximumf %get3A_321, %max3A_323 : vector<16xf32>
        %mul3A_325 = arith.mulf %max3A_324, %get3A_26 : vector<16xf32>
        %add3A_326 = arith.addf %add3A_310, %mul3A_325 : vector<16xf32>
        %swap3A_327 = arith.index_cast %rem3A_173 : i32 to index
        %swap3A_328 = arith.index_cast %add3A_207 : i32 to index
        %swap3A_329 = arith.constant 112 : index
        %swap3A_330 = tpu.vector_load %arg10[%swap3A_327, %swap3A_328, %swap3A_329] {strides = array<i32>} : memref<4x80x128xf32, #tpu.memory_space<vmem>>, vector<1x1x16xf32>,
        %swap3A_331 = vector.shape_cast %swap3A_330 : vector<1x1x16xf32> to vector<16xf32>
        %swap3A_332 = vector.shape_cast %broadcast_in_dim3A_63 : vector<16xf32> to vector<1x1x16xf32>
        tpu.vector_store %arg10[%swap3A_327, %swap3A_328, %swap3A_329], %swap3A_332 {strides = array<i32>} : memref<4x80x128xf32, #tpu.memory_space<vmem>>, vector<1x1x16xf32>,
        %mul3A_333 = arith.constant 16 : i32
        %mul3A_334 = arith.muli %scan3A_203, %mul3A_333 : i32
        %add3A_335 = arith.constant 1 : i32
        %add3A_336 = arith.addi %mul3A_334, %add3A_335 : i32
        %get3A_337 = arith.index_cast %rem3A_173 : i32 to index
        %get3A_338 = arith.index_cast %add3A_336 : i32 to index
        %get3A_339 = arith.constant 0 : index
        %get3A_340 = tpu.vector_load %arg10[%get3A_337, %get3A_338, %get3A_339] {strides = array<i32>} : memref<4x80x128xf32, #tpu.memory_space<vmem>>, vector<1x1x16xf32>,
        %get3A_341 = vector.shape_cast %get3A_340 : vector<1x1x16xf32> to vector<16xf32>
        %max3A_342 = arith.constant 0.000000e+00 : f32
        %max3A_343 = vector.broadcast %max3A_342 : f32 to vector<16xf32>
        %max3A_344 = arith.maximumf %get3A_341, %max3A_343 : vector<16xf32>
        %mul3A_345 = arith.mulf %max3A_344, %get3A_5 : vector<16xf32>
        %swap3A_346 = arith.index_cast %rem3A_173 : i32 to index
        %swap3A_347 = arith.index_cast %add3A_336 : i32 to index
        %swap3A_348 = arith.constant 0 : index
        %swap3A_349 = tpu.vector_load %arg10[%swap3A_346, %swap3A_347, %swap3A_348] {strides = array<i32>} : memref<4x80x128xf32, #tpu.memory_space<vmem>>, vector<1x1x16xf32>,
        %swap3A_350 = vector.shape_cast %swap3A_349 : vector<1x1x16xf32> to vector<16xf32>
        %swap3A_351 = vector.shape_cast %broadcast_in_dim3A_63 : vector<16xf32> to vector<1x1x16xf32>
        tpu.vector_store %arg10[%swap3A_346, %swap3A_347, %swap3A_348], %swap3A_351 {strides = array<i32>} : memref<4x80x128xf32, #tpu.memory_space<vmem>>, vector<1x1x16xf32>,
        %get3A_352 = arith.index_cast %rem3A_173 : i32 to index
        %get3A_353 = arith.index_cast %add3A_336 : i32 to index
        %get3A_354 = arith.constant 16 : index
        %get3A_355 = tpu.vector_load %arg10[%get3A_352, %get3A_353, %get3A_354] {strides = array<i32>} : memref<4x80x128xf32, #tpu.memory_space<vmem>>, vector<1x1x16xf32>,
        %get3A_356 = vector.shape_cast %get3A_355 : vector<1x1x16xf32> to vector<16xf32>
        %max3A_357 = arith.constant 0.000000e+00 : f32
        %max3A_358 = vector.broadcast %max3A_357 : f32 to vector<16xf32>
        %max3A_359 = arith.maximumf %get3A_356, %max3A_358 : vector<16xf32>
        %mul3A_360 = arith.mulf %max3A_359, %get3A_8 : vector<16xf32>
        %add3A_361 = arith.addf %mul3A_345, %mul3A_360 : vector<16xf32>
        %swap3A_362 = arith.index_cast %rem3A_173 : i32 to index
        %swap3A_363 = arith.index_cast %add3A_336 : i32 to index
        %swap3A_364 = arith.constant 16 : index
        %swap3A_365 = tpu.vector_load %arg10[%swap3A_362, %swap3A_363, %swap3A_364] {strides = array<i32>} : memref<4x80x128xf32, #tpu.memory_space<vmem>>, vector<1x1x16xf32>,
        %swap3A_366 = vector.shape_cast %swap3A_365 : vector<1x1x16xf32> to vector<16xf32>
        %swap3A_367 = vector.shape_cast %broadcast_in_dim3A_63 : vector<16xf32> to vector<1x1x16xf32>
        tpu.vector_store %arg10[%swap3A_362, %swap3A_363, %swap3A_364], %swap3A_367 {strides = array<i32>} : memref<4x80x128xf32, #tpu.memory_space<vmem>>, vector<1x1x16xf32>,
        %get3A_368 = arith.index_cast %rem3A_173 : i32 to index
        %get3A_369 = arith.index_cast %add3A_336 : i32 to index
        %get3A_370 = arith.constant 32 : index
        %get3A_371 = tpu.vector_load %arg10[%get3A_368, %get3A_369, %get3A_370] {strides = array<i32>} : memref<4x80x128xf32, #tpu.memory_space<vmem>>, vector<1x1x16xf32>,
        %get3A_372 = vector.shape_cast %get3A_371 : vector<1x1x16xf32> to vector<16xf32>
        %max3A_373 = arith.constant 0.000000e+00 : f32
        %max3A_374 = vector.broadcast %max3A_373 : f32 to vector<16xf32>
        %max3A_375 = arith.maximumf %get3A_372, %max3A_374 : vector<16xf32>
        %mul3A_376 = arith.mulf %max3A_375, %get3A_11 : vector<16xf32>
        %add3A_377 = arith.addf %add3A_361, %mul3A_376 : vector<16xf32>
        %swap3A_378 = arith.index_cast %rem3A_173 : i32 to index
        %swap3A_379 = arith.index_cast %add3A_336 : i32 to index
        %swap3A_380 = arith.constant 32 : index
        %swap3A_381 = tpu.vector_load %arg10[%swap3A_378, %swap3A_379, %swap3A_380] {strides = array<i32>} : memref<4x80x128xf32, #tpu.memory_space<vmem>>, vector<1x1x16xf32>,
        %swap3A_382 = vector.shape_cast %swap3A_381 : vector<1x1x16xf32> to vector<16xf32>
        %swap3A_383 = vector.shape_cast %broadcast_in_dim3A_63 : vector<16xf32> to vector<1x1x16xf32>
        tpu.vector_store %arg10[%swap3A_378, %swap3A_379, %swap3A_380], %swap3A_383 {strides = array<i32>} : memref<4x80x128xf32, #tpu.memory_space<vmem>>, vector<1x1x16xf32>,
        %get3A_384 = arith.index_cast %rem3A_173 : i32 to index
        %get3A_385 = arith.index_cast %add3A_336 : i32 to index
        %get3A_386 = arith.constant 48 : index
        %get3A_387 = tpu.vector_load %arg10[%get3A_384, %get3A_385, %get3A_386] {strides = array<i32>} : memref<4x80x128xf32, #tpu.memory_space<vmem>>, vector<1x1x16xf32>,
        %get3A_388 = vector.shape_cast %get3A_387 : vector<1x1x16xf32> to vector<16xf32>
        %max3A_389 = arith.constant 0.000000e+00 : f32
        %max3A_390 = vector.broadcast %max3A_389 : f32 to vector<16xf32>
        %max3A_391 = arith.maximumf %get3A_388, %max3A_390 : vector<16xf32>
        %mul3A_392 = arith.mulf %max3A_391, %get3A_14 : vector<16xf32>
        %add3A_393 = arith.addf %add3A_377, %mul3A_392 : vector<16xf32>
        %swap3A_394 = arith.index_cast %rem3A_173 : i32 to index
        %swap3A_395 = arith.index_cast %add3A_336 : i32 to index
        %swap3A_396 = arith.constant 48 : index
        %swap3A_397 = tpu.vector_load %arg10[%swap3A_394, %swap3A_395, %swap3A_396] {strides = array<i32>} : memref<4x80x128xf32, #tpu.memory_space<vmem>>, vector<1x1x16xf32>,
        %swap3A_398 = vector.shape_cast %swap3A_397 : vector<1x1x16xf32> to vector<16xf32>
        %swap3A_399 = vector.shape_cast %broadcast_in_dim3A_63 : vector<16xf32> to vector<1x1x16xf32>
        tpu.vector_store %arg10[%swap3A_394, %swap3A_395, %swap3A_396], %swap3A_399 {strides = array<i32>} : memref<4x80x128xf32, #tpu.memory_space<vmem>>, vector<1x1x16xf32>,
        %get3A_400 = arith.index_cast %rem3A_173 : i32 to index
        %get3A_401 = arith.index_cast %add3A_336 : i32 to index
        %get3A_402 = arith.constant 64 : index
        %get3A_403 = tpu.vector_load %arg10[%get3A_400, %get3A_401, %get3A_402] {strides = array<i32>} : memref<4x80x128xf32, #tpu.memory_space<vmem>>, vector<1x1x16xf32>,
        %get3A_404 = vector.shape_cast %get3A_403 : vector<1x1x16xf32> to vector<16xf32>
        %max3A_405 = arith.constant 0.000000e+00 : f32
        %max3A_406 = vector.broadcast %max3A_405 : f32 to vector<16xf32>
        %max3A_407 = arith.maximumf %get3A_404, %max3A_406 : vector<16xf32>
        %mul3A_408 = arith.mulf %max3A_407, %get3A_17 : vector<16xf32>
        %add3A_409 = arith.addf %add3A_393, %mul3A_408 : vector<16xf32>
        %swap3A_410 = arith.index_cast %rem3A_173 : i32 to index
        %swap3A_411 = arith.index_cast %add3A_336 : i32 to index
        %swap3A_412 = arith.constant 64 : index
        %swap3A_413 = tpu.vector_load %arg10[%swap3A_410, %swap3A_411, %swap3A_412] {strides = array<i32>} : memref<4x80x128xf32, #tpu.memory_space<vmem>>, vector<1x1x16xf32>,
        %swap3A_414 = vector.shape_cast %swap3A_413 : vector<1x1x16xf32> to vector<16xf32>
        %swap3A_415 = vector.shape_cast %broadcast_in_dim3A_63 : vector<16xf32> to vector<1x1x16xf32>
        tpu.vector_store %arg10[%swap3A_410, %swap3A_411, %swap3A_412], %swap3A_415 {strides = array<i32>} : memref<4x80x128xf32, #tpu.memory_space<vmem>>, vector<1x1x16xf32>,
        %get3A_416 = arith.index_cast %rem3A_173 : i32 to index
        %get3A_417 = arith.index_cast %add3A_336 : i32 to index
        %get3A_418 = arith.constant 80 : index
        %get3A_419 = tpu.vector_load %arg10[%get3A_416, %get3A_417, %get3A_418] {strides = array<i32>} : memref<4x80x128xf32, #tpu.memory_space<vmem>>, vector<1x1x16xf32>,
        %get3A_420 = vector.shape_cast %get3A_419 : vector<1x1x16xf32> to vector<16xf32>
        %max3A_421 = arith.constant 0.000000e+00 : f32
        %max3A_422 = vector.broadcast %max3A_421 : f32 to vector<16xf32>
        %max3A_423 = arith.maximumf %get3A_420, %max3A_422 : vector<16xf32>
        %mul3A_424 = arith.mulf %max3A_423, %get3A_20 : vector<16xf32>
        %add3A_425 = arith.addf %add3A_409, %mul3A_424 : vector<16xf32>
        %swap3A_426 = arith.index_cast %rem3A_173 : i32 to index
        %swap3A_427 = arith.index_cast %add3A_336 : i32 to index
        %swap3A_428 = arith.constant 80 : index
        %swap3A_429 = tpu.vector_load %arg10[%swap3A_426, %swap3A_427, %swap3A_428] {strides = array<i32>} : memref<4x80x128xf32, #tpu.memory_space<vmem>>, vector<1x1x16xf32>,
        %swap3A_430 = vector.shape_cast %swap3A_429 : vector<1x1x16xf32> to vector<16xf32>
        %swap3A_431 = vector.shape_cast %broadcast_in_dim3A_63 : vector<16xf32> to vector<1x1x16xf32>
        tpu.vector_store %arg10[%swap3A_426, %swap3A_427, %swap3A_428], %swap3A_431 {strides = array<i32>} : memref<4x80x128xf32, #tpu.memory_space<vmem>>, vector<1x1x16xf32>,
        %get3A_432 = arith.index_cast %rem3A_173 : i32 to index
        %get3A_433 = arith.index_cast %add3A_336 : i32 to index
        %get3A_434 = arith.constant 96 : index
        %get3A_435 = tpu.vector_load %arg10[%get3A_432, %get3A_433, %get3A_434] {strides = array<i32>} : memref<4x80x128xf32, #tpu.memory_space<vmem>>, vector<1x1x16xf32>,
        %get3A_436 = vector.shape_cast %get3A_435 : vector<1x1x16xf32> to vector<16xf32>
        %max3A_437 = arith.constant 0.000000e+00 : f32
        %max3A_438 = vector.broadcast %max3A_437 : f32 to vector<16xf32>
        %max3A_439 = arith.maximumf %get3A_436, %max3A_438 : vector<16xf32>
        %mul3A_440 = arith.mulf %max3A_439, %get3A_23 : vector<16xf32>
        %add3A_441 = arith.addf %add3A_425, %mul3A_440 : vector<16xf32>
        %swap3A_442 = arith.index_cast %rem3A_173 : i32 to index
        %swap3A_443 = arith.index_cast %add3A_336 : i32 to index
        %swap3A_444 = arith.constant 96 : index
        %swap3A_445 = tpu.vector_load %arg10[%swap3A_442, %swap3A_443, %swap3A_444] {strides = array<i32>} : memref<4x80x128xf32, #tpu.memory_space<vmem>>, vector<1x1x16xf32>,
        %swap3A_446 = vector.shape_cast %swap3A_445 : vector<1x1x16xf32> to vector<16xf32>
        %swap3A_447 = vector.shape_cast %broadcast_in_dim3A_63 : vector<16xf32> to vector<1x1x16xf32>
        tpu.vector_store %arg10[%swap3A_442, %swap3A_443, %swap3A_444], %swap3A_447 {strides = array<i32>} : memref<4x80x128xf32, #tpu.memory_space<vmem>>, vector<1x1x16xf32>,
        %get3A_448 = arith.index_cast %rem3A_173 : i32 to index
        %get3A_449 = arith.index_cast %add3A_336 : i32 to index
        %get3A_450 = arith.constant 112 : index
        %get3A_451 = tpu.vector_load %arg10[%get3A_448, %get3A_449, %get3A_450] {strides = array<i32>} : memref<4x80x128xf32, #tpu.memory_space<vmem>>, vector<1x1x16xf32>,
        %get3A_452 = vector.shape_cast %get3A_451 : vector<1x1x16xf32> to vector<16xf32>
        %max3A_453 = arith.constant 0.000000e+00 : f32
        %max3A_454 = vector.broadcast %max3A_453 : f32 to vector<16xf32>
        %max3A_455 = arith.maximumf %get3A_452, %max3A_454 : vector<16xf32>
        %mul3A_456 = arith.mulf %max3A_455, %get3A_26 : vector<16xf32>
        %add3A_457 = arith.addf %add3A_441, %mul3A_456 : vector<16xf32>
        %swap3A_458 = arith.index_cast %rem3A_173 : i32 to index
        %swap3A_459 = arith.index_cast %add3A_336 : i32 to index
        %swap3A_460 = arith.constant 112 : index
        %swap3A_461 = tpu.vector_load %arg10[%swap3A_458, %swap3A_459, %swap3A_460] {strides = array<i32>} : memref<4x80x128xf32, #tpu.memory_space<vmem>>, vector<1x1x16xf32>,
        %swap3A_462 = vector.shape_cast %swap3A_461 : vector<1x1x16xf32> to vector<16xf32>
        %swap3A_463 = vector.shape_cast %broadcast_in_dim3A_63 : vector<16xf32> to vector<1x1x16xf32>
        tpu.vector_store %arg10[%swap3A_458, %swap3A_459, %swap3A_460], %swap3A_463 {strides = array<i32>} : memref<4x80x128xf32, #tpu.memory_space<vmem>>, vector<1x1x16xf32>,
        %mul3A_464 = arith.constant 16 : i32
        %mul3A_465 = arith.muli %scan3A_203, %mul3A_464 : i32
        %add3A_466 = arith.constant 2 : i32
        %add3A_467 = arith.addi %mul3A_465, %add3A_466 : i32
        %get3A_468 = arith.index_cast %rem3A_173 : i32 to index
        %get3A_469 = arith.index_cast %add3A_467 : i32 to index
        %get3A_470 = arith.constant 0 : index
        %get3A_471 = tpu.vector_load %arg10[%get3A_468, %get3A_469, %get3A_470] {strides = array<i32>} : memref<4x80x128xf32, #tpu.memory_space<vmem>>, vector<1x1x16xf32>,
        %get3A_472 = vector.shape_cast %get3A_471 : vector<1x1x16xf32> to vector<16xf32>
        %max3A_473 = arith.constant 0.000000e+00 : f32
        %max3A_474 = vector.broadcast %max3A_473 : f32 to vector<16xf32>
        %max3A_475 = arith.maximumf %get3A_472, %max3A_474 : vector<16xf32>
        %mul3A_476 = arith.mulf %max3A_475, %get3A_5 : vector<16xf32>
        %swap3A_477 = arith.index_cast %rem3A_173 : i32 to index
        %swap3A_478 = arith.index_cast %add3A_467 : i32 to index
        %swap3A_479 = arith.constant 0 : index
        %swap3A_480 = tpu.vector_load %arg10[%swap3A_477, %swap3A_478, %swap3A_479] {strides = array<i32>} : memref<4x80x128xf32, #tpu.memory_space<vmem>>, vector<1x1x16xf32>,
        %swap3A_481 = vector.shape_cast %swap3A_480 : vector<1x1x16xf32> to vector<16xf32>
        %swap3A_482 = vector.shape_cast %broadcast_in_dim3A_63 : vector<16xf32> to vector<1x1x16xf32>
        tpu.vector_store %arg10[%swap3A_477, %swap3A_478, %swap3A_479], %swap3A_482 {strides = array<i32>} : memref<4x80x128xf32, #tpu.memory_space<vmem>>, vector<1x1x16xf32>,
        %get3A_483 = arith.index_cast %rem3A_173 : i32 to index
        %get3A_484 = arith.index_cast %add3A_467 : i32 to index
        %get3A_485 = arith.constant 16 : index
        %get3A_486 = tpu.vector_load %arg10[%get3A_483, %get3A_484, %get3A_485] {strides = array<i32>} : memref<4x80x128xf32, #tpu.memory_space<vmem>>, vector<1x1x16xf32>,
        %get3A_487 = vector.shape_cast %get3A_486 : vector<1x1x16xf32> to vector<16xf32>
        %max3A_488 = arith.constant 0.000000e+00 : f32
        %max3A_489 = vector.broadcast %max3A_488 : f32 to vector<16xf32>
        %max3A_490 = arith.maximumf %get3A_487, %max3A_489 : vector<16xf32>
        %mul3A_491 = arith.mulf %max3A_490, %get3A_8 : vector<16xf32>
        %add3A_492 = arith.addf %mul3A_476, %mul3A_491 : vector<16xf32>
        %swap3A_493 = arith.index_cast %rem3A_173 : i32 to index
        %swap3A_494 = arith.index_cast %add3A_467 : i32 to index
        %swap3A_495 = arith.constant 16 : index
        %swap3A_496 = tpu.vector_load %arg10[%swap3A_493, %swap3A_494, %swap3A_495] {strides = array<i32>} : memref<4x80x128xf32, #tpu.memory_space<vmem>>, vector<1x1x16xf32>,
        %swap3A_497 = vector.shape_cast %swap3A_496 : vector<1x1x16xf32> to vector<16xf32>
        %swap3A_498 = vector.shape_cast %broadcast_in_dim3A_63 : vector<16xf32> to vector<1x1x16xf32>
        tpu.vector_store %arg10[%swap3A_493, %swap3A_494, %swap3A_495], %swap3A_498 {strides = array<i32>} : memref<4x80x128xf32, #tpu.memory_space<vmem>>, vector<1x1x16xf32>,
        %get3A_499 = arith.index_cast %rem3A_173 : i32 to index
        %get3A_500 = arith.index_cast %add3A_467 : i32 to index
        %get3A_501 = arith.constant 32 : index
        %get3A_502 = tpu.vector_load %arg10[%get3A_499, %get3A_500, %get3A_501] {strides = array<i32>} : memref<4x80x128xf32, #tpu.memory_space<vmem>>, vector<1x1x16xf32>,
        %get3A_503 = vector.shape_cast %get3A_502 : vector<1x1x16xf32> to vector<16xf32>
        %max3A_504 = arith.constant 0.000000e+00 : f32
        %max3A_505 = vector.broadcast %max3A_504 : f32 to vector<16xf32>
        %max3A_506 = arith.maximumf %get3A_503, %max3A_505 : vector<16xf32>
        %mul3A_507 = arith.mulf %max3A_506, %get3A_11 : vector<16xf32>
        %add3A_508 = arith.addf %add3A_492, %mul3A_507 : vector<16xf32>
        %swap3A_509 = arith.index_cast %rem3A_173 : i32 to index
        %swap3A_510 = arith.index_cast %add3A_467 : i32 to index
        %swap3A_511 = arith.constant 32 : index
        %swap3A_512 = tpu.vector_load %arg10[%swap3A_509, %swap3A_510, %swap3A_511] {strides = array<i32>} : memref<4x80x128xf32, #tpu.memory_space<vmem>>, vector<1x1x16xf32>,
        %swap3A_513 = vector.shape_cast %swap3A_512 : vector<1x1x16xf32> to vector<16xf32>
        %swap3A_514 = vector.shape_cast %broadcast_in_dim3A_63 : vector<16xf32> to vector<1x1x16xf32>
        tpu.vector_store %arg10[%swap3A_509, %swap3A_510, %swap3A_511], %swap3A_514 {strides = array<i32>} : memref<4x80x128xf32, #tpu.memory_space<vmem>>, vector<1x1x16xf32>,
        %get3A_515 = arith.index_cast %rem3A_173 : i32 to index
        %get3A_516 = arith.index_cast %add3A_467 : i32 to index
        %get3A_517 = arith.constant 48 : index
        %get3A_518 = tpu.vector_load %arg10[%get3A_515, %get3A_516, %get3A_517] {strides = array<i32>} : memref<4x80x128xf32, #tpu.memory_space<vmem>>, vector<1x1x16xf32>,
        %get3A_519 = vector.shape_cast %get3A_518 : vector<1x1x16xf32> to vector<16xf32>
        %max3A_520 = arith.constant 0.000000e+00 : f32
        %max3A_521 = vector.broadcast %max3A_520 : f32 to vector<16xf32>
        %max3A_522 = arith.maximumf %get3A_519, %max3A_521 : vector<16xf32>
        %mul3A_523 = arith.mulf %max3A_522, %get3A_14 : vector<16xf32>
        %add3A_524 = arith.addf %add3A_508, %mul3A_523 : vector<16xf32>
        %swap3A_525 = arith.index_cast %rem3A_173 : i32 to index
        %swap3A_526 = arith.index_cast %add3A_467 : i32 to index
        %swap3A_527 = arith.constant 48 : index
        %swap3A_528 = tpu.vector_load %arg10[%swap3A_525, %swap3A_526, %swap3A_527] {strides = array<i32>} : memref<4x80x128xf32, #tpu.memory_space<vmem>>, vector<1x1x16xf32>,
        %swap3A_529 = vector.shape_cast %swap3A_528 : vector<1x1x16xf32> to vector<16xf32>
        %swap3A_530 = vector.shape_cast %broadcast_in_dim3A_63 : vector<16xf32> to vector<1x1x16xf32>
        tpu.vector_store %arg10[%swap3A_525, %swap3A_526, %swap3A_527], %swap3A_530 {strides = array<i32>} : memref<4x80x128xf32, #tpu.memory_space<vmem>>, vector<1x1x16xf32>,
        %get3A_531 = arith.index_cast %rem3A_173 : i32 to index
        %get3A_532 = arith.index_cast %add3A_467 : i32 to index
        %get3A_533 = arith.constant 64 : index
        %get3A_534 = tpu.vector_load %arg10[%get3A_531, %get3A_532, %get3A_533] {strides = array<i32>} : memref<4x80x128xf32, #tpu.memory_space<vmem>>, vector<1x1x16xf32>,
        %get3A_535 = vector.shape_cast %get3A_534 : vector<1x1x16xf32> to vector<16xf32>
        %max3A_536 = arith.constant 0.000000e+00 : f32
        %max3A_537 = vector.broadcast %max3A_536 : f32 to vector<16xf32>
        %max3A_538 = arith.maximumf %get3A_535, %max3A_537 : vector<16xf32>
        %mul3A_539 = arith.mulf %max3A_538, %get3A_17 : vector<16xf32>
        %add3A_540 = arith.addf %add3A_524, %mul3A_539 : vector<16xf32>
        %swap3A_541 = arith.index_cast %rem3A_173 : i32 to index
        %swap3A_542 = arith.index_cast %add3A_467 : i32 to index
        %swap3A_543 = arith.constant 64 : index
        %swap3A_544 = tpu.vector_load %arg10[%swap3A_541, %swap3A_542, %swap3A_543] {strides = array<i32>} : memref<4x80x128xf32, #tpu.memory_space<vmem>>, vector<1x1x16xf32>,
        %swap3A_545 = vector.shape_cast %swap3A_544 : vector<1x1x16xf32> to vector<16xf32>
        %swap3A_546 = vector.shape_cast %broadcast_in_dim3A_63 : vector<16xf32> to vector<1x1x16xf32>
        tpu.vector_store %arg10[%swap3A_541, %swap3A_542, %swap3A_543], %swap3A_546 {strides = array<i32>} : memref<4x80x128xf32, #tpu.memory_space<vmem>>, vector<1x1x16xf32>,
        %get3A_547 = arith.index_cast %rem3A_173 : i32 to index
        %get3A_548 = arith.index_cast %add3A_467 : i32 to index
        %get3A_549 = arith.constant 80 : index
        %get3A_550 = tpu.vector_load %arg10[%get3A_547, %get3A_548, %get3A_549] {strides = array<i32>} : memref<4x80x128xf32, #tpu.memory_space<vmem>>, vector<1x1x16xf32>,
        %get3A_551 = vector.shape_cast %get3A_550 : vector<1x1x16xf32> to vector<16xf32>
        %max3A_552 = arith.constant 0.000000e+00 : f32
        %max3A_553 = vector.broadcast %max3A_552 : f32 to vector<16xf32>
        %max3A_554 = arith.maximumf %get3A_551, %max3A_553 : vector<16xf32>
        %mul3A_555 = arith.mulf %max3A_554, %get3A_20 : vector<16xf32>
        %add3A_556 = arith.addf %add3A_540, %mul3A_555 : vector<16xf32>
        %swap3A_557 = arith.index_cast %rem3A_173 : i32 to index
        %swap3A_558 = arith.index_cast %add3A_467 : i32 to index
        %swap3A_559 = arith.constant 80 : index
        %swap3A_560 = tpu.vector_load %arg10[%swap3A_557, %swap3A_558, %swap3A_559] {strides = array<i32>} : memref<4x80x128xf32, #tpu.memory_space<vmem>>, vector<1x1x16xf32>,
        %swap3A_561 = vector.shape_cast %swap3A_560 : vector<1x1x16xf32> to vector<16xf32>
        %swap3A_562 = vector.shape_cast %broadcast_in_dim3A_63 : vector<16xf32> to vector<1x1x16xf32>
        tpu.vector_store %arg10[%swap3A_557, %swap3A_558, %swap3A_559], %swap3A_562 {strides = array<i32>} : memref<4x80x128xf32, #tpu.memory_space<vmem>>, vector<1x1x16xf32>,
        %get3A_563 = arith.index_cast %rem3A_173 : i32 to index
        %get3A_564 = arith.index_cast %add3A_467 : i32 to index
        %get3A_565 = arith.constant 96 : index
        %get3A_566 = tpu.vector_load %arg10[%get3A_563, %get3A_564, %get3A_565] {strides = array<i32>} : memref<4x80x128xf32, #tpu.memory_space<vmem>>, vector<1x1x16xf32>,
        %get3A_567 = vector.shape_cast %get3A_566 : vector<1x1x16xf32> to vector<16xf32>
        %max3A_568 = arith.constant 0.000000e+00 : f32
        %max3A_569 = vector.broadcast %max3A_568 : f32 to vector<16xf32>
        %max3A_570 = arith.maximumf %get3A_567, %max3A_569 : vector<16xf32>
        %mul3A_571 = arith.mulf %max3A_570, %get3A_23 : vector<16xf32>
        %add3A_572 = arith.addf %add3A_556, %mul3A_571 : vector<16xf32>
        %swap3A_573 = arith.index_cast %rem3A_173 : i32 to index
        %swap3A_574 = arith.index_cast %add3A_467 : i32 to index
        %swap3A_575 = arith.constant 96 : index
        %swap3A_576 = tpu.vector_load %arg10[%swap3A_573, %swap3A_574, %swap3A_575] {strides = array<i32>} : memref<4x80x128xf32, #tpu.memory_space<vmem>>, vector<1x1x16xf32>,
        %swap3A_577 = vector.shape_cast %swap3A_576 : vector<1x1x16xf32> to vector<16xf32>
        %swap3A_578 = vector.shape_cast %broadcast_in_dim3A_63 : vector<16xf32> to vector<1x1x16xf32>
        tpu.vector_store %arg10[%swap3A_573, %swap3A_574, %swap3A_575], %swap3A_578 {strides = array<i32>} : memref<4x80x128xf32, #tpu.memory_space<vmem>>, vector<1x1x16xf32>,
        %get3A_579 = arith.index_cast %rem3A_173 : i32 to index
        %get3A_580 = arith.index_cast %add3A_467 : i32 to index
        %get3A_581 = arith.constant 112 : index
        %get3A_582 = tpu.vector_load %arg10[%get3A_579, %get3A_580, %get3A_581] {strides = array<i32>} : memref<4x80x128xf32, #tpu.memory_space<vmem>>, vector<1x1x16xf32>,
        %get3A_583 = vector.shape_cast %get3A_582 : vector<1x1x16xf32> to vector<16xf32>
        %max3A_584 = arith.constant 0.000000e+00 : f32
        %max3A_585 = vector.broadcast %max3A_584 : f32 to vector<16xf32>
        %max3A_586 = arith.maximumf %get3A_583, %max3A_585 : vector<16xf32>
        %mul3A_587 = arith.mulf %max3A_586, %get3A_26 : vector<16xf32>
        %add3A_588 = arith.addf %add3A_572, %mul3A_587 : vector<16xf32>
        %swap3A_589 = arith.index_cast %rem3A_173 : i32 to index
        %swap3A_590 = arith.index_cast %add3A_467 : i32 to index
        %swap3A_591 = arith.constant 112 : index
        %swap3A_592 = tpu.vector_load %arg10[%swap3A_589, %swap3A_590, %swap3A_591] {strides = array<i32>} : memref<4x80x128xf32, #tpu.memory_space<vmem>>, vector<1x1x16xf32>,
        %swap3A_593 = vector.shape_cast %swap3A_592 : vector<1x1x16xf32> to vector<16xf32>
        %swap3A_594 = vector.shape_cast %broadcast_in_dim3A_63 : vector<16xf32> to vector<1x1x16xf32>
        tpu.vector_store %arg10[%swap3A_589, %swap3A_590, %swap3A_591], %swap3A_594 {strides = array<i32>} : memref<4x80x128xf32, #tpu.memory_space<vmem>>, vector<1x1x16xf32>,
        %mul3A_595 = arith.constant 16 : i32
        %mul3A_596 = arith.muli %scan3A_203, %mul3A_595 : i32
        %add3A_597 = arith.constant 3 : i32
        %add3A_598 = arith.addi %mul3A_596, %add3A_597 : i32
        %get3A_599 = arith.index_cast %rem3A_173 : i32 to index
        %get3A_600 = arith.index_cast %add3A_598 : i32 to index
        %get3A_601 = arith.constant 0 : index
        %get3A_602 = tpu.vector_load %arg10[%get3A_599, %get3A_600, %get3A_601] {strides = array<i32>} : memref<4x80x128xf32, #tpu.memory_space<vmem>>, vector<1x1x16xf32>,
        %get3A_603 = vector.shape_cast %get3A_602 : vector<1x1x16xf32> to vector<16xf32>
        %max3A_604 = arith.constant 0.000000e+00 : f32
        %max3A_605 = vector.broadcast %max3A_604 : f32 to vector<16xf32>
        %max3A_606 = arith.maximumf %get3A_603, %max3A_605 : vector<16xf32>
        %mul3A_607 = arith.mulf %max3A_606, %get3A_5 : vector<16xf32>
        %swap3A_608 = arith.index_cast %rem3A_173 : i32 to index
        %swap3A_609 = arith.index_cast %add3A_598 : i32 to index
        %swap3A_610 = arith.constant 0 : index
        %swap3A_611 = tpu.vector_load %arg10[%swap3A_608, %swap3A_609, %swap3A_610] {strides = array<i32>} : memref<4x80x128xf32, #tpu.memory_space<vmem>>, vector<1x1x16xf32>,
        %swap3A_612 = vector.shape_cast %swap3A_611 : vector<1x1x16xf32> to vector<16xf32>
        %swap3A_613 = vector.shape_cast %broadcast_in_dim3A_63 : vector<16xf32> to vector<1x1x16xf32>
        tpu.vector_store %arg10[%swap3A_608, %swap3A_609, %swap3A_610], %swap3A_613 {strides = array<i32>} : memref<4x80x128xf32, #tpu.memory_space<vmem>>, vector<1x1x16xf32>,
        %get3A_614 = arith.index_cast %rem3A_173 : i32 to index
        %get3A_615 = arith.index_cast %add3A_598 : i32 to index
        %get3A_616 = arith.constant 16 : index
        %get3A_617 = tpu.vector_load %arg10[%get3A_614, %get3A_615, %get3A_616] {strides = array<i32>} : memref<4x80x128xf32, #tpu.memory_space<vmem>>, vector<1x1x16xf32>,
        %get3A_618 = vector.shape_cast %get3A_617 : vector<1x1x16xf32> to vector<16xf32>
        %max3A_619 = arith.constant 0.000000e+00 : f32
        %max3A_620 = vector.broadcast %max3A_619 : f32 to vector<16xf32>
        %max3A_621 = arith.maximumf %get3A_618, %max3A_620 : vector<16xf32>
        %mul3A_622 = arith.mulf %max3A_621, %get3A_8 : vector<16xf32>
        %add3A_623 = arith.addf %mul3A_607, %mul3A_622 : vector<16xf32>
        %swap3A_624 = arith.index_cast %rem3A_173 : i32 to index
        %swap3A_625 = arith.index_cast %add3A_598 : i32 to index
        %swap3A_626 = arith.constant 16 : index
        %swap3A_627 = tpu.vector_load %arg10[%swap3A_624, %swap3A_625, %swap3A_626] {strides = array<i32>} : memref<4x80x128xf32, #tpu.memory_space<vmem>>, vector<1x1x16xf32>,
        %swap3A_628 = vector.shape_cast %swap3A_627 : vector<1x1x16xf32> to vector<16xf32>
        %swap3A_629 = vector.shape_cast %broadcast_in_dim3A_63 : vector<16xf32> to vector<1x1x16xf32>
        tpu.vector_store %arg10[%swap3A_624, %swap3A_625, %swap3A_626], %swap3A_629 {strides = array<i32>} : memref<4x80x128xf32, #tpu.memory_space<vmem>>, vector<1x1x16xf32>,
        %get3A_630 = arith.index_cast %rem3A_173 : i32 to index
        %get3A_631 = arith.index_cast %add3A_598 : i32 to index
        %get3A_632 = arith.constant 32 : index
        %get3A_633 = tpu.vector_load %arg10[%get3A_630, %get3A_631, %get3A_632] {strides = array<i32>} : memref<4x80x128xf32, #tpu.memory_space<vmem>>, vector<1x1x16xf32>,
        %get3A_634 = vector.shape_cast %get3A_633 : vector<1x1x16xf32> to vector<16xf32>
        %max3A_635 = arith.constant 0.000000e+00 : f32
        %max3A_636 = vector.broadcast %max3A_635 : f32 to vector<16xf32>
        %max3A_637 = arith.maximumf %get3A_634, %max3A_636 : vector<16xf32>
        %mul3A_638 = arith.mulf %max3A_637, %get3A_11 : vector<16xf32>
        %add3A_639 = arith.addf %add3A_623, %mul3A_638 : vector<16xf32>
        %swap3A_640 = arith.index_cast %rem3A_173 : i32 to index
        %swap3A_641 = arith.index_cast %add3A_598 : i32 to index
        %swap3A_642 = arith.constant 32 : index
        %swap3A_643 = tpu.vector_load %arg10[%swap3A_640, %swap3A_641, %swap3A_642] {strides = array<i32>} : memref<4x80x128xf32, #tpu.memory_space<vmem>>, vector<1x1x16xf32>,
        %swap3A_644 = vector.shape_cast %swap3A_643 : vector<1x1x16xf32> to vector<16xf32>
        %swap3A_645 = vector.shape_cast %broadcast_in_dim3A_63 : vector<16xf32> to vector<1x1x16xf32>
        tpu.vector_store %arg10[%swap3A_640, %swap3A_641, %swap3A_642], %swap3A_645 {strides = array<i32>} : memref<4x80x128xf32, #tpu.memory_space<vmem>>, vector<1x1x16xf32>,
        %get3A_646 = arith.index_cast %rem3A_173 : i32 to index
        %get3A_647 = arith.index_cast %add3A_598 : i32 to index
        %get3A_648 = arith.constant 48 : index
        %get3A_649 = tpu.vector_load %arg10[%get3A_646, %get3A_647, %get3A_648] {strides = array<i32>} : memref<4x80x128xf32, #tpu.memory_space<vmem>>, vector<1x1x16xf32>,
        %get3A_650 = vector.shape_cast %get3A_649 : vector<1x1x16xf32> to vector<16xf32>
        %max3A_651 = arith.constant 0.000000e+00 : f32
        %max3A_652 = vector.broadcast %max3A_651 : f32 to vector<16xf32>
        %max3A_653 = arith.maximumf %get3A_650, %max3A_652 : vector<16xf32>
        %mul3A_654 = arith.mulf %max3A_653, %get3A_14 : vector<16xf32>
        %add3A_655 = arith.addf %add3A_639, %mul3A_654 : vector<16xf32>
        %swap3A_656 = arith.index_cast %rem3A_173 : i32 to index
        %swap3A_657 = arith.index_cast %add3A_598 : i32 to index
        %swap3A_658 = arith.constant 48 : index
        %swap3A_659 = tpu.vector_load %arg10[%swap3A_656, %swap3A_657, %swap3A_658] {strides = array<i32>} : memref<4x80x128xf32, #tpu.memory_space<vmem>>, vector<1x1x16xf32>,
        %swap3A_660 = vector.shape_cast %swap3A_659 : vector<1x1x16xf32> to vector<16xf32>
        %swap3A_661 = vector.shape_cast %broadcast_in_dim3A_63 : vector<16xf32> to vector<1x1x16xf32>
        tpu.vector_store %arg10[%swap3A_656, %swap3A_657, %swap3A_658], %swap3A_661 {strides = array<i32>} : memref<4x80x128xf32, #tpu.memory_space<vmem>>, vector<1x1x16xf32>,
        %get3A_662 = arith.index_cast %rem3A_173 : i32 to index
        %get3A_663 = arith.index_cast %add3A_598 : i32 to index
        %get3A_664 = arith.constant 64 : index
        %get3A_665 = tpu.vector_load %arg10[%get3A_662, %get3A_663, %get3A_664] {strides = array<i32>} : memref<4x80x128xf32, #tpu.memory_space<vmem>>, vector<1x1x16xf32>,
        %get3A_666 = vector.shape_cast %get3A_665 : vector<1x1x16xf32> to vector<16xf32>
        %max3A_667 = arith.constant 0.000000e+00 : f32
        %max3A_668 = vector.broadcast %max3A_667 : f32 to vector<16xf32>
        %max3A_669 = arith.maximumf %get3A_666, %max3A_668 : vector<16xf32>
        %mul3A_670 = arith.mulf %max3A_669, %get3A_17 : vector<16xf32>
        %add3A_671 = arith.addf %add3A_655, %mul3A_670 : vector<16xf32>
        %swap3A_672 = arith.index_cast %rem3A_173 : i32 to index
        %swap3A_673 = arith.index_cast %add3A_598 : i32 to index
        %swap3A_674 = arith.constant 64 : index
        %swap3A_675 = tpu.vector_load %arg10[%swap3A_672, %swap3A_673, %swap3A_674] {strides = array<i32>} : memref<4x80x128xf32, #tpu.memory_space<vmem>>, vector<1x1x16xf32>,
        %swap3A_676 = vector.shape_cast %swap3A_675 : vector<1x1x16xf32> to vector<16xf32>
        %swap3A_677 = vector.shape_cast %broadcast_in_dim3A_63 : vector<16xf32> to vector<1x1x16xf32>
        tpu.vector_store %arg10[%swap3A_672, %swap3A_673, %swap3A_674], %swap3A_677 {strides = array<i32>} : memref<4x80x128xf32, #tpu.memory_space<vmem>>, vector<1x1x16xf32>,
        %get3A_678 = arith.index_cast %rem3A_173 : i32 to index
        %get3A_679 = arith.index_cast %add3A_598 : i32 to index
        %get3A_680 = arith.constant 80 : index
        %get3A_681 = tpu.vector_load %arg10[%get3A_678, %get3A_679, %get3A_680] {strides = array<i32>} : memref<4x80x128xf32, #tpu.memory_space<vmem>>, vector<1x1x16xf32>,
        %get3A_682 = vector.shape_cast %get3A_681 : vector<1x1x16xf32> to vector<16xf32>
        %max3A_683 = arith.constant 0.000000e+00 : f32
        %max3A_684 = vector.broadcast %max3A_683 : f32 to vector<16xf32>
        %max3A_685 = arith.maximumf %get3A_682, %max3A_684 : vector<16xf32>
        %mul3A_686 = arith.mulf %max3A_685, %get3A_20 : vector<16xf32>
        %add3A_687 = arith.addf %add3A_671, %mul3A_686 : vector<16xf32>
        %swap3A_688 = arith.index_cast %rem3A_173 : i32 to index
        %swap3A_689 = arith.index_cast %add3A_598 : i32 to index
        %swap3A_690 = arith.constant 80 : index
        %swap3A_691 = tpu.vector_load %arg10[%swap3A_688, %swap3A_689, %swap3A_690] {strides = array<i32>} : memref<4x80x128xf32, #tpu.memory_space<vmem>>, vector<1x1x16xf32>,
        %swap3A_692 = vector.shape_cast %swap3A_691 : vector<1x1x16xf32> to vector<16xf32>
        %swap3A_693 = vector.shape_cast %broadcast_in_dim3A_63 : vector<16xf32> to vector<1x1x16xf32>
        tpu.vector_store %arg10[%swap3A_688, %swap3A_689, %swap3A_690], %swap3A_693 {strides = array<i32>} : memref<4x80x128xf32, #tpu.memory_space<vmem>>, vector<1x1x16xf32>,
        %get3A_694 = arith.index_cast %rem3A_173 : i32 to index
        %get3A_695 = arith.index_cast %add3A_598 : i32 to index
        %get3A_696 = arith.constant 96 : index
        %get3A_697 = tpu.vector_load %arg10[%get3A_694, %get3A_695, %get3A_696] {strides = array<i32>} : memref<4x80x128xf32, #tpu.memory_space<vmem>>, vector<1x1x16xf32>,
        %get3A_698 = vector.shape_cast %get3A_697 : vector<1x1x16xf32> to vector<16xf32>
        %max3A_699 = arith.constant 0.000000e+00 : f32
        %max3A_700 = vector.broadcast %max3A_699 : f32 to vector<16xf32>
        %max3A_701 = arith.maximumf %get3A_698, %max3A_700 : vector<16xf32>
        %mul3A_702 = arith.mulf %max3A_701, %get3A_23 : vector<16xf32>
        %add3A_703 = arith.addf %add3A_687, %mul3A_702 : vector<16xf32>
        %swap3A_704 = arith.index_cast %rem3A_173 : i32 to index
        %swap3A_705 = arith.index_cast %add3A_598 : i32 to index
        %swap3A_706 = arith.constant 96 : index
        %swap3A_707 = tpu.vector_load %arg10[%swap3A_704, %swap3A_705, %swap3A_706] {strides = array<i32>} : memref<4x80x128xf32, #tpu.memory_space<vmem>>, vector<1x1x16xf32>,
        %swap3A_708 = vector.shape_cast %swap3A_707 : vector<1x1x16xf32> to vector<16xf32>
        %swap3A_709 = vector.shape_cast %broadcast_in_dim3A_63 : vector<16xf32> to vector<1x1x16xf32>
        tpu.vector_store %arg10[%swap3A_704, %swap3A_705, %swap3A_706], %swap3A_709 {strides = array<i32>} : memref<4x80x128xf32, #tpu.memory_space<vmem>>, vector<1x1x16xf32>,
        %get3A_710 = arith.index_cast %rem3A_173 : i32 to index
        %get3A_711 = arith.index_cast %add3A_598 : i32 to index
        %get3A_712 = arith.constant 112 : index
        %get3A_713 = tpu.vector_load %arg10[%get3A_710, %get3A_711, %get3A_712] {strides = array<i32>} : memref<4x80x128xf32, #tpu.memory_space<vmem>>, vector<1x1x16xf32>,
        %get3A_714 = vector.shape_cast %get3A_713 : vector<1x1x16xf32> to vector<16xf32>
        %max3A_715 = arith.constant 0.000000e+00 : f32
        %max3A_716 = vector.broadcast %max3A_715 : f32 to vector<16xf32>
        %max3A_717 = arith.maximumf %get3A_714, %max3A_716 : vector<16xf32>
        %mul3A_718 = arith.mulf %max3A_717, %get3A_26 : vector<16xf32>
        %add3A_719 = arith.addf %add3A_703, %mul3A_718 : vector<16xf32>
        %swap3A_720 = arith.index_cast %rem3A_173 : i32 to index
        %swap3A_721 = arith.index_cast %add3A_598 : i32 to index
        %swap3A_722 = arith.constant 112 : index
        %swap3A_723 = tpu.vector_load %arg10[%swap3A_720, %swap3A_721, %swap3A_722] {strides = array<i32>} : memref<4x80x128xf32, #tpu.memory_space<vmem>>, vector<1x1x16xf32>,
        %swap3A_724 = vector.shape_cast %swap3A_723 : vector<1x1x16xf32> to vector<16xf32>
        %swap3A_725 = vector.shape_cast %broadcast_in_dim3A_63 : vector<16xf32> to vector<1x1x16xf32>
        tpu.vector_store %arg10[%swap3A_720, %swap3A_721, %swap3A_722], %swap3A_725 {strides = array<i32>} : memref<4x80x128xf32, #tpu.memory_space<vmem>>, vector<1x1x16xf32>,
        %mul3A_726 = arith.constant 16 : i32
        %mul3A_727 = arith.muli %scan3A_203, %mul3A_726 : i32
        %add3A_728 = arith.constant 4 : i32
        %add3A_729 = arith.addi %mul3A_727, %add3A_728 : i32
        %get3A_730 = arith.index_cast %rem3A_173 : i32 to index
        %get3A_731 = arith.index_cast %add3A_729 : i32 to index
        %get3A_732 = arith.constant 0 : index
        %get3A_733 = tpu.vector_load %arg10[%get3A_730, %get3A_731, %get3A_732] {strides = array<i32>} : memref<4x80x128xf32, #tpu.memory_space<vmem>>, vector<1x1x16xf32>,
        %get3A_734 = vector.shape_cast %get3A_733 : vector<1x1x16xf32> to vector<16xf32>
        %max3A_735 = arith.constant 0.000000e+00 : f32
        %max3A_736 = vector.broadcast %max3A_735 : f32 to vector<16xf32>
        %max3A_737 = arith.maximumf %get3A_734, %max3A_736 : vector<16xf32>
        %mul3A_738 = arith.mulf %max3A_737, %get3A_5 : vector<16xf32>
        %swap3A_739 = arith.index_cast %rem3A_173 : i32 to index
        %swap3A_740 = arith.index_cast %add3A_729 : i32 to index
        %swap3A_741 = arith.constant 0 : index
        %swap3A_742 = tpu.vector_load %arg10[%swap3A_739, %swap3A_740, %swap3A_741] {strides = array<i32>} : memref<4x80x128xf32, #tpu.memory_space<vmem>>, vector<1x1x16xf32>,
        %swap3A_743 = vector.shape_cast %swap3A_742 : vector<1x1x16xf32> to vector<16xf32>
        %swap3A_744 = vector.shape_cast %broadcast_in_dim3A_63 : vector<16xf32> to vector<1x1x16xf32>
        tpu.vector_store %arg10[%swap3A_739, %swap3A_740, %swap3A_741], %swap3A_744 {strides = array<i32>} : memref<4x80x128xf32, #tpu.memory_space<vmem>>, vector<1x1x16xf32>,
        %get3A_745 = arith.index_cast %rem3A_173 : i32 to index
        %get3A_746 = arith.index_cast %add3A_729 : i32 to index
        %get3A_747 = arith.constant 16 : index
        %get3A_748 = tpu.vector_load %arg10[%get3A_745, %get3A_746, %get3A_747] {strides = array<i32>} : memref<4x80x128xf32, #tpu.memory_space<vmem>>, vector<1x1x16xf32>,
        %get3A_749 = vector.shape_cast %get3A_748 : vector<1x1x16xf32> to vector<16xf32>
        %max3A_750 = arith.constant 0.000000e+00 : f32
        %max3A_751 = vector.broadcast %max3A_750 : f32 to vector<16xf32>
        %max3A_752 = arith.maximumf %get3A_749, %max3A_751 : vector<16xf32>
        %mul3A_753 = arith.mulf %max3A_752, %get3A_8 : vector<16xf32>
        %add3A_754 = arith.addf %mul3A_738, %mul3A_753 : vector<16xf32>
        %swap3A_755 = arith.index_cast %rem3A_173 : i32 to index
        %swap3A_756 = arith.index_cast %add3A_729 : i32 to index
        %swap3A_757 = arith.constant 16 : index
        %swap3A_758 = tpu.vector_load %arg10[%swap3A_755, %swap3A_756, %swap3A_757] {strides = array<i32>} : memref<4x80x128xf32, #tpu.memory_space<vmem>>, vector<1x1x16xf32>,
        %swap3A_759 = vector.shape_cast %swap3A_758 : vector<1x1x16xf32> to vector<16xf32>
        %swap3A_760 = vector.shape_cast %broadcast_in_dim3A_63 : vector<16xf32> to vector<1x1x16xf32>
        tpu.vector_store %arg10[%swap3A_755, %swap3A_756, %swap3A_757], %swap3A_760 {strides = array<i32>} : memref<4x80x128xf32, #tpu.memory_space<vmem>>, vector<1x1x16xf32>,
        %get3A_761 = arith.index_cast %rem3A_173 : i32 to index
        %get3A_762 = arith.index_cast %add3A_729 : i32 to index
        %get3A_763 = arith.constant 32 : index
        %get3A_764 = tpu.vector_load %arg10[%get3A_761, %get3A_762, %get3A_763] {strides = array<i32>} : memref<4x80x128xf32, #tpu.memory_space<vmem>>, vector<1x1x16xf32>,
        %get3A_765 = vector.shape_cast %get3A_764 : vector<1x1x16xf32> to vector<16xf32>
        %max3A_766 = arith.constant 0.000000e+00 : f32
        %max3A_767 = vector.broadcast %max3A_766 : f32 to vector<16xf32>
        %max3A_768 = arith.maximumf %get3A_765, %max3A_767 : vector<16xf32>
        %mul3A_769 = arith.mulf %max3A_768, %get3A_11 : vector<16xf32>
        %add3A_770 = arith.addf %add3A_754, %mul3A_769 : vector<16xf32>
        %swap3A_771 = arith.index_cast %rem3A_173 : i32 to index
        %swap3A_772 = arith.index_cast %add3A_729 : i32 to index
        %swap3A_773 = arith.constant 32 : index
        %swap3A_774 = tpu.vector_load %arg10[%swap3A_771, %swap3A_772, %swap3A_773] {strides = array<i32>} : memref<4x80x128xf32, #tpu.memory_space<vmem>>, vector<1x1x16xf32>,
        %swap3A_775 = vector.shape_cast %swap3A_774 : vector<1x1x16xf32> to vector<16xf32>
        %swap3A_776 = vector.shape_cast %broadcast_in_dim3A_63 : vector<16xf32> to vector<1x1x16xf32>
        tpu.vector_store %arg10[%swap3A_771, %swap3A_772, %swap3A_773], %swap3A_776 {strides = array<i32>} : memref<4x80x128xf32, #tpu.memory_space<vmem>>, vector<1x1x16xf32>,
        %get3A_777 = arith.index_cast %rem3A_173 : i32 to index
        %get3A_778 = arith.index_cast %add3A_729 : i32 to index
        %get3A_779 = arith.constant 48 : index
        %get3A_780 = tpu.vector_load %arg10[%get3A_777, %get3A_778, %get3A_779] {strides = array<i32>} : memref<4x80x128xf32, #tpu.memory_space<vmem>>, vector<1x1x16xf32>,
        %get3A_781 = vector.shape_cast %get3A_780 : vector<1x1x16xf32> to vector<16xf32>
        %max3A_782 = arith.constant 0.000000e+00 : f32
        %max3A_783 = vector.broadcast %max3A_782 : f32 to vector<16xf32>
        %max3A_784 = arith.maximumf %get3A_781, %max3A_783 : vector<16xf32>
        %mul3A_785 = arith.mulf %max3A_784, %get3A_14 : vector<16xf32>
        %add3A_786 = arith.addf %add3A_770, %mul3A_785 : vector<16xf32>
        %swap3A_787 = arith.index_cast %rem3A_173 : i32 to index
        %swap3A_788 = arith.index_cast %add3A_729 : i32 to index
        %swap3A_789 = arith.constant 48 : index
        %swap3A_790 = tpu.vector_load %arg10[%swap3A_787, %swap3A_788, %swap3A_789] {strides = array<i32>} : memref<4x80x128xf32, #tpu.memory_space<vmem>>, vector<1x1x16xf32>,
        %swap3A_791 = vector.shape_cast %swap3A_790 : vector<1x1x16xf32> to vector<16xf32>
        %swap3A_792 = vector.shape_cast %broadcast_in_dim3A_63 : vector<16xf32> to vector<1x1x16xf32>
        tpu.vector_store %arg10[%swap3A_787, %swap3A_788, %swap3A_789], %swap3A_792 {strides = array<i32>} : memref<4x80x128xf32, #tpu.memory_space<vmem>>, vector<1x1x16xf32>,
        %get3A_793 = arith.index_cast %rem3A_173 : i32 to index
        %get3A_794 = arith.index_cast %add3A_729 : i32 to index
        %get3A_795 = arith.constant 64 : index
        %get3A_796 = tpu.vector_load %arg10[%get3A_793, %get3A_794, %get3A_795] {strides = array<i32>} : memref<4x80x128xf32, #tpu.memory_space<vmem>>, vector<1x1x16xf32>,
        %get3A_797 = vector.shape_cast %get3A_796 : vector<1x1x16xf32> to vector<16xf32>
        %max3A_798 = arith.constant 0.000000e+00 : f32
        %max3A_799 = vector.broadcast %max3A_798 : f32 to vector<16xf32>
        %max3A_800 = arith.maximumf %get3A_797, %max3A_799 : vector<16xf32>
        %mul3A_801 = arith.mulf %max3A_800, %get3A_17 : vector<16xf32>
        %add3A_802 = arith.addf %add3A_786, %mul3A_801 : vector<16xf32>
        %swap3A_803 = arith.index_cast %rem3A_173 : i32 to index
        %swap3A_804 = arith.index_cast %add3A_729 : i32 to index
        %swap3A_805 = arith.constant 64 : index
        %swap3A_806 = tpu.vector_load %arg10[%swap3A_803, %swap3A_804, %swap3A_805] {strides = array<i32>} : memref<4x80x128xf32, #tpu.memory_space<vmem>>, vector<1x1x16xf32>,
        %swap3A_807 = vector.shape_cast %swap3A_806 : vector<1x1x16xf32> to vector<16xf32>
        %swap3A_808 = vector.shape_cast %broadcast_in_dim3A_63 : vector<16xf32> to vector<1x1x16xf32>
        tpu.vector_store %arg10[%swap3A_803, %swap3A_804, %swap3A_805], %swap3A_808 {strides = array<i32>} : memref<4x80x128xf32, #tpu.memory_space<vmem>>, vector<1x1x16xf32>,
        %get3A_809 = arith.index_cast %rem3A_173 : i32 to index
        %get3A_810 = arith.index_cast %add3A_729 : i32 to index
        %get3A_811 = arith.constant 80 : index
        %get3A_812 = tpu.vector_load %arg10[%get3A_809, %get3A_810, %get3A_811] {strides = array<i32>} : memref<4x80x128xf32, #tpu.memory_space<vmem>>, vector<1x1x16xf32>,
        %get3A_813 = vector.shape_cast %get3A_812 : vector<1x1x16xf32> to vector<16xf32>
        %max3A_814 = arith.constant 0.000000e+00 : f32
        %max3A_815 = vector.broadcast %max3A_814 : f32 to vector<16xf32>
        %max3A_816 = arith.maximumf %get3A_813, %max3A_815 : vector<16xf32>
        %mul3A_817 = arith.mulf %max3A_816, %get3A_20 : vector<16xf32>
        %add3A_818 = arith.addf %add3A_802, %mul3A_817 : vector<16xf32>
        %swap3A_819 = arith.index_cast %rem3A_173 : i32 to index
        %swap3A_820 = arith.index_cast %add3A_729 : i32 to index
        %swap3A_821 = arith.constant 80 : index
        %swap3A_822 = tpu.vector_load %arg10[%swap3A_819, %swap3A_820, %swap3A_821] {strides = array<i32>} : memref<4x80x128xf32, #tpu.memory_space<vmem>>, vector<1x1x16xf32>,
        %swap3A_823 = vector.shape_cast %swap3A_822 : vector<1x1x16xf32> to vector<16xf32>
        %swap3A_824 = vector.shape_cast %broadcast_in_dim3A_63 : vector<16xf32> to vector<1x1x16xf32>
        tpu.vector_store %arg10[%swap3A_819, %swap3A_820, %swap3A_821], %swap3A_824 {strides = array<i32>} : memref<4x80x128xf32, #tpu.memory_space<vmem>>, vector<1x1x16xf32>,
        %get3A_825 = arith.index_cast %rem3A_173 : i32 to index
        %get3A_826 = arith.index_cast %add3A_729 : i32 to index
        %get3A_827 = arith.constant 96 : index
        %get3A_828 = tpu.vector_load %arg10[%get3A_825, %get3A_826, %get3A_827] {strides = array<i32>} : memref<4x80x128xf32, #tpu.memory_space<vmem>>, vector<1x1x16xf32>,
        %get3A_829 = vector.shape_cast %get3A_828 : vector<1x1x16xf32> to vector<16xf32>
        %max3A_830 = arith.constant 0.000000e+00 : f32
        %max3A_831 = vector.broadcast %max3A_830 : f32 to vector<16xf32>
        %max3A_832 = arith.maximumf %get3A_829, %max3A_831 : vector<16xf32>
        %mul3A_833 = arith.mulf %max3A_832, %get3A_23 : vector<16xf32>
        %add3A_834 = arith.addf %add3A_818, %mul3A_833 : vector<16xf32>
        %swap3A_835 = arith.index_cast %rem3A_173 : i32 to index
        %swap3A_836 = arith.index_cast %add3A_729 : i32 to index
        %swap3A_837 = arith.constant 96 : index
        %swap3A_838 = tpu.vector_load %arg10[%swap3A_835, %swap3A_836, %swap3A_837] {strides = array<i32>} : memref<4x80x128xf32, #tpu.memory_space<vmem>>, vector<1x1x16xf32>,
        %swap3A_839 = vector.shape_cast %swap3A_838 : vector<1x1x16xf32> to vector<16xf32>
        %swap3A_840 = vector.shape_cast %broadcast_in_dim3A_63 : vector<16xf32> to vector<1x1x16xf32>
        tpu.vector_store %arg10[%swap3A_835, %swap3A_836, %swap3A_837], %swap3A_840 {strides = array<i32>} : memref<4x80x128xf32, #tpu.memory_space<vmem>>, vector<1x1x16xf32>,
        %get3A_841 = arith.index_cast %rem3A_173 : i32 to index
        %get3A_842 = arith.index_cast %add3A_729 : i32 to index
        %get3A_843 = arith.constant 112 : index
        %get3A_844 = tpu.vector_load %arg10[%get3A_841, %get3A_842, %get3A_843] {strides = array<i32>} : memref<4x80x128xf32, #tpu.memory_space<vmem>>, vector<1x1x16xf32>,
        %get3A_845 = vector.shape_cast %get3A_844 : vector<1x1x16xf32> to vector<16xf32>
        %max3A_846 = arith.constant 0.000000e+00 : f32
        %max3A_847 = vector.broadcast %max3A_846 : f32 to vector<16xf32>
        %max3A_848 = arith.maximumf %get3A_845, %max3A_847 : vector<16xf32>
        %mul3A_849 = arith.mulf %max3A_848, %get3A_26 : vector<16xf32>
        %add3A_850 = arith.addf %add3A_834, %mul3A_849 : vector<16xf32>
        %swap3A_851 = arith.index_cast %rem3A_173 : i32 to index
        %swap3A_852 = arith.index_cast %add3A_729 : i32 to index
        %swap3A_853 = arith.constant 112 : index
        %swap3A_854 = tpu.vector_load %arg10[%swap3A_851, %swap3A_852, %swap3A_853] {strides = array<i32>} : memref<4x80x128xf32, #tpu.memory_space<vmem>>, vector<1x1x16xf32>,
        %swap3A_855 = vector.shape_cast %swap3A_854 : vector<1x1x16xf32> to vector<16xf32>
        %swap3A_856 = vector.shape_cast %broadcast_in_dim3A_63 : vector<16xf32> to vector<1x1x16xf32>
        tpu.vector_store %arg10[%swap3A_851, %swap3A_852, %swap3A_853], %swap3A_856 {strides = array<i32>} : memref<4x80x128xf32, #tpu.memory_space<vmem>>, vector<1x1x16xf32>,
        %mul3A_857 = arith.constant 16 : i32
        %mul3A_858 = arith.muli %scan3A_203, %mul3A_857 : i32
        %add3A_859 = arith.constant 5 : i32
        %add3A_860 = arith.addi %mul3A_858, %add3A_859 : i32
        %get3A_861 = arith.index_cast %rem3A_173 : i32 to index
        %get3A_862 = arith.index_cast %add3A_860 : i32 to index
        %get3A_863 = arith.constant 0 : index
        %get3A_864 = tpu.vector_load %arg10[%get3A_861, %get3A_862, %get3A_863] {strides = array<i32>} : memref<4x80x128xf32, #tpu.memory_space<vmem>>, vector<1x1x16xf32>,
        %get3A_865 = vector.shape_cast %get3A_864 : vector<1x1x16xf32> to vector<16xf32>
        %max3A_866 = arith.constant 0.000000e+00 : f32
        %max3A_867 = vector.broadcast %max3A_866 : f32 to vector<16xf32>
        %max3A_868 = arith.maximumf %get3A_865, %max3A_867 : vector<16xf32>
        %mul3A_869 = arith.mulf %max3A_868, %get3A_5 : vector<16xf32>
        %swap3A_870 = arith.index_cast %rem3A_173 : i32 to index
        %swap3A_871 = arith.index_cast %add3A_860 : i32 to index
        %swap3A_872 = arith.constant 0 : index
        %swap3A_873 = tpu.vector_load %arg10[%swap3A_870, %swap3A_871, %swap3A_872] {strides = array<i32>} : memref<4x80x128xf32, #tpu.memory_space<vmem>>, vector<1x1x16xf32>,
        %swap3A_874 = vector.shape_cast %swap3A_873 : vector<1x1x16xf32> to vector<16xf32>
        %swap3A_875 = vector.shape_cast %broadcast_in_dim3A_63 : vector<16xf32> to vector<1x1x16xf32>
        tpu.vector_store %arg10[%swap3A_870, %swap3A_871, %swap3A_872], %swap3A_875 {strides = array<i32>} : memref<4x80x128xf32, #tpu.memory_space<vmem>>, vector<1x1x16xf32>,
        %get3A_876 = arith.index_cast %rem3A_173 : i32 to index
        %get3A_877 = arith.index_cast %add3A_860 : i32 to index
        %get3A_878 = arith.constant 16 : index
        %get3A_879 = tpu.vector_load %arg10[%get3A_876, %get3A_877, %get3A_878] {strides = array<i32>} : memref<4x80x128xf32, #tpu.memory_space<vmem>>, vector<1x1x16xf32>,
        %get3A_880 = vector.shape_cast %get3A_879 : vector<1x1x16xf32> to vector<16xf32>
        %max3A_881 = arith.constant 0.000000e+00 : f32
        %max3A_882 = vector.broadcast %max3A_881 : f32 to vector<16xf32>
        %max3A_883 = arith.maximumf %get3A_880, %max3A_882 : vector<16xf32>
        %mul3A_884 = arith.mulf %max3A_883, %get3A_8 : vector<16xf32>
        %add3A_885 = arith.addf %mul3A_869, %mul3A_884 : vector<16xf32>
        %swap3A_886 = arith.index_cast %rem3A_173 : i32 to index
        %swap3A_887 = arith.index_cast %add3A_860 : i32 to index
        %swap3A_888 = arith.constant 16 : index
        %swap3A_889 = tpu.vector_load %arg10[%swap3A_886, %swap3A_887, %swap3A_888] {strides = array<i32>} : memref<4x80x128xf32, #tpu.memory_space<vmem>>, vector<1x1x16xf32>,
        %swap3A_890 = vector.shape_cast %swap3A_889 : vector<1x1x16xf32> to vector<16xf32>
        %swap3A_891 = vector.shape_cast %broadcast_in_dim3A_63 : vector<16xf32> to vector<1x1x16xf32>
        tpu.vector_store %arg10[%swap3A_886, %swap3A_887, %swap3A_888], %swap3A_891 {strides = array<i32>} : memref<4x80x128xf32, #tpu.memory_space<vmem>>, vector<1x1x16xf32>,
        %get3A_892 = arith.index_cast %rem3A_173 : i32 to index
        %get3A_893 = arith.index_cast %add3A_860 : i32 to index
        %get3A_894 = arith.constant 32 : index
        %get3A_895 = tpu.vector_load %arg10[%get3A_892, %get3A_893, %get3A_894] {strides = array<i32>} : memref<4x80x128xf32, #tpu.memory_space<vmem>>, vector<1x1x16xf32>,
        %get3A_896 = vector.shape_cast %get3A_895 : vector<1x1x16xf32> to vector<16xf32>
        %max3A_897 = arith.constant 0.000000e+00 : f32
        %max3A_898 = vector.broadcast %max3A_897 : f32 to vector<16xf32>
        %max3A_899 = arith.maximumf %get3A_896, %max3A_898 : vector<16xf32>
        %mul3A_900 = arith.mulf %max3A_899, %get3A_11 : vector<16xf32>
        %add3A_901 = arith.addf %add3A_885, %mul3A_900 : vector<16xf32>
        %swap3A_902 = arith.index_cast %rem3A_173 : i32 to index
        %swap3A_903 = arith.index_cast %add3A_860 : i32 to index
        %swap3A_904 = arith.constant 32 : index
        %swap3A_905 = tpu.vector_load %arg10[%swap3A_902, %swap3A_903, %swap3A_904] {strides = array<i32>} : memref<4x80x128xf32, #tpu.memory_space<vmem>>, vector<1x1x16xf32>,
        %swap3A_906 = vector.shape_cast %swap3A_905 : vector<1x1x16xf32> to vector<16xf32>
        %swap3A_907 = vector.shape_cast %broadcast_in_dim3A_63 : vector<16xf32> to vector<1x1x16xf32>
        tpu.vector_store %arg10[%swap3A_902, %swap3A_903, %swap3A_904], %swap3A_907 {strides = array<i32>} : memref<4x80x128xf32, #tpu.memory_space<vmem>>, vector<1x1x16xf32>,
        %get3A_908 = arith.index_cast %rem3A_173 : i32 to index
        %get3A_909 = arith.index_cast %add3A_860 : i32 to index
        %get3A_910 = arith.constant 48 : index
        %get3A_911 = tpu.vector_load %arg10[%get3A_908, %get3A_909, %get3A_910] {strides = array<i32>} : memref<4x80x128xf32, #tpu.memory_space<vmem>>, vector<1x1x16xf32>,
        %get3A_912 = vector.shape_cast %get3A_911 : vector<1x1x16xf32> to vector<16xf32>
        %max3A_913 = arith.constant 0.000000e+00 : f32
        %max3A_914 = vector.broadcast %max3A_913 : f32 to vector<16xf32>
        %max3A_915 = arith.maximumf %get3A_912, %max3A_914 : vector<16xf32>
        %mul3A_916 = arith.mulf %max3A_915, %get3A_14 : vector<16xf32>
        %add3A_917 = arith.addf %add3A_901, %mul3A_916 : vector<16xf32>
        %swap3A_918 = arith.index_cast %rem3A_173 : i32 to index
        %swap3A_919 = arith.index_cast %add3A_860 : i32 to index
        %swap3A_920 = arith.constant 48 : index
        %swap3A_921 = tpu.vector_load %arg10[%swap3A_918, %swap3A_919, %swap3A_920] {strides = array<i32>} : memref<4x80x128xf32, #tpu.memory_space<vmem>>, vector<1x1x16xf32>,
        %swap3A_922 = vector.shape_cast %swap3A_921 : vector<1x1x16xf32> to vector<16xf32>
        %swap3A_923 = vector.shape_cast %broadcast_in_dim3A_63 : vector<16xf32> to vector<1x1x16xf32>
        tpu.vector_store %arg10[%swap3A_918, %swap3A_919, %swap3A_920], %swap3A_923 {strides = array<i32>} : memref<4x80x128xf32, #tpu.memory_space<vmem>>, vector<1x1x16xf32>,
        %get3A_924 = arith.index_cast %rem3A_173 : i32 to index
        %get3A_925 = arith.index_cast %add3A_860 : i32 to index
        %get3A_926 = arith.constant 64 : index
        %get3A_927 = tpu.vector_load %arg10[%get3A_924, %get3A_925, %get3A_926] {strides = array<i32>} : memref<4x80x128xf32, #tpu.memory_space<vmem>>, vector<1x1x16xf32>,
        %get3A_928 = vector.shape_cast %get3A_927 : vector<1x1x16xf32> to vector<16xf32>
        %max3A_929 = arith.constant 0.000000e+00 : f32
        %max3A_930 = vector.broadcast %max3A_929 : f32 to vector<16xf32>
        %max3A_931 = arith.maximumf %get3A_928, %max3A_930 : vector<16xf32>
        %mul3A_932 = arith.mulf %max3A_931, %get3A_17 : vector<16xf32>
        %add3A_933 = arith.addf %add3A_917, %mul3A_932 : vector<16xf32>
        %swap3A_934 = arith.index_cast %rem3A_173 : i32 to index
        %swap3A_935 = arith.index_cast %add3A_860 : i32 to index
        %swap3A_936 = arith.constant 64 : index
        %swap3A_937 = tpu.vector_load %arg10[%swap3A_934, %swap3A_935, %swap3A_936] {strides = array<i32>} : memref<4x80x128xf32, #tpu.memory_space<vmem>>, vector<1x1x16xf32>,
        %swap3A_938 = vector.shape_cast %swap3A_937 : vector<1x1x16xf32> to vector<16xf32>
        %swap3A_939 = vector.shape_cast %broadcast_in_dim3A_63 : vector<16xf32> to vector<1x1x16xf32>
        tpu.vector_store %arg10[%swap3A_934, %swap3A_935, %swap3A_936], %swap3A_939 {strides = array<i32>} : memref<4x80x128xf32, #tpu.memory_space<vmem>>, vector<1x1x16xf32>,
        %get3A_940 = arith.index_cast %rem3A_173 : i32 to index
        %get3A_941 = arith.index_cast %add3A_860 : i32 to index
        %get3A_942 = arith.constant 80 : index
        %get3A_943 = tpu.vector_load %arg10[%get3A_940, %get3A_941, %get3A_942] {strides = array<i32>} : memref<4x80x128xf32, #tpu.memory_space<vmem>>, vector<1x1x16xf32>,
        %get3A_944 = vector.shape_cast %get3A_943 : vector<1x1x16xf32> to vector<16xf32>
        %max3A_945 = arith.constant 0.000000e+00 : f32
        %max3A_946 = vector.broadcast %max3A_945 : f32 to vector<16xf32>
        %max3A_947 = arith.maximumf %get3A_944, %max3A_946 : vector<16xf32>
        %mul3A_948 = arith.mulf %max3A_947, %get3A_20 : vector<16xf32>
        %add3A_949 = arith.addf %add3A_933, %mul3A_948 : vector<16xf32>
        %swap3A_950 = arith.index_cast %rem3A_173 : i32 to index
        %swap3A_951 = arith.index_cast %add3A_860 : i32 to index
        %swap3A_952 = arith.constant 80 : index
        %swap3A_953 = tpu.vector_load %arg10[%swap3A_950, %swap3A_951, %swap3A_952] {strides = array<i32>} : memref<4x80x128xf32, #tpu.memory_space<vmem>>, vector<1x1x16xf32>,
        %swap3A_954 = vector.shape_cast %swap3A_953 : vector<1x1x16xf32> to vector<16xf32>
        %swap3A_955 = vector.shape_cast %broadcast_in_dim3A_63 : vector<16xf32> to vector<1x1x16xf32>
        tpu.vector_store %arg10[%swap3A_950, %swap3A_951, %swap3A_952], %swap3A_955 {strides = array<i32>} : memref<4x80x128xf32, #tpu.memory_space<vmem>>, vector<1x1x16xf32>,
        %get3A_956 = arith.index_cast %rem3A_173 : i32 to index
        %get3A_957 = arith.index_cast %add3A_860 : i32 to index
        %get3A_958 = arith.constant 96 : index
        %get3A_959 = tpu.vector_load %arg10[%get3A_956, %get3A_957, %get3A_958] {strides = array<i32>} : memref<4x80x128xf32, #tpu.memory_space<vmem>>, vector<1x1x16xf32>,
        %get3A_960 = vector.shape_cast %get3A_959 : vector<1x1x16xf32> to vector<16xf32>
        %max3A_961 = arith.constant 0.000000e+00 : f32
        %max3A_962 = vector.broadcast %max3A_961 : f32 to vector<16xf32>
        %max3A_963 = arith.maximumf %get3A_960, %max3A_962 : vector<16xf32>
        %mul3A_964 = arith.mulf %max3A_963, %get3A_23 : vector<16xf32>
        %add3A_965 = arith.addf %add3A_949, %mul3A_964 : vector<16xf32>
        %swap3A_966 = arith.index_cast %rem3A_173 : i32 to index
        %swap3A_967 = arith.index_cast %add3A_860 : i32 to index
        %swap3A_968 = arith.constant 96 : index
        %swap3A_969 = tpu.vector_load %arg10[%swap3A_966, %swap3A_967, %swap3A_968] {strides = array<i32>} : memref<4x80x128xf32, #tpu.memory_space<vmem>>, vector<1x1x16xf32>,
        %swap3A_970 = vector.shape_cast %swap3A_969 : vector<1x1x16xf32> to vector<16xf32>
        %swap3A_971 = vector.shape_cast %broadcast_in_dim3A_63 : vector<16xf32> to vector<1x1x16xf32>
        tpu.vector_store %arg10[%swap3A_966, %swap3A_967, %swap3A_968], %swap3A_971 {strides = array<i32>} : memref<4x80x128xf32, #tpu.memory_space<vmem>>, vector<1x1x16xf32>,
        %get3A_972 = arith.index_cast %rem3A_173 : i32 to index
        %get3A_973 = arith.index_cast %add3A_860 : i32 to index
        %get3A_974 = arith.constant 112 : index
        %get3A_975 = tpu.vector_load %arg10[%get3A_972, %get3A_973, %get3A_974] {strides = array<i32>} : memref<4x80x128xf32, #tpu.memory_space<vmem>>, vector<1x1x16xf32>,
        %get3A_976 = vector.shape_cast %get3A_975 : vector<1x1x16xf32> to vector<16xf32>
        %max3A_977 = arith.constant 0.000000e+00 : f32
        %max3A_978 = vector.broadcast %max3A_977 : f32 to vector<16xf32>
        %max3A_979 = arith.maximumf %get3A_976, %max3A_978 : vector<16xf32>
        %mul3A_980 = arith.mulf %max3A_979, %get3A_26 : vector<16xf32>
        %add3A_981 = arith.addf %add3A_965, %mul3A_980 : vector<16xf32>
        %swap3A_982 = arith.index_cast %rem3A_173 : i32 to index
        %swap3A_983 = arith.index_cast %add3A_860 : i32 to index
        %swap3A_984 = arith.constant 112 : index
        %swap3A_985 = tpu.vector_load %arg10[%swap3A_982, %swap3A_983, %swap3A_984] {strides = array<i32>} : memref<4x80x128xf32, #tpu.memory_space<vmem>>, vector<1x1x16xf32>,
        %swap3A_986 = vector.shape_cast %swap3A_985 : vector<1x1x16xf32> to vector<16xf32>
        %swap3A_987 = vector.shape_cast %broadcast_in_dim3A_63 : vector<16xf32> to vector<1x1x16xf32>
        tpu.vector_store %arg10[%swap3A_982, %swap3A_983, %swap3A_984], %swap3A_987 {strides = array<i32>} : memref<4x80x128xf32, #tpu.memory_space<vmem>>, vector<1x1x16xf32>,
        %mul3A_988 = arith.constant 16 : i32
        %mul3A_989 = arith.muli %scan3A_203, %mul3A_988 : i32
        %add3A_990 = arith.constant 6 : i32
        %add3A_991 = arith.addi %mul3A_989, %add3A_990 : i32
        %get3A_992 = arith.index_cast %rem3A_173 : i32 to index
        %get3A_993 = arith.index_cast %add3A_991 : i32 to index
        %get3A_994 = arith.constant 0 : index
        %get3A_995 = tpu.vector_load %arg10[%get3A_992, %get3A_993, %get3A_994] {strides = array<i32>} : memref<4x80x128xf32, #tpu.memory_space<vmem>>, vector<1x1x16xf32>,
        %get3A_996 = vector.shape_cast %get3A_995 : vector<1x1x16xf32> to vector<16xf32>
        %max3A_997 = arith.constant 0.000000e+00 : f32
        %max3A_998 = vector.broadcast %max3A_997 : f32 to vector<16xf32>
        %max3A_999 = arith.maximumf %get3A_996, %max3A_998 : vector<16xf32>
        %mul3A_1000 = arith.mulf %max3A_999, %get3A_5 : vector<16xf32>
        %swap3A_1001 = arith.index_cast %rem3A_173 : i32 to index
        %swap3A_1002 = arith.index_cast %add3A_991 : i32 to index
        %swap3A_1003 = arith.constant 0 : index
        %swap3A_1004 = tpu.vector_load %arg10[%swap3A_1001, %swap3A_1002, %swap3A_1003] {strides = array<i32>} : memref<4x80x128xf32, #tpu.memory_space<vmem>>, vector<1x1x16xf32>,
        %swap3A_1005 = vector.shape_cast %swap3A_1004 : vector<1x1x16xf32> to vector<16xf32>
        %swap3A_1006 = vector.shape_cast %broadcast_in_dim3A_63 : vector<16xf32> to vector<1x1x16xf32>
        tpu.vector_store %arg10[%swap3A_1001, %swap3A_1002, %swap3A_1003], %swap3A_1006 {strides = array<i32>} : memref<4x80x128xf32, #tpu.memory_space<vmem>>, vector<1x1x16xf32>,
        %get3A_1007 = arith.index_cast %rem3A_173 : i32 to index
        %get3A_1008 = arith.index_cast %add3A_991 : i32 to index
        %get3A_1009 = arith.constant 16 : index
        %get3A_1010 = tpu.vector_load %arg10[%get3A_1007, %get3A_1008, %get3A_1009] {strides = array<i32>} : memref<4x80x128xf32, #tpu.memory_space<vmem>>, vector<1x1x16xf32>,
        %get3A_1011 = vector.shape_cast %get3A_1010 : vector<1x1x16xf32> to vector<16xf32>
        %max3A_1012 = arith.constant 0.000000e+00 : f32
        %max3A_1013 = vector.broadcast %max3A_1012 : f32 to vector<16xf32>
        %max3A_1014 = arith.maximumf %get3A_1011, %max3A_1013 : vector<16xf32>
        %mul3A_1015 = arith.mulf %max3A_1014, %get3A_8 : vector<16xf32>
        %add3A_1016 = arith.addf %mul3A_1000, %mul3A_1015 : vector<16xf32>
        %swap3A_1017 = arith.index_cast %rem3A_173 : i32 to index
        %swap3A_1018 = arith.index_cast %add3A_991 : i32 to index
        %swap3A_1019 = arith.constant 16 : index
        %swap3A_1020 = tpu.vector_load %arg10[%swap3A_1017, %swap3A_1018, %swap3A_1019] {strides = array<i32>} : memref<4x80x128xf32, #tpu.memory_space<vmem>>, vector<1x1x16xf32>,
        %swap3A_1021 = vector.shape_cast %swap3A_1020 : vector<1x1x16xf32> to vector<16xf32>
        %swap3A_1022 = vector.shape_cast %broadcast_in_dim3A_63 : vector<16xf32> to vector<1x1x16xf32>
        tpu.vector_store %arg10[%swap3A_1017, %swap3A_1018, %swap3A_1019], %swap3A_1022 {strides = array<i32>} : memref<4x80x128xf32, #tpu.memory_space<vmem>>, vector<1x1x16xf32>,
        %get3A_1023 = arith.index_cast %rem3A_173 : i32 to index
        %get3A_1024 = arith.index_cast %add3A_991 : i32 to index
        %get3A_1025 = arith.constant 32 : index
        %get3A_1026 = tpu.vector_load %arg10[%get3A_1023, %get3A_1024, %get3A_1025] {strides = array<i32>} : memref<4x80x128xf32, #tpu.memory_space<vmem>>, vector<1x1x16xf32>,
        %get3A_1027 = vector.shape_cast %get3A_1026 : vector<1x1x16xf32> to vector<16xf32>
        %max3A_1028 = arith.constant 0.000000e+00 : f32
        %max3A_1029 = vector.broadcast %max3A_1028 : f32 to vector<16xf32>
        %max3A_1030 = arith.maximumf %get3A_1027, %max3A_1029 : vector<16xf32>
        %mul3A_1031 = arith.mulf %max3A_1030, %get3A_11 : vector<16xf32>
        %add3A_1032 = arith.addf %add3A_1016, %mul3A_1031 : vector<16xf32>
        %swap3A_1033 = arith.index_cast %rem3A_173 : i32 to index
        %swap3A_1034 = arith.index_cast %add3A_991 : i32 to index
        %swap3A_1035 = arith.constant 32 : index
        %swap3A_1036 = tpu.vector_load %arg10[%swap3A_1033, %swap3A_1034, %swap3A_1035] {strides = array<i32>} : memref<4x80x128xf32, #tpu.memory_space<vmem>>, vector<1x1x16xf32>,
        %swap3A_1037 = vector.shape_cast %swap3A_1036 : vector<1x1x16xf32> to vector<16xf32>
        %swap3A_1038 = vector.shape_cast %broadcast_in_dim3A_63 : vector<16xf32> to vector<1x1x16xf32>
        tpu.vector_store %arg10[%swap3A_1033, %swap3A_1034, %swap3A_1035], %swap3A_1038 {strides = array<i32>} : memref<4x80x128xf32, #tpu.memory_space<vmem>>, vector<1x1x16xf32>,
        %get3A_1039 = arith.index_cast %rem3A_173 : i32 to index
        %get3A_1040 = arith.index_cast %add3A_991 : i32 to index
        %get3A_1041 = arith.constant 48 : index
        %get3A_1042 = tpu.vector_load %arg10[%get3A_1039, %get3A_1040, %get3A_1041] {strides = array<i32>} : memref<4x80x128xf32, #tpu.memory_space<vmem>>, vector<1x1x16xf32>,
        %get3A_1043 = vector.shape_cast %get3A_1042 : vector<1x1x16xf32> to vector<16xf32>
        %max3A_1044 = arith.constant 0.000000e+00 : f32
        %max3A_1045 = vector.broadcast %max3A_1044 : f32 to vector<16xf32>
        %max3A_1046 = arith.maximumf %get3A_1043, %max3A_1045 : vector<16xf32>
        %mul3A_1047 = arith.mulf %max3A_1046, %get3A_14 : vector<16xf32>
        %add3A_1048 = arith.addf %add3A_1032, %mul3A_1047 : vector<16xf32>
        %swap3A_1049 = arith.index_cast %rem3A_173 : i32 to index
        %swap3A_1050 = arith.index_cast %add3A_991 : i32 to index
        %swap3A_1051 = arith.constant 48 : index
        %swap3A_1052 = tpu.vector_load %arg10[%swap3A_1049, %swap3A_1050, %swap3A_1051] {strides = array<i32>} : memref<4x80x128xf32, #tpu.memory_space<vmem>>, vector<1x1x16xf32>,
        %swap3A_1053 = vector.shape_cast %swap3A_1052 : vector<1x1x16xf32> to vector<16xf32>
        %swap3A_1054 = vector.shape_cast %broadcast_in_dim3A_63 : vector<16xf32> to vector<1x1x16xf32>
        tpu.vector_store %arg10[%swap3A_1049, %swap3A_1050, %swap3A_1051], %swap3A_1054 {strides = array<i32>} : memref<4x80x128xf32, #tpu.memory_space<vmem>>, vector<1x1x16xf32>,
        %get3A_1055 = arith.index_cast %rem3A_173 : i32 to index
        %get3A_1056 = arith.index_cast %add3A_991 : i32 to index
        %get3A_1057 = arith.constant 64 : index
        %get3A_1058 = tpu.vector_load %arg10[%get3A_1055, %get3A_1056, %get3A_1057] {strides = array<i32>} : memref<4x80x128xf32, #tpu.memory_space<vmem>>, vector<1x1x16xf32>,
        %get3A_1059 = vector.shape_cast %get3A_1058 : vector<1x1x16xf32> to vector<16xf32>
        %max3A_1060 = arith.constant 0.000000e+00 : f32
        %max3A_1061 = vector.broadcast %max3A_1060 : f32 to vector<16xf32>
        %max3A_1062 = arith.maximumf %get3A_1059, %max3A_1061 : vector<16xf32>
        %mul3A_1063 = arith.mulf %max3A_1062, %get3A_17 : vector<16xf32>
        %add3A_1064 = arith.addf %add3A_1048, %mul3A_1063 : vector<16xf32>
        %swap3A_1065 = arith.index_cast %rem3A_173 : i32 to index
        %swap3A_1066 = arith.index_cast %add3A_991 : i32 to index
        %swap3A_1067 = arith.constant 64 : index
        %swap3A_1068 = tpu.vector_load %arg10[%swap3A_1065, %swap3A_1066, %swap3A_1067] {strides = array<i32>} : memref<4x80x128xf32, #tpu.memory_space<vmem>>, vector<1x1x16xf32>,
        %swap3A_1069 = vector.shape_cast %swap3A_1068 : vector<1x1x16xf32> to vector<16xf32>
        %swap3A_1070 = vector.shape_cast %broadcast_in_dim3A_63 : vector<16xf32> to vector<1x1x16xf32>
        tpu.vector_store %arg10[%swap3A_1065, %swap3A_1066, %swap3A_1067], %swap3A_1070 {strides = array<i32>} : memref<4x80x128xf32, #tpu.memory_space<vmem>>, vector<1x1x16xf32>,
        %get3A_1071 = arith.index_cast %rem3A_173 : i32 to index
        %get3A_1072 = arith.index_cast %add3A_991 : i32 to index
        %get3A_1073 = arith.constant 80 : index
        %get3A_1074 = tpu.vector_load %arg10[%get3A_1071, %get3A_1072, %get3A_1073] {strides = array<i32>} : memref<4x80x128xf32, #tpu.memory_space<vmem>>, vector<1x1x16xf32>,
        %get3A_1075 = vector.shape_cast %get3A_1074 : vector<1x1x16xf32> to vector<16xf32>
        %max3A_1076 = arith.constant 0.000000e+00 : f32
        %max3A_1077 = vector.broadcast %max3A_1076 : f32 to vector<16xf32>
        %max3A_1078 = arith.maximumf %get3A_1075, %max3A_1077 : vector<16xf32>
        %mul3A_1079 = arith.mulf %max3A_1078, %get3A_20 : vector<16xf32>
        %add3A_1080 = arith.addf %add3A_1064, %mul3A_1079 : vector<16xf32>
        %swap3A_1081 = arith.index_cast %rem3A_173 : i32 to index
        %swap3A_1082 = arith.index_cast %add3A_991 : i32 to index
        %swap3A_1083 = arith.constant 80 : index
        %swap3A_1084 = tpu.vector_load %arg10[%swap3A_1081, %swap3A_1082, %swap3A_1083] {strides = array<i32>} : memref<4x80x128xf32, #tpu.memory_space<vmem>>, vector<1x1x16xf32>,
        %swap3A_1085 = vector.shape_cast %swap3A_1084 : vector<1x1x16xf32> to vector<16xf32>
        %swap3A_1086 = vector.shape_cast %broadcast_in_dim3A_63 : vector<16xf32> to vector<1x1x16xf32>
        tpu.vector_store %arg10[%swap3A_1081, %swap3A_1082, %swap3A_1083], %swap3A_1086 {strides = array<i32>} : memref<4x80x128xf32, #tpu.memory_space<vmem>>, vector<1x1x16xf32>,
        %get3A_1087 = arith.index_cast %rem3A_173 : i32 to index
        %get3A_1088 = arith.index_cast %add3A_991 : i32 to index
        %get3A_1089 = arith.constant 96 : index
        %get3A_1090 = tpu.vector_load %arg10[%get3A_1087, %get3A_1088, %get3A_1089] {strides = array<i32>} : memref<4x80x128xf32, #tpu.memory_space<vmem>>, vector<1x1x16xf32>,
        %get3A_1091 = vector.shape_cast %get3A_1090 : vector<1x1x16xf32> to vector<16xf32>
        %max3A_1092 = arith.constant 0.000000e+00 : f32
        %max3A_1093 = vector.broadcast %max3A_1092 : f32 to vector<16xf32>
        %max3A_1094 = arith.maximumf %get3A_1091, %max3A_1093 : vector<16xf32>
        %mul3A_1095 = arith.mulf %max3A_1094, %get3A_23 : vector<16xf32>
        %add3A_1096 = arith.addf %add3A_1080, %mul3A_1095 : vector<16xf32>
        %swap3A_1097 = arith.index_cast %rem3A_173 : i32 to index
        %swap3A_1098 = arith.index_cast %add3A_991 : i32 to index
        %swap3A_1099 = arith.constant 96 : index
        %swap3A_1100 = tpu.vector_load %arg10[%swap3A_1097, %swap3A_1098, %swap3A_1099] {strides = array<i32>} : memref<4x80x128xf32, #tpu.memory_space<vmem>>, vector<1x1x16xf32>,
        %swap3A_1101 = vector.shape_cast %swap3A_1100 : vector<1x1x16xf32> to vector<16xf32>
        %swap3A_1102 = vector.shape_cast %broadcast_in_dim3A_63 : vector<16xf32> to vector<1x1x16xf32>
        tpu.vector_store %arg10[%swap3A_1097, %swap3A_1098, %swap3A_1099], %swap3A_1102 {strides = array<i32>} : memref<4x80x128xf32, #tpu.memory_space<vmem>>, vector<1x1x16xf32>,
        %get3A_1103 = arith.index_cast %rem3A_173 : i32 to index
        %get3A_1104 = arith.index_cast %add3A_991 : i32 to index
        %get3A_1105 = arith.constant 112 : index
        %get3A_1106 = tpu.vector_load %arg10[%get3A_1103, %get3A_1104, %get3A_1105] {strides = array<i32>} : memref<4x80x128xf32, #tpu.memory_space<vmem>>, vector<1x1x16xf32>,
        %get3A_1107 = vector.shape_cast %get3A_1106 : vector<1x1x16xf32> to vector<16xf32>
        %max3A_1108 = arith.constant 0.000000e+00 : f32
        %max3A_1109 = vector.broadcast %max3A_1108 : f32 to vector<16xf32>
        %max3A_1110 = arith.maximumf %get3A_1107, %max3A_1109 : vector<16xf32>
        %mul3A_1111 = arith.mulf %max3A_1110, %get3A_26 : vector<16xf32>
        %add3A_1112 = arith.addf %add3A_1096, %mul3A_1111 : vector<16xf32>
        %swap3A_1113 = arith.index_cast %rem3A_173 : i32 to index
        %swap3A_1114 = arith.index_cast %add3A_991 : i32 to index
        %swap3A_1115 = arith.constant 112 : index
        %swap3A_1116 = tpu.vector_load %arg10[%swap3A_1113, %swap3A_1114, %swap3A_1115] {strides = array<i32>} : memref<4x80x128xf32, #tpu.memory_space<vmem>>, vector<1x1x16xf32>,
        %swap3A_1117 = vector.shape_cast %swap3A_1116 : vector<1x1x16xf32> to vector<16xf32>
        %swap3A_1118 = vector.shape_cast %broadcast_in_dim3A_63 : vector<16xf32> to vector<1x1x16xf32>
        tpu.vector_store %arg10[%swap3A_1113, %swap3A_1114, %swap3A_1115], %swap3A_1118 {strides = array<i32>} : memref<4x80x128xf32, #tpu.memory_space<vmem>>, vector<1x1x16xf32>,
        %mul3A_1119 = arith.constant 16 : i32
        %mul3A_1120 = arith.muli %scan3A_203, %mul3A_1119 : i32
        %add3A_1121 = arith.constant 7 : i32
        %add3A_1122 = arith.addi %mul3A_1120, %add3A_1121 : i32
        %get3A_1123 = arith.index_cast %rem3A_173 : i32 to index
        %get3A_1124 = arith.index_cast %add3A_1122 : i32 to index
        %get3A_1125 = arith.constant 0 : index
        %get3A_1126 = tpu.vector_load %arg10[%get3A_1123, %get3A_1124, %get3A_1125] {strides = array<i32>} : memref<4x80x128xf32, #tpu.memory_space<vmem>>, vector<1x1x16xf32>,
        %get3A_1127 = vector.shape_cast %get3A_1126 : vector<1x1x16xf32> to vector<16xf32>
        %max3A_1128 = arith.constant 0.000000e+00 : f32
        %max3A_1129 = vector.broadcast %max3A_1128 : f32 to vector<16xf32>
        %max3A_1130 = arith.maximumf %get3A_1127, %max3A_1129 : vector<16xf32>
        %mul3A_1131 = arith.mulf %max3A_1130, %get3A_5 : vector<16xf32>
        %swap3A_1132 = arith.index_cast %rem3A_173 : i32 to index
        %swap3A_1133 = arith.index_cast %add3A_1122 : i32 to index
        %swap3A_1134 = arith.constant 0 : index
        %swap3A_1135 = tpu.vector_load %arg10[%swap3A_1132, %swap3A_1133, %swap3A_1134] {strides = array<i32>} : memref<4x80x128xf32, #tpu.memory_space<vmem>>, vector<1x1x16xf32>,
        %swap3A_1136 = vector.shape_cast %swap3A_1135 : vector<1x1x16xf32> to vector<16xf32>
        %swap3A_1137 = vector.shape_cast %broadcast_in_dim3A_63 : vector<16xf32> to vector<1x1x16xf32>
        tpu.vector_store %arg10[%swap3A_1132, %swap3A_1133, %swap3A_1134], %swap3A_1137 {strides = array<i32>} : memref<4x80x128xf32, #tpu.memory_space<vmem>>, vector<1x1x16xf32>,
        %get3A_1138 = arith.index_cast %rem3A_173 : i32 to index
        %get3A_1139 = arith.index_cast %add3A_1122 : i32 to index
        %get3A_1140 = arith.constant 16 : index
        %get3A_1141 = tpu.vector_load %arg10[%get3A_1138, %get3A_1139, %get3A_1140] {strides = array<i32>} : memref<4x80x128xf32, #tpu.memory_space<vmem>>, vector<1x1x16xf32>,
        %get3A_1142 = vector.shape_cast %get3A_1141 : vector<1x1x16xf32> to vector<16xf32>
        %max3A_1143 = arith.constant 0.000000e+00 : f32
        %max3A_1144 = vector.broadcast %max3A_1143 : f32 to vector<16xf32>
        %max3A_1145 = arith.maximumf %get3A_1142, %max3A_1144 : vector<16xf32>
        %mul3A_1146 = arith.mulf %max3A_1145, %get3A_8 : vector<16xf32>
        %add3A_1147 = arith.addf %mul3A_1131, %mul3A_1146 : vector<16xf32>
        %swap3A_1148 = arith.index_cast %rem3A_173 : i32 to index
        %swap3A_1149 = arith.index_cast %add3A_1122 : i32 to index
        %swap3A_1150 = arith.constant 16 : index
        %swap3A_1151 = tpu.vector_load %arg10[%swap3A_1148, %swap3A_1149, %swap3A_1150] {strides = array<i32>} : memref<4x80x128xf32, #tpu.memory_space<vmem>>, vector<1x1x16xf32>,
        %swap3A_1152 = vector.shape_cast %swap3A_1151 : vector<1x1x16xf32> to vector<16xf32>
        %swap3A_1153 = vector.shape_cast %broadcast_in_dim3A_63 : vector<16xf32> to vector<1x1x16xf32>
        tpu.vector_store %arg10[%swap3A_1148, %swap3A_1149, %swap3A_1150], %swap3A_1153 {strides = array<i32>} : memref<4x80x128xf32, #tpu.memory_space<vmem>>, vector<1x1x16xf32>,
        %get3A_1154 = arith.index_cast %rem3A_173 : i32 to index
        %get3A_1155 = arith.index_cast %add3A_1122 : i32 to index
        %get3A_1156 = arith.constant 32 : index
        %get3A_1157 = tpu.vector_load %arg10[%get3A_1154, %get3A_1155, %get3A_1156] {strides = array<i32>} : memref<4x80x128xf32, #tpu.memory_space<vmem>>, vector<1x1x16xf32>,
        %get3A_1158 = vector.shape_cast %get3A_1157 : vector<1x1x16xf32> to vector<16xf32>
        %max3A_1159 = arith.constant 0.000000e+00 : f32
        %max3A_1160 = vector.broadcast %max3A_1159 : f32 to vector<16xf32>
        %max3A_1161 = arith.maximumf %get3A_1158, %max3A_1160 : vector<16xf32>
        %mul3A_1162 = arith.mulf %max3A_1161, %get3A_11 : vector<16xf32>
        %add3A_1163 = arith.addf %add3A_1147, %mul3A_1162 : vector<16xf32>
        %swap3A_1164 = arith.index_cast %rem3A_173 : i32 to index
        %swap3A_1165 = arith.index_cast %add3A_1122 : i32 to index
        %swap3A_1166 = arith.constant 32 : index
        %swap3A_1167 = tpu.vector_load %arg10[%swap3A_1164, %swap3A_1165, %swap3A_1166] {strides = array<i32>} : memref<4x80x128xf32, #tpu.memory_space<vmem>>, vector<1x1x16xf32>,
        %swap3A_1168 = vector.shape_cast %swap3A_1167 : vector<1x1x16xf32> to vector<16xf32>
        %swap3A_1169 = vector.shape_cast %broadcast_in_dim3A_63 : vector<16xf32> to vector<1x1x16xf32>
        tpu.vector_store %arg10[%swap3A_1164, %swap3A_1165, %swap3A_1166], %swap3A_1169 {strides = array<i32>} : memref<4x80x128xf32, #tpu.memory_space<vmem>>, vector<1x1x16xf32>,
        %get3A_1170 = arith.index_cast %rem3A_173 : i32 to index
        %get3A_1171 = arith.index_cast %add3A_1122 : i32 to index
        %get3A_1172 = arith.constant 48 : index
        %get3A_1173 = tpu.vector_load %arg10[%get3A_1170, %get3A_1171, %get3A_1172] {strides = array<i32>} : memref<4x80x128xf32, #tpu.memory_space<vmem>>, vector<1x1x16xf32>,
        %get3A_1174 = vector.shape_cast %get3A_1173 : vector<1x1x16xf32> to vector<16xf32>
        %max3A_1175 = arith.constant 0.000000e+00 : f32
        %max3A_1176 = vector.broadcast %max3A_1175 : f32 to vector<16xf32>
        %max3A_1177 = arith.maximumf %get3A_1174, %max3A_1176 : vector<16xf32>
        %mul3A_1178 = arith.mulf %max3A_1177, %get3A_14 : vector<16xf32>
        %add3A_1179 = arith.addf %add3A_1163, %mul3A_1178 : vector<16xf32>
        %swap3A_1180 = arith.index_cast %rem3A_173 : i32 to index
        %swap3A_1181 = arith.index_cast %add3A_1122 : i32 to index
        %swap3A_1182 = arith.constant 48 : index
        %swap3A_1183 = tpu.vector_load %arg10[%swap3A_1180, %swap3A_1181, %swap3A_1182] {strides = array<i32>} : memref<4x80x128xf32, #tpu.memory_space<vmem>>, vector<1x1x16xf32>,
        %swap3A_1184 = vector.shape_cast %swap3A_1183 : vector<1x1x16xf32> to vector<16xf32>
        %swap3A_1185 = vector.shape_cast %broadcast_in_dim3A_63 : vector<16xf32> to vector<1x1x16xf32>
        tpu.vector_store %arg10[%swap3A_1180, %swap3A_1181, %swap3A_1182], %swap3A_1185 {strides = array<i32>} : memref<4x80x128xf32, #tpu.memory_space<vmem>>, vector<1x1x16xf32>,
        %get3A_1186 = arith.index_cast %rem3A_173 : i32 to index
        %get3A_1187 = arith.index_cast %add3A_1122 : i32 to index
        %get3A_1188 = arith.constant 64 : index
        %get3A_1189 = tpu.vector_load %arg10[%get3A_1186, %get3A_1187, %get3A_1188] {strides = array<i32>} : memref<4x80x128xf32, #tpu.memory_space<vmem>>, vector<1x1x16xf32>,
        %get3A_1190 = vector.shape_cast %get3A_1189 : vector<1x1x16xf32> to vector<16xf32>
        %max3A_1191 = arith.constant 0.000000e+00 : f32
        %max3A_1192 = vector.broadcast %max3A_1191 : f32 to vector<16xf32>
        %max3A_1193 = arith.maximumf %get3A_1190, %max3A_1192 : vector<16xf32>
        %mul3A_1194 = arith.mulf %max3A_1193, %get3A_17 : vector<16xf32>
        %add3A_1195 = arith.addf %add3A_1179, %mul3A_1194 : vector<16xf32>
        %swap3A_1196 = arith.index_cast %rem3A_173 : i32 to index
        %swap3A_1197 = arith.index_cast %add3A_1122 : i32 to index
        %swap3A_1198 = arith.constant 64 : index
        %swap3A_1199 = tpu.vector_load %arg10[%swap3A_1196, %swap3A_1197, %swap3A_1198] {strides = array<i32>} : memref<4x80x128xf32, #tpu.memory_space<vmem>>, vector<1x1x16xf32>,
        %swap3A_1200 = vector.shape_cast %swap3A_1199 : vector<1x1x16xf32> to vector<16xf32>
        %swap3A_1201 = vector.shape_cast %broadcast_in_dim3A_63 : vector<16xf32> to vector<1x1x16xf32>
        tpu.vector_store %arg10[%swap3A_1196, %swap3A_1197, %swap3A_1198], %swap3A_1201 {strides = array<i32>} : memref<4x80x128xf32, #tpu.memory_space<vmem>>, vector<1x1x16xf32>,
        %get3A_1202 = arith.index_cast %rem3A_173 : i32 to index
        %get3A_1203 = arith.index_cast %add3A_1122 : i32 to index
        %get3A_1204 = arith.constant 80 : index
        %get3A_1205 = tpu.vector_load %arg10[%get3A_1202, %get3A_1203, %get3A_1204] {strides = array<i32>} : memref<4x80x128xf32, #tpu.memory_space<vmem>>, vector<1x1x16xf32>,
        %get3A_1206 = vector.shape_cast %get3A_1205 : vector<1x1x16xf32> to vector<16xf32>
        %max3A_1207 = arith.constant 0.000000e+00 : f32
        %max3A_1208 = vector.broadcast %max3A_1207 : f32 to vector<16xf32>
        %max3A_1209 = arith.maximumf %get3A_1206, %max3A_1208 : vector<16xf32>
        %mul3A_1210 = arith.mulf %max3A_1209, %get3A_20 : vector<16xf32>
        %add3A_1211 = arith.addf %add3A_1195, %mul3A_1210 : vector<16xf32>
        %swap3A_1212 = arith.index_cast %rem3A_173 : i32 to index
        %swap3A_1213 = arith.index_cast %add3A_1122 : i32 to index
        %swap3A_1214 = arith.constant 80 : index
        %swap3A_1215 = tpu.vector_load %arg10[%swap3A_1212, %swap3A_1213, %swap3A_1214] {strides = array<i32>} : memref<4x80x128xf32, #tpu.memory_space<vmem>>, vector<1x1x16xf32>,
        %swap3A_1216 = vector.shape_cast %swap3A_1215 : vector<1x1x16xf32> to vector<16xf32>
        %swap3A_1217 = vector.shape_cast %broadcast_in_dim3A_63 : vector<16xf32> to vector<1x1x16xf32>
        tpu.vector_store %arg10[%swap3A_1212, %swap3A_1213, %swap3A_1214], %swap3A_1217 {strides = array<i32>} : memref<4x80x128xf32, #tpu.memory_space<vmem>>, vector<1x1x16xf32>,
        %get3A_1218 = arith.index_cast %rem3A_173 : i32 to index
        %get3A_1219 = arith.index_cast %add3A_1122 : i32 to index
        %get3A_1220 = arith.constant 96 : index
        %get3A_1221 = tpu.vector_load %arg10[%get3A_1218, %get3A_1219, %get3A_1220] {strides = array<i32>} : memref<4x80x128xf32, #tpu.memory_space<vmem>>, vector<1x1x16xf32>,
        %get3A_1222 = vector.shape_cast %get3A_1221 : vector<1x1x16xf32> to vector<16xf32>
        %max3A_1223 = arith.constant 0.000000e+00 : f32
        %max3A_1224 = vector.broadcast %max3A_1223 : f32 to vector<16xf32>
        %max3A_1225 = arith.maximumf %get3A_1222, %max3A_1224 : vector<16xf32>
        %mul3A_1226 = arith.mulf %max3A_1225, %get3A_23 : vector<16xf32>
        %add3A_1227 = arith.addf %add3A_1211, %mul3A_1226 : vector<16xf32>
        %swap3A_1228 = arith.index_cast %rem3A_173 : i32 to index
        %swap3A_1229 = arith.index_cast %add3A_1122 : i32 to index
        %swap3A_1230 = arith.constant 96 : index
        %swap3A_1231 = tpu.vector_load %arg10[%swap3A_1228, %swap3A_1229, %swap3A_1230] {strides = array<i32>} : memref<4x80x128xf32, #tpu.memory_space<vmem>>, vector<1x1x16xf32>,
        %swap3A_1232 = vector.shape_cast %swap3A_1231 : vector<1x1x16xf32> to vector<16xf32>
        %swap3A_1233 = vector.shape_cast %broadcast_in_dim3A_63 : vector<16xf32> to vector<1x1x16xf32>
        tpu.vector_store %arg10[%swap3A_1228, %swap3A_1229, %swap3A_1230], %swap3A_1233 {strides = array<i32>} : memref<4x80x128xf32, #tpu.memory_space<vmem>>, vector<1x1x16xf32>,
        %get3A_1234 = arith.index_cast %rem3A_173 : i32 to index
        %get3A_1235 = arith.index_cast %add3A_1122 : i32 to index
        %get3A_1236 = arith.constant 112 : index
        %get3A_1237 = tpu.vector_load %arg10[%get3A_1234, %get3A_1235, %get3A_1236] {strides = array<i32>} : memref<4x80x128xf32, #tpu.memory_space<vmem>>, vector<1x1x16xf32>,
        %get3A_1238 = vector.shape_cast %get3A_1237 : vector<1x1x16xf32> to vector<16xf32>
        %max3A_1239 = arith.constant 0.000000e+00 : f32
        %max3A_1240 = vector.broadcast %max3A_1239 : f32 to vector<16xf32>
        %max3A_1241 = arith.maximumf %get3A_1238, %max3A_1240 : vector<16xf32>
        %mul3A_1242 = arith.mulf %max3A_1241, %get3A_26 : vector<16xf32>
        %add3A_1243 = arith.addf %add3A_1227, %mul3A_1242 : vector<16xf32>
        %swap3A_1244 = arith.index_cast %rem3A_173 : i32 to index
        %swap3A_1245 = arith.index_cast %add3A_1122 : i32 to index
        %swap3A_1246 = arith.constant 112 : index
        %swap3A_1247 = tpu.vector_load %arg10[%swap3A_1244, %swap3A_1245, %swap3A_1246] {strides = array<i32>} : memref<4x80x128xf32, #tpu.memory_space<vmem>>, vector<1x1x16xf32>,
        %swap3A_1248 = vector.shape_cast %swap3A_1247 : vector<1x1x16xf32> to vector<16xf32>
        %swap3A_1249 = vector.shape_cast %broadcast_in_dim3A_63 : vector<16xf32> to vector<1x1x16xf32>
        tpu.vector_store %arg10[%swap3A_1244, %swap3A_1245, %swap3A_1246], %swap3A_1249 {strides = array<i32>} : memref<4x80x128xf32, #tpu.memory_space<vmem>>, vector<1x1x16xf32>,
        %mul3A_1250 = arith.constant 16 : i32
        %mul3A_1251 = arith.muli %scan3A_203, %mul3A_1250 : i32
        %add3A_1252 = arith.constant 8 : i32
        %add3A_1253 = arith.addi %mul3A_1251, %add3A_1252 : i32
        %get3A_1254 = arith.index_cast %rem3A_173 : i32 to index
        %get3A_1255 = arith.index_cast %add3A_1253 : i32 to index
        %get3A_1256 = arith.constant 0 : index
        %get3A_1257 = tpu.vector_load %arg10[%get3A_1254, %get3A_1255, %get3A_1256] {strides = array<i32>} : memref<4x80x128xf32, #tpu.memory_space<vmem>>, vector<1x1x16xf32>,
        %get3A_1258 = vector.shape_cast %get3A_1257 : vector<1x1x16xf32> to vector<16xf32>
        %max3A_1259 = arith.constant 0.000000e+00 : f32
        %max3A_1260 = vector.broadcast %max3A_1259 : f32 to vector<16xf32>
        %max3A_1261 = arith.maximumf %get3A_1258, %max3A_1260 : vector<16xf32>
        %mul3A_1262 = arith.mulf %max3A_1261, %get3A_5 : vector<16xf32>
        %swap3A_1263 = arith.index_cast %rem3A_173 : i32 to index
        %swap3A_1264 = arith.index_cast %add3A_1253 : i32 to index
        %swap3A_1265 = arith.constant 0 : index
        %swap3A_1266 = tpu.vector_load %arg10[%swap3A_1263, %swap3A_1264, %swap3A_1265] {strides = array<i32>} : memref<4x80x128xf32, #tpu.memory_space<vmem>>, vector<1x1x16xf32>,
        %swap3A_1267 = vector.shape_cast %swap3A_1266 : vector<1x1x16xf32> to vector<16xf32>
        %swap3A_1268 = vector.shape_cast %broadcast_in_dim3A_63 : vector<16xf32> to vector<1x1x16xf32>
        tpu.vector_store %arg10[%swap3A_1263, %swap3A_1264, %swap3A_1265], %swap3A_1268 {strides = array<i32>} : memref<4x80x128xf32, #tpu.memory_space<vmem>>, vector<1x1x16xf32>,
        %get3A_1269 = arith.index_cast %rem3A_173 : i32 to index
        %get3A_1270 = arith.index_cast %add3A_1253 : i32 to index
        %get3A_1271 = arith.constant 16 : index
        %get3A_1272 = tpu.vector_load %arg10[%get3A_1269, %get3A_1270, %get3A_1271] {strides = array<i32>} : memref<4x80x128xf32, #tpu.memory_space<vmem>>, vector<1x1x16xf32>,
        %get3A_1273 = vector.shape_cast %get3A_1272 : vector<1x1x16xf32> to vector<16xf32>
        %max3A_1274 = arith.constant 0.000000e+00 : f32
        %max3A_1275 = vector.broadcast %max3A_1274 : f32 to vector<16xf32>
        %max3A_1276 = arith.maximumf %get3A_1273, %max3A_1275 : vector<16xf32>
        %mul3A_1277 = arith.mulf %max3A_1276, %get3A_8 : vector<16xf32>
        %add3A_1278 = arith.addf %mul3A_1262, %mul3A_1277 : vector<16xf32>
        %swap3A_1279 = arith.index_cast %rem3A_173 : i32 to index
        %swap3A_1280 = arith.index_cast %add3A_1253 : i32 to index
        %swap3A_1281 = arith.constant 16 : index
        %swap3A_1282 = tpu.vector_load %arg10[%swap3A_1279, %swap3A_1280, %swap3A_1281] {strides = array<i32>} : memref<4x80x128xf32, #tpu.memory_space<vmem>>, vector<1x1x16xf32>,
        %swap3A_1283 = vector.shape_cast %swap3A_1282 : vector<1x1x16xf32> to vector<16xf32>
        %swap3A_1284 = vector.shape_cast %broadcast_in_dim3A_63 : vector<16xf32> to vector<1x1x16xf32>
        tpu.vector_store %arg10[%swap3A_1279, %swap3A_1280, %swap3A_1281], %swap3A_1284 {strides = array<i32>} : memref<4x80x128xf32, #tpu.memory_space<vmem>>, vector<1x1x16xf32>,
        %get3A_1285 = arith.index_cast %rem3A_173 : i32 to index
        %get3A_1286 = arith.index_cast %add3A_1253 : i32 to index
        %get3A_1287 = arith.constant 32 : index
        %get3A_1288 = tpu.vector_load %arg10[%get3A_1285, %get3A_1286, %get3A_1287] {strides = array<i32>} : memref<4x80x128xf32, #tpu.memory_space<vmem>>, vector<1x1x16xf32>,
        %get3A_1289 = vector.shape_cast %get3A_1288 : vector<1x1x16xf32> to vector<16xf32>
        %max3A_1290 = arith.constant 0.000000e+00 : f32
        %max3A_1291 = vector.broadcast %max3A_1290 : f32 to vector<16xf32>
        %max3A_1292 = arith.maximumf %get3A_1289, %max3A_1291 : vector<16xf32>
        %mul3A_1293 = arith.mulf %max3A_1292, %get3A_11 : vector<16xf32>
        %add3A_1294 = arith.addf %add3A_1278, %mul3A_1293 : vector<16xf32>
        %swap3A_1295 = arith.index_cast %rem3A_173 : i32 to index
        %swap3A_1296 = arith.index_cast %add3A_1253 : i32 to index
        %swap3A_1297 = arith.constant 32 : index
        %swap3A_1298 = tpu.vector_load %arg10[%swap3A_1295, %swap3A_1296, %swap3A_1297] {strides = array<i32>} : memref<4x80x128xf32, #tpu.memory_space<vmem>>, vector<1x1x16xf32>,
        %swap3A_1299 = vector.shape_cast %swap3A_1298 : vector<1x1x16xf32> to vector<16xf32>
        %swap3A_1300 = vector.shape_cast %broadcast_in_dim3A_63 : vector<16xf32> to vector<1x1x16xf32>
        tpu.vector_store %arg10[%swap3A_1295, %swap3A_1296, %swap3A_1297], %swap3A_1300 {strides = array<i32>} : memref<4x80x128xf32, #tpu.memory_space<vmem>>, vector<1x1x16xf32>,
        %get3A_1301 = arith.index_cast %rem3A_173 : i32 to index
        %get3A_1302 = arith.index_cast %add3A_1253 : i32 to index
        %get3A_1303 = arith.constant 48 : index
        %get3A_1304 = tpu.vector_load %arg10[%get3A_1301, %get3A_1302, %get3A_1303] {strides = array<i32>} : memref<4x80x128xf32, #tpu.memory_space<vmem>>, vector<1x1x16xf32>,
        %get3A_1305 = vector.shape_cast %get3A_1304 : vector<1x1x16xf32> to vector<16xf32>
        %max3A_1306 = arith.constant 0.000000e+00 : f32
        %max3A_1307 = vector.broadcast %max3A_1306 : f32 to vector<16xf32>
        %max3A_1308 = arith.maximumf %get3A_1305, %max3A_1307 : vector<16xf32>
        %mul3A_1309 = arith.mulf %max3A_1308, %get3A_14 : vector<16xf32>
        %add3A_1310 = arith.addf %add3A_1294, %mul3A_1309 : vector<16xf32>
        %swap3A_1311 = arith.index_cast %rem3A_173 : i32 to index
        %swap3A_1312 = arith.index_cast %add3A_1253 : i32 to index
        %swap3A_1313 = arith.constant 48 : index
        %swap3A_1314 = tpu.vector_load %arg10[%swap3A_1311, %swap3A_1312, %swap3A_1313] {strides = array<i32>} : memref<4x80x128xf32, #tpu.memory_space<vmem>>, vector<1x1x16xf32>,
        %swap3A_1315 = vector.shape_cast %swap3A_1314 : vector<1x1x16xf32> to vector<16xf32>
        %swap3A_1316 = vector.shape_cast %broadcast_in_dim3A_63 : vector<16xf32> to vector<1x1x16xf32>
        tpu.vector_store %arg10[%swap3A_1311, %swap3A_1312, %swap3A_1313], %swap3A_1316 {strides = array<i32>} : memref<4x80x128xf32, #tpu.memory_space<vmem>>, vector<1x1x16xf32>,
        %get3A_1317 = arith.index_cast %rem3A_173 : i32 to index
        %get3A_1318 = arith.index_cast %add3A_1253 : i32 to index
        %get3A_1319 = arith.constant 64 : index
        %get3A_1320 = tpu.vector_load %arg10[%get3A_1317, %get3A_1318, %get3A_1319] {strides = array<i32>} : memref<4x80x128xf32, #tpu.memory_space<vmem>>, vector<1x1x16xf32>,
        %get3A_1321 = vector.shape_cast %get3A_1320 : vector<1x1x16xf32> to vector<16xf32>
        %max3A_1322 = arith.constant 0.000000e+00 : f32
        %max3A_1323 = vector.broadcast %max3A_1322 : f32 to vector<16xf32>
        %max3A_1324 = arith.maximumf %get3A_1321, %max3A_1323 : vector<16xf32>
        %mul3A_1325 = arith.mulf %max3A_1324, %get3A_17 : vector<16xf32>
        %add3A_1326 = arith.addf %add3A_1310, %mul3A_1325 : vector<16xf32>
        %swap3A_1327 = arith.index_cast %rem3A_173 : i32 to index
        %swap3A_1328 = arith.index_cast %add3A_1253 : i32 to index
        %swap3A_1329 = arith.constant 64 : index
        %swap3A_1330 = tpu.vector_load %arg10[%swap3A_1327, %swap3A_1328, %swap3A_1329] {strides = array<i32>} : memref<4x80x128xf32, #tpu.memory_space<vmem>>, vector<1x1x16xf32>,
        %swap3A_1331 = vector.shape_cast %swap3A_1330 : vector<1x1x16xf32> to vector<16xf32>
        %swap3A_1332 = vector.shape_cast %broadcast_in_dim3A_63 : vector<16xf32> to vector<1x1x16xf32>
        tpu.vector_store %arg10[%swap3A_1327, %swap3A_1328, %swap3A_1329], %swap3A_1332 {strides = array<i32>} : memref<4x80x128xf32, #tpu.memory_space<vmem>>, vector<1x1x16xf32>,
        %get3A_1333 = arith.index_cast %rem3A_173 : i32 to index
        %get3A_1334 = arith.index_cast %add3A_1253 : i32 to index
        %get3A_1335 = arith.constant 80 : index
        %get3A_1336 = tpu.vector_load %arg10[%get3A_1333, %get3A_1334, %get3A_1335] {strides = array<i32>} : memref<4x80x128xf32, #tpu.memory_space<vmem>>, vector<1x1x16xf32>,
        %get3A_1337 = vector.shape_cast %get3A_1336 : vector<1x1x16xf32> to vector<16xf32>
        %max3A_1338 = arith.constant 0.000000e+00 : f32
        %max3A_1339 = vector.broadcast %max3A_1338 : f32 to vector<16xf32>
        %max3A_1340 = arith.maximumf %get3A_1337, %max3A_1339 : vector<16xf32>
        %mul3A_1341 = arith.mulf %max3A_1340, %get3A_20 : vector<16xf32>
        %add3A_1342 = arith.addf %add3A_1326, %mul3A_1341 : vector<16xf32>
        %swap3A_1343 = arith.index_cast %rem3A_173 : i32 to index
        %swap3A_1344 = arith.index_cast %add3A_1253 : i32 to index
        %swap3A_1345 = arith.constant 80 : index
        %swap3A_1346 = tpu.vector_load %arg10[%swap3A_1343, %swap3A_1344, %swap3A_1345] {strides = array<i32>} : memref<4x80x128xf32, #tpu.memory_space<vmem>>, vector<1x1x16xf32>,
        %swap3A_1347 = vector.shape_cast %swap3A_1346 : vector<1x1x16xf32> to vector<16xf32>
        %swap3A_1348 = vector.shape_cast %broadcast_in_dim3A_63 : vector<16xf32> to vector<1x1x16xf32>
        tpu.vector_store %arg10[%swap3A_1343, %swap3A_1344, %swap3A_1345], %swap3A_1348 {strides = array<i32>} : memref<4x80x128xf32, #tpu.memory_space<vmem>>, vector<1x1x16xf32>,
        %get3A_1349 = arith.index_cast %rem3A_173 : i32 to index
        %get3A_1350 = arith.index_cast %add3A_1253 : i32 to index
        %get3A_1351 = arith.constant 96 : index
        %get3A_1352 = tpu.vector_load %arg10[%get3A_1349, %get3A_1350, %get3A_1351] {strides = array<i32>} : memref<4x80x128xf32, #tpu.memory_space<vmem>>, vector<1x1x16xf32>,
        %get3A_1353 = vector.shape_cast %get3A_1352 : vector<1x1x16xf32> to vector<16xf32>
        %max3A_1354 = arith.constant 0.000000e+00 : f32
        %max3A_1355 = vector.broadcast %max3A_1354 : f32 to vector<16xf32>
        %max3A_1356 = arith.maximumf %get3A_1353, %max3A_1355 : vector<16xf32>
        %mul3A_1357 = arith.mulf %max3A_1356, %get3A_23 : vector<16xf32>
        %add3A_1358 = arith.addf %add3A_1342, %mul3A_1357 : vector<16xf32>
        %swap3A_1359 = arith.index_cast %rem3A_173 : i32 to index
        %swap3A_1360 = arith.index_cast %add3A_1253 : i32 to index
        %swap3A_1361 = arith.constant 96 : index
        %swap3A_1362 = tpu.vector_load %arg10[%swap3A_1359, %swap3A_1360, %swap3A_1361] {strides = array<i32>} : memref<4x80x128xf32, #tpu.memory_space<vmem>>, vector<1x1x16xf32>,
        %swap3A_1363 = vector.shape_cast %swap3A_1362 : vector<1x1x16xf32> to vector<16xf32>
        %swap3A_1364 = vector.shape_cast %broadcast_in_dim3A_63 : vector<16xf32> to vector<1x1x16xf32>
        tpu.vector_store %arg10[%swap3A_1359, %swap3A_1360, %swap3A_1361], %swap3A_1364 {strides = array<i32>} : memref<4x80x128xf32, #tpu.memory_space<vmem>>, vector<1x1x16xf32>,
        %get3A_1365 = arith.index_cast %rem3A_173 : i32 to index
        %get3A_1366 = arith.index_cast %add3A_1253 : i32 to index
        %get3A_1367 = arith.constant 112 : index
        %get3A_1368 = tpu.vector_load %arg10[%get3A_1365, %get3A_1366, %get3A_1367] {strides = array<i32>} : memref<4x80x128xf32, #tpu.memory_space<vmem>>, vector<1x1x16xf32>,
        %get3A_1369 = vector.shape_cast %get3A_1368 : vector<1x1x16xf32> to vector<16xf32>
        %max3A_1370 = arith.constant 0.000000e+00 : f32
        %max3A_1371 = vector.broadcast %max3A_1370 : f32 to vector<16xf32>
        %max3A_1372 = arith.maximumf %get3A_1369, %max3A_1371 : vector<16xf32>
        %mul3A_1373 = arith.mulf %max3A_1372, %get3A_26 : vector<16xf32>
        %add3A_1374 = arith.addf %add3A_1358, %mul3A_1373 : vector<16xf32>
        %swap3A_1375 = arith.index_cast %rem3A_173 : i32 to index
        %swap3A_1376 = arith.index_cast %add3A_1253 : i32 to index
        %swap3A_1377 = arith.constant 112 : index
        %swap3A_1378 = tpu.vector_load %arg10[%swap3A_1375, %swap3A_1376, %swap3A_1377] {strides = array<i32>} : memref<4x80x128xf32, #tpu.memory_space<vmem>>, vector<1x1x16xf32>,
        %swap3A_1379 = vector.shape_cast %swap3A_1378 : vector<1x1x16xf32> to vector<16xf32>
        %swap3A_1380 = vector.shape_cast %broadcast_in_dim3A_63 : vector<16xf32> to vector<1x1x16xf32>
        tpu.vector_store %arg10[%swap3A_1375, %swap3A_1376, %swap3A_1377], %swap3A_1380 {strides = array<i32>} : memref<4x80x128xf32, #tpu.memory_space<vmem>>, vector<1x1x16xf32>,
        %mul3A_1381 = arith.constant 16 : i32
        %mul3A_1382 = arith.muli %scan3A_203, %mul3A_1381 : i32
        %add3A_1383 = arith.constant 9 : i32
        %add3A_1384 = arith.addi %mul3A_1382, %add3A_1383 : i32
        %get3A_1385 = arith.index_cast %rem3A_173 : i32 to index
        %get3A_1386 = arith.index_cast %add3A_1384 : i32 to index
        %get3A_1387 = arith.constant 0 : index
        %get3A_1388 = tpu.vector_load %arg10[%get3A_1385, %get3A_1386, %get3A_1387] {strides = array<i32>} : memref<4x80x128xf32, #tpu.memory_space<vmem>>, vector<1x1x16xf32>,
        %get3A_1389 = vector.shape_cast %get3A_1388 : vector<1x1x16xf32> to vector<16xf32>
        %max3A_1390 = arith.constant 0.000000e+00 : f32
        %max3A_1391 = vector.broadcast %max3A_1390 : f32 to vector<16xf32>
        %max3A_1392 = arith.maximumf %get3A_1389, %max3A_1391 : vector<16xf32>
        %mul3A_1393 = arith.mulf %max3A_1392, %get3A_5 : vector<16xf32>
        %swap3A_1394 = arith.index_cast %rem3A_173 : i32 to index
        %swap3A_1395 = arith.index_cast %add3A_1384 : i32 to index
        %swap3A_1396 = arith.constant 0 : index
        %swap3A_1397 = tpu.vector_load %arg10[%swap3A_1394, %swap3A_1395, %swap3A_1396] {strides = array<i32>} : memref<4x80x128xf32, #tpu.memory_space<vmem>>, vector<1x1x16xf32>,
        %swap3A_1398 = vector.shape_cast %swap3A_1397 : vector<1x1x16xf32> to vector<16xf32>
        %swap3A_1399 = vector.shape_cast %broadcast_in_dim3A_63 : vector<16xf32> to vector<1x1x16xf32>
        tpu.vector_store %arg10[%swap3A_1394, %swap3A_1395, %swap3A_1396], %swap3A_1399 {strides = array<i32>} : memref<4x80x128xf32, #tpu.memory_space<vmem>>, vector<1x1x16xf32>,
        %get3A_1400 = arith.index_cast %rem3A_173 : i32 to index
        %get3A_1401 = arith.index_cast %add3A_1384 : i32 to index
        %get3A_1402 = arith.constant 16 : index
        %get3A_1403 = tpu.vector_load %arg10[%get3A_1400, %get3A_1401, %get3A_1402] {strides = array<i32>} : memref<4x80x128xf32, #tpu.memory_space<vmem>>, vector<1x1x16xf32>,
        %get3A_1404 = vector.shape_cast %get3A_1403 : vector<1x1x16xf32> to vector<16xf32>
        %max3A_1405 = arith.constant 0.000000e+00 : f32
        %max3A_1406 = vector.broadcast %max3A_1405 : f32 to vector<16xf32>
        %max3A_1407 = arith.maximumf %get3A_1404, %max3A_1406 : vector<16xf32>
        %mul3A_1408 = arith.mulf %max3A_1407, %get3A_8 : vector<16xf32>
        %add3A_1409 = arith.addf %mul3A_1393, %mul3A_1408 : vector<16xf32>
        %swap3A_1410 = arith.index_cast %rem3A_173 : i32 to index
        %swap3A_1411 = arith.index_cast %add3A_1384 : i32 to index
        %swap3A_1412 = arith.constant 16 : index
        %swap3A_1413 = tpu.vector_load %arg10[%swap3A_1410, %swap3A_1411, %swap3A_1412] {strides = array<i32>} : memref<4x80x128xf32, #tpu.memory_space<vmem>>, vector<1x1x16xf32>,
        %swap3A_1414 = vector.shape_cast %swap3A_1413 : vector<1x1x16xf32> to vector<16xf32>
        %swap3A_1415 = vector.shape_cast %broadcast_in_dim3A_63 : vector<16xf32> to vector<1x1x16xf32>
        tpu.vector_store %arg10[%swap3A_1410, %swap3A_1411, %swap3A_1412], %swap3A_1415 {strides = array<i32>} : memref<4x80x128xf32, #tpu.memory_space<vmem>>, vector<1x1x16xf32>,
        %get3A_1416 = arith.index_cast %rem3A_173 : i32 to index
        %get3A_1417 = arith.index_cast %add3A_1384 : i32 to index
        %get3A_1418 = arith.constant 32 : index
        %get3A_1419 = tpu.vector_load %arg10[%get3A_1416, %get3A_1417, %get3A_1418] {strides = array<i32>} : memref<4x80x128xf32, #tpu.memory_space<vmem>>, vector<1x1x16xf32>,
        %get3A_1420 = vector.shape_cast %get3A_1419 : vector<1x1x16xf32> to vector<16xf32>
        %max3A_1421 = arith.constant 0.000000e+00 : f32
        %max3A_1422 = vector.broadcast %max3A_1421 : f32 to vector<16xf32>
        %max3A_1423 = arith.maximumf %get3A_1420, %max3A_1422 : vector<16xf32>
        %mul3A_1424 = arith.mulf %max3A_1423, %get3A_11 : vector<16xf32>
        %add3A_1425 = arith.addf %add3A_1409, %mul3A_1424 : vector<16xf32>
        %swap3A_1426 = arith.index_cast %rem3A_173 : i32 to index
        %swap3A_1427 = arith.index_cast %add3A_1384 : i32 to index
        %swap3A_1428 = arith.constant 32 : index
        %swap3A_1429 = tpu.vector_load %arg10[%swap3A_1426, %swap3A_1427, %swap3A_1428] {strides = array<i32>} : memref<4x80x128xf32, #tpu.memory_space<vmem>>, vector<1x1x16xf32>,
        %swap3A_1430 = vector.shape_cast %swap3A_1429 : vector<1x1x16xf32> to vector<16xf32>
        %swap3A_1431 = vector.shape_cast %broadcast_in_dim3A_63 : vector<16xf32> to vector<1x1x16xf32>
        tpu.vector_store %arg10[%swap3A_1426, %swap3A_1427, %swap3A_1428], %swap3A_1431 {strides = array<i32>} : memref<4x80x128xf32, #tpu.memory_space<vmem>>, vector<1x1x16xf32>,
        %get3A_1432 = arith.index_cast %rem3A_173 : i32 to index
        %get3A_1433 = arith.index_cast %add3A_1384 : i32 to index
        %get3A_1434 = arith.constant 48 : index
        %get3A_1435 = tpu.vector_load %arg10[%get3A_1432, %get3A_1433, %get3A_1434] {strides = array<i32>} : memref<4x80x128xf32, #tpu.memory_space<vmem>>, vector<1x1x16xf32>,
        %get3A_1436 = vector.shape_cast %get3A_1435 : vector<1x1x16xf32> to vector<16xf32>
        %max3A_1437 = arith.constant 0.000000e+00 : f32
        %max3A_1438 = vector.broadcast %max3A_1437 : f32 to vector<16xf32>
        %max3A_1439 = arith.maximumf %get3A_1436, %max3A_1438 : vector<16xf32>
        %mul3A_1440 = arith.mulf %max3A_1439, %get3A_14 : vector<16xf32>
        %add3A_1441 = arith.addf %add3A_1425, %mul3A_1440 : vector<16xf32>
        %swap3A_1442 = arith.index_cast %rem3A_173 : i32 to index
        %swap3A_1443 = arith.index_cast %add3A_1384 : i32 to index
        %swap3A_1444 = arith.constant 48 : index
        %swap3A_1445 = tpu.vector_load %arg10[%swap3A_1442, %swap3A_1443, %swap3A_1444] {strides = array<i32>} : memref<4x80x128xf32, #tpu.memory_space<vmem>>, vector<1x1x16xf32>,
        %swap3A_1446 = vector.shape_cast %swap3A_1445 : vector<1x1x16xf32> to vector<16xf32>
        %swap3A_1447 = vector.shape_cast %broadcast_in_dim3A_63 : vector<16xf32> to vector<1x1x16xf32>
        tpu.vector_store %arg10[%swap3A_1442, %swap3A_1443, %swap3A_1444], %swap3A_1447 {strides = array<i32>} : memref<4x80x128xf32, #tpu.memory_space<vmem>>, vector<1x1x16xf32>,
        %get3A_1448 = arith.index_cast %rem3A_173 : i32 to index
        %get3A_1449 = arith.index_cast %add3A_1384 : i32 to index
        %get3A_1450 = arith.constant 64 : index
        %get3A_1451 = tpu.vector_load %arg10[%get3A_1448, %get3A_1449, %get3A_1450] {strides = array<i32>} : memref<4x80x128xf32, #tpu.memory_space<vmem>>, vector<1x1x16xf32>,
        %get3A_1452 = vector.shape_cast %get3A_1451 : vector<1x1x16xf32> to vector<16xf32>
        %max3A_1453 = arith.constant 0.000000e+00 : f32
        %max3A_1454 = vector.broadcast %max3A_1453 : f32 to vector<16xf32>
        %max3A_1455 = arith.maximumf %get3A_1452, %max3A_1454 : vector<16xf32>
        %mul3A_1456 = arith.mulf %max3A_1455, %get3A_17 : vector<16xf32>
        %add3A_1457 = arith.addf %add3A_1441, %mul3A_1456 : vector<16xf32>
        %swap3A_1458 = arith.index_cast %rem3A_173 : i32 to index
        %swap3A_1459 = arith.index_cast %add3A_1384 : i32 to index
        %swap3A_1460 = arith.constant 64 : index
        %swap3A_1461 = tpu.vector_load %arg10[%swap3A_1458, %swap3A_1459, %swap3A_1460] {strides = array<i32>} : memref<4x80x128xf32, #tpu.memory_space<vmem>>, vector<1x1x16xf32>,
        %swap3A_1462 = vector.shape_cast %swap3A_1461 : vector<1x1x16xf32> to vector<16xf32>
        %swap3A_1463 = vector.shape_cast %broadcast_in_dim3A_63 : vector<16xf32> to vector<1x1x16xf32>
        tpu.vector_store %arg10[%swap3A_1458, %swap3A_1459, %swap3A_1460], %swap3A_1463 {strides = array<i32>} : memref<4x80x128xf32, #tpu.memory_space<vmem>>, vector<1x1x16xf32>,
        %get3A_1464 = arith.index_cast %rem3A_173 : i32 to index
        %get3A_1465 = arith.index_cast %add3A_1384 : i32 to index
        %get3A_1466 = arith.constant 80 : index
        %get3A_1467 = tpu.vector_load %arg10[%get3A_1464, %get3A_1465, %get3A_1466] {strides = array<i32>} : memref<4x80x128xf32, #tpu.memory_space<vmem>>, vector<1x1x16xf32>,
        %get3A_1468 = vector.shape_cast %get3A_1467 : vector<1x1x16xf32> to vector<16xf32>
        %max3A_1469 = arith.constant 0.000000e+00 : f32
        %max3A_1470 = vector.broadcast %max3A_1469 : f32 to vector<16xf32>
        %max3A_1471 = arith.maximumf %get3A_1468, %max3A_1470 : vector<16xf32>
        %mul3A_1472 = arith.mulf %max3A_1471, %get3A_20 : vector<16xf32>
        %add3A_1473 = arith.addf %add3A_1457, %mul3A_1472 : vector<16xf32>
        %swap3A_1474 = arith.index_cast %rem3A_173 : i32 to index
        %swap3A_1475 = arith.index_cast %add3A_1384 : i32 to index
        %swap3A_1476 = arith.constant 80 : index
        %swap3A_1477 = tpu.vector_load %arg10[%swap3A_1474, %swap3A_1475, %swap3A_1476] {strides = array<i32>} : memref<4x80x128xf32, #tpu.memory_space<vmem>>, vector<1x1x16xf32>,
        %swap3A_1478 = vector.shape_cast %swap3A_1477 : vector<1x1x16xf32> to vector<16xf32>
        %swap3A_1479 = vector.shape_cast %broadcast_in_dim3A_63 : vector<16xf32> to vector<1x1x16xf32>
        tpu.vector_store %arg10[%swap3A_1474, %swap3A_1475, %swap3A_1476], %swap3A_1479 {strides = array<i32>} : memref<4x80x128xf32, #tpu.memory_space<vmem>>, vector<1x1x16xf32>,
        %get3A_1480 = arith.index_cast %rem3A_173 : i32 to index
        %get3A_1481 = arith.index_cast %add3A_1384 : i32 to index
        %get3A_1482 = arith.constant 96 : index
        %get3A_1483 = tpu.vector_load %arg10[%get3A_1480, %get3A_1481, %get3A_1482] {strides = array<i32>} : memref<4x80x128xf32, #tpu.memory_space<vmem>>, vector<1x1x16xf32>,
        %get3A_1484 = vector.shape_cast %get3A_1483 : vector<1x1x16xf32> to vector<16xf32>
        %max3A_1485 = arith.constant 0.000000e+00 : f32
        %max3A_1486 = vector.broadcast %max3A_1485 : f32 to vector<16xf32>
        %max3A_1487 = arith.maximumf %get3A_1484, %max3A_1486 : vector<16xf32>
        %mul3A_1488 = arith.mulf %max3A_1487, %get3A_23 : vector<16xf32>
        %add3A_1489 = arith.addf %add3A_1473, %mul3A_1488 : vector<16xf32>
        %swap3A_1490 = arith.index_cast %rem3A_173 : i32 to index
        %swap3A_1491 = arith.index_cast %add3A_1384 : i32 to index
        %swap3A_1492 = arith.constant 96 : index
        %swap3A_1493 = tpu.vector_load %arg10[%swap3A_1490, %swap3A_1491, %swap3A_1492] {strides = array<i32>} : memref<4x80x128xf32, #tpu.memory_space<vmem>>, vector<1x1x16xf32>,
        %swap3A_1494 = vector.shape_cast %swap3A_1493 : vector<1x1x16xf32> to vector<16xf32>
        %swap3A_1495 = vector.shape_cast %broadcast_in_dim3A_63 : vector<16xf32> to vector<1x1x16xf32>
        tpu.vector_store %arg10[%swap3A_1490, %swap3A_1491, %swap3A_1492], %swap3A_1495 {strides = array<i32>} : memref<4x80x128xf32, #tpu.memory_space<vmem>>, vector<1x1x16xf32>,
        %get3A_1496 = arith.index_cast %rem3A_173 : i32 to index
        %get3A_1497 = arith.index_cast %add3A_1384 : i32 to index
        %get3A_1498 = arith.constant 112 : index
        %get3A_1499 = tpu.vector_load %arg10[%get3A_1496, %get3A_1497, %get3A_1498] {strides = array<i32>} : memref<4x80x128xf32, #tpu.memory_space<vmem>>, vector<1x1x16xf32>,
        %get3A_1500 = vector.shape_cast %get3A_1499 : vector<1x1x16xf32> to vector<16xf32>
        %max3A_1501 = arith.constant 0.000000e+00 : f32
        %max3A_1502 = vector.broadcast %max3A_1501 : f32 to vector<16xf32>
        %max3A_1503 = arith.maximumf %get3A_1500, %max3A_1502 : vector<16xf32>
        %mul3A_1504 = arith.mulf %max3A_1503, %get3A_26 : vector<16xf32>
        %add3A_1505 = arith.addf %add3A_1489, %mul3A_1504 : vector<16xf32>
        %swap3A_1506 = arith.index_cast %rem3A_173 : i32 to index
        %swap3A_1507 = arith.index_cast %add3A_1384 : i32 to index
        %swap3A_1508 = arith.constant 112 : index
        %swap3A_1509 = tpu.vector_load %arg10[%swap3A_1506, %swap3A_1507, %swap3A_1508] {strides = array<i32>} : memref<4x80x128xf32, #tpu.memory_space<vmem>>, vector<1x1x16xf32>,
        %swap3A_1510 = vector.shape_cast %swap3A_1509 : vector<1x1x16xf32> to vector<16xf32>
        %swap3A_1511 = vector.shape_cast %broadcast_in_dim3A_63 : vector<16xf32> to vector<1x1x16xf32>
        tpu.vector_store %arg10[%swap3A_1506, %swap3A_1507, %swap3A_1508], %swap3A_1511 {strides = array<i32>} : memref<4x80x128xf32, #tpu.memory_space<vmem>>, vector<1x1x16xf32>,
        %mul3A_1512 = arith.constant 16 : i32
        %mul3A_1513 = arith.muli %scan3A_203, %mul3A_1512 : i32
        %add3A_1514 = arith.constant 10 : i32
        %add3A_1515 = arith.addi %mul3A_1513, %add3A_1514 : i32
        %get3A_1516 = arith.index_cast %rem3A_173 : i32 to index
        %get3A_1517 = arith.index_cast %add3A_1515 : i32 to index
        %get3A_1518 = arith.constant 0 : index
        %get3A_1519 = tpu.vector_load %arg10[%get3A_1516, %get3A_1517, %get3A_1518] {strides = array<i32>} : memref<4x80x128xf32, #tpu.memory_space<vmem>>, vector<1x1x16xf32>,
        %get3A_1520 = vector.shape_cast %get3A_1519 : vector<1x1x16xf32> to vector<16xf32>
        %max3A_1521 = arith.constant 0.000000e+00 : f32
        %max3A_1522 = vector.broadcast %max3A_1521 : f32 to vector<16xf32>
        %max3A_1523 = arith.maximumf %get3A_1520, %max3A_1522 : vector<16xf32>
        %mul3A_1524 = arith.mulf %max3A_1523, %get3A_5 : vector<16xf32>
        %swap3A_1525 = arith.index_cast %rem3A_173 : i32 to index
        %swap3A_1526 = arith.index_cast %add3A_1515 : i32 to index
        %swap3A_1527 = arith.constant 0 : index
        %swap3A_1528 = tpu.vector_load %arg10[%swap3A_1525, %swap3A_1526, %swap3A_1527] {strides = array<i32>} : memref<4x80x128xf32, #tpu.memory_space<vmem>>, vector<1x1x16xf32>,
        %swap3A_1529 = vector.shape_cast %swap3A_1528 : vector<1x1x16xf32> to vector<16xf32>
        %swap3A_1530 = vector.shape_cast %broadcast_in_dim3A_63 : vector<16xf32> to vector<1x1x16xf32>
        tpu.vector_store %arg10[%swap3A_1525, %swap3A_1526, %swap3A_1527], %swap3A_1530 {strides = array<i32>} : memref<4x80x128xf32, #tpu.memory_space<vmem>>, vector<1x1x16xf32>,
        %get3A_1531 = arith.index_cast %rem3A_173 : i32 to index
        %get3A_1532 = arith.index_cast %add3A_1515 : i32 to index
        %get3A_1533 = arith.constant 16 : index
        %get3A_1534 = tpu.vector_load %arg10[%get3A_1531, %get3A_1532, %get3A_1533] {strides = array<i32>} : memref<4x80x128xf32, #tpu.memory_space<vmem>>, vector<1x1x16xf32>,
        %get3A_1535 = vector.shape_cast %get3A_1534 : vector<1x1x16xf32> to vector<16xf32>
        %max3A_1536 = arith.constant 0.000000e+00 : f32
        %max3A_1537 = vector.broadcast %max3A_1536 : f32 to vector<16xf32>
        %max3A_1538 = arith.maximumf %get3A_1535, %max3A_1537 : vector<16xf32>
        %mul3A_1539 = arith.mulf %max3A_1538, %get3A_8 : vector<16xf32>
        %add3A_1540 = arith.addf %mul3A_1524, %mul3A_1539 : vector<16xf32>
        %swap3A_1541 = arith.index_cast %rem3A_173 : i32 to index
        %swap3A_1542 = arith.index_cast %add3A_1515 : i32 to index
        %swap3A_1543 = arith.constant 16 : index
        %swap3A_1544 = tpu.vector_load %arg10[%swap3A_1541, %swap3A_1542, %swap3A_1543] {strides = array<i32>} : memref<4x80x128xf32, #tpu.memory_space<vmem>>, vector<1x1x16xf32>,
        %swap3A_1545 = vector.shape_cast %swap3A_1544 : vector<1x1x16xf32> to vector<16xf32>
        %swap3A_1546 = vector.shape_cast %broadcast_in_dim3A_63 : vector<16xf32> to vector<1x1x16xf32>
        tpu.vector_store %arg10[%swap3A_1541, %swap3A_1542, %swap3A_1543], %swap3A_1546 {strides = array<i32>} : memref<4x80x128xf32, #tpu.memory_space<vmem>>, vector<1x1x16xf32>,
        %get3A_1547 = arith.index_cast %rem3A_173 : i32 to index
        %get3A_1548 = arith.index_cast %add3A_1515 : i32 to index
        %get3A_1549 = arith.constant 32 : index
        %get3A_1550 = tpu.vector_load %arg10[%get3A_1547, %get3A_1548, %get3A_1549] {strides = array<i32>} : memref<4x80x128xf32, #tpu.memory_space<vmem>>, vector<1x1x16xf32>,
        %get3A_1551 = vector.shape_cast %get3A_1550 : vector<1x1x16xf32> to vector<16xf32>
        %max3A_1552 = arith.constant 0.000000e+00 : f32
        %max3A_1553 = vector.broadcast %max3A_1552 : f32 to vector<16xf32>
        %max3A_1554 = arith.maximumf %get3A_1551, %max3A_1553 : vector<16xf32>
        %mul3A_1555 = arith.mulf %max3A_1554, %get3A_11 : vector<16xf32>
        %add3A_1556 = arith.addf %add3A_1540, %mul3A_1555 : vector<16xf32>
        %swap3A_1557 = arith.index_cast %rem3A_173 : i32 to index
        %swap3A_1558 = arith.index_cast %add3A_1515 : i32 to index
        %swap3A_1559 = arith.constant 32 : index
        %swap3A_1560 = tpu.vector_load %arg10[%swap3A_1557, %swap3A_1558, %swap3A_1559] {strides = array<i32>} : memref<4x80x128xf32, #tpu.memory_space<vmem>>, vector<1x1x16xf32>,
        %swap3A_1561 = vector.shape_cast %swap3A_1560 : vector<1x1x16xf32> to vector<16xf32>
        %swap3A_1562 = vector.shape_cast %broadcast_in_dim3A_63 : vector<16xf32> to vector<1x1x16xf32>
        tpu.vector_store %arg10[%swap3A_1557, %swap3A_1558, %swap3A_1559], %swap3A_1562 {strides = array<i32>} : memref<4x80x128xf32, #tpu.memory_space<vmem>>, vector<1x1x16xf32>,
        %get3A_1563 = arith.index_cast %rem3A_173 : i32 to index
        %get3A_1564 = arith.index_cast %add3A_1515 : i32 to index
        %get3A_1565 = arith.constant 48 : index
        %get3A_1566 = tpu.vector_load %arg10[%get3A_1563, %get3A_1564, %get3A_1565] {strides = array<i32>} : memref<4x80x128xf32, #tpu.memory_space<vmem>>, vector<1x1x16xf32>,
        %get3A_1567 = vector.shape_cast %get3A_1566 : vector<1x1x16xf32> to vector<16xf32>
        %max3A_1568 = arith.constant 0.000000e+00 : f32
        %max3A_1569 = vector.broadcast %max3A_1568 : f32 to vector<16xf32>
        %max3A_1570 = arith.maximumf %get3A_1567, %max3A_1569 : vector<16xf32>
        %mul3A_1571 = arith.mulf %max3A_1570, %get3A_14 : vector<16xf32>
        %add3A_1572 = arith.addf %add3A_1556, %mul3A_1571 : vector<16xf32>
        %swap3A_1573 = arith.index_cast %rem3A_173 : i32 to index
        %swap3A_1574 = arith.index_cast %add3A_1515 : i32 to index
        %swap3A_1575 = arith.constant 48 : index
        %swap3A_1576 = tpu.vector_load %arg10[%swap3A_1573, %swap3A_1574, %swap3A_1575] {strides = array<i32>} : memref<4x80x128xf32, #tpu.memory_space<vmem>>, vector<1x1x16xf32>,
        %swap3A_1577 = vector.shape_cast %swap3A_1576 : vector<1x1x16xf32> to vector<16xf32>
        %swap3A_1578 = vector.shape_cast %broadcast_in_dim3A_63 : vector<16xf32> to vector<1x1x16xf32>
        tpu.vector_store %arg10[%swap3A_1573, %swap3A_1574, %swap3A_1575], %swap3A_1578 {strides = array<i32>} : memref<4x80x128xf32, #tpu.memory_space<vmem>>, vector<1x1x16xf32>,
        %get3A_1579 = arith.index_cast %rem3A_173 : i32 to index
        %get3A_1580 = arith.index_cast %add3A_1515 : i32 to index
        %get3A_1581 = arith.constant 64 : index
        %get3A_1582 = tpu.vector_load %arg10[%get3A_1579, %get3A_1580, %get3A_1581] {strides = array<i32>} : memref<4x80x128xf32, #tpu.memory_space<vmem>>, vector<1x1x16xf32>,
        %get3A_1583 = vector.shape_cast %get3A_1582 : vector<1x1x16xf32> to vector<16xf32>
        %max3A_1584 = arith.constant 0.000000e+00 : f32
        %max3A_1585 = vector.broadcast %max3A_1584 : f32 to vector<16xf32>
        %max3A_1586 = arith.maximumf %get3A_1583, %max3A_1585 : vector<16xf32>
        %mul3A_1587 = arith.mulf %max3A_1586, %get3A_17 : vector<16xf32>
        %add3A_1588 = arith.addf %add3A_1572, %mul3A_1587 : vector<16xf32>
        %swap3A_1589 = arith.index_cast %rem3A_173 : i32 to index
        %swap3A_1590 = arith.index_cast %add3A_1515 : i32 to index
        %swap3A_1591 = arith.constant 64 : index
        %swap3A_1592 = tpu.vector_load %arg10[%swap3A_1589, %swap3A_1590, %swap3A_1591] {strides = array<i32>} : memref<4x80x128xf32, #tpu.memory_space<vmem>>, vector<1x1x16xf32>,
        %swap3A_1593 = vector.shape_cast %swap3A_1592 : vector<1x1x16xf32> to vector<16xf32>
        %swap3A_1594 = vector.shape_cast %broadcast_in_dim3A_63 : vector<16xf32> to vector<1x1x16xf32>
        tpu.vector_store %arg10[%swap3A_1589, %swap3A_1590, %swap3A_1591], %swap3A_1594 {strides = array<i32>} : memref<4x80x128xf32, #tpu.memory_space<vmem>>, vector<1x1x16xf32>,
        %get3A_1595 = arith.index_cast %rem3A_173 : i32 to index
        %get3A_1596 = arith.index_cast %add3A_1515 : i32 to index
        %get3A_1597 = arith.constant 80 : index
        %get3A_1598 = tpu.vector_load %arg10[%get3A_1595, %get3A_1596, %get3A_1597] {strides = array<i32>} : memref<4x80x128xf32, #tpu.memory_space<vmem>>, vector<1x1x16xf32>,
        %get3A_1599 = vector.shape_cast %get3A_1598 : vector<1x1x16xf32> to vector<16xf32>
        %max3A_1600 = arith.constant 0.000000e+00 : f32
        %max3A_1601 = vector.broadcast %max3A_1600 : f32 to vector<16xf32>
        %max3A_1602 = arith.maximumf %get3A_1599, %max3A_1601 : vector<16xf32>
        %mul3A_1603 = arith.mulf %max3A_1602, %get3A_20 : vector<16xf32>
        %add3A_1604 = arith.addf %add3A_1588, %mul3A_1603 : vector<16xf32>
        %swap3A_1605 = arith.index_cast %rem3A_173 : i32 to index
        %swap3A_1606 = arith.index_cast %add3A_1515 : i32 to index
        %swap3A_1607 = arith.constant 80 : index
        %swap3A_1608 = tpu.vector_load %arg10[%swap3A_1605, %swap3A_1606, %swap3A_1607] {strides = array<i32>} : memref<4x80x128xf32, #tpu.memory_space<vmem>>, vector<1x1x16xf32>,
        %swap3A_1609 = vector.shape_cast %swap3A_1608 : vector<1x1x16xf32> to vector<16xf32>
        %swap3A_1610 = vector.shape_cast %broadcast_in_dim3A_63 : vector<16xf32> to vector<1x1x16xf32>
        tpu.vector_store %arg10[%swap3A_1605, %swap3A_1606, %swap3A_1607], %swap3A_1610 {strides = array<i32>} : memref<4x80x128xf32, #tpu.memory_space<vmem>>, vector<1x1x16xf32>,
        %get3A_1611 = arith.index_cast %rem3A_173 : i32 to index
        %get3A_1612 = arith.index_cast %add3A_1515 : i32 to index
        %get3A_1613 = arith.constant 96 : index
        %get3A_1614 = tpu.vector_load %arg10[%get3A_1611, %get3A_1612, %get3A_1613] {strides = array<i32>} : memref<4x80x128xf32, #tpu.memory_space<vmem>>, vector<1x1x16xf32>,
        %get3A_1615 = vector.shape_cast %get3A_1614 : vector<1x1x16xf32> to vector<16xf32>
        %max3A_1616 = arith.constant 0.000000e+00 : f32
        %max3A_1617 = vector.broadcast %max3A_1616 : f32 to vector<16xf32>
        %max3A_1618 = arith.maximumf %get3A_1615, %max3A_1617 : vector<16xf32>
        %mul3A_1619 = arith.mulf %max3A_1618, %get3A_23 : vector<16xf32>
        %add3A_1620 = arith.addf %add3A_1604, %mul3A_1619 : vector<16xf32>
        %swap3A_1621 = arith.index_cast %rem3A_173 : i32 to index
        %swap3A_1622 = arith.index_cast %add3A_1515 : i32 to index
        %swap3A_1623 = arith.constant 96 : index
        %swap3A_1624 = tpu.vector_load %arg10[%swap3A_1621, %swap3A_1622, %swap3A_1623] {strides = array<i32>} : memref<4x80x128xf32, #tpu.memory_space<vmem>>, vector<1x1x16xf32>,
        %swap3A_1625 = vector.shape_cast %swap3A_1624 : vector<1x1x16xf32> to vector<16xf32>
        %swap3A_1626 = vector.shape_cast %broadcast_in_dim3A_63 : vector<16xf32> to vector<1x1x16xf32>
        tpu.vector_store %arg10[%swap3A_1621, %swap3A_1622, %swap3A_1623], %swap3A_1626 {strides = array<i32>} : memref<4x80x128xf32, #tpu.memory_space<vmem>>, vector<1x1x16xf32>,
        %get3A_1627 = arith.index_cast %rem3A_173 : i32 to index
        %get3A_1628 = arith.index_cast %add3A_1515 : i32 to index
        %get3A_1629 = arith.constant 112 : index
        %get3A_1630 = tpu.vector_load %arg10[%get3A_1627, %get3A_1628, %get3A_1629] {strides = array<i32>} : memref<4x80x128xf32, #tpu.memory_space<vmem>>, vector<1x1x16xf32>,
        %get3A_1631 = vector.shape_cast %get3A_1630 : vector<1x1x16xf32> to vector<16xf32>
        %max3A_1632 = arith.constant 0.000000e+00 : f32
        %max3A_1633 = vector.broadcast %max3A_1632 : f32 to vector<16xf32>
        %max3A_1634 = arith.maximumf %get3A_1631, %max3A_1633 : vector<16xf32>
        %mul3A_1635 = arith.mulf %max3A_1634, %get3A_26 : vector<16xf32>
        %add3A_1636 = arith.addf %add3A_1620, %mul3A_1635 : vector<16xf32>
        %swap3A_1637 = arith.index_cast %rem3A_173 : i32 to index
        %swap3A_1638 = arith.index_cast %add3A_1515 : i32 to index
        %swap3A_1639 = arith.constant 112 : index
        %swap3A_1640 = tpu.vector_load %arg10[%swap3A_1637, %swap3A_1638, %swap3A_1639] {strides = array<i32>} : memref<4x80x128xf32, #tpu.memory_space<vmem>>, vector<1x1x16xf32>,
        %swap3A_1641 = vector.shape_cast %swap3A_1640 : vector<1x1x16xf32> to vector<16xf32>
        %swap3A_1642 = vector.shape_cast %broadcast_in_dim3A_63 : vector<16xf32> to vector<1x1x16xf32>
        tpu.vector_store %arg10[%swap3A_1637, %swap3A_1638, %swap3A_1639], %swap3A_1642 {strides = array<i32>} : memref<4x80x128xf32, #tpu.memory_space<vmem>>, vector<1x1x16xf32>,
        %mul3A_1643 = arith.constant 16 : i32
        %mul3A_1644 = arith.muli %scan3A_203, %mul3A_1643 : i32
        %add3A_1645 = arith.constant 11 : i32
        %add3A_1646 = arith.addi %mul3A_1644, %add3A_1645 : i32
        %get3A_1647 = arith.index_cast %rem3A_173 : i32 to index
        %get3A_1648 = arith.index_cast %add3A_1646 : i32 to index
        %get3A_1649 = arith.constant 0 : index
        %get3A_1650 = tpu.vector_load %arg10[%get3A_1647, %get3A_1648, %get3A_1649] {strides = array<i32>} : memref<4x80x128xf32, #tpu.memory_space<vmem>>, vector<1x1x16xf32>,
        %get3A_1651 = vector.shape_cast %get3A_1650 : vector<1x1x16xf32> to vector<16xf32>
        %max3A_1652 = arith.constant 0.000000e+00 : f32
        %max3A_1653 = vector.broadcast %max3A_1652 : f32 to vector<16xf32>
        %max3A_1654 = arith.maximumf %get3A_1651, %max3A_1653 : vector<16xf32>
        %mul3A_1655 = arith.mulf %max3A_1654, %get3A_5 : vector<16xf32>
        %swap3A_1656 = arith.index_cast %rem3A_173 : i32 to index
        %swap3A_1657 = arith.index_cast %add3A_1646 : i32 to index
        %swap3A_1658 = arith.constant 0 : index
        %swap3A_1659 = tpu.vector_load %arg10[%swap3A_1656, %swap3A_1657, %swap3A_1658] {strides = array<i32>} : memref<4x80x128xf32, #tpu.memory_space<vmem>>, vector<1x1x16xf32>,
        %swap3A_1660 = vector.shape_cast %swap3A_1659 : vector<1x1x16xf32> to vector<16xf32>
        %swap3A_1661 = vector.shape_cast %broadcast_in_dim3A_63 : vector<16xf32> to vector<1x1x16xf32>
        tpu.vector_store %arg10[%swap3A_1656, %swap3A_1657, %swap3A_1658], %swap3A_1661 {strides = array<i32>} : memref<4x80x128xf32, #tpu.memory_space<vmem>>, vector<1x1x16xf32>,
        %get3A_1662 = arith.index_cast %rem3A_173 : i32 to index
        %get3A_1663 = arith.index_cast %add3A_1646 : i32 to index
        %get3A_1664 = arith.constant 16 : index
        %get3A_1665 = tpu.vector_load %arg10[%get3A_1662, %get3A_1663, %get3A_1664] {strides = array<i32>} : memref<4x80x128xf32, #tpu.memory_space<vmem>>, vector<1x1x16xf32>,
        %get3A_1666 = vector.shape_cast %get3A_1665 : vector<1x1x16xf32> to vector<16xf32>
        %max3A_1667 = arith.constant 0.000000e+00 : f32
        %max3A_1668 = vector.broadcast %max3A_1667 : f32 to vector<16xf32>
        %max3A_1669 = arith.maximumf %get3A_1666, %max3A_1668 : vector<16xf32>
        %mul3A_1670 = arith.mulf %max3A_1669, %get3A_8 : vector<16xf32>
        %add3A_1671 = arith.addf %mul3A_1655, %mul3A_1670 : vector<16xf32>
        %swap3A_1672 = arith.index_cast %rem3A_173 : i32 to index
        %swap3A_1673 = arith.index_cast %add3A_1646 : i32 to index
        %swap3A_1674 = arith.constant 16 : index
        %swap3A_1675 = tpu.vector_load %arg10[%swap3A_1672, %swap3A_1673, %swap3A_1674] {strides = array<i32>} : memref<4x80x128xf32, #tpu.memory_space<vmem>>, vector<1x1x16xf32>,
        %swap3A_1676 = vector.shape_cast %swap3A_1675 : vector<1x1x16xf32> to vector<16xf32>
        %swap3A_1677 = vector.shape_cast %broadcast_in_dim3A_63 : vector<16xf32> to vector<1x1x16xf32>
        tpu.vector_store %arg10[%swap3A_1672, %swap3A_1673, %swap3A_1674], %swap3A_1677 {strides = array<i32>} : memref<4x80x128xf32, #tpu.memory_space<vmem>>, vector<1x1x16xf32>,
        %get3A_1678 = arith.index_cast %rem3A_173 : i32 to index
        %get3A_1679 = arith.index_cast %add3A_1646 : i32 to index
        %get3A_1680 = arith.constant 32 : index
        %get3A_1681 = tpu.vector_load %arg10[%get3A_1678, %get3A_1679, %get3A_1680] {strides = array<i32>} : memref<4x80x128xf32, #tpu.memory_space<vmem>>, vector<1x1x16xf32>,
        %get3A_1682 = vector.shape_cast %get3A_1681 : vector<1x1x16xf32> to vector<16xf32>
        %max3A_1683 = arith.constant 0.000000e+00 : f32
        %max3A_1684 = vector.broadcast %max3A_1683 : f32 to vector<16xf32>
        %max3A_1685 = arith.maximumf %get3A_1682, %max3A_1684 : vector<16xf32>
        %mul3A_1686 = arith.mulf %max3A_1685, %get3A_11 : vector<16xf32>
        %add3A_1687 = arith.addf %add3A_1671, %mul3A_1686 : vector<16xf32>
        %swap3A_1688 = arith.index_cast %rem3A_173 : i32 to index
        %swap3A_1689 = arith.index_cast %add3A_1646 : i32 to index
        %swap3A_1690 = arith.constant 32 : index
        %swap3A_1691 = tpu.vector_load %arg10[%swap3A_1688, %swap3A_1689, %swap3A_1690] {strides = array<i32>} : memref<4x80x128xf32, #tpu.memory_space<vmem>>, vector<1x1x16xf32>,
        %swap3A_1692 = vector.shape_cast %swap3A_1691 : vector<1x1x16xf32> to vector<16xf32>
        %swap3A_1693 = vector.shape_cast %broadcast_in_dim3A_63 : vector<16xf32> to vector<1x1x16xf32>
        tpu.vector_store %arg10[%swap3A_1688, %swap3A_1689, %swap3A_1690], %swap3A_1693 {strides = array<i32>} : memref<4x80x128xf32, #tpu.memory_space<vmem>>, vector<1x1x16xf32>,
        %get3A_1694 = arith.index_cast %rem3A_173 : i32 to index
        %get3A_1695 = arith.index_cast %add3A_1646 : i32 to index
        %get3A_1696 = arith.constant 48 : index
        %get3A_1697 = tpu.vector_load %arg10[%get3A_1694, %get3A_1695, %get3A_1696] {strides = array<i32>} : memref<4x80x128xf32, #tpu.memory_space<vmem>>, vector<1x1x16xf32>,
        %get3A_1698 = vector.shape_cast %get3A_1697 : vector<1x1x16xf32> to vector<16xf32>
        %max3A_1699 = arith.constant 0.000000e+00 : f32
        %max3A_1700 = vector.broadcast %max3A_1699 : f32 to vector<16xf32>
        %max3A_1701 = arith.maximumf %get3A_1698, %max3A_1700 : vector<16xf32>
        %mul3A_1702 = arith.mulf %max3A_1701, %get3A_14 : vector<16xf32>
        %add3A_1703 = arith.addf %add3A_1687, %mul3A_1702 : vector<16xf32>
        %swap3A_1704 = arith.index_cast %rem3A_173 : i32 to index
        %swap3A_1705 = arith.index_cast %add3A_1646 : i32 to index
        %swap3A_1706 = arith.constant 48 : index
        %swap3A_1707 = tpu.vector_load %arg10[%swap3A_1704, %swap3A_1705, %swap3A_1706] {strides = array<i32>} : memref<4x80x128xf32, #tpu.memory_space<vmem>>, vector<1x1x16xf32>,
        %swap3A_1708 = vector.shape_cast %swap3A_1707 : vector<1x1x16xf32> to vector<16xf32>
        %swap3A_1709 = vector.shape_cast %broadcast_in_dim3A_63 : vector<16xf32> to vector<1x1x16xf32>
        tpu.vector_store %arg10[%swap3A_1704, %swap3A_1705, %swap3A_1706], %swap3A_1709 {strides = array<i32>} : memref<4x80x128xf32, #tpu.memory_space<vmem>>, vector<1x1x16xf32>,
        %get3A_1710 = arith.index_cast %rem3A_173 : i32 to index
        %get3A_1711 = arith.index_cast %add3A_1646 : i32 to index
        %get3A_1712 = arith.constant 64 : index
        %get3A_1713 = tpu.vector_load %arg10[%get3A_1710, %get3A_1711, %get3A_1712] {strides = array<i32>} : memref<4x80x128xf32, #tpu.memory_space<vmem>>, vector<1x1x16xf32>,
        %get3A_1714 = vector.shape_cast %get3A_1713 : vector<1x1x16xf32> to vector<16xf32>
        %max3A_1715 = arith.constant 0.000000e+00 : f32
        %max3A_1716 = vector.broadcast %max3A_1715 : f32 to vector<16xf32>
        %max3A_1717 = arith.maximumf %get3A_1714, %max3A_1716 : vector<16xf32>
        %mul3A_1718 = arith.mulf %max3A_1717, %get3A_17 : vector<16xf32>
        %add3A_1719 = arith.addf %add3A_1703, %mul3A_1718 : vector<16xf32>
        %swap3A_1720 = arith.index_cast %rem3A_173 : i32 to index
        %swap3A_1721 = arith.index_cast %add3A_1646 : i32 to index
        %swap3A_1722 = arith.constant 64 : index
        %swap3A_1723 = tpu.vector_load %arg10[%swap3A_1720, %swap3A_1721, %swap3A_1722] {strides = array<i32>} : memref<4x80x128xf32, #tpu.memory_space<vmem>>, vector<1x1x16xf32>,
        %swap3A_1724 = vector.shape_cast %swap3A_1723 : vector<1x1x16xf32> to vector<16xf32>
        %swap3A_1725 = vector.shape_cast %broadcast_in_dim3A_63 : vector<16xf32> to vector<1x1x16xf32>
        tpu.vector_store %arg10[%swap3A_1720, %swap3A_1721, %swap3A_1722], %swap3A_1725 {strides = array<i32>} : memref<4x80x128xf32, #tpu.memory_space<vmem>>, vector<1x1x16xf32>,
        %get3A_1726 = arith.index_cast %rem3A_173 : i32 to index
        %get3A_1727 = arith.index_cast %add3A_1646 : i32 to index
        %get3A_1728 = arith.constant 80 : index
        %get3A_1729 = tpu.vector_load %arg10[%get3A_1726, %get3A_1727, %get3A_1728] {strides = array<i32>} : memref<4x80x128xf32, #tpu.memory_space<vmem>>, vector<1x1x16xf32>,
        %get3A_1730 = vector.shape_cast %get3A_1729 : vector<1x1x16xf32> to vector<16xf32>
        %max3A_1731 = arith.constant 0.000000e+00 : f32
        %max3A_1732 = vector.broadcast %max3A_1731 : f32 to vector<16xf32>
        %max3A_1733 = arith.maximumf %get3A_1730, %max3A_1732 : vector<16xf32>
        %mul3A_1734 = arith.mulf %max3A_1733, %get3A_20 : vector<16xf32>
        %add3A_1735 = arith.addf %add3A_1719, %mul3A_1734 : vector<16xf32>
        %swap3A_1736 = arith.index_cast %rem3A_173 : i32 to index
        %swap3A_1737 = arith.index_cast %add3A_1646 : i32 to index
        %swap3A_1738 = arith.constant 80 : index
        %swap3A_1739 = tpu.vector_load %arg10[%swap3A_1736, %swap3A_1737, %swap3A_1738] {strides = array<i32>} : memref<4x80x128xf32, #tpu.memory_space<vmem>>, vector<1x1x16xf32>,
        %swap3A_1740 = vector.shape_cast %swap3A_1739 : vector<1x1x16xf32> to vector<16xf32>
        %swap3A_1741 = vector.shape_cast %broadcast_in_dim3A_63 : vector<16xf32> to vector<1x1x16xf32>
        tpu.vector_store %arg10[%swap3A_1736, %swap3A_1737, %swap3A_1738], %swap3A_1741 {strides = array<i32>} : memref<4x80x128xf32, #tpu.memory_space<vmem>>, vector<1x1x16xf32>,
        %get3A_1742 = arith.index_cast %rem3A_173 : i32 to index
        %get3A_1743 = arith.index_cast %add3A_1646 : i32 to index
        %get3A_1744 = arith.constant 96 : index
        %get3A_1745 = tpu.vector_load %arg10[%get3A_1742, %get3A_1743, %get3A_1744] {strides = array<i32>} : memref<4x80x128xf32, #tpu.memory_space<vmem>>, vector<1x1x16xf32>,
        %get3A_1746 = vector.shape_cast %get3A_1745 : vector<1x1x16xf32> to vector<16xf32>
        %max3A_1747 = arith.constant 0.000000e+00 : f32
        %max3A_1748 = vector.broadcast %max3A_1747 : f32 to vector<16xf32>
        %max3A_1749 = arith.maximumf %get3A_1746, %max3A_1748 : vector<16xf32>
        %mul3A_1750 = arith.mulf %max3A_1749, %get3A_23 : vector<16xf32>
        %add3A_1751 = arith.addf %add3A_1735, %mul3A_1750 : vector<16xf32>
        %swap3A_1752 = arith.index_cast %rem3A_173 : i32 to index
        %swap3A_1753 = arith.index_cast %add3A_1646 : i32 to index
        %swap3A_1754 = arith.constant 96 : index
        %swap3A_1755 = tpu.vector_load %arg10[%swap3A_1752, %swap3A_1753, %swap3A_1754] {strides = array<i32>} : memref<4x80x128xf32, #tpu.memory_space<vmem>>, vector<1x1x16xf32>,
        %swap3A_1756 = vector.shape_cast %swap3A_1755 : vector<1x1x16xf32> to vector<16xf32>
        %swap3A_1757 = vector.shape_cast %broadcast_in_dim3A_63 : vector<16xf32> to vector<1x1x16xf32>
        tpu.vector_store %arg10[%swap3A_1752, %swap3A_1753, %swap3A_1754], %swap3A_1757 {strides = array<i32>} : memref<4x80x128xf32, #tpu.memory_space<vmem>>, vector<1x1x16xf32>,
        %get3A_1758 = arith.index_cast %rem3A_173 : i32 to index
        %get3A_1759 = arith.index_cast %add3A_1646 : i32 to index
        %get3A_1760 = arith.constant 112 : index
        %get3A_1761 = tpu.vector_load %arg10[%get3A_1758, %get3A_1759, %get3A_1760] {strides = array<i32>} : memref<4x80x128xf32, #tpu.memory_space<vmem>>, vector<1x1x16xf32>,
        %get3A_1762 = vector.shape_cast %get3A_1761 : vector<1x1x16xf32> to vector<16xf32>
        %max3A_1763 = arith.constant 0.000000e+00 : f32
        %max3A_1764 = vector.broadcast %max3A_1763 : f32 to vector<16xf32>
        %max3A_1765 = arith.maximumf %get3A_1762, %max3A_1764 : vector<16xf32>
        %mul3A_1766 = arith.mulf %max3A_1765, %get3A_26 : vector<16xf32>
        %add3A_1767 = arith.addf %add3A_1751, %mul3A_1766 : vector<16xf32>
        %swap3A_1768 = arith.index_cast %rem3A_173 : i32 to index
        %swap3A_1769 = arith.index_cast %add3A_1646 : i32 to index
        %swap3A_1770 = arith.constant 112 : index
        %swap3A_1771 = tpu.vector_load %arg10[%swap3A_1768, %swap3A_1769, %swap3A_1770] {strides = array<i32>} : memref<4x80x128xf32, #tpu.memory_space<vmem>>, vector<1x1x16xf32>,
        %swap3A_1772 = vector.shape_cast %swap3A_1771 : vector<1x1x16xf32> to vector<16xf32>
        %swap3A_1773 = vector.shape_cast %broadcast_in_dim3A_63 : vector<16xf32> to vector<1x1x16xf32>
        tpu.vector_store %arg10[%swap3A_1768, %swap3A_1769, %swap3A_1770], %swap3A_1773 {strides = array<i32>} : memref<4x80x128xf32, #tpu.memory_space<vmem>>, vector<1x1x16xf32>,
        %mul3A_1774 = arith.constant 16 : i32
        %mul3A_1775 = arith.muli %scan3A_203, %mul3A_1774 : i32
        %add3A_1776 = arith.constant 12 : i32
        %add3A_1777 = arith.addi %mul3A_1775, %add3A_1776 : i32
        %get3A_1778 = arith.index_cast %rem3A_173 : i32 to index
        %get3A_1779 = arith.index_cast %add3A_1777 : i32 to index
        %get3A_1780 = arith.constant 0 : index
        %get3A_1781 = tpu.vector_load %arg10[%get3A_1778, %get3A_1779, %get3A_1780] {strides = array<i32>} : memref<4x80x128xf32, #tpu.memory_space<vmem>>, vector<1x1x16xf32>,
        %get3A_1782 = vector.shape_cast %get3A_1781 : vector<1x1x16xf32> to vector<16xf32>
        %max3A_1783 = arith.constant 0.000000e+00 : f32
        %max3A_1784 = vector.broadcast %max3A_1783 : f32 to vector<16xf32>
        %max3A_1785 = arith.maximumf %get3A_1782, %max3A_1784 : vector<16xf32>
        %mul3A_1786 = arith.mulf %max3A_1785, %get3A_5 : vector<16xf32>
        %swap3A_1787 = arith.index_cast %rem3A_173 : i32 to index
        %swap3A_1788 = arith.index_cast %add3A_1777 : i32 to index
        %swap3A_1789 = arith.constant 0 : index
        %swap3A_1790 = tpu.vector_load %arg10[%swap3A_1787, %swap3A_1788, %swap3A_1789] {strides = array<i32>} : memref<4x80x128xf32, #tpu.memory_space<vmem>>, vector<1x1x16xf32>,
        %swap3A_1791 = vector.shape_cast %swap3A_1790 : vector<1x1x16xf32> to vector<16xf32>
        %swap3A_1792 = vector.shape_cast %broadcast_in_dim3A_63 : vector<16xf32> to vector<1x1x16xf32>
        tpu.vector_store %arg10[%swap3A_1787, %swap3A_1788, %swap3A_1789], %swap3A_1792 {strides = array<i32>} : memref<4x80x128xf32, #tpu.memory_space<vmem>>, vector<1x1x16xf32>,
        %get3A_1793 = arith.index_cast %rem3A_173 : i32 to index
        %get3A_1794 = arith.index_cast %add3A_1777 : i32 to index
        %get3A_1795 = arith.constant 16 : index
        %get3A_1796 = tpu.vector_load %arg10[%get3A_1793, %get3A_1794, %get3A_1795] {strides = array<i32>} : memref<4x80x128xf32, #tpu.memory_space<vmem>>, vector<1x1x16xf32>,
        %get3A_1797 = vector.shape_cast %get3A_1796 : vector<1x1x16xf32> to vector<16xf32>
        %max3A_1798 = arith.constant 0.000000e+00 : f32
        %max3A_1799 = vector.broadcast %max3A_1798 : f32 to vector<16xf32>
        %max3A_1800 = arith.maximumf %get3A_1797, %max3A_1799 : vector<16xf32>
        %mul3A_1801 = arith.mulf %max3A_1800, %get3A_8 : vector<16xf32>
        %add3A_1802 = arith.addf %mul3A_1786, %mul3A_1801 : vector<16xf32>
        %swap3A_1803 = arith.index_cast %rem3A_173 : i32 to index
        %swap3A_1804 = arith.index_cast %add3A_1777 : i32 to index
        %swap3A_1805 = arith.constant 16 : index
        %swap3A_1806 = tpu.vector_load %arg10[%swap3A_1803, %swap3A_1804, %swap3A_1805] {strides = array<i32>} : memref<4x80x128xf32, #tpu.memory_space<vmem>>, vector<1x1x16xf32>,
        %swap3A_1807 = vector.shape_cast %swap3A_1806 : vector<1x1x16xf32> to vector<16xf32>
        %swap3A_1808 = vector.shape_cast %broadcast_in_dim3A_63 : vector<16xf32> to vector<1x1x16xf32>
        tpu.vector_store %arg10[%swap3A_1803, %swap3A_1804, %swap3A_1805], %swap3A_1808 {strides = array<i32>} : memref<4x80x128xf32, #tpu.memory_space<vmem>>, vector<1x1x16xf32>,
        %get3A_1809 = arith.index_cast %rem3A_173 : i32 to index
        %get3A_1810 = arith.index_cast %add3A_1777 : i32 to index
        %get3A_1811 = arith.constant 32 : index
        %get3A_1812 = tpu.vector_load %arg10[%get3A_1809, %get3A_1810, %get3A_1811] {strides = array<i32>} : memref<4x80x128xf32, #tpu.memory_space<vmem>>, vector<1x1x16xf32>,
        %get3A_1813 = vector.shape_cast %get3A_1812 : vector<1x1x16xf32> to vector<16xf32>
        %max3A_1814 = arith.constant 0.000000e+00 : f32
        %max3A_1815 = vector.broadcast %max3A_1814 : f32 to vector<16xf32>
        %max3A_1816 = arith.maximumf %get3A_1813, %max3A_1815 : vector<16xf32>
        %mul3A_1817 = arith.mulf %max3A_1816, %get3A_11 : vector<16xf32>
        %add3A_1818 = arith.addf %add3A_1802, %mul3A_1817 : vector<16xf32>
        %swap3A_1819 = arith.index_cast %rem3A_173 : i32 to index
        %swap3A_1820 = arith.index_cast %add3A_1777 : i32 to index
        %swap3A_1821 = arith.constant 32 : index
        %swap3A_1822 = tpu.vector_load %arg10[%swap3A_1819, %swap3A_1820, %swap3A_1821] {strides = array<i32>} : memref<4x80x128xf32, #tpu.memory_space<vmem>>, vector<1x1x16xf32>,
        %swap3A_1823 = vector.shape_cast %swap3A_1822 : vector<1x1x16xf32> to vector<16xf32>
        %swap3A_1824 = vector.shape_cast %broadcast_in_dim3A_63 : vector<16xf32> to vector<1x1x16xf32>
        tpu.vector_store %arg10[%swap3A_1819, %swap3A_1820, %swap3A_1821], %swap3A_1824 {strides = array<i32>} : memref<4x80x128xf32, #tpu.memory_space<vmem>>, vector<1x1x16xf32>,
        %get3A_1825 = arith.index_cast %rem3A_173 : i32 to index
        %get3A_1826 = arith.index_cast %add3A_1777 : i32 to index
        %get3A_1827 = arith.constant 48 : index
        %get3A_1828 = tpu.vector_load %arg10[%get3A_1825, %get3A_1826, %get3A_1827] {strides = array<i32>} : memref<4x80x128xf32, #tpu.memory_space<vmem>>, vector<1x1x16xf32>,
        %get3A_1829 = vector.shape_cast %get3A_1828 : vector<1x1x16xf32> to vector<16xf32>
        %max3A_1830 = arith.constant 0.000000e+00 : f32
        %max3A_1831 = vector.broadcast %max3A_1830 : f32 to vector<16xf32>
        %max3A_1832 = arith.maximumf %get3A_1829, %max3A_1831 : vector<16xf32>
        %mul3A_1833 = arith.mulf %max3A_1832, %get3A_14 : vector<16xf32>
        %add3A_1834 = arith.addf %add3A_1818, %mul3A_1833 : vector<16xf32>
        %swap3A_1835 = arith.index_cast %rem3A_173 : i32 to index
        %swap3A_1836 = arith.index_cast %add3A_1777 : i32 to index
        %swap3A_1837 = arith.constant 48 : index
        %swap3A_1838 = tpu.vector_load %arg10[%swap3A_1835, %swap3A_1836, %swap3A_1837] {strides = array<i32>} : memref<4x80x128xf32, #tpu.memory_space<vmem>>, vector<1x1x16xf32>,
        %swap3A_1839 = vector.shape_cast %swap3A_1838 : vector<1x1x16xf32> to vector<16xf32>
        %swap3A_1840 = vector.shape_cast %broadcast_in_dim3A_63 : vector<16xf32> to vector<1x1x16xf32>
        tpu.vector_store %arg10[%swap3A_1835, %swap3A_1836, %swap3A_1837], %swap3A_1840 {strides = array<i32>} : memref<4x80x128xf32, #tpu.memory_space<vmem>>, vector<1x1x16xf32>,
        %get3A_1841 = arith.index_cast %rem3A_173 : i32 to index
        %get3A_1842 = arith.index_cast %add3A_1777 : i32 to index
        %get3A_1843 = arith.constant 64 : index
        %get3A_1844 = tpu.vector_load %arg10[%get3A_1841, %get3A_1842, %get3A_1843] {strides = array<i32>} : memref<4x80x128xf32, #tpu.memory_space<vmem>>, vector<1x1x16xf32>,
        %get3A_1845 = vector.shape_cast %get3A_1844 : vector<1x1x16xf32> to vector<16xf32>
        %max3A_1846 = arith.constant 0.000000e+00 : f32
        %max3A_1847 = vector.broadcast %max3A_1846 : f32 to vector<16xf32>
        %max3A_1848 = arith.maximumf %get3A_1845, %max3A_1847 : vector<16xf32>
        %mul3A_1849 = arith.mulf %max3A_1848, %get3A_17 : vector<16xf32>
        %add3A_1850 = arith.addf %add3A_1834, %mul3A_1849 : vector<16xf32>
        %swap3A_1851 = arith.index_cast %rem3A_173 : i32 to index
        %swap3A_1852 = arith.index_cast %add3A_1777 : i32 to index
        %swap3A_1853 = arith.constant 64 : index
        %swap3A_1854 = tpu.vector_load %arg10[%swap3A_1851, %swap3A_1852, %swap3A_1853] {strides = array<i32>} : memref<4x80x128xf32, #tpu.memory_space<vmem>>, vector<1x1x16xf32>,
        %swap3A_1855 = vector.shape_cast %swap3A_1854 : vector<1x1x16xf32> to vector<16xf32>
        %swap3A_1856 = vector.shape_cast %broadcast_in_dim3A_63 : vector<16xf32> to vector<1x1x16xf32>
        tpu.vector_store %arg10[%swap3A_1851, %swap3A_1852, %swap3A_1853], %swap3A_1856 {strides = array<i32>} : memref<4x80x128xf32, #tpu.memory_space<vmem>>, vector<1x1x16xf32>,
        %get3A_1857 = arith.index_cast %rem3A_173 : i32 to index
        %get3A_1858 = arith.index_cast %add3A_1777 : i32 to index
        %get3A_1859 = arith.constant 80 : index
        %get3A_1860 = tpu.vector_load %arg10[%get3A_1857, %get3A_1858, %get3A_1859] {strides = array<i32>} : memref<4x80x128xf32, #tpu.memory_space<vmem>>, vector<1x1x16xf32>,
        %get3A_1861 = vector.shape_cast %get3A_1860 : vector<1x1x16xf32> to vector<16xf32>
        %max3A_1862 = arith.constant 0.000000e+00 : f32
        %max3A_1863 = vector.broadcast %max3A_1862 : f32 to vector<16xf32>
        %max3A_1864 = arith.maximumf %get3A_1861, %max3A_1863 : vector<16xf32>
        %mul3A_1865 = arith.mulf %max3A_1864, %get3A_20 : vector<16xf32>
        %add3A_1866 = arith.addf %add3A_1850, %mul3A_1865 : vector<16xf32>
        %swap3A_1867 = arith.index_cast %rem3A_173 : i32 to index
        %swap3A_1868 = arith.index_cast %add3A_1777 : i32 to index
        %swap3A_1869 = arith.constant 80 : index
        %swap3A_1870 = tpu.vector_load %arg10[%swap3A_1867, %swap3A_1868, %swap3A_1869] {strides = array<i32>} : memref<4x80x128xf32, #tpu.memory_space<vmem>>, vector<1x1x16xf32>,
        %swap3A_1871 = vector.shape_cast %swap3A_1870 : vector<1x1x16xf32> to vector<16xf32>
        %swap3A_1872 = vector.shape_cast %broadcast_in_dim3A_63 : vector<16xf32> to vector<1x1x16xf32>
        tpu.vector_store %arg10[%swap3A_1867, %swap3A_1868, %swap3A_1869], %swap3A_1872 {strides = array<i32>} : memref<4x80x128xf32, #tpu.memory_space<vmem>>, vector<1x1x16xf32>,
        %get3A_1873 = arith.index_cast %rem3A_173 : i32 to index
        %get3A_1874 = arith.index_cast %add3A_1777 : i32 to index
        %get3A_1875 = arith.constant 96 : index
        %get3A_1876 = tpu.vector_load %arg10[%get3A_1873, %get3A_1874, %get3A_1875] {strides = array<i32>} : memref<4x80x128xf32, #tpu.memory_space<vmem>>, vector<1x1x16xf32>,
        %get3A_1877 = vector.shape_cast %get3A_1876 : vector<1x1x16xf32> to vector<16xf32>
        %max3A_1878 = arith.constant 0.000000e+00 : f32
        %max3A_1879 = vector.broadcast %max3A_1878 : f32 to vector<16xf32>
        %max3A_1880 = arith.maximumf %get3A_1877, %max3A_1879 : vector<16xf32>
        %mul3A_1881 = arith.mulf %max3A_1880, %get3A_23 : vector<16xf32>
        %add3A_1882 = arith.addf %add3A_1866, %mul3A_1881 : vector<16xf32>
        %swap3A_1883 = arith.index_cast %rem3A_173 : i32 to index
        %swap3A_1884 = arith.index_cast %add3A_1777 : i32 to index
        %swap3A_1885 = arith.constant 96 : index
        %swap3A_1886 = tpu.vector_load %arg10[%swap3A_1883, %swap3A_1884, %swap3A_1885] {strides = array<i32>} : memref<4x80x128xf32, #tpu.memory_space<vmem>>, vector<1x1x16xf32>,
        %swap3A_1887 = vector.shape_cast %swap3A_1886 : vector<1x1x16xf32> to vector<16xf32>
        %swap3A_1888 = vector.shape_cast %broadcast_in_dim3A_63 : vector<16xf32> to vector<1x1x16xf32>
        tpu.vector_store %arg10[%swap3A_1883, %swap3A_1884, %swap3A_1885], %swap3A_1888 {strides = array<i32>} : memref<4x80x128xf32, #tpu.memory_space<vmem>>, vector<1x1x16xf32>,
        %get3A_1889 = arith.index_cast %rem3A_173 : i32 to index
        %get3A_1890 = arith.index_cast %add3A_1777 : i32 to index
        %get3A_1891 = arith.constant 112 : index
        %get3A_1892 = tpu.vector_load %arg10[%get3A_1889, %get3A_1890, %get3A_1891] {strides = array<i32>} : memref<4x80x128xf32, #tpu.memory_space<vmem>>, vector<1x1x16xf32>,
        %get3A_1893 = vector.shape_cast %get3A_1892 : vector<1x1x16xf32> to vector<16xf32>
        %max3A_1894 = arith.constant 0.000000e+00 : f32
        %max3A_1895 = vector.broadcast %max3A_1894 : f32 to vector<16xf32>
        %max3A_1896 = arith.maximumf %get3A_1893, %max3A_1895 : vector<16xf32>
        %mul3A_1897 = arith.mulf %max3A_1896, %get3A_26 : vector<16xf32>
        %add3A_1898 = arith.addf %add3A_1882, %mul3A_1897 : vector<16xf32>
        %swap3A_1899 = arith.index_cast %rem3A_173 : i32 to index
        %swap3A_1900 = arith.index_cast %add3A_1777 : i32 to index
        %swap3A_1901 = arith.constant 112 : index
        %swap3A_1902 = tpu.vector_load %arg10[%swap3A_1899, %swap3A_1900, %swap3A_1901] {strides = array<i32>} : memref<4x80x128xf32, #tpu.memory_space<vmem>>, vector<1x1x16xf32>,
        %swap3A_1903 = vector.shape_cast %swap3A_1902 : vector<1x1x16xf32> to vector<16xf32>
        %swap3A_1904 = vector.shape_cast %broadcast_in_dim3A_63 : vector<16xf32> to vector<1x1x16xf32>
        tpu.vector_store %arg10[%swap3A_1899, %swap3A_1900, %swap3A_1901], %swap3A_1904 {strides = array<i32>} : memref<4x80x128xf32, #tpu.memory_space<vmem>>, vector<1x1x16xf32>,
        %mul3A_1905 = arith.constant 16 : i32
        %mul3A_1906 = arith.muli %scan3A_203, %mul3A_1905 : i32
        %add3A_1907 = arith.constant 13 : i32
        %add3A_1908 = arith.addi %mul3A_1906, %add3A_1907 : i32
        %get3A_1909 = arith.index_cast %rem3A_173 : i32 to index
        %get3A_1910 = arith.index_cast %add3A_1908 : i32 to index
        %get3A_1911 = arith.constant 0 : index
        %get3A_1912 = tpu.vector_load %arg10[%get3A_1909, %get3A_1910, %get3A_1911] {strides = array<i32>} : memref<4x80x128xf32, #tpu.memory_space<vmem>>, vector<1x1x16xf32>,
        %get3A_1913 = vector.shape_cast %get3A_1912 : vector<1x1x16xf32> to vector<16xf32>
        %max3A_1914 = arith.constant 0.000000e+00 : f32
        %max3A_1915 = vector.broadcast %max3A_1914 : f32 to vector<16xf32>
        %max3A_1916 = arith.maximumf %get3A_1913, %max3A_1915 : vector<16xf32>
        %mul3A_1917 = arith.mulf %max3A_1916, %get3A_5 : vector<16xf32>
        %swap3A_1918 = arith.index_cast %rem3A_173 : i32 to index
        %swap3A_1919 = arith.index_cast %add3A_1908 : i32 to index
        %swap3A_1920 = arith.constant 0 : index
        %swap3A_1921 = tpu.vector_load %arg10[%swap3A_1918, %swap3A_1919, %swap3A_1920] {strides = array<i32>} : memref<4x80x128xf32, #tpu.memory_space<vmem>>, vector<1x1x16xf32>,
        %swap3A_1922 = vector.shape_cast %swap3A_1921 : vector<1x1x16xf32> to vector<16xf32>
        %swap3A_1923 = vector.shape_cast %broadcast_in_dim3A_63 : vector<16xf32> to vector<1x1x16xf32>
        tpu.vector_store %arg10[%swap3A_1918, %swap3A_1919, %swap3A_1920], %swap3A_1923 {strides = array<i32>} : memref<4x80x128xf32, #tpu.memory_space<vmem>>, vector<1x1x16xf32>,
        %get3A_1924 = arith.index_cast %rem3A_173 : i32 to index
        %get3A_1925 = arith.index_cast %add3A_1908 : i32 to index
        %get3A_1926 = arith.constant 16 : index
        %get3A_1927 = tpu.vector_load %arg10[%get3A_1924, %get3A_1925, %get3A_1926] {strides = array<i32>} : memref<4x80x128xf32, #tpu.memory_space<vmem>>, vector<1x1x16xf32>,
        %get3A_1928 = vector.shape_cast %get3A_1927 : vector<1x1x16xf32> to vector<16xf32>
        %max3A_1929 = arith.constant 0.000000e+00 : f32
        %max3A_1930 = vector.broadcast %max3A_1929 : f32 to vector<16xf32>
        %max3A_1931 = arith.maximumf %get3A_1928, %max3A_1930 : vector<16xf32>
        %mul3A_1932 = arith.mulf %max3A_1931, %get3A_8 : vector<16xf32>
        %add3A_1933 = arith.addf %mul3A_1917, %mul3A_1932 : vector<16xf32>
        %swap3A_1934 = arith.index_cast %rem3A_173 : i32 to index
        %swap3A_1935 = arith.index_cast %add3A_1908 : i32 to index
        %swap3A_1936 = arith.constant 16 : index
        %swap3A_1937 = tpu.vector_load %arg10[%swap3A_1934, %swap3A_1935, %swap3A_1936] {strides = array<i32>} : memref<4x80x128xf32, #tpu.memory_space<vmem>>, vector<1x1x16xf32>,
        %swap3A_1938 = vector.shape_cast %swap3A_1937 : vector<1x1x16xf32> to vector<16xf32>
        %swap3A_1939 = vector.shape_cast %broadcast_in_dim3A_63 : vector<16xf32> to vector<1x1x16xf32>
        tpu.vector_store %arg10[%swap3A_1934, %swap3A_1935, %swap3A_1936], %swap3A_1939 {strides = array<i32>} : memref<4x80x128xf32, #tpu.memory_space<vmem>>, vector<1x1x16xf32>,
        %get3A_1940 = arith.index_cast %rem3A_173 : i32 to index
        %get3A_1941 = arith.index_cast %add3A_1908 : i32 to index
        %get3A_1942 = arith.constant 32 : index
        %get3A_1943 = tpu.vector_load %arg10[%get3A_1940, %get3A_1941, %get3A_1942] {strides = array<i32>} : memref<4x80x128xf32, #tpu.memory_space<vmem>>, vector<1x1x16xf32>,
        %get3A_1944 = vector.shape_cast %get3A_1943 : vector<1x1x16xf32> to vector<16xf32>
        %max3A_1945 = arith.constant 0.000000e+00 : f32
        %max3A_1946 = vector.broadcast %max3A_1945 : f32 to vector<16xf32>
        %max3A_1947 = arith.maximumf %get3A_1944, %max3A_1946 : vector<16xf32>
        %mul3A_1948 = arith.mulf %max3A_1947, %get3A_11 : vector<16xf32>
        %add3A_1949 = arith.addf %add3A_1933, %mul3A_1948 : vector<16xf32>
        %swap3A_1950 = arith.index_cast %rem3A_173 : i32 to index
        %swap3A_1951 = arith.index_cast %add3A_1908 : i32 to index
        %swap3A_1952 = arith.constant 32 : index
        %swap3A_1953 = tpu.vector_load %arg10[%swap3A_1950, %swap3A_1951, %swap3A_1952] {strides = array<i32>} : memref<4x80x128xf32, #tpu.memory_space<vmem>>, vector<1x1x16xf32>,
        %swap3A_1954 = vector.shape_cast %swap3A_1953 : vector<1x1x16xf32> to vector<16xf32>
        %swap3A_1955 = vector.shape_cast %broadcast_in_dim3A_63 : vector<16xf32> to vector<1x1x16xf32>
        tpu.vector_store %arg10[%swap3A_1950, %swap3A_1951, %swap3A_1952], %swap3A_1955 {strides = array<i32>} : memref<4x80x128xf32, #tpu.memory_space<vmem>>, vector<1x1x16xf32>,
        %get3A_1956 = arith.index_cast %rem3A_173 : i32 to index
        %get3A_1957 = arith.index_cast %add3A_1908 : i32 to index
        %get3A_1958 = arith.constant 48 : index
        %get3A_1959 = tpu.vector_load %arg10[%get3A_1956, %get3A_1957, %get3A_1958] {strides = array<i32>} : memref<4x80x128xf32, #tpu.memory_space<vmem>>, vector<1x1x16xf32>,
        %get3A_1960 = vector.shape_cast %get3A_1959 : vector<1x1x16xf32> to vector<16xf32>
        %max3A_1961 = arith.constant 0.000000e+00 : f32
        %max3A_1962 = vector.broadcast %max3A_1961 : f32 to vector<16xf32>
        %max3A_1963 = arith.maximumf %get3A_1960, %max3A_1962 : vector<16xf32>
        %mul3A_1964 = arith.mulf %max3A_1963, %get3A_14 : vector<16xf32>
        %add3A_1965 = arith.addf %add3A_1949, %mul3A_1964 : vector<16xf32>
        %swap3A_1966 = arith.index_cast %rem3A_173 : i32 to index
        %swap3A_1967 = arith.index_cast %add3A_1908 : i32 to index
        %swap3A_1968 = arith.constant 48 : index
        %swap3A_1969 = tpu.vector_load %arg10[%swap3A_1966, %swap3A_1967, %swap3A_1968] {strides = array<i32>} : memref<4x80x128xf32, #tpu.memory_space<vmem>>, vector<1x1x16xf32>,
        %swap3A_1970 = vector.shape_cast %swap3A_1969 : vector<1x1x16xf32> to vector<16xf32>
        %swap3A_1971 = vector.shape_cast %broadcast_in_dim3A_63 : vector<16xf32> to vector<1x1x16xf32>
        tpu.vector_store %arg10[%swap3A_1966, %swap3A_1967, %swap3A_1968], %swap3A_1971 {strides = array<i32>} : memref<4x80x128xf32, #tpu.memory_space<vmem>>, vector<1x1x16xf32>,
        %get3A_1972 = arith.index_cast %rem3A_173 : i32 to index
        %get3A_1973 = arith.index_cast %add3A_1908 : i32 to index
        %get3A_1974 = arith.constant 64 : index
        %get3A_1975 = tpu.vector_load %arg10[%get3A_1972, %get3A_1973, %get3A_1974] {strides = array<i32>} : memref<4x80x128xf32, #tpu.memory_space<vmem>>, vector<1x1x16xf32>,
        %get3A_1976 = vector.shape_cast %get3A_1975 : vector<1x1x16xf32> to vector<16xf32>
        %max3A_1977 = arith.constant 0.000000e+00 : f32
        %max3A_1978 = vector.broadcast %max3A_1977 : f32 to vector<16xf32>
        %max3A_1979 = arith.maximumf %get3A_1976, %max3A_1978 : vector<16xf32>
        %mul3A_1980 = arith.mulf %max3A_1979, %get3A_17 : vector<16xf32>
        %add3A_1981 = arith.addf %add3A_1965, %mul3A_1980 : vector<16xf32>
        %swap3A_1982 = arith.index_cast %rem3A_173 : i32 to index
        %swap3A_1983 = arith.index_cast %add3A_1908 : i32 to index
        %swap3A_1984 = arith.constant 64 : index
        %swap3A_1985 = tpu.vector_load %arg10[%swap3A_1982, %swap3A_1983, %swap3A_1984] {strides = array<i32>} : memref<4x80x128xf32, #tpu.memory_space<vmem>>, vector<1x1x16xf32>,
        %swap3A_1986 = vector.shape_cast %swap3A_1985 : vector<1x1x16xf32> to vector<16xf32>
        %swap3A_1987 = vector.shape_cast %broadcast_in_dim3A_63 : vector<16xf32> to vector<1x1x16xf32>
        tpu.vector_store %arg10[%swap3A_1982, %swap3A_1983, %swap3A_1984], %swap3A_1987 {strides = array<i32>} : memref<4x80x128xf32, #tpu.memory_space<vmem>>, vector<1x1x16xf32>,
        %get3A_1988 = arith.index_cast %rem3A_173 : i32 to index
        %get3A_1989 = arith.index_cast %add3A_1908 : i32 to index
        %get3A_1990 = arith.constant 80 : index
        %get3A_1991 = tpu.vector_load %arg10[%get3A_1988, %get3A_1989, %get3A_1990] {strides = array<i32>} : memref<4x80x128xf32, #tpu.memory_space<vmem>>, vector<1x1x16xf32>,
        %get3A_1992 = vector.shape_cast %get3A_1991 : vector<1x1x16xf32> to vector<16xf32>
        %max3A_1993 = arith.constant 0.000000e+00 : f32
        %max3A_1994 = vector.broadcast %max3A_1993 : f32 to vector<16xf32>
        %max3A_1995 = arith.maximumf %get3A_1992, %max3A_1994 : vector<16xf32>
        %mul3A_1996 = arith.mulf %max3A_1995, %get3A_20 : vector<16xf32>
        %add3A_1997 = arith.addf %add3A_1981, %mul3A_1996 : vector<16xf32>
        %swap3A_1998 = arith.index_cast %rem3A_173 : i32 to index
        %swap3A_1999 = arith.index_cast %add3A_1908 : i32 to index
        %swap3A_2000 = arith.constant 80 : index
        %swap3A_2001 = tpu.vector_load %arg10[%swap3A_1998, %swap3A_1999, %swap3A_2000] {strides = array<i32>} : memref<4x80x128xf32, #tpu.memory_space<vmem>>, vector<1x1x16xf32>,
        %swap3A_2002 = vector.shape_cast %swap3A_2001 : vector<1x1x16xf32> to vector<16xf32>
        %swap3A_2003 = vector.shape_cast %broadcast_in_dim3A_63 : vector<16xf32> to vector<1x1x16xf32>
        tpu.vector_store %arg10[%swap3A_1998, %swap3A_1999, %swap3A_2000], %swap3A_2003 {strides = array<i32>} : memref<4x80x128xf32, #tpu.memory_space<vmem>>, vector<1x1x16xf32>,
        %get3A_2004 = arith.index_cast %rem3A_173 : i32 to index
        %get3A_2005 = arith.index_cast %add3A_1908 : i32 to index
        %get3A_2006 = arith.constant 96 : index
        %get3A_2007 = tpu.vector_load %arg10[%get3A_2004, %get3A_2005, %get3A_2006] {strides = array<i32>} : memref<4x80x128xf32, #tpu.memory_space<vmem>>, vector<1x1x16xf32>,
        %get3A_2008 = vector.shape_cast %get3A_2007 : vector<1x1x16xf32> to vector<16xf32>
        %max3A_2009 = arith.constant 0.000000e+00 : f32
        %max3A_2010 = vector.broadcast %max3A_2009 : f32 to vector<16xf32>
        %max3A_2011 = arith.maximumf %get3A_2008, %max3A_2010 : vector<16xf32>
        %mul3A_2012 = arith.mulf %max3A_2011, %get3A_23 : vector<16xf32>
        %add3A_2013 = arith.addf %add3A_1997, %mul3A_2012 : vector<16xf32>
        %swap3A_2014 = arith.index_cast %rem3A_173 : i32 to index
        %swap3A_2015 = arith.index_cast %add3A_1908 : i32 to index
        %swap3A_2016 = arith.constant 96 : index
        %swap3A_2017 = tpu.vector_load %arg10[%swap3A_2014, %swap3A_2015, %swap3A_2016] {strides = array<i32>} : memref<4x80x128xf32, #tpu.memory_space<vmem>>, vector<1x1x16xf32>,
        %swap3A_2018 = vector.shape_cast %swap3A_2017 : vector<1x1x16xf32> to vector<16xf32>
        %swap3A_2019 = vector.shape_cast %broadcast_in_dim3A_63 : vector<16xf32> to vector<1x1x16xf32>
        tpu.vector_store %arg10[%swap3A_2014, %swap3A_2015, %swap3A_2016], %swap3A_2019 {strides = array<i32>} : memref<4x80x128xf32, #tpu.memory_space<vmem>>, vector<1x1x16xf32>,
        %get3A_2020 = arith.index_cast %rem3A_173 : i32 to index
        %get3A_2021 = arith.index_cast %add3A_1908 : i32 to index
        %get3A_2022 = arith.constant 112 : index
        %get3A_2023 = tpu.vector_load %arg10[%get3A_2020, %get3A_2021, %get3A_2022] {strides = array<i32>} : memref<4x80x128xf32, #tpu.memory_space<vmem>>, vector<1x1x16xf32>,
        %get3A_2024 = vector.shape_cast %get3A_2023 : vector<1x1x16xf32> to vector<16xf32>
        %max3A_2025 = arith.constant 0.000000e+00 : f32
        %max3A_2026 = vector.broadcast %max3A_2025 : f32 to vector<16xf32>
        %max3A_2027 = arith.maximumf %get3A_2024, %max3A_2026 : vector<16xf32>
        %mul3A_2028 = arith.mulf %max3A_2027, %get3A_26 : vector<16xf32>
        %add3A_2029 = arith.addf %add3A_2013, %mul3A_2028 : vector<16xf32>
        %swap3A_2030 = arith.index_cast %rem3A_173 : i32 to index
        %swap3A_2031 = arith.index_cast %add3A_1908 : i32 to index
        %swap3A_2032 = arith.constant 112 : index
        %swap3A_2033 = tpu.vector_load %arg10[%swap3A_2030, %swap3A_2031, %swap3A_2032] {strides = array<i32>} : memref<4x80x128xf32, #tpu.memory_space<vmem>>, vector<1x1x16xf32>,
        %swap3A_2034 = vector.shape_cast %swap3A_2033 : vector<1x1x16xf32> to vector<16xf32>
        %swap3A_2035 = vector.shape_cast %broadcast_in_dim3A_63 : vector<16xf32> to vector<1x1x16xf32>
        tpu.vector_store %arg10[%swap3A_2030, %swap3A_2031, %swap3A_2032], %swap3A_2035 {strides = array<i32>} : memref<4x80x128xf32, #tpu.memory_space<vmem>>, vector<1x1x16xf32>,
        %mul3A_2036 = arith.constant 16 : i32
        %mul3A_2037 = arith.muli %scan3A_203, %mul3A_2036 : i32
        %add3A_2038 = arith.constant 14 : i32
        %add3A_2039 = arith.addi %mul3A_2037, %add3A_2038 : i32
        %get3A_2040 = arith.index_cast %rem3A_173 : i32 to index
        %get3A_2041 = arith.index_cast %add3A_2039 : i32 to index
        %get3A_2042 = arith.constant 0 : index
        %get3A_2043 = tpu.vector_load %arg10[%get3A_2040, %get3A_2041, %get3A_2042] {strides = array<i32>} : memref<4x80x128xf32, #tpu.memory_space<vmem>>, vector<1x1x16xf32>,
        %get3A_2044 = vector.shape_cast %get3A_2043 : vector<1x1x16xf32> to vector<16xf32>
        %max3A_2045 = arith.constant 0.000000e+00 : f32
        %max3A_2046 = vector.broadcast %max3A_2045 : f32 to vector<16xf32>
        %max3A_2047 = arith.maximumf %get3A_2044, %max3A_2046 : vector<16xf32>
        %mul3A_2048 = arith.mulf %max3A_2047, %get3A_5 : vector<16xf32>
        %swap3A_2049 = arith.index_cast %rem3A_173 : i32 to index
        %swap3A_2050 = arith.index_cast %add3A_2039 : i32 to index
        %swap3A_2051 = arith.constant 0 : index
        %swap3A_2052 = tpu.vector_load %arg10[%swap3A_2049, %swap3A_2050, %swap3A_2051] {strides = array<i32>} : memref<4x80x128xf32, #tpu.memory_space<vmem>>, vector<1x1x16xf32>,
        %swap3A_2053 = vector.shape_cast %swap3A_2052 : vector<1x1x16xf32> to vector<16xf32>
        %swap3A_2054 = vector.shape_cast %broadcast_in_dim3A_63 : vector<16xf32> to vector<1x1x16xf32>
        tpu.vector_store %arg10[%swap3A_2049, %swap3A_2050, %swap3A_2051], %swap3A_2054 {strides = array<i32>} : memref<4x80x128xf32, #tpu.memory_space<vmem>>, vector<1x1x16xf32>,
        %get3A_2055 = arith.index_cast %rem3A_173 : i32 to index
        %get3A_2056 = arith.index_cast %add3A_2039 : i32 to index
        %get3A_2057 = arith.constant 16 : index
        %get3A_2058 = tpu.vector_load %arg10[%get3A_2055, %get3A_2056, %get3A_2057] {strides = array<i32>} : memref<4x80x128xf32, #tpu.memory_space<vmem>>, vector<1x1x16xf32>,
        %get3A_2059 = vector.shape_cast %get3A_2058 : vector<1x1x16xf32> to vector<16xf32>
        %max3A_2060 = arith.constant 0.000000e+00 : f32
        %max3A_2061 = vector.broadcast %max3A_2060 : f32 to vector<16xf32>
        %max3A_2062 = arith.maximumf %get3A_2059, %max3A_2061 : vector<16xf32>
        %mul3A_2063 = arith.mulf %max3A_2062, %get3A_8 : vector<16xf32>
        %add3A_2064 = arith.addf %mul3A_2048, %mul3A_2063 : vector<16xf32>
        %swap3A_2065 = arith.index_cast %rem3A_173 : i32 to index
        %swap3A_2066 = arith.index_cast %add3A_2039 : i32 to index
        %swap3A_2067 = arith.constant 16 : index
        %swap3A_2068 = tpu.vector_load %arg10[%swap3A_2065, %swap3A_2066, %swap3A_2067] {strides = array<i32>} : memref<4x80x128xf32, #tpu.memory_space<vmem>>, vector<1x1x16xf32>,
        %swap3A_2069 = vector.shape_cast %swap3A_2068 : vector<1x1x16xf32> to vector<16xf32>
        %swap3A_2070 = vector.shape_cast %broadcast_in_dim3A_63 : vector<16xf32> to vector<1x1x16xf32>
        tpu.vector_store %arg10[%swap3A_2065, %swap3A_2066, %swap3A_2067], %swap3A_2070 {strides = array<i32>} : memref<4x80x128xf32, #tpu.memory_space<vmem>>, vector<1x1x16xf32>,
        %get3A_2071 = arith.index_cast %rem3A_173 : i32 to index
        %get3A_2072 = arith.index_cast %add3A_2039 : i32 to index
        %get3A_2073 = arith.constant 32 : index
        %get3A_2074 = tpu.vector_load %arg10[%get3A_2071, %get3A_2072, %get3A_2073] {strides = array<i32>} : memref<4x80x128xf32, #tpu.memory_space<vmem>>, vector<1x1x16xf32>,
        %get3A_2075 = vector.shape_cast %get3A_2074 : vector<1x1x16xf32> to vector<16xf32>
        %max3A_2076 = arith.constant 0.000000e+00 : f32
        %max3A_2077 = vector.broadcast %max3A_2076 : f32 to vector<16xf32>
        %max3A_2078 = arith.maximumf %get3A_2075, %max3A_2077 : vector<16xf32>
        %mul3A_2079 = arith.mulf %max3A_2078, %get3A_11 : vector<16xf32>
        %add3A_2080 = arith.addf %add3A_2064, %mul3A_2079 : vector<16xf32>
        %swap3A_2081 = arith.index_cast %rem3A_173 : i32 to index
        %swap3A_2082 = arith.index_cast %add3A_2039 : i32 to index
        %swap3A_2083 = arith.constant 32 : index
        %swap3A_2084 = tpu.vector_load %arg10[%swap3A_2081, %swap3A_2082, %swap3A_2083] {strides = array<i32>} : memref<4x80x128xf32, #tpu.memory_space<vmem>>, vector<1x1x16xf32>,
        %swap3A_2085 = vector.shape_cast %swap3A_2084 : vector<1x1x16xf32> to vector<16xf32>
        %swap3A_2086 = vector.shape_cast %broadcast_in_dim3A_63 : vector<16xf32> to vector<1x1x16xf32>
        tpu.vector_store %arg10[%swap3A_2081, %swap3A_2082, %swap3A_2083], %swap3A_2086 {strides = array<i32>} : memref<4x80x128xf32, #tpu.memory_space<vmem>>, vector<1x1x16xf32>,
        %get3A_2087 = arith.index_cast %rem3A_173 : i32 to index
        %get3A_2088 = arith.index_cast %add3A_2039 : i32 to index
        %get3A_2089 = arith.constant 48 : index
        %get3A_2090 = tpu.vector_load %arg10[%get3A_2087, %get3A_2088, %get3A_2089] {strides = array<i32>} : memref<4x80x128xf32, #tpu.memory_space<vmem>>, vector<1x1x16xf32>,
        %get3A_2091 = vector.shape_cast %get3A_2090 : vector<1x1x16xf32> to vector<16xf32>
        %max3A_2092 = arith.constant 0.000000e+00 : f32
        %max3A_2093 = vector.broadcast %max3A_2092 : f32 to vector<16xf32>
        %max3A_2094 = arith.maximumf %get3A_2091, %max3A_2093 : vector<16xf32>
        %mul3A_2095 = arith.mulf %max3A_2094, %get3A_14 : vector<16xf32>
        %add3A_2096 = arith.addf %add3A_2080, %mul3A_2095 : vector<16xf32>
        %swap3A_2097 = arith.index_cast %rem3A_173 : i32 to index
        %swap3A_2098 = arith.index_cast %add3A_2039 : i32 to index
        %swap3A_2099 = arith.constant 48 : index
        %swap3A_2100 = tpu.vector_load %arg10[%swap3A_2097, %swap3A_2098, %swap3A_2099] {strides = array<i32>} : memref<4x80x128xf32, #tpu.memory_space<vmem>>, vector<1x1x16xf32>,
        %swap3A_2101 = vector.shape_cast %swap3A_2100 : vector<1x1x16xf32> to vector<16xf32>
        %swap3A_2102 = vector.shape_cast %broadcast_in_dim3A_63 : vector<16xf32> to vector<1x1x16xf32>
        tpu.vector_store %arg10[%swap3A_2097, %swap3A_2098, %swap3A_2099], %swap3A_2102 {strides = array<i32>} : memref<4x80x128xf32, #tpu.memory_space<vmem>>, vector<1x1x16xf32>,
        %get3A_2103 = arith.index_cast %rem3A_173 : i32 to index
        %get3A_2104 = arith.index_cast %add3A_2039 : i32 to index
        %get3A_2105 = arith.constant 64 : index
        %get3A_2106 = tpu.vector_load %arg10[%get3A_2103, %get3A_2104, %get3A_2105] {strides = array<i32>} : memref<4x80x128xf32, #tpu.memory_space<vmem>>, vector<1x1x16xf32>,
        %get3A_2107 = vector.shape_cast %get3A_2106 : vector<1x1x16xf32> to vector<16xf32>
        %max3A_2108 = arith.constant 0.000000e+00 : f32
        %max3A_2109 = vector.broadcast %max3A_2108 : f32 to vector<16xf32>
        %max3A_2110 = arith.maximumf %get3A_2107, %max3A_2109 : vector<16xf32>
        %mul3A_2111 = arith.mulf %max3A_2110, %get3A_17 : vector<16xf32>
        %add3A_2112 = arith.addf %add3A_2096, %mul3A_2111 : vector<16xf32>
        %swap3A_2113 = arith.index_cast %rem3A_173 : i32 to index
        %swap3A_2114 = arith.index_cast %add3A_2039 : i32 to index
        %swap3A_2115 = arith.constant 64 : index
        %swap3A_2116 = tpu.vector_load %arg10[%swap3A_2113, %swap3A_2114, %swap3A_2115] {strides = array<i32>} : memref<4x80x128xf32, #tpu.memory_space<vmem>>, vector<1x1x16xf32>,
        %swap3A_2117 = vector.shape_cast %swap3A_2116 : vector<1x1x16xf32> to vector<16xf32>
        %swap3A_2118 = vector.shape_cast %broadcast_in_dim3A_63 : vector<16xf32> to vector<1x1x16xf32>
        tpu.vector_store %arg10[%swap3A_2113, %swap3A_2114, %swap3A_2115], %swap3A_2118 {strides = array<i32>} : memref<4x80x128xf32, #tpu.memory_space<vmem>>, vector<1x1x16xf32>,
        %get3A_2119 = arith.index_cast %rem3A_173 : i32 to index
        %get3A_2120 = arith.index_cast %add3A_2039 : i32 to index
        %get3A_2121 = arith.constant 80 : index
        %get3A_2122 = tpu.vector_load %arg10[%get3A_2119, %get3A_2120, %get3A_2121] {strides = array<i32>} : memref<4x80x128xf32, #tpu.memory_space<vmem>>, vector<1x1x16xf32>,
        %get3A_2123 = vector.shape_cast %get3A_2122 : vector<1x1x16xf32> to vector<16xf32>
        %max3A_2124 = arith.constant 0.000000e+00 : f32
        %max3A_2125 = vector.broadcast %max3A_2124 : f32 to vector<16xf32>
        %max3A_2126 = arith.maximumf %get3A_2123, %max3A_2125 : vector<16xf32>
        %mul3A_2127 = arith.mulf %max3A_2126, %get3A_20 : vector<16xf32>
        %add3A_2128 = arith.addf %add3A_2112, %mul3A_2127 : vector<16xf32>
        %swap3A_2129 = arith.index_cast %rem3A_173 : i32 to index
        %swap3A_2130 = arith.index_cast %add3A_2039 : i32 to index
        %swap3A_2131 = arith.constant 80 : index
        %swap3A_2132 = tpu.vector_load %arg10[%swap3A_2129, %swap3A_2130, %swap3A_2131] {strides = array<i32>} : memref<4x80x128xf32, #tpu.memory_space<vmem>>, vector<1x1x16xf32>,
        %swap3A_2133 = vector.shape_cast %swap3A_2132 : vector<1x1x16xf32> to vector<16xf32>
        %swap3A_2134 = vector.shape_cast %broadcast_in_dim3A_63 : vector<16xf32> to vector<1x1x16xf32>
        tpu.vector_store %arg10[%swap3A_2129, %swap3A_2130, %swap3A_2131], %swap3A_2134 {strides = array<i32>} : memref<4x80x128xf32, #tpu.memory_space<vmem>>, vector<1x1x16xf32>,
        %get3A_2135 = arith.index_cast %rem3A_173 : i32 to index
        %get3A_2136 = arith.index_cast %add3A_2039 : i32 to index
        %get3A_2137 = arith.constant 96 : index
        %get3A_2138 = tpu.vector_load %arg10[%get3A_2135, %get3A_2136, %get3A_2137] {strides = array<i32>} : memref<4x80x128xf32, #tpu.memory_space<vmem>>, vector<1x1x16xf32>,
        %get3A_2139 = vector.shape_cast %get3A_2138 : vector<1x1x16xf32> to vector<16xf32>
        %max3A_2140 = arith.constant 0.000000e+00 : f32
        %max3A_2141 = vector.broadcast %max3A_2140 : f32 to vector<16xf32>
        %max3A_2142 = arith.maximumf %get3A_2139, %max3A_2141 : vector<16xf32>
        %mul3A_2143 = arith.mulf %max3A_2142, %get3A_23 : vector<16xf32>
        %add3A_2144 = arith.addf %add3A_2128, %mul3A_2143 : vector<16xf32>
        %swap3A_2145 = arith.index_cast %rem3A_173 : i32 to index
        %swap3A_2146 = arith.index_cast %add3A_2039 : i32 to index
        %swap3A_2147 = arith.constant 96 : index
        %swap3A_2148 = tpu.vector_load %arg10[%swap3A_2145, %swap3A_2146, %swap3A_2147] {strides = array<i32>} : memref<4x80x128xf32, #tpu.memory_space<vmem>>, vector<1x1x16xf32>,
        %swap3A_2149 = vector.shape_cast %swap3A_2148 : vector<1x1x16xf32> to vector<16xf32>
        %swap3A_2150 = vector.shape_cast %broadcast_in_dim3A_63 : vector<16xf32> to vector<1x1x16xf32>
        tpu.vector_store %arg10[%swap3A_2145, %swap3A_2146, %swap3A_2147], %swap3A_2150 {strides = array<i32>} : memref<4x80x128xf32, #tpu.memory_space<vmem>>, vector<1x1x16xf32>,
        %get3A_2151 = arith.index_cast %rem3A_173 : i32 to index
        %get3A_2152 = arith.index_cast %add3A_2039 : i32 to index
        %get3A_2153 = arith.constant 112 : index
        %get3A_2154 = tpu.vector_load %arg10[%get3A_2151, %get3A_2152, %get3A_2153] {strides = array<i32>} : memref<4x80x128xf32, #tpu.memory_space<vmem>>, vector<1x1x16xf32>,
        %get3A_2155 = vector.shape_cast %get3A_2154 : vector<1x1x16xf32> to vector<16xf32>
        %max3A_2156 = arith.constant 0.000000e+00 : f32
        %max3A_2157 = vector.broadcast %max3A_2156 : f32 to vector<16xf32>
        %max3A_2158 = arith.maximumf %get3A_2155, %max3A_2157 : vector<16xf32>
        %mul3A_2159 = arith.mulf %max3A_2158, %get3A_26 : vector<16xf32>
        %add3A_2160 = arith.addf %add3A_2144, %mul3A_2159 : vector<16xf32>
        %swap3A_2161 = arith.index_cast %rem3A_173 : i32 to index
        %swap3A_2162 = arith.index_cast %add3A_2039 : i32 to index
        %swap3A_2163 = arith.constant 112 : index
        %swap3A_2164 = tpu.vector_load %arg10[%swap3A_2161, %swap3A_2162, %swap3A_2163] {strides = array<i32>} : memref<4x80x128xf32, #tpu.memory_space<vmem>>, vector<1x1x16xf32>,
        %swap3A_2165 = vector.shape_cast %swap3A_2164 : vector<1x1x16xf32> to vector<16xf32>
        %swap3A_2166 = vector.shape_cast %broadcast_in_dim3A_63 : vector<16xf32> to vector<1x1x16xf32>
        tpu.vector_store %arg10[%swap3A_2161, %swap3A_2162, %swap3A_2163], %swap3A_2166 {strides = array<i32>} : memref<4x80x128xf32, #tpu.memory_space<vmem>>, vector<1x1x16xf32>,
        %mul3A_2167 = arith.constant 16 : i32
        %mul3A_2168 = arith.muli %scan3A_203, %mul3A_2167 : i32
        %add3A_2169 = arith.constant 15 : i32
        %add3A_2170 = arith.addi %mul3A_2168, %add3A_2169 : i32
        %get3A_2171 = arith.index_cast %rem3A_173 : i32 to index
        %get3A_2172 = arith.index_cast %add3A_2170 : i32 to index
        %get3A_2173 = arith.constant 0 : index
        %get3A_2174 = tpu.vector_load %arg10[%get3A_2171, %get3A_2172, %get3A_2173] {strides = array<i32>} : memref<4x80x128xf32, #tpu.memory_space<vmem>>, vector<1x1x16xf32>,
        %get3A_2175 = vector.shape_cast %get3A_2174 : vector<1x1x16xf32> to vector<16xf32>
        %max3A_2176 = arith.constant 0.000000e+00 : f32
        %max3A_2177 = vector.broadcast %max3A_2176 : f32 to vector<16xf32>
        %max3A_2178 = arith.maximumf %get3A_2175, %max3A_2177 : vector<16xf32>
        %mul3A_2179 = arith.mulf %max3A_2178, %get3A_5 : vector<16xf32>
        %swap3A_2180 = arith.index_cast %rem3A_173 : i32 to index
        %swap3A_2181 = arith.index_cast %add3A_2170 : i32 to index
        %swap3A_2182 = arith.constant 0 : index
        %swap3A_2183 = tpu.vector_load %arg10[%swap3A_2180, %swap3A_2181, %swap3A_2182] {strides = array<i32>} : memref<4x80x128xf32, #tpu.memory_space<vmem>>, vector<1x1x16xf32>,
        %swap3A_2184 = vector.shape_cast %swap3A_2183 : vector<1x1x16xf32> to vector<16xf32>
        %swap3A_2185 = vector.shape_cast %broadcast_in_dim3A_63 : vector<16xf32> to vector<1x1x16xf32>
        tpu.vector_store %arg10[%swap3A_2180, %swap3A_2181, %swap3A_2182], %swap3A_2185 {strides = array<i32>} : memref<4x80x128xf32, #tpu.memory_space<vmem>>, vector<1x1x16xf32>,
        %get3A_2186 = arith.index_cast %rem3A_173 : i32 to index
        %get3A_2187 = arith.index_cast %add3A_2170 : i32 to index
        %get3A_2188 = arith.constant 16 : index
        %get3A_2189 = tpu.vector_load %arg10[%get3A_2186, %get3A_2187, %get3A_2188] {strides = array<i32>} : memref<4x80x128xf32, #tpu.memory_space<vmem>>, vector<1x1x16xf32>,
        %get3A_2190 = vector.shape_cast %get3A_2189 : vector<1x1x16xf32> to vector<16xf32>
        %max3A_2191 = arith.constant 0.000000e+00 : f32
        %max3A_2192 = vector.broadcast %max3A_2191 : f32 to vector<16xf32>
        %max3A_2193 = arith.maximumf %get3A_2190, %max3A_2192 : vector<16xf32>
        %mul3A_2194 = arith.mulf %max3A_2193, %get3A_8 : vector<16xf32>
        %add3A_2195 = arith.addf %mul3A_2179, %mul3A_2194 : vector<16xf32>
        %swap3A_2196 = arith.index_cast %rem3A_173 : i32 to index
        %swap3A_2197 = arith.index_cast %add3A_2170 : i32 to index
        %swap3A_2198 = arith.constant 16 : index
        %swap3A_2199 = tpu.vector_load %arg10[%swap3A_2196, %swap3A_2197, %swap3A_2198] {strides = array<i32>} : memref<4x80x128xf32, #tpu.memory_space<vmem>>, vector<1x1x16xf32>,
        %swap3A_2200 = vector.shape_cast %swap3A_2199 : vector<1x1x16xf32> to vector<16xf32>
        %swap3A_2201 = vector.shape_cast %broadcast_in_dim3A_63 : vector<16xf32> to vector<1x1x16xf32>
        tpu.vector_store %arg10[%swap3A_2196, %swap3A_2197, %swap3A_2198], %swap3A_2201 {strides = array<i32>} : memref<4x80x128xf32, #tpu.memory_space<vmem>>, vector<1x1x16xf32>,
        %get3A_2202 = arith.index_cast %rem3A_173 : i32 to index
        %get3A_2203 = arith.index_cast %add3A_2170 : i32 to index
        %get3A_2204 = arith.constant 32 : index
        %get3A_2205 = tpu.vector_load %arg10[%get3A_2202, %get3A_2203, %get3A_2204] {strides = array<i32>} : memref<4x80x128xf32, #tpu.memory_space<vmem>>, vector<1x1x16xf32>,
        %get3A_2206 = vector.shape_cast %get3A_2205 : vector<1x1x16xf32> to vector<16xf32>
        %max3A_2207 = arith.constant 0.000000e+00 : f32
        %max3A_2208 = vector.broadcast %max3A_2207 : f32 to vector<16xf32>
        %max3A_2209 = arith.maximumf %get3A_2206, %max3A_2208 : vector<16xf32>
        %mul3A_2210 = arith.mulf %max3A_2209, %get3A_11 : vector<16xf32>
        %add3A_2211 = arith.addf %add3A_2195, %mul3A_2210 : vector<16xf32>
        %swap3A_2212 = arith.index_cast %rem3A_173 : i32 to index
        %swap3A_2213 = arith.index_cast %add3A_2170 : i32 to index
        %swap3A_2214 = arith.constant 32 : index
        %swap3A_2215 = tpu.vector_load %arg10[%swap3A_2212, %swap3A_2213, %swap3A_2214] {strides = array<i32>} : memref<4x80x128xf32, #tpu.memory_space<vmem>>, vector<1x1x16xf32>,
        %swap3A_2216 = vector.shape_cast %swap3A_2215 : vector<1x1x16xf32> to vector<16xf32>
        %swap3A_2217 = vector.shape_cast %broadcast_in_dim3A_63 : vector<16xf32> to vector<1x1x16xf32>
        tpu.vector_store %arg10[%swap3A_2212, %swap3A_2213, %swap3A_2214], %swap3A_2217 {strides = array<i32>} : memref<4x80x128xf32, #tpu.memory_space<vmem>>, vector<1x1x16xf32>,
        %get3A_2218 = arith.index_cast %rem3A_173 : i32 to index
        %get3A_2219 = arith.index_cast %add3A_2170 : i32 to index
        %get3A_2220 = arith.constant 48 : index
        %get3A_2221 = tpu.vector_load %arg10[%get3A_2218, %get3A_2219, %get3A_2220] {strides = array<i32>} : memref<4x80x128xf32, #tpu.memory_space<vmem>>, vector<1x1x16xf32>,
        %get3A_2222 = vector.shape_cast %get3A_2221 : vector<1x1x16xf32> to vector<16xf32>
        %max3A_2223 = arith.constant 0.000000e+00 : f32
        %max3A_2224 = vector.broadcast %max3A_2223 : f32 to vector<16xf32>
        %max3A_2225 = arith.maximumf %get3A_2222, %max3A_2224 : vector<16xf32>
        %mul3A_2226 = arith.mulf %max3A_2225, %get3A_14 : vector<16xf32>
        %add3A_2227 = arith.addf %add3A_2211, %mul3A_2226 : vector<16xf32>
        %swap3A_2228 = arith.index_cast %rem3A_173 : i32 to index
        %swap3A_2229 = arith.index_cast %add3A_2170 : i32 to index
        %swap3A_2230 = arith.constant 48 : index
        %swap3A_2231 = tpu.vector_load %arg10[%swap3A_2228, %swap3A_2229, %swap3A_2230] {strides = array<i32>} : memref<4x80x128xf32, #tpu.memory_space<vmem>>, vector<1x1x16xf32>,
        %swap3A_2232 = vector.shape_cast %swap3A_2231 : vector<1x1x16xf32> to vector<16xf32>
        %swap3A_2233 = vector.shape_cast %broadcast_in_dim3A_63 : vector<16xf32> to vector<1x1x16xf32>
        tpu.vector_store %arg10[%swap3A_2228, %swap3A_2229, %swap3A_2230], %swap3A_2233 {strides = array<i32>} : memref<4x80x128xf32, #tpu.memory_space<vmem>>, vector<1x1x16xf32>,
        %get3A_2234 = arith.index_cast %rem3A_173 : i32 to index
        %get3A_2235 = arith.index_cast %add3A_2170 : i32 to index
        %get3A_2236 = arith.constant 64 : index
        %get3A_2237 = tpu.vector_load %arg10[%get3A_2234, %get3A_2235, %get3A_2236] {strides = array<i32>} : memref<4x80x128xf32, #tpu.memory_space<vmem>>, vector<1x1x16xf32>,
        %get3A_2238 = vector.shape_cast %get3A_2237 : vector<1x1x16xf32> to vector<16xf32>
        %max3A_2239 = arith.constant 0.000000e+00 : f32
        %max3A_2240 = vector.broadcast %max3A_2239 : f32 to vector<16xf32>
        %max3A_2241 = arith.maximumf %get3A_2238, %max3A_2240 : vector<16xf32>
        %mul3A_2242 = arith.mulf %max3A_2241, %get3A_17 : vector<16xf32>
        %add3A_2243 = arith.addf %add3A_2227, %mul3A_2242 : vector<16xf32>
        %swap3A_2244 = arith.index_cast %rem3A_173 : i32 to index
        %swap3A_2245 = arith.index_cast %add3A_2170 : i32 to index
        %swap3A_2246 = arith.constant 64 : index
        %swap3A_2247 = tpu.vector_load %arg10[%swap3A_2244, %swap3A_2245, %swap3A_2246] {strides = array<i32>} : memref<4x80x128xf32, #tpu.memory_space<vmem>>, vector<1x1x16xf32>,
        %swap3A_2248 = vector.shape_cast %swap3A_2247 : vector<1x1x16xf32> to vector<16xf32>
        %swap3A_2249 = vector.shape_cast %broadcast_in_dim3A_63 : vector<16xf32> to vector<1x1x16xf32>
        tpu.vector_store %arg10[%swap3A_2244, %swap3A_2245, %swap3A_2246], %swap3A_2249 {strides = array<i32>} : memref<4x80x128xf32, #tpu.memory_space<vmem>>, vector<1x1x16xf32>,
        %get3A_2250 = arith.index_cast %rem3A_173 : i32 to index
        %get3A_2251 = arith.index_cast %add3A_2170 : i32 to index
        %get3A_2252 = arith.constant 80 : index
        %get3A_2253 = tpu.vector_load %arg10[%get3A_2250, %get3A_2251, %get3A_2252] {strides = array<i32>} : memref<4x80x128xf32, #tpu.memory_space<vmem>>, vector<1x1x16xf32>,
        %get3A_2254 = vector.shape_cast %get3A_2253 : vector<1x1x16xf32> to vector<16xf32>
        %max3A_2255 = arith.constant 0.000000e+00 : f32
        %max3A_2256 = vector.broadcast %max3A_2255 : f32 to vector<16xf32>
        %max3A_2257 = arith.maximumf %get3A_2254, %max3A_2256 : vector<16xf32>
        %mul3A_2258 = arith.mulf %max3A_2257, %get3A_20 : vector<16xf32>
        %add3A_2259 = arith.addf %add3A_2243, %mul3A_2258 : vector<16xf32>
        %swap3A_2260 = arith.index_cast %rem3A_173 : i32 to index
        %swap3A_2261 = arith.index_cast %add3A_2170 : i32 to index
        %swap3A_2262 = arith.constant 80 : index
        %swap3A_2263 = tpu.vector_load %arg10[%swap3A_2260, %swap3A_2261, %swap3A_2262] {strides = array<i32>} : memref<4x80x128xf32, #tpu.memory_space<vmem>>, vector<1x1x16xf32>,
        %swap3A_2264 = vector.shape_cast %swap3A_2263 : vector<1x1x16xf32> to vector<16xf32>
        %swap3A_2265 = vector.shape_cast %broadcast_in_dim3A_63 : vector<16xf32> to vector<1x1x16xf32>
        tpu.vector_store %arg10[%swap3A_2260, %swap3A_2261, %swap3A_2262], %swap3A_2265 {strides = array<i32>} : memref<4x80x128xf32, #tpu.memory_space<vmem>>, vector<1x1x16xf32>,
        %get3A_2266 = arith.index_cast %rem3A_173 : i32 to index
        %get3A_2267 = arith.index_cast %add3A_2170 : i32 to index
        %get3A_2268 = arith.constant 96 : index
        %get3A_2269 = tpu.vector_load %arg10[%get3A_2266, %get3A_2267, %get3A_2268] {strides = array<i32>} : memref<4x80x128xf32, #tpu.memory_space<vmem>>, vector<1x1x16xf32>,
        %get3A_2270 = vector.shape_cast %get3A_2269 : vector<1x1x16xf32> to vector<16xf32>
        %max3A_2271 = arith.constant 0.000000e+00 : f32
        %max3A_2272 = vector.broadcast %max3A_2271 : f32 to vector<16xf32>
        %max3A_2273 = arith.maximumf %get3A_2270, %max3A_2272 : vector<16xf32>
        %mul3A_2274 = arith.mulf %max3A_2273, %get3A_23 : vector<16xf32>
        %add3A_2275 = arith.addf %add3A_2259, %mul3A_2274 : vector<16xf32>
        %swap3A_2276 = arith.index_cast %rem3A_173 : i32 to index
        %swap3A_2277 = arith.index_cast %add3A_2170 : i32 to index
        %swap3A_2278 = arith.constant 96 : index
        %swap3A_2279 = tpu.vector_load %arg10[%swap3A_2276, %swap3A_2277, %swap3A_2278] {strides = array<i32>} : memref<4x80x128xf32, #tpu.memory_space<vmem>>, vector<1x1x16xf32>,
        %swap3A_2280 = vector.shape_cast %swap3A_2279 : vector<1x1x16xf32> to vector<16xf32>
        %swap3A_2281 = vector.shape_cast %broadcast_in_dim3A_63 : vector<16xf32> to vector<1x1x16xf32>
        tpu.vector_store %arg10[%swap3A_2276, %swap3A_2277, %swap3A_2278], %swap3A_2281 {strides = array<i32>} : memref<4x80x128xf32, #tpu.memory_space<vmem>>, vector<1x1x16xf32>,
        %get3A_2282 = arith.index_cast %rem3A_173 : i32 to index
        %get3A_2283 = arith.index_cast %add3A_2170 : i32 to index
        %get3A_2284 = arith.constant 112 : index
        %get3A_2285 = tpu.vector_load %arg10[%get3A_2282, %get3A_2283, %get3A_2284] {strides = array<i32>} : memref<4x80x128xf32, #tpu.memory_space<vmem>>, vector<1x1x16xf32>,
        %get3A_2286 = vector.shape_cast %get3A_2285 : vector<1x1x16xf32> to vector<16xf32>
        %max3A_2287 = arith.constant 0.000000e+00 : f32
        %max3A_2288 = vector.broadcast %max3A_2287 : f32 to vector<16xf32>
        %max3A_2289 = arith.maximumf %get3A_2286, %max3A_2288 : vector<16xf32>
        %mul3A_2290 = arith.mulf %max3A_2289, %get3A_26 : vector<16xf32>
        %add3A_2291 = arith.addf %add3A_2275, %mul3A_2290 : vector<16xf32>
        %swap3A_2292 = arith.index_cast %rem3A_173 : i32 to index
        %swap3A_2293 = arith.index_cast %add3A_2170 : i32 to index
        %swap3A_2294 = arith.constant 112 : index
        %swap3A_2295 = tpu.vector_load %arg10[%swap3A_2292, %swap3A_2293, %swap3A_2294] {strides = array<i32>} : memref<4x80x128xf32, #tpu.memory_space<vmem>>, vector<1x1x16xf32>,
        %swap3A_2296 = vector.shape_cast %swap3A_2295 : vector<1x1x16xf32> to vector<16xf32>
        %swap3A_2297 = vector.shape_cast %broadcast_in_dim3A_63 : vector<16xf32> to vector<1x1x16xf32>
        tpu.vector_store %arg10[%swap3A_2292, %swap3A_2293, %swap3A_2294], %swap3A_2297 {strides = array<i32>} : memref<4x80x128xf32, #tpu.memory_space<vmem>>, vector<1x1x16xf32>,
        %broadcast_in_dim3A_2298 = vector.shape_cast %xor3A_31 : vector<16xi32> to vector<16x1xi32>
        %gather3A = vector.shape_cast %broadcast_in_dim3A_2298 : vector<16x1xi32> to vector<16xi32>
        %gather3A_2299 = tpu.dynamic_gather %add3A_457[%gather3A] in [0] : vector<16xf32>, vector<16xi32> -> vector<16xf32>
        %select_n3A = arith.select %eq3A_44, %add3A_326, %gather3A_2299 : vector<16xi1>, vector<16xf32>
        %broadcast_in_dim3A_2300 = vector.shape_cast %xor3A_31 : vector<16xi32> to vector<16x1xi32>
        %gather3A_2301 = vector.shape_cast %broadcast_in_dim3A_2300 : vector<16x1xi32> to vector<16xi32>
        %gather3A_2302 = tpu.dynamic_gather %add3A_326[%gather3A_2301] in [0] : vector<16xf32>, vector<16xi32> -> vector<16xf32>
        %select_n3A_2303 = arith.select %eq3A_44, %gather3A_2302, %add3A_457 : vector<16xi1>, vector<16xf32>
        %add3A_2304 = arith.addf %select_n3A, %select_n3A_2303 : vector<16xf32>
        %broadcast_in_dim3A_2305 = vector.shape_cast %xor3A_31 : vector<16xi32> to vector<16x1xi32>
        %gather3A_2306 = vector.shape_cast %broadcast_in_dim3A_2305 : vector<16x1xi32> to vector<16xi32>
        %gather3A_2307 = tpu.dynamic_gather %add3A_719[%gather3A_2306] in [0] : vector<16xf32>, vector<16xi32> -> vector<16xf32>
        %select_n3A_2308 = arith.select %eq3A_44, %add3A_588, %gather3A_2307 : vector<16xi1>, vector<16xf32>
        %broadcast_in_dim3A_2309 = vector.shape_cast %xor3A_31 : vector<16xi32> to vector<16x1xi32>
        %gather3A_2310 = vector.shape_cast %broadcast_in_dim3A_2309 : vector<16x1xi32> to vector<16xi32>
        %gather3A_2311 = tpu.dynamic_gather %add3A_588[%gather3A_2310] in [0] : vector<16xf32>, vector<16xi32> -> vector<16xf32>
        %select_n3A_2312 = arith.select %eq3A_44, %gather3A_2311, %add3A_719 : vector<16xi1>, vector<16xf32>
        %add3A_2313 = arith.addf %select_n3A_2308, %select_n3A_2312 : vector<16xf32>
        %broadcast_in_dim3A_2314 = vector.shape_cast %xor3A_31 : vector<16xi32> to vector<16x1xi32>
        %gather3A_2315 = vector.shape_cast %broadcast_in_dim3A_2314 : vector<16x1xi32> to vector<16xi32>
        %gather3A_2316 = tpu.dynamic_gather %add3A_981[%gather3A_2315] in [0] : vector<16xf32>, vector<16xi32> -> vector<16xf32>
        %select_n3A_2317 = arith.select %eq3A_44, %add3A_850, %gather3A_2316 : vector<16xi1>, vector<16xf32>
        %broadcast_in_dim3A_2318 = vector.shape_cast %xor3A_31 : vector<16xi32> to vector<16x1xi32>
        %gather3A_2319 = vector.shape_cast %broadcast_in_dim3A_2318 : vector<16x1xi32> to vector<16xi32>
        %gather3A_2320 = tpu.dynamic_gather %add3A_850[%gather3A_2319] in [0] : vector<16xf32>, vector<16xi32> -> vector<16xf32>
        %select_n3A_2321 = arith.select %eq3A_44, %gather3A_2320, %add3A_981 : vector<16xi1>, vector<16xf32>
        %add3A_2322 = arith.addf %select_n3A_2317, %select_n3A_2321 : vector<16xf32>
        %broadcast_in_dim3A_2323 = vector.shape_cast %xor3A_31 : vector<16xi32> to vector<16x1xi32>
        %gather3A_2324 = vector.shape_cast %broadcast_in_dim3A_2323 : vector<16x1xi32> to vector<16xi32>
        %gather3A_2325 = tpu.dynamic_gather %add3A_1243[%gather3A_2324] in [0] : vector<16xf32>, vector<16xi32> -> vector<16xf32>
        %select_n3A_2326 = arith.select %eq3A_44, %add3A_1112, %gather3A_2325 : vector<16xi1>, vector<16xf32>
        %broadcast_in_dim3A_2327 = vector.shape_cast %xor3A_31 : vector<16xi32> to vector<16x1xi32>
        %gather3A_2328 = vector.shape_cast %broadcast_in_dim3A_2327 : vector<16x1xi32> to vector<16xi32>
        %gather3A_2329 = tpu.dynamic_gather %add3A_1112[%gather3A_2328] in [0] : vector<16xf32>, vector<16xi32> -> vector<16xf32>
        %select_n3A_2330 = arith.select %eq3A_44, %gather3A_2329, %add3A_1243 : vector<16xi1>, vector<16xf32>
        %add3A_2331 = arith.addf %select_n3A_2326, %select_n3A_2330 : vector<16xf32>
        %broadcast_in_dim3A_2332 = vector.shape_cast %xor3A_31 : vector<16xi32> to vector<16x1xi32>
        %gather3A_2333 = vector.shape_cast %broadcast_in_dim3A_2332 : vector<16x1xi32> to vector<16xi32>
        %gather3A_2334 = tpu.dynamic_gather %add3A_1505[%gather3A_2333] in [0] : vector<16xf32>, vector<16xi32> -> vector<16xf32>
        %select_n3A_2335 = arith.select %eq3A_44, %add3A_1374, %gather3A_2334 : vector<16xi1>, vector<16xf32>
        %broadcast_in_dim3A_2336 = vector.shape_cast %xor3A_31 : vector<16xi32> to vector<16x1xi32>
        %gather3A_2337 = vector.shape_cast %broadcast_in_dim3A_2336 : vector<16x1xi32> to vector<16xi32>
        %gather3A_2338 = tpu.dynamic_gather %add3A_1374[%gather3A_2337] in [0] : vector<16xf32>, vector<16xi32> -> vector<16xf32>
        %select_n3A_2339 = arith.select %eq3A_44, %gather3A_2338, %add3A_1505 : vector<16xi1>, vector<16xf32>
        %add3A_2340 = arith.addf %select_n3A_2335, %select_n3A_2339 : vector<16xf32>
        %broadcast_in_dim3A_2341 = vector.shape_cast %xor3A_31 : vector<16xi32> to vector<16x1xi32>
        %gather3A_2342 = vector.shape_cast %broadcast_in_dim3A_2341 : vector<16x1xi32> to vector<16xi32>
        %gather3A_2343 = tpu.dynamic_gather %add3A_1767[%gather3A_2342] in [0] : vector<16xf32>, vector<16xi32> -> vector<16xf32>
        %select_n3A_2344 = arith.select %eq3A_44, %add3A_1636, %gather3A_2343 : vector<16xi1>, vector<16xf32>
        %broadcast_in_dim3A_2345 = vector.shape_cast %xor3A_31 : vector<16xi32> to vector<16x1xi32>
        %gather3A_2346 = vector.shape_cast %broadcast_in_dim3A_2345 : vector<16x1xi32> to vector<16xi32>
        %gather3A_2347 = tpu.dynamic_gather %add3A_1636[%gather3A_2346] in [0] : vector<16xf32>, vector<16xi32> -> vector<16xf32>
        %select_n3A_2348 = arith.select %eq3A_44, %gather3A_2347, %add3A_1767 : vector<16xi1>, vector<16xf32>
        %add3A_2349 = arith.addf %select_n3A_2344, %select_n3A_2348 : vector<16xf32>
        %broadcast_in_dim3A_2350 = vector.shape_cast %xor3A_31 : vector<16xi32> to vector<16x1xi32>
        %gather3A_2351 = vector.shape_cast %broadcast_in_dim3A_2350 : vector<16x1xi32> to vector<16xi32>
        %gather3A_2352 = tpu.dynamic_gather %add3A_2029[%gather3A_2351] in [0] : vector<16xf32>, vector<16xi32> -> vector<16xf32>
        %select_n3A_2353 = arith.select %eq3A_44, %add3A_1898, %gather3A_2352 : vector<16xi1>, vector<16xf32>
        %broadcast_in_dim3A_2354 = vector.shape_cast %xor3A_31 : vector<16xi32> to vector<16x1xi32>
        %gather3A_2355 = vector.shape_cast %broadcast_in_dim3A_2354 : vector<16x1xi32> to vector<16xi32>
        %gather3A_2356 = tpu.dynamic_gather %add3A_1898[%gather3A_2355] in [0] : vector<16xf32>, vector<16xi32> -> vector<16xf32>
        %select_n3A_2357 = arith.select %eq3A_44, %gather3A_2356, %add3A_2029 : vector<16xi1>, vector<16xf32>
        %add3A_2358 = arith.addf %select_n3A_2353, %select_n3A_2357 : vector<16xf32>
        %broadcast_in_dim3A_2359 = vector.shape_cast %xor3A_31 : vector<16xi32> to vector<16x1xi32>
        %gather3A_2360 = vector.shape_cast %broadcast_in_dim3A_2359 : vector<16x1xi32> to vector<16xi32>
        %gather3A_2361 = tpu.dynamic_gather %add3A_2291[%gather3A_2360] in [0] : vector<16xf32>, vector<16xi32> -> vector<16xf32>
        %select_n3A_2362 = arith.select %eq3A_44, %add3A_2160, %gather3A_2361 : vector<16xi1>, vector<16xf32>
        %broadcast_in_dim3A_2363 = vector.shape_cast %xor3A_31 : vector<16xi32> to vector<16x1xi32>
        %gather3A_2364 = vector.shape_cast %broadcast_in_dim3A_2363 : vector<16x1xi32> to vector<16xi32>
        %gather3A_2365 = tpu.dynamic_gather %add3A_2160[%gather3A_2364] in [0] : vector<16xf32>, vector<16xi32> -> vector<16xf32>
        %select_n3A_2366 = arith.select %eq3A_44, %gather3A_2365, %add3A_2291 : vector<16xi1>, vector<16xf32>
        %add3A_2367 = arith.addf %select_n3A_2362, %select_n3A_2366 : vector<16xf32>
        %broadcast_in_dim3A_2368 = vector.shape_cast %xor3A_34 : vector<16xi32> to vector<16x1xi32>
        %gather3A_2369 = vector.shape_cast %broadcast_in_dim3A_2368 : vector<16x1xi32> to vector<16xi32>
        %gather3A_2370 = tpu.dynamic_gather %add3A_2313[%gather3A_2369] in [0] : vector<16xf32>, vector<16xi32> -> vector<16xf32>
        %select_n3A_2371 = arith.select %eq3A_50, %add3A_2304, %gather3A_2370 : vector<16xi1>, vector<16xf32>
        %broadcast_in_dim3A_2372 = vector.shape_cast %xor3A_34 : vector<16xi32> to vector<16x1xi32>
        %gather3A_2373 = vector.shape_cast %broadcast_in_dim3A_2372 : vector<16x1xi32> to vector<16xi32>
        %gather3A_2374 = tpu.dynamic_gather %add3A_2304[%gather3A_2373] in [0] : vector<16xf32>, vector<16xi32> -> vector<16xf32>
        %select_n3A_2375 = arith.select %eq3A_50, %gather3A_2374, %add3A_2313 : vector<16xi1>, vector<16xf32>
        %add3A_2376 = arith.addf %select_n3A_2371, %select_n3A_2375 : vector<16xf32>
        %broadcast_in_dim3A_2377 = vector.shape_cast %xor3A_34 : vector<16xi32> to vector<16x1xi32>
        %gather3A_2378 = vector.shape_cast %broadcast_in_dim3A_2377 : vector<16x1xi32> to vector<16xi32>
        %gather3A_2379 = tpu.dynamic_gather %add3A_2331[%gather3A_2378] in [0] : vector<16xf32>, vector<16xi32> -> vector<16xf32>
        %select_n3A_2380 = arith.select %eq3A_50, %add3A_2322, %gather3A_2379 : vector<16xi1>, vector<16xf32>
        %broadcast_in_dim3A_2381 = vector.shape_cast %xor3A_34 : vector<16xi32> to vector<16x1xi32>
        %gather3A_2382 = vector.shape_cast %broadcast_in_dim3A_2381 : vector<16x1xi32> to vector<16xi32>
        %gather3A_2383 = tpu.dynamic_gather %add3A_2322[%gather3A_2382] in [0] : vector<16xf32>, vector<16xi32> -> vector<16xf32>
        %select_n3A_2384 = arith.select %eq3A_50, %gather3A_2383, %add3A_2331 : vector<16xi1>, vector<16xf32>
        %add3A_2385 = arith.addf %select_n3A_2380, %select_n3A_2384 : vector<16xf32>
        %broadcast_in_dim3A_2386 = vector.shape_cast %xor3A_34 : vector<16xi32> to vector<16x1xi32>
        %gather3A_2387 = vector.shape_cast %broadcast_in_dim3A_2386 : vector<16x1xi32> to vector<16xi32>
        %gather3A_2388 = tpu.dynamic_gather %add3A_2349[%gather3A_2387] in [0] : vector<16xf32>, vector<16xi32> -> vector<16xf32>
        %select_n3A_2389 = arith.select %eq3A_50, %add3A_2340, %gather3A_2388 : vector<16xi1>, vector<16xf32>
        %broadcast_in_dim3A_2390 = vector.shape_cast %xor3A_34 : vector<16xi32> to vector<16x1xi32>
        %gather3A_2391 = vector.shape_cast %broadcast_in_dim3A_2390 : vector<16x1xi32> to vector<16xi32>
        %gather3A_2392 = tpu.dynamic_gather %add3A_2340[%gather3A_2391] in [0] : vector<16xf32>, vector<16xi32> -> vector<16xf32>
        %select_n3A_2393 = arith.select %eq3A_50, %gather3A_2392, %add3A_2349 : vector<16xi1>, vector<16xf32>
        %add3A_2394 = arith.addf %select_n3A_2389, %select_n3A_2393 : vector<16xf32>
        %broadcast_in_dim3A_2395 = vector.shape_cast %xor3A_34 : vector<16xi32> to vector<16x1xi32>
        %gather3A_2396 = vector.shape_cast %broadcast_in_dim3A_2395 : vector<16x1xi32> to vector<16xi32>
        %gather3A_2397 = tpu.dynamic_gather %add3A_2367[%gather3A_2396] in [0] : vector<16xf32>, vector<16xi32> -> vector<16xf32>
        %select_n3A_2398 = arith.select %eq3A_50, %add3A_2358, %gather3A_2397 : vector<16xi1>, vector<16xf32>
        %broadcast_in_dim3A_2399 = vector.shape_cast %xor3A_34 : vector<16xi32> to vector<16x1xi32>
        %gather3A_2400 = vector.shape_cast %broadcast_in_dim3A_2399 : vector<16x1xi32> to vector<16xi32>
        %gather3A_2401 = tpu.dynamic_gather %add3A_2358[%gather3A_2400] in [0] : vector<16xf32>, vector<16xi32> -> vector<16xf32>
        %select_n3A_2402 = arith.select %eq3A_50, %gather3A_2401, %add3A_2367 : vector<16xi1>, vector<16xf32>
        %add3A_2403 = arith.addf %select_n3A_2398, %select_n3A_2402 : vector<16xf32>
        %broadcast_in_dim3A_2404 = vector.shape_cast %xor3A_37 : vector<16xi32> to vector<16x1xi32>
        %gather3A_2405 = vector.shape_cast %broadcast_in_dim3A_2404 : vector<16x1xi32> to vector<16xi32>
        %gather3A_2406 = tpu.dynamic_gather %add3A_2385[%gather3A_2405] in [0] : vector<16xf32>, vector<16xi32> -> vector<16xf32>
        %select_n3A_2407 = arith.select %eq3A_56, %add3A_2376, %gather3A_2406 : vector<16xi1>, vector<16xf32>
        %broadcast_in_dim3A_2408 = vector.shape_cast %xor3A_37 : vector<16xi32> to vector<16x1xi32>
        %gather3A_2409 = vector.shape_cast %broadcast_in_dim3A_2408 : vector<16x1xi32> to vector<16xi32>
        %gather3A_2410 = tpu.dynamic_gather %add3A_2376[%gather3A_2409] in [0] : vector<16xf32>, vector<16xi32> -> vector<16xf32>
        %select_n3A_2411 = arith.select %eq3A_56, %gather3A_2410, %add3A_2385 : vector<16xi1>, vector<16xf32>
        %add3A_2412 = arith.addf %select_n3A_2407, %select_n3A_2411 : vector<16xf32>
        %broadcast_in_dim3A_2413 = vector.shape_cast %xor3A_37 : vector<16xi32> to vector<16x1xi32>
        %gather3A_2414 = vector.shape_cast %broadcast_in_dim3A_2413 : vector<16x1xi32> to vector<16xi32>
        %gather3A_2415 = tpu.dynamic_gather %add3A_2403[%gather3A_2414] in [0] : vector<16xf32>, vector<16xi32> -> vector<16xf32>
        %select_n3A_2416 = arith.select %eq3A_56, %add3A_2394, %gather3A_2415 : vector<16xi1>, vector<16xf32>
        %broadcast_in_dim3A_2417 = vector.shape_cast %xor3A_37 : vector<16xi32> to vector<16x1xi32>
        %gather3A_2418 = vector.shape_cast %broadcast_in_dim3A_2417 : vector<16x1xi32> to vector<16xi32>
        %gather3A_2419 = tpu.dynamic_gather %add3A_2394[%gather3A_2418] in [0] : vector<16xf32>, vector<16xi32> -> vector<16xf32>
        %select_n3A_2420 = arith.select %eq3A_56, %gather3A_2419, %add3A_2403 : vector<16xi1>, vector<16xf32>
        %add3A_2421 = arith.addf %select_n3A_2416, %select_n3A_2420 : vector<16xf32>
        %broadcast_in_dim3A_2422 = vector.shape_cast %xor3A_40 : vector<16xi32> to vector<16x1xi32>
        %gather3A_2423 = vector.shape_cast %broadcast_in_dim3A_2422 : vector<16x1xi32> to vector<16xi32>
        %gather3A_2424 = tpu.dynamic_gather %add3A_2421[%gather3A_2423] in [0] : vector<16xf32>, vector<16xi32> -> vector<16xf32>
        %select_n3A_2425 = arith.select %eq3A_62, %add3A_2412, %gather3A_2424 : vector<16xi1>, vector<16xf32>
        %broadcast_in_dim3A_2426 = vector.shape_cast %xor3A_40 : vector<16xi32> to vector<16x1xi32>
        %gather3A_2427 = vector.shape_cast %broadcast_in_dim3A_2426 : vector<16x1xi32> to vector<16xi32>
        %gather3A_2428 = tpu.dynamic_gather %add3A_2412[%gather3A_2427] in [0] : vector<16xf32>, vector<16xi32> -> vector<16xf32>
        %select_n3A_2429 = arith.select %eq3A_62, %gather3A_2428, %add3A_2421 : vector<16xi1>, vector<16xf32>
        %add3A_2430 = arith.addf %select_n3A_2425, %select_n3A_2429 : vector<16xf32>
        %add3A_2431 = arith.addf %add3A_2430, %get3A_29 : vector<16xf32>
        %neg3A = arith.constant 0.000000e+00 : f32
        %neg3A_2432 = vector.broadcast %neg3A : f32 to vector<16xf32>
        %neg3A_2433 = arith.subf %neg3A_2432, %add3A_2431 : vector<16xf32>
        %exp3A = math.exp %neg3A_2433 : vector<16xf32>
        %add3A_2434 = arith.constant 1.000000e+00 : f32
        %add3A_2435 = vector.broadcast %add3A_2434 : f32 to vector<16xf32>
        %add3A_2436 = arith.addf %add3A_2435, %exp3A : vector<16xf32>
        %div3A = arith.constant 1.000000e+00 : f32
        %div3A_2437 = vector.broadcast %div3A : f32 to vector<16xf32>
        %div3A_2438 = arith.divf %div3A_2437, %add3A_2436 : vector<16xf32>
        %mul3A_2439 = arith.constant 80 : i32
        %mul3A_2440 = arith.muli %scan3A_172, %mul3A_2439 : i32
        %mul3A_2441 = arith.constant 16 : i32
        %mul3A_2442 = arith.muli %scan3A_203, %mul3A_2441 : i32
        %add3A_2443 = arith.addi %mul3A_2440, %mul3A_2442 : i32
        %swap3A_2444 = arith.index_cast %add3A_2443 : i32 to index
        %swap3A_2445 = tpu.vector_load %arg11[%swap3A_2444] {strides = array<i32>} : memref<10000xf32, #tpu.memory_space<vmem>>, vector<16xf32>,
        %swap3A_2446 = vector.shape_cast %swap3A_2445 : vector<16xf32> to vector<16xf32>
        %swap3A_2447 = vector.shape_cast %div3A_2438 : vector<16xf32> to vector<16xf32>
        tpu.vector_store %arg11[%swap3A_2444], %swap3A_2447 {strides = array<i32>} : memref<10000xf32, #tpu.memory_space<vmem>>, vector<16xf32>,
      }
      %scan3A_198 = arith.constant 5 : i32
      %add3A_199 = arith.constant 4 : i32
      %add3A_200 = arith.addi %scan3A_172, %add3A_199 : i32
      %lt3A = arith.constant 125 : i32
      %lt3A_201 = arith.cmpi slt, %add3A_200, %lt3A : i32
      %convert_element_type3A = arith.extui %lt3A_201 : i1 to i32
      %cond3A = arith.constant 0 : i32
      %cond3A_202 = arith.cmpi ne, %convert_element_type3A, %cond3A : i32
      scf.if %cond3A_202 {
        %add3A_203 = arith.constant 4 : i32
        %add3A_204 = arith.addi %scan3A_172, %add3A_203 : i32
        %dma_start3A_205 = arith.constant 0 : i32
        %dma_start3A_206 = arith.constant 0 : i32
        %dma_start3A_207 = tpu.memref_slice %arg10[%rem3A_173, %dma_start3A_205, %dma_start3A_206] : memref<4x80x128xf32, #tpu.memory_space<vmem>> -> memref<1x80x128xf32, #tpu.memory_space<vmem>>
        %dma_start3A_208 = tpu.memref_squeeze %dma_start3A_207 : memref<1x80x128xf32, #tpu.memory_space<vmem>> -> memref<80x128xf32, #tpu.memory_space<vmem>>
        %dma_start3A_209 = arith.constant 0 : i32
        %dma_start3A_210 = tpu.memref_slice %arg8[%add3A_204, %dma_start3A_209] : memref<125x80xi32, #tpu.memory_space<vmem>> -> memref<1x80xi32, #tpu.memory_space<vmem>>
        %dma_start3A_211 = tpu.memref_squeeze %dma_start3A_210 : memref<1x80xi32, #tpu.memory_space<vmem>> -> memref<80xi32, #tpu.memory_space<vmem>>
        %dma_start3A_212 = arith.constant 0 : i32
        %dma_start3A_213 = arith.constant 0 : i32
        %dma_start3A_214 = tpu.memref_slice %arg2[%dma_start3A_212, %dma_start3A_213] : memref<10000x128xf32, #tpu.memory_space<hbm>> -> memref<10000x128xf32, #tpu.memory_space<hbm>>
        tpu.enqueue_indirect_dma source(%dma_start3A_214 : memref<10000x128xf32, #tpu.memory_space<hbm>>) target(%dma_start3A_208 : memref<80x128xf32, #tpu.memory_space<vmem>>) offsets(%dma_start3A_211 : memref<80xi32, #tpu.memory_space<vmem>>) semaphore(%arg14 : memref<!tpu.dma_semaphore, #tpu.memory_space<semaphore_mem>>) {add = true}
        %dma_start3A_215 = arith.constant 0 : i32
        %dma_start3A_216 = arith.constant 0 : i32
        %dma_start3A_217 = tpu.memref_slice %arg10[%rem3A_173, %dma_start3A_215, %dma_start3A_216] : memref<4x80x128xf32, #tpu.memory_space<vmem>> -> memref<1x80x128xf32, #tpu.memory_space<vmem>>
        %dma_start3A_218 = tpu.memref_squeeze %dma_start3A_217 : memref<1x80x128xf32, #tpu.memory_space<vmem>> -> memref<80x128xf32, #tpu.memory_space<vmem>>
        %dma_start3A_219 = arith.constant 0 : i32
        %dma_start3A_220 = tpu.memref_slice %arg9[%add3A_204, %dma_start3A_219] : memref<125x80xi32, #tpu.memory_space<vmem>> -> memref<1x80xi32, #tpu.memory_space<vmem>>
        %dma_start3A_221 = tpu.memref_squeeze %dma_start3A_220 : memref<1x80xi32, #tpu.memory_space<vmem>> -> memref<80xi32, #tpu.memory_space<vmem>>
        %dma_start3A_222 = arith.constant 0 : i32
        %dma_start3A_223 = arith.constant 0 : i32
        %dma_start3A_224 = tpu.memref_slice %arg3[%dma_start3A_222, %dma_start3A_223] : memref<10000x128xf32, #tpu.memory_space<hbm>> -> memref<10000x128xf32, #tpu.memory_space<hbm>>
        tpu.enqueue_indirect_dma source(%dma_start3A_224 : memref<10000x128xf32, #tpu.memory_space<hbm>>) target(%dma_start3A_218 : memref<80x128xf32, #tpu.memory_space<vmem>>) offsets(%dma_start3A_221 : memref<80xi32, #tpu.memory_space<vmem>>) semaphore(%arg15 : memref<!tpu.dma_semaphore, #tpu.memory_space<semaphore_mem>>) {add = true}
      } else {
      }
    }
    %scan3A_169 = arith.constant 125 : i32
    %mul3A_170 = arith.constant 10000 : i32
    %mul3A_171 = arith.muli %add3A, %mul3A_170 : i32
    "tpu.region"() ({
      %run_scoped3A_172 = tpu.sem_alloc : memref<!tpu.dma_semaphore, #tpu.memory_space<semaphore_mem>>
      %dma_start3A_173 = tpu.memref_slice %arg7[%mul3A_171] : memref<320000xf32, #tpu.memory_space<hbm>> -> memref<10000xf32, #tpu.memory_space<hbm>>
      %dma_start3A_174 = tpu.memref_slice %arg7[%mul3A_171] : memref<320000xf32, #tpu.memory_space<hbm>> -> memref<10000xf32, #tpu.memory_space<hbm>>
      tpu.enqueue_dma source(%arg11 : memref<10000xf32, #tpu.memory_space<vmem>>) target(%dma_start3A_174 : memref<10000xf32, #tpu.memory_space<hbm>>) target_semaphore(%run_scoped3A_172 : memref<!tpu.dma_semaphore, #tpu.memory_space<semaphore_mem>>)
      %dma_wait3A = tpu.memref_slice %arg7[%mul3A_171] : memref<320000xf32, #tpu.memory_space<hbm>> -> memref<10000xf32, #tpu.memory_space<hbm>>
      %dma_wait3A_175 = tpu.memref_slice %arg7[%mul3A_171] : memref<320000xf32, #tpu.memory_space<hbm>> -> memref<10000xf32, #tpu.memory_space<hbm>>
      tpu.wait_dma2 semaphore(%run_scoped3A_172 : memref<!tpu.dma_semaphore, #tpu.memory_space<semaphore_mem>>) src(%arg11 : memref<10000xf32, #tpu.memory_space<vmem>>) dst(%dma_wait3A_175 : memref<10000xf32, #tpu.memory_space<hbm>>)
      tpu.yield
    }) : () -> ()
    return
  }
}

module attributes {stable_mosaic.version = 14 : i64} {
  func.func @_pre_body(%arg0: memref<10000x128xf32, #tpu.memory_space<vmem>>, %arg1: memref<10000x128xf32, #tpu.memory_space<vmem>>, %arg2: memref<128x256xf32, #tpu.memory_space<vmem>>, %arg3: memref<1x128xf32, #tpu.memory_space<vmem>>, %arg4: memref<1x128xf32, #tpu.memory_space<vmem>>, %arg5: memref<1x1xf32, #tpu.memory_space<vmem>>, %arg6: memref<10000x128xf32, #tpu.memory_space<vmem>>, %arg7: memref<10000x128xf32, #tpu.memory_space<vmem>>, %arg8: memref<1x128xf32, #tpu.memory_space<vmem>>, %arg9: memref<1x16xf32, #tpu.memory_space<vmem>>) attributes {dimension_semantics = [], scalar_prefetch = 0 : i64, scratch_operands = 0 : i64, tpu.core_type = #tpu.core_type<tc>} {
    %get3A = arith.constant 0 : index
    %get3A_0 = arith.constant 0 : index
    %get3A_1 = vector.load %arg2[%get3A, %get3A_0] : memref<128x256xf32, #tpu.memory_space<vmem>>, vector<128x256xf32>
    %get3A_2 = arith.constant 0 : index
    %get3A_3 = arith.constant 0 : index
    %get3A_4 = vector.load %arg0[%get3A_2, %get3A_3] : memref<10000x128xf32, #tpu.memory_space<vmem>>, vector<10000x128xf32>
    %slice3A = vector.extract_strided_slice %get3A_1 {offsets = [0, 0], sizes = [128, 128], strides = [1, 1]} : vector<128x256xf32> to vector<128x128xf32>
    %dot_general3A = arith.constant dense<0.000000e+00> : vector<10000x128xf32>
    %dot_general3A_5 = tpu.matmul %get3A_4, %slice3A, %dot_general3A {dimension_numbers = #tpu.dot_dimension_numbers<[1], [1], [0], [0], [0, 0, 1, 0], [], []>, transpose_lhs_hint = false} : vector<10000x128xf32>, vector<128x128xf32>, vector<10000x128xf32> -> vector<10000x128xf32>
    %swap3A = arith.constant 0 : index
    %swap3A_6 = arith.constant 0 : index
    %swap3A_7 = vector.load %arg6[%swap3A, %swap3A_6] : memref<10000x128xf32, #tpu.memory_space<vmem>>, vector<10000x128xf32>
    tpu.vector_store %arg6[%swap3A, %swap3A_6], %dot_general3A_5 {strides = array<i32>} : memref<10000x128xf32, #tpu.memory_space<vmem>>, vector<10000x128xf32>,
    %get3A_8 = arith.constant 0 : index
    %get3A_9 = arith.constant 0 : index
    %get3A_10 = vector.load %arg1[%get3A_8, %get3A_9] : memref<10000x128xf32, #tpu.memory_space<vmem>>, vector<10000x128xf32>
    %slice3A_11 = vector.extract_strided_slice %get3A_1 {offsets = [0, 128], sizes = [128, 128], strides = [1, 1]} : vector<128x256xf32> to vector<128x128xf32>
    %dot_general3A_12 = arith.constant dense<0.000000e+00> : vector<10000x128xf32>
    %dot_general3A_13 = tpu.matmul %get3A_10, %slice3A_11, %dot_general3A_12 {dimension_numbers = #tpu.dot_dimension_numbers<[1], [1], [0], [0], [0, 0, 1, 0], [], []>, transpose_lhs_hint = false} : vector<10000x128xf32>, vector<128x128xf32>, vector<10000x128xf32> -> vector<10000x128xf32>
    %get3A_14 = arith.constant 0 : index
    %get3A_15 = arith.constant 0 : index
    %get3A_16 = vector.load %arg3[%get3A_14, %get3A_15] : memref<1x128xf32, #tpu.memory_space<vmem>>, vector<1x128xf32>
    %add3A = vector.broadcast %get3A_16 : vector<1x128xf32> to vector<10000x128xf32>
    %add3A_17 = arith.addf %dot_general3A_13, %add3A : vector<10000x128xf32>
    %swap3A_18 = arith.constant 0 : index
    %swap3A_19 = arith.constant 0 : index
    %swap3A_20 = vector.load %arg7[%swap3A_18, %swap3A_19] : memref<10000x128xf32, #tpu.memory_space<vmem>>, vector<10000x128xf32>
    tpu.vector_store %arg7[%swap3A_18, %swap3A_19], %add3A_17 {strides = array<i32>} : memref<10000x128xf32, #tpu.memory_space<vmem>>, vector<10000x128xf32>,
    %get3A_21 = arith.constant 0 : index
    %get3A_22 = arith.constant 0 : index
    %get3A_23 = vector.load %arg4[%get3A_21, %get3A_22] : memref<1x128xf32, #tpu.memory_space<vmem>>, vector<1x128xf32>
    %swap3A_24 = arith.constant 0 : index
    %swap3A_25 = arith.constant 0 : index
    %swap3A_26 = vector.load %arg8[%swap3A_24, %swap3A_25] : memref<1x128xf32, #tpu.memory_space<vmem>>, vector<1x128xf32>
    tpu.vector_store %arg8[%swap3A_24, %swap3A_25], %get3A_23 {strides = array<i32>} : memref<1x128xf32, #tpu.memory_space<vmem>>, vector<1x128xf32>,
    %get3A_27 = arith.constant 0 : index
    %get3A_28 = arith.constant 0 : index
    %get3A_29 = vector.load %arg5[%get3A_27, %get3A_28] : memref<1x1xf32, #tpu.memory_space<vmem>>, vector<1x1xf32>
    %broadcast_in_dim3A = vector.shape_cast %get3A_29 : vector<1x1xf32> to vector<1x1xf32>
    %broadcast_in_dim3A_30 = vector.broadcast %broadcast_in_dim3A : vector<1x1xf32> to vector<1x16xf32>
    %swap3A_31 = arith.constant 0 : index
    %swap3A_32 = arith.constant 0 : index
    %swap3A_33 = vector.load %arg9[%swap3A_31, %swap3A_32] : memref<1x16xf32, #tpu.memory_space<vmem>>, vector<1x16xf32>
    tpu.vector_store %arg9[%swap3A_31, %swap3A_32], %broadcast_in_dim3A_30 {strides = array<i32>} : memref<1x16xf32, #tpu.memory_space<vmem>>, vector<1x16xf32>,
    return
  }
}

</mosaic_0001>

<sc_bundles>
// kernel: kernel.4.cloned.1.call-start
scs
__scs_entry_jumppad:
0x0: {  	(pc) =	sbr.rel $0x88, $3  }
0x1: {  	(tag) =	ssettag $0x0;
	lr =	simm.s32 $0x1  }
0x2: {  	[smem:$0x3F9A] =	sst lr;
	_ =	strace $0xD0000000  }
0x3: {  	_ = 	snop  }
0x4: {  	_ = 	snop  }
0x5: {  	_ = 	snop  }
0x6: {  	_ = 	snop  }
0x7: {  	_ = 	snop  }
__scs_overlays_trampoline_lowered:
0x8: {  	[smem:$0x3FA9] =	sst s0  }
0x9: {  	[smem:$0x3FAA] =	sst s1  }
0xa: {  	[smem:$0x3FAB] =	sst s2  }
0xb: {  	[smem:$0x3FAC] =	sst s3  }
0xc: {  	[smem:$0x3FAD] =	sst s4  }
0xd: {  	[smem:$0x3FAE] =	sst s5  }
0xe: {  	[smem:$0x3FAF] =	sst s6  }
0xf: {  	[smem:$0x3FB0] =	sst s7  }
0x10: {  	[smem:$0x3FB1] =	sst s8  }
0x11: {  	[smem:$0x3FB2] =	sst s9;
	s0 =	simm.s32 @!p0 $0x0  }
0x12: {  	s1 =	sld [smem:$0x3F98];
	s0 =	simm.s32 @p0 $0x1  }
0x13: {  	[smem:$0x3FB3] =	sst s0;
	s0 =	simm.s32 @!p1 $0x0  }
0x14: {  	s2 =	sld [smem:$0x3F97];
	s0 =	simm.s32 @p1 $0x1  }
0x15: {  	[smem:$0x3FB4] =	sst s0;
	s0 =	simm.s32 @!p2 $0x0  }
0x16: {  	s3 =	sld [smem:$0x3FDB];
	s0 =	simm.s32 @p2 $0x1  }
0x17: {  	s4 =	simm.s32 $0x1BF5;
	[smem:$0x3FB6] =	sst s0  }
0x18: {  	s0 =	sld [smem:$0x3F99];
	_ =	swait.ge [sflag:s4], $0x0  }
0x19: {  	s7 =	sld [smem:$0x3F9A]  }
0x1a: {  	s8 =	sadd.s32 $0xFFFFE003, lr  }
0x1b: {  	s9 =	sadd.s32 $0xFFFFFEF7, lr;
	s5 =	simm.s32 $0xFFFFFFFF;
	p2 =	slt.u32 s8, $0xFFFFF086  }
0x1c: {  	p1 =	slt.u32 s9, $0xF7A;
	s5 =	simm.s32 @!p2 $0x0  }
0x1d: {  	s5 =	simm.s32 @p1 $0x1;
	p0 =	seq.s32 s7, s2  }
0x1e: {  	s7 =	smul.u32 @!p0 $0xF7A, s2;
	p2 =	seq.s32 @!p0 s5, $0x0  }
0x1f: {  	s9 =	smul.u32 $0xF7A, s1;
	s8 =	simm.s32 @!p0 $0x1BF5;
	p2 =	por !p2, p0  }
0x20: {  	[sflag:s8] =	ssyncset.s32 @!p0 $0xFFFFF086;
	s6 =	sadd.s32 @!p0 s3, s7;
	s7 =	simm.s32 @!p0 $0x108  }
0x21: {  	s3 =	sadd.s32 s3, s9;
	s6 =	sadd.s32 @!p0 $0x88, s6;
	s7 =	simm.s32 @p2 $0x1082  }
0x22: {  	[simem:s7], [sflag:s8] =	dma.local @!p0 [hbm:s6], $0xF7A  }
0x23: {  	s9 =	sor.u32 $0xD0000000, s2;
	s6 =	simm.s32 $0x108;
	_ =	swait.ge @!p0 [sflag:s8], $0x0  }
0x24: {  	s3 =	sadd.s32 $0x88, s3;
	s6 =	simm.s32 @!p1 $0x1082;
	[sflag:s4] =	ssyncset.s32 $0xFFFFF086  }
0x25: {  	[simem:s6], [sflag:s4] =	dma.local [hbm:s3], $0xF7A  }
0x26: {  	[smem:$0x3F9A] =	sst s1;
	(tag) =	ssettag s2;
	_ =	strace s9  }
0x27: {  	s1 =	sld [smem:$0x3FAA]  }
0x28: {  	s2 =	sld [smem:$0x3FAB]  }
0x29: {  	s4 =	sld [smem:$0x3FAD]  }
0x2a: {  	p0 =	seq.s32 s5, $0x0;
	s5 =	sld [smem:$0x3FAE]  }
0x2b: {  	s6 =	sld [smem:$0x3FAF]  }
0x2c: {  	s7 =	sld [smem:$0x3FB0]  }
0x2d: {  	s3 =	simm.s32 $0x108;
	s8 =	sld [smem:$0x3FB1]  }
0x2e: {  	s3 =	simm.s32 @!p0 $0x1082;
	s9 =	sld [smem:$0x3FB2]  }
0x2f: {  	lr =	sadd.s32 s0, s3;
	s0 =	sld [smem:$0x3FA9]  }
0x30: {  	s3 =	sld [smem:$0x3FAC]  }
0x31: {  	[smem:$0x3FB5] =	sst s10  }
0x32: {  	s10 =	sld [smem:$0x3FB3];
	_ =	sdelay $0x3  }
0x33: {  	p0 =	seq.s32 s10, $0x1;
	s10 =	sld [smem:$0x3FB5];
	_ =	sdelay $0x3  }
0x34: {  	[smem:$0x3FB5] =	sst s10  }
0x35: {  	s10 =	sld [smem:$0x3FB4];
	_ =	sdelay $0x3  }
0x36: {  	p1 =	seq.s32 s10, $0x1;
	s10 =	sld [smem:$0x3FB5];
	_ =	sdelay $0x3  }
0x37: {  	[smem:$0x3FB5] =	sst s10  }
0x38: {  	s10 =	sld [smem:$0x3FB6]  }
0x39: {  	_ = 	snop;
	(pc) =	sbr.ind lr, $3  }
0x3a: {  	_ = 	snop  }
0x3b: {  	_ = 	snop  }
0x3c: {  	p2 =	seq.s32 s10, $0x1;
	s10 =	sld [smem:$0x3FB5]  }
0x3d: {  	_ =	shalt  }
0x3e: {  	_ =	shalt  }
0x3f: {  	_ =	shalt  }
0x40: {  	_ =	shalt  }
0x41: {  	_ =	shalt  }
0x42: {  	_ =	shalt  }
0x43: {  	_ =	shalt  }
0x44: {  	_ =	shalt  }
0x45: {  	_ =	shalt  }
0x46: {  	_ =	shalt  }
0x47: {  	_ =	shalt  }
0x48: {  	_ =	shalt  }
0x49: {  	_ =	shalt  }
0x4a: {  	_ =	shalt  }
0x4b: {  	_ =	shalt  }
0x4c: {  	_ =	shalt  }
0x4d: {  	_ =	shalt  }
0x4e: {  	_ =	shalt  }
0x4f: {  	_ =	shalt  }
0x50: {  	_ =	shalt  }
0x51: {  	_ =	shalt  }
0x52: {  	_ =	shalt  }
0x53: {  	_ =	shalt  }
0x54: {  	_ =	shalt  }
0x55: {  	_ =	shalt  }
0x56: {  	_ =	shalt  }
0x57: {  	_ =	shalt  }
0x58: {  	_ =	shalt  }
0x59: {  	_ =	shalt  }
0x5a: {  	_ =	shalt  }
0x5b: {  	_ =	shalt  }
0x5c: {  	_ =	shalt  }
0x5d: {  	_ =	shalt  }
0x5e: {  	_ =	shalt  }
0x5f: {  	_ =	shalt  }
0x60: {  	_ =	shalt  }
0x61: {  	_ =	shalt  }
0x62: {  	_ =	shalt  }
0x63: {  	_ =	shalt  }
0x64: {  	_ =	shalt  }
0x65: {  	_ =	shalt  }
0x66: {  	_ =	shalt  }
0x67: {  	_ =	shalt  }
0x68: {  	_ =	shalt  }
0x69: {  	_ =	shalt  }
0x6a: {  	_ =	shalt  }
0x6b: {  	_ =	shalt  }
0x6c: {  	_ =	shalt  }
0x6d: {  	_ =	shalt  }
0x6e: {  	_ =	shalt  }
0x6f: {  	_ =	shalt  }
0x70: {  	_ =	shalt  }
0x71: {  	_ =	shalt  }
0x72: {  	_ =	shalt  }
0x73: {  	_ =	shalt  }
0x74: {  	_ =	shalt  }
0x75: {  	_ =	shalt  }
0x76: {  	_ =	shalt  }
0x77: {  	_ =	shalt  }
0x78: {  	_ =	shalt  }
0x79: {  	_ =	shalt  }
0x7a: {  	_ =	shalt  }
0x7b: {  	_ =	shalt  }
0x7c: {  	_ =	shalt  }
0x7d: {  	_ =	shalt  }
0x7e: {  	_ =	shalt  }
0x7f: {  	_ =	shalt  }
0x80: {  	_ =	shalt  }
0x81: {  	_ =	shalt  }
0x82: {  	_ =	shalt  }
0x83: {  	_ =	shalt  }
0x84: {  	_ =	shalt  }
0x85: {  	_ =	shalt  }
0x86: {  	_ =	shalt  }
0x87: {  	_ =	shalt  }
.Lfunc_end0:
.L_simem_size_0:
called_computation_lowered:
.L_overlay_start_0:
0x88: {  	s2 =	sld [smem:$0x3FD9]  }
0x89: {  	s3 =	sld [smem:$0x3FFE];
	_ =	sdelay $0x1  }
0x8a: {  	s1 =	srdreg.scid  }
0x8b: {  	s0 =	sand.u32 $0x1, s1  }
0x8c: {  	s17 =	sshll.u32 s0, $0xA;
	s2 =	sadd.s32 s3, s2  }
0x8d: {  	s2 =	sadd.s32 s2, s17  }
0x8e: {  	[smem:$0x3FC1] =	sst s2  }
0x8f: {  	_ = 	snop  }
0x90: {  	s2 =	sld [smem:$0x3FD0];
	(tm) =	ssettm $0x1  }
0x91: {  	s18 =	sld [smem:$0x3FFB];
	_ =	sdelay $0x3  }
0x92: {  	_ =	strace s18  }
0x93: {  	s3 =	sld [smem:$0x3FFC];
	_ =	sdelay $0x3  }
0x94: {  	_ =	strace s3  }
0x95: {  	s3 =	sld [smem:$0x3FFD];
	_ =	sdelay $0x3  }
0x96: {  	_ =	strace s3  }
0x97: {  	_ =	strace $0x8FFFFFFF  }
0x98: {  	s19 =	sld [smem:$0x3FDB];
	_ =	sdelay $0x1  }
0x99: {  	s4 =	simm.s32 $_scs_section_size  }
0x9a: {  	s5 =	simm.s32 $_size__tile_overlayer_lowered;
	s6 =	simm.s32 $_tile_overlayer_lowered  }
0x9b: {  	s22 =	simm.s32 $0x1BFF;
	s21 =	sshll.u32 s6, $0x1;
	s3 =	sadd.s32 s4, s19  }
0x9c: {  	s7 =	simm.s32 $0x0;
	s20 =	sshll.u32 s5, $0x1;
	s5 =	sadd.s32 s21, s3  }
0x9d: {  	[timem:s7], [sflag:s22] =	dma.local [hbm:s5], s20  }
0x9e: {  	_ =	swait.ge [sflag:s22], s20  }
0x9f: {  	s4 =	ssub.s32 $0x0, s20;
	[sflag:s22] =	ssyncset.done $0x0  }
0xa0: {  	[sflag:s22] =	ssyncadd.s32 s4;
	_ =	sdelay $0x1  }
0xa1: {  	s23 =	simm.s32 $0x1B8B  }
0xa2: {  	_ =	swait.ge [sflag:s23], $0x1  }
0xa3: {  	[sflag:s23] =	ssyncset.done $0x0  }
0xa4: {  	s25 =	simm.s32 $0x1B8E;
	s24 =	sld [smem:$0x3FFE];
	[sflag:s23] =	ssyncadd.s32 $0xFFFFFFFF  }
0xa5: {  	s26 =	simm.s32 $execute0_lowered;
	[smem:$0x3FD2] =	sst s25  }
0xa6: {  	s5 =	sshll.u32 s26, $0x1;
	_ =	strace $0x80000046;
	[dreg:$0x1] =	wrdreg $0xFFFFFFFF  }
0xa7: {  	s28 =	simm.s32 $_size_execute0_lowered;
	s3 =	sadd.s32 s3, s5;
	[dreg:$0x0] =	wrdreg $0x0  }
0xa8: {  	s5 =	sshll.u32 s28, $0x1;
	[dreg:$0x2] =	wrdreg s3  }
0xa9: {  	[dreg:$0x3] =	wrdreg s5  }
0xaa: {  	[dreg:$0x4] =	wrdreg $0xC0  }
0xab: {  	_ =	task [dreg:s7], $0x5FFFF  }
0xac: {  	[dreg:$0x1] =	wrdreg $0xFFFFFFFF  }
0xad: {  	[dreg:$0x0] =	wrdreg $0x60  }
0xae: {  	[dreg:$0x2] =	wrdreg s24  }
0xaf: {  	[dreg:$0x3] =	wrdreg s2  }
0xb0: {  	[dreg:$0x4] =	wrdreg $0x9  }
0xb1: {  	_ =	task.clear_ibuf [dreg:s7], $0x5FFFF;
	_ =	strace $0x90000046  }
0xb2: {  	s29 =	simm.s32 $0x9;
	_ =	strace $0x80000048  }
0xb3: {  	_ =	swait.ge [sflag:s29], $0x1  }
0xb4: {  	[sflag:s29] =	ssyncadd.s32 $0xFFFFFFFF  }
0xb5: {  	_ =	strace $0x90000048  }
0xb6: {  	_ =	sfence  }
0xb7: {  	s30 =	sld [smem:$0x0];
	_ =	sdelay $0x2  }
0xb8: {  	s31 =	sshll.u32 s1, $0xD;
	s1 =	sshrl.u32 s1, $0x2  }
0xb9: {  	s3 =	sand.u32 $0x4000, s31;
	s1 =	sadd.s32 s1, s30  }
0xba: {  	s0 =	sor.u32 s3, s0;
	s1 =	sshll.u32 s1, $0x11  }
0xbb: {  	s0 =	sor.u32 s1, s0  }
0xbc: {  	s0 =	sadd.s32 $0x8F2B, s0  }
0xbd: {  	[sflag:s0] =	ssyncadd.remote.s32 $0x1  }
0xbe: {  	_ =	sfence.sel $0xFFFF  }
0xbf: {  	[dreg:$0x0] =	wrdreg $0xFFFFFFFF;
	(pc) =	sbr.abs _section_cstart, $3  }
0xc0: {  	[dreg:$0x1] =	wrdreg $0xFFFFFFFF  }
0xc1: {  	_ =	task.clear_ibuf [dreg:s7], $0x2FFFF;
	_ =	strace $0x9FFFFFFF  }
0xc2: {  	(tm) =	ssettm $0x7FFFFFFF  }
0xc3: {  	_ =	shalt  }
tec
execute0_lowered:
.L_overlay_start_1:
0x0: {  	(tag) =	ssettag $0x1  }
0x1: {  	v0 =	vimm.s32 $0xEFCDAB89;
	v1 =	vimm.s32 $0x67452301  }
0x2: {  	vm0 =	vcmask $0xB08;
	vm1 =	vcmask $0x300;
	v2 =	vimm.s32 $0x54761032  }
0x3: {  	vm2 =	vcmask $0x1710;
	v0 =	vunpack.c.l.s4.s8 v0;
	v1 =	vunpack.c.l.s4.s8 v1  }
0x4: {  	vm3 =	vcmask $0x700;
	v3 =	vimm.s32 $0xBA98FEDC;
	v4 =	vimm.s32 $0x32107654  }
0x5: {  	v63 =	vimm.s32 $0xFEDCBA98;
	v0 =	vunpack.c.0.s8.s32 v0;
	v1 =	vunpack.c.0.s8.s32 v1  }
0x6: {  	s0 =	rddreg [dreg:$0x0];
	v5 =	vimm.s32 $0x76543210;
	vm0 =	vmor vm1, vm0;
	vm1 =	vcmask $0x1310  }
0x7: {  	s1 =	rddreg [dreg:$0x1];
	v2 =	vunpack.c.l.s4.s8 v2;
	v1 =	vcombine.low v1, v0;
	v0 =	vimm.s32 $0xDCFE98BA  }
0x8: {  	s2 =	simm.s32 $0x0;
	s3 =	srdreg.scid;
	s4 =	stileid.u32;
	vm2 =	vmor vm3, vm2;
	vm3 =	vcmask $0x2720;
	v0 =	vunpack.c.l.s4.s8 v0  }
0x9: {  	s11 =	simm.s32 $0x3;
	s12 =	simm.s32 $0x4000;
	s15 =	simm.s32 $0x50;
	v3 =	vunpack.c.l.s4.s8 v3;
	v4 =	vunpack.c.l.s4.s8 v4;
	vm0 =	vmor vm0, vm1  }
0xa: {  	s16 =	simm.s32 $0x8000;
	s17 =	simm.s32 $0x80;
	s18 =	simm.s32 $0xA800;
	vm1 =	vcmask $0x1B18;
	v2 =	vunpack.c.0.s8.s32 v2;
	v0 =	vunpack.c.0.s8.s32 v0  }
0xb: {  	s19 =	simm.s32 $0x4080;
	s20 =	simm.s32 $0x100;
	s21 =	simm.s32 $0xD000;
	v5 =	vunpack.c.l.s4.s8 v5;
	vm0 =	vmor vm0, vm1;
	vm1 =	vcmask $0x2320  }
0xc: {  	s22 =	simm.s32 $0x4100;
	s23 =	simm.s32 $0x180;
	s24 =	simm.s32 $0xF800;
	vm0 =	vmor vm0, vm1;
	vm1 =	vcmask $0x2B28;
	v2 =	vcombine.low v2, v0  }
0xd: {  	s25 =	simm.s32 $0x4180;
	s28 =	simm.s32 $0x2;
	s29 =	simm.s32 $0x12000;
	v0 =	vunpack.c.0.s8.s32 v3;
	v3 =	vunpack.c.0.s8.s32 v4;
	v4 =	vunpack.c.l.s4.s8 v63  }
0xe: {  	s30 =	simm.s32 $0x0;
	[smem:$0x7FF] =	sst s2;
	s6 =	sand.u32 $0x1, s3;
	v5 =	vunpack.c.0.s8.s32 v5;
	vm0 =	vmor vm0, vm1;
	vm1 =	vcmask $0x3330  }
0xf: {  	s26 =	sshll.u32 s4, $0x1;
	s3 =	sadd.s32 $0x21800, s0;
	s4 =	sadd.s32 $0x48A00, s0;
	vm0 =	vmor vm0, vm1;
	vm1 =	vcmask $0x3B38;
	v4 =	vunpack.c.0.s8.s32 v4  }
0x10: {  	_ =	strace $0x80000047;
	s7 =	sor.u32 s6, s26;
	s9 =	ssub.s32 $0x2, s6;
	vm0 =	vmor vm0, vm1;
	vm1 =	vmor vm2, vm3;
	v3 =	vcombine.low v3, v0  }
0x11: {  	s6 =	sadd.s32 $0x6FE00, s0;
	s26 =	simm.s32 $0x1;
	s5 =	sshll.u32 s7, $0xB;
	vm2 =	vcmask $0x3730;
	v52 =	vand.u32 $0xF, v2;
	v2 =	vand.u32 $0xF, v4  }
0x12: {  	s31 =	sshrl.u32 s9, $0x1;
	s10 =	smul.u32 $0x4E2, s7;
	s8 =	sadd.s32 s5, s0;
	vm3 =	vcmask $0xF00;
	v19 =	vand.u32 $0xF, v3;
	v15 =	vcombine.low v2, v5  }
0x13: {  	s5 =	sadd.s32 $0x6FC00, s0;
	s0 =	ssub.s32 s9, s31;
	s7 =	sadd.s32 $0x1800, s8;
	v1 =	vand.u32 $0xF, v1;
	vm1 =	vmor vm1, vm2;
	vm2 =	vcmask $0x2F20;
	[tilespmem:$0x1FFE0] =	vst v19  }
0x14: {  	s8 =	sadd.s32 $0x11800, s8;
	s9 =	sadd.s32 s1, s10;
	s10 =	smax.u32 s0, $0x1;
	vm2 =	vmor vm3, vm2;
	vm3 =	vmmov $0xff;
	v0 =	vimm.f32 $0.0e+00;
	[tilespmem:$0x1FFF0] =	vst v15  }
.LBB2_1:
0x15: {  	[tilespmem:s2], [sflag:$0x3] =	stream.linear.gather [hbm4b:s7+s2], $0x3E80, $0x38;
	[tilespmem:$0x14880] =	vst v63  }
0x16: {  	_ =	swait.ge [sflag:s11], $0x3E80  }
0x17: {  	[sflag:s11] =	ssyncset.done $0x0  }
0x18: {  	[sflag:s11] =	ssyncadd.s32 $0xFFFFC180  }
0x19: {  	[tilespmem:s12], [sflag:$0x3] =	stream.linear.gather [hbm4b:s8+s2], $0x3E80, $0x38;
	[tilespmem:$0x14880] =	vst v63  }
0x1a: {  	_ =	swait.ge [sflag:s11], $0x3E80  }
0x1b: {  	[sflag:s11] =	ssyncset.done $0x0  }
0x1c: {  	s0 =	simm.s32 $0x14780;
	[sflag:s11] =	ssyncadd.s32 $0xFFFFC180  }
0x1d: {  	[tilespmem:s0], [sflag:$0x3] =	stream.linear.gather [hbm4b:s5+s2], $0x80, $0x38;
	[tilespmem:$0x14880] =	vst v63  }
0x1e: {  	_ =	swait.ge [sflag:s11], $0x80  }
0x1f: {  	[sflag:s11] =	ssyncset.done $0x0  }
0x20: {  	s31 =	simm.s32 $0x14800;
	[sflag:s11] =	ssyncadd.s32 $0xFFFFFF80  }
0x21: {  	[tilespmem:s31], [sflag:$0x3] =	stream.linear.gather [hbm4b:s6+s2], $0x80, $0x38;
	[tilespmem:$0x14880] =	vst v63  }
0x22: {  	_ =	swait.ge [sflag:s11], $0x80  }
0x23: {  	[sflag:s11] =	ssyncset.done $0x0  }
0x24: {  	[sflag:s11] =	ssyncadd.s32 $0xFFFFFF80  }
0x25: {  	v5 =	vld [tilespmem:$0x14780]  }
0x26: {  	v6 =	vld [tilespmem:$0x14790]  }
0x27: {  	v7 =	vld [tilespmem:$0x147A0]  }
0x28: {  	v8 =	vld [tilespmem:$0x147B0]  }
0x29: {  	v9 =	vld [tilespmem:$0x147C0]  }
0x2a: {  	v10 =	vld [tilespmem:$0x147D0]  }
0x2b: {  	v11 =	vld [tilespmem:$0x147E0]  }
0x2c: {  	v12 =	vld [tilespmem:$0x147F0]  }
0x2d: {  	s1 =	simm.s32 $0x200;
	s0 =	simm.s32 $0x0;
	v3 =	vld [tilespmem:$0x14800]  }
.LBB2_2:
0x2e: {  	p0 =	sne.s32 s1, $0x9E00;
	[tilespmem:s0+$0xF870] =	vst v0  }
0x2f: {  	[tilespmem:s0+$0x8000] =	vst v0  }
0x30: {  	[tilespmem:s0+$0x8010] =	vst v0  }
0x31: {  	[tilespmem:s0+$0x8020] =	vst v0  }
0x32: {  	[tilespmem:s0+$0x8030] =	vst v0  }
0x33: {  	[tilespmem:s0+$0x8040] =	vst v0  }
0x34: {  	[tilespmem:s0+$0x8050] =	vst v0  }
0x35: {  	[tilespmem:s0+$0x8060] =	vst v0  }
0x36: {  	[tilespmem:s0+$0x8070] =	vst v0  }
0x37: {  	[tilespmem:s0+$0xA800] =	vst v0  }
0x38: {  	[tilespmem:s0+$0xA810] =	vst v0  }
0x39: {  	[tilespmem:s0+$0xA820] =	vst v0  }
0x3a: {  	[tilespmem:s0+$0xA830] =	vst v0  }
0x3b: {  	[tilespmem:s0+$0xA840] =	vst v0  }
0x3c: {  	[tilespmem:s0+$0xA850] =	vst v0  }
0x3d: {  	[tilespmem:s0+$0xA860] =	vst v0  }
0x3e: {  	[tilespmem:s0+$0xA870] =	vst v0  }
0x3f: {  	[tilespmem:s0+$0xD000] =	vst v0  }
0x40: {  	[tilespmem:s0+$0xD010] =	vst v0  }
0x41: {  	[tilespmem:s0+$0xD020] =	vst v0  }
0x42: {  	[tilespmem:s0+$0xD030] =	vst v0  }
0x43: {  	[tilespmem:s0+$0xD040] =	vst v0  }
0x44: {  	[tilespmem:s0+$0xD050] =	vst v0  }
0x45: {  	[tilespmem:s0+$0xD060] =	vst v0  }
0x46: {  	[tilespmem:s0+$0xD070] =	vst v0  }
0x47: {  	[tilespmem:s0+$0xF800] =	vst v0  }
0x48: {  	[tilespmem:s0+$0xF810] =	vst v0  }
.Ltmp0:
0x49: {  	[tilespmem:s0+$0xF820] =	vst v0;
	(pc) =	sbr.rel @p0 .LBB2_2-.Ltmp0, $4  }
0x4a: {  	[tilespmem:s0+$0xF830] =	vst v0  }
0x4b: {  	[tilespmem:s0+$0xF840] =	vst v0  }
0x4c: {  	[tilespmem:s0+$0xF850] =	vst v0  }
0x4d: {  	[tilespmem:s0+$0xF860] =	vst v0;
	s0 =	sshra.s32 s1, $0x2;
	s1 =	sadd.s32 $0x200, s1  }
0x4e: {  	[tilespmem:s0+$0xF870] =	vst v0  }
0x4f: {  	[tilespmem:s0+$0x8000] =	vst v0  }
0x50: {  	[tilespmem:s0+$0x8010] =	vst v0  }
0x51: {  	[tilespmem:s0+$0x8020] =	vst v0  }
0x52: {  	[tilespmem:s0+$0x8030] =	vst v0  }
0x53: {  	[tilespmem:s0+$0x8040] =	vst v0  }
0x54: {  	[tilespmem:s0+$0x8050] =	vst v0  }
0x55: {  	[tilespmem:s0+$0x8060] =	vst v0  }
0x56: {  	[tilespmem:s0+$0x8070] =	vst v0  }
0x57: {  	[tilespmem:s0+$0xA800] =	vst v0  }
0x58: {  	[tilespmem:s0+$0xA810] =	vst v0  }
0x59: {  	[tilespmem:s0+$0xA820] =	vst v0  }
0x5a: {  	[tilespmem:s0+$0xA830] =	vst v0  }
0x5b: {  	[tilespmem:s0+$0xA840] =	vst v0  }
0x5c: {  	[tilespmem:s0+$0xA850] =	vst v0  }
0x5d: {  	[tilespmem:s0+$0xA860] =	vst v0  }
0x5e: {  	[tilespmem:s0+$0xA870] =	vst v0  }
0x5f: {  	[tilespmem:s0+$0xD000] =	vst v0  }
0x60: {  	[tilespmem:s0+$0xD010] =	vst v0  }
0x61: {  	[tilespmem:s0+$0xD020] =	vst v0  }
0x62: {  	[tilespmem:s0+$0xD030] =	vst v0  }
0x63: {  	[tilespmem:s0+$0xD040] =	vst v0  }
0x64: {  	[tilespmem:s0+$0xD050] =	vst v0  }
0x65: {  	[tilespmem:s0+$0xD060] =	vst v0  }
0x66: {  	[tilespmem:s0+$0xD070] =	vst v0  }
0x67: {  	[tilespmem:s0+$0xF800] =	vst v0  }
0x68: {  	[tilespmem:s0+$0xF810] =	vst v0  }
0x69: {  	[tilespmem:s0+$0xF820] =	vst v0  }
0x6a: {  	[tilespmem:s0+$0xF830] =	vst v0  }
0x6b: {  	[tilespmem:s0+$0xF840] =	vst v0  }
0x6c: {  	[tilespmem:s0+$0xF850] =	vst v0  }
0x6d: {  	[tilespmem:s0+$0xF860] =	vst v0;
	s31 =	simm.s32 $0x0  }
0x6e: {  	[tilespmem:s16], [sflag:$0x1] =	stream.indirect.gather.add.f32 [hbm:s3], $0x80, s31, s15, $0xb8;
	[tilespmem:$0x14880] =	vst v63  }
0x6f: {  	_ = 	snop  }
0x70: {  	[tilespmem:s16], [sflag:$0x2] =	stream.indirect.gather.add.f32 [hbm:s4], $0x80, s12, s15, $0xb8;
	[tilespmem:$0x14880] =	vst v63  }
0x71: {  	_ = 	snop  }
0x72: {  	[tilespmem:s18], [sflag:$0x1] =	stream.indirect.gather.add.f32 [hbm:s3], $0x80, s17, s15, $0xb8;
	[tilespmem:$0x14880] =	vst v63  }
0x73: {  	_ = 	snop  }
0x74: {  	[tilespmem:s18], [sflag:$0x2] =	stream.indirect.gather.add.f32 [hbm:s4], $0x80, s19, s15, $0xb8;
	[tilespmem:$0x14880] =	vst v63  }
0x75: {  	_ = 	snop  }
0x76: {  	[tilespmem:s21], [sflag:$0x1] =	stream.indirect.gather.add.f32 [hbm:s3], $0x80, s20, s15, $0xb8;
	[tilespmem:$0x14880] =	vst v63  }
0x77: {  	_ = 	snop  }
0x78: {  	[tilespmem:s21], [sflag:$0x2] =	stream.indirect.gather.add.f32 [hbm:s4], $0x80, s22, s15, $0xb8;
	[tilespmem:$0x14880] =	vst v63  }
0x79: {  	_ = 	snop  }
0x7a: {  	[tilespmem:s24], [sflag:$0x1] =	stream.indirect.gather.add.f32 [hbm:s3], $0x80, s23, s15, $0xb8;
	[tilespmem:$0x14880] =	vst v63  }
0x7b: {  	[tilespmem:$0x1FFD0] =	vst v3  }
0x7c: {  	[tilespmem:s24], [sflag:$0x2] =	stream.indirect.gather.add.f32 [hbm:s4], $0x80, s25, s15, $0xb8;
	[tilespmem:$0x14880] =	vst v63  }
.LBB2_4:
0x7d: {  	s0 =	sand.u32 $0x3, s31  }
0x7e: {  	s0 =	smul.u32 $0xA000, s0  }
0x7f: {  	_ =	swait.ge [sflag:s26], $0x2800;
	s1 =	smul.u32 $0x140, s31  }
0x80: {  	[sflag:s26] =	ssyncset.done $0x0;
	s0 =	sshrl.u32 s0, $0x2  }
0x81: {  	[sflag:s26] =	ssyncadd.s32 $0xFFFFD800;
	s1 =	sshra.s32 s1, $0x2;
	s0 =	sor.u32 $0x8000, s0  }
0x82: {  	_ =	swait.ge [sflag:s28], $0x2800;
	s1 =	sadd.s32 $0x12000, s1;
	v14 =	vmov s0  }
0x83: {  	[sflag:s28] =	ssyncset.done $0x0;
	v2 =	vmov s1  }
0x84: {  	s1 =	simm.s32 $0x0;
	[sflag:s28] =	ssyncadd.s32 $0xFFFFD800;
	[tilespmem:$0x1FFC0] =	vst v2  }
.LBB2_5:
0x85: {  	s13 =	sshll.u32 s1, $0xD  }
0x86: {  	s13 =	sshra.s32 s13, $0x2  }
0x87: {  	v45 =	vld.idx.msk [tilespmem:v14+s13+$0x0 ss:$0x1], $0xffff;
	[tilespmem:v14+s13+$0x0 ss:$0x1] =	vst.idx.msk $0xffff, v0  }
0x88: {  	v49 =	vld.idx.msk [tilespmem:v14+s13+$0x10 ss:$0x1], $0xffff;
	[tilespmem:v14+s13+$0x10 ss:$0x1] =	vst.idx.msk $0xffff, v0  }
0x89: {  	v40 =	vld.idx.msk [tilespmem:v14+s13+$0x20 ss:$0x1], $0xffff;
	[tilespmem:v14+s13+$0x20 ss:$0x1] =	vst.idx.msk $0xffff, v0  }
0x8a: {  	v48 =	vld.idx.msk [tilespmem:v14+s13+$0x30 ss:$0x1], $0xffff;
	[tilespmem:v14+s13+$0x30 ss:$0x1] =	vst.idx.msk $0xffff, v0  }
0x8b: {  	v43 =	vld.idx.msk [tilespmem:v14+s13+$0x40 ss:$0x1], $0xffff;
	[tilespmem:v14+s13+$0x40 ss:$0x1] =	vst.idx.msk $0xffff, v0  }
0x8c: {  	v33 =	vld.idx.msk [tilespmem:v14+s13+$0x50 ss:$0x1], $0xffff;
	[tilespmem:v14+s13+$0x50 ss:$0x1] =	vst.idx.msk $0xffff, v0  }
0x8d: {  	v3 =	vld.idx.msk [tilespmem:v14+s13+$0x60 ss:$0x1], $0xffff;
	[tilespmem:v14+s13+$0x60 ss:$0x1] =	vst.idx.msk $0xffff, v0  }
0x8e: {  	v16 =	vld.idx.msk [tilespmem:v14+s13+$0x70 ss:$0x1], $0xffff;
	[tilespmem:v14+s13+$0x70 ss:$0x1] =	vst.idx.msk $0xffff, v0  }
0x8f: {  	v50 =	vld.idx.msk [tilespmem:v14+s13+$0x80 ss:$0x1], $0xffff;
	[tilespmem:v14+s13+$0x80 ss:$0x1] =	vst.idx.msk $0xffff, v0  }
0x90: {  	v51 =	vld.idx.msk [tilespmem:v14+s13+$0x90 ss:$0x1], $0xffff;
	[tilespmem:v14+s13+$0x90 ss:$0x1] =	vst.idx.msk $0xffff, v0  }
0x91: {  	v46 =	vld.idx.msk [tilespmem:v14+s13+$0xA0 ss:$0x1], $0xffff;
	[tilespmem:v14+s13+$0xA0 ss:$0x1] =	vst.idx.msk $0xffff, v0  }
0x92: {  	v37 =	vld.idx.msk [tilespmem:v14+s13+$0xB0 ss:$0x1], $0xffff;
	[tilespmem:v14+s13+$0xB0 ss:$0x1] =	vst.idx.msk $0xffff, v0  }
0x93: {  	v38 =	vld.idx.msk [tilespmem:v14+s13+$0xC0 ss:$0x1], $0xffff;
	[tilespmem:v14+s13+$0xC0 ss:$0x1] =	vst.idx.msk $0xffff, v0  }
0x94: {  	v39 =	vld.idx.msk [tilespmem:v14+s13+$0xD0 ss:$0x1], $0xffff;
	[tilespmem:v14+s13+$0xD0 ss:$0x1] =	vst.idx.msk $0xffff, v0  }
0x95: {  	v29 =	vld.idx.msk [tilespmem:v14+s13+$0xE0 ss:$0x1], $0xffff;
	[tilespmem:v14+s13+$0xE0 ss:$0x1] =	vst.idx.msk $0xffff, v0  }
0x96: {  	v17 =	vld.idx.msk [tilespmem:v14+s13+$0xF0 ss:$0x1], $0xffff;
	[tilespmem:v14+s13+$0xF0 ss:$0x1] =	vst.idx.msk $0xffff, v0  }
0x97: {  	v42 =	vld.idx.msk [tilespmem:v14+s13+$0x100 ss:$0x1], $0xffff;
	[tilespmem:v14+s13+$0x100 ss:$0x1] =	vst.idx.msk $0xffff, v0  }
0x98: {  	v47 =	vld.idx.msk [tilespmem:v14+s13+$0x110 ss:$0x1], $0xffff;
	[tilespmem:v14+s13+$0x110 ss:$0x1] =	vst.idx.msk $0xffff, v0  }
0x99: {  	v44 =	vld.idx.msk [tilespmem:v14+s13+$0x120 ss:$0x1], $0xffff;
	[tilespmem:v14+s13+$0x120 ss:$0x1] =	vst.idx.msk $0xffff, v0  }
0x9a: {  	v36 =	vld.idx.msk [tilespmem:v14+s13+$0x130 ss:$0x1], $0xffff;
	[tilespmem:v14+s13+$0x130 ss:$0x1] =	vst.idx.msk $0xffff, v0  }
0x9b: {  	v35 =	vld.idx.msk [tilespmem:v14+s13+$0x140 ss:$0x1], $0xffff;
	[tilespmem:v14+s13+$0x140 ss:$0x1] =	vst.idx.msk $0xffff, v0  }
0x9c: {  	v31 =	vld.idx.msk [tilespmem:v14+s13+$0x150 ss:$0x1], $0xffff;
	[tilespmem:v14+s13+$0x150 ss:$0x1] =	vst.idx.msk $0xffff, v0  }
0x9d: {  	v2 =	vld.idx.msk [tilespmem:v14+s13+$0x160 ss:$0x1], $0xffff;
	[tilespmem:v14+s13+$0x160 ss:$0x1] =	vst.idx.msk $0xffff, v0  }
0x9e: {  	v18 =	vld.idx.msk [tilespmem:v14+s13+$0x170 ss:$0x1], $0xffff;
	[tilespmem:v14+s13+$0x170 ss:$0x1] =	vst.idx.msk $0xffff, v0  }
0x9f: {  	v32 =	vld.idx.msk [tilespmem:v14+s13+$0x180 ss:$0x1], $0xffff;
	[tilespmem:v14+s13+$0x180 ss:$0x1] =	vst.idx.msk $0xffff, v0  }
0xa0: {  	v34 =	vld.idx.msk [tilespmem:v14+s13+$0x190 ss:$0x1], $0xffff;
	[tilespmem:v14+s13+$0x190 ss:$0x1] =	vst.idx.msk $0xffff, v0  }
0xa1: {  	v30 =	vld.idx.msk [tilespmem:v14+s13+$0x1A0 ss:$0x1], $0xffff;
	[tilespmem:v14+s13+$0x1A0 ss:$0x1] =	vst.idx.msk $0xffff, v0  }
0xa2: {  	v25 =	vld.idx.msk [tilespmem:v14+s13+$0x1B0 ss:$0x1], $0xffff;
	[tilespmem:v14+s13+$0x1B0 ss:$0x1] =	vst.idx.msk $0xffff, v0  }
0xa3: {  	v20 =	vld.idx.msk [tilespmem:v14+s13+$0x1C0 ss:$0x1], $0xffff;
	[tilespmem:v14+s13+$0x1C0 ss:$0x1] =	vst.idx.msk $0xffff, v0  }
0xa4: {  	v4 =	vld.idx.msk [tilespmem:v14+s13+$0x1D0 ss:$0x1], $0xffff;
	[tilespmem:v14+s13+$0x1D0 ss:$0x1] =	vst.idx.msk $0xffff, v0  }
0xa5: {  	v60 =	vld.idx.msk [tilespmem:v14+s13+$0x1E0 ss:$0x1], $0xffff;
	[tilespmem:v14+s13+$0x1E0 ss:$0x1] =	vst.idx.msk $0xffff, v0  }
0xa6: {  	v19 =	vld.idx.msk [tilespmem:v14+s13+$0x1F0 ss:$0x1], $0xffff;
	[tilespmem:v14+s13+$0x1F0 ss:$0x1] =	vst.idx.msk $0xffff, v0  }
0xa7: {  	v27 =	vld.idx.msk [tilespmem:v14+s13+$0x200 ss:$0x1], $0xffff;
	[tilespmem:v14+s13+$0x200 ss:$0x1] =	vst.idx.msk $0xffff, v0  }
0xa8: {  	v28 =	vld.idx.msk [tilespmem:v14+s13+$0x210 ss:$0x1], $0xffff;
	[tilespmem:v14+s13+$0x210 ss:$0x1] =	vst.idx.msk $0xffff, v0  }
0xa9: {  	v24 =	vld.idx.msk [tilespmem:v14+s13+$0x220 ss:$0x1], $0xffff;
	[tilespmem:v14+s13+$0x220 ss:$0x1] =	vst.idx.msk $0xffff, v0  }
0xaa: {  	v13 =	vld.idx.msk [tilespmem:v14+s13+$0x230 ss:$0x1], $0xffff;
	[tilespmem:v14+s13+$0x230 ss:$0x1] =	vst.idx.msk $0xffff, v0  }
0xab: {  	v54 =	vld.idx.msk [tilespmem:v14+s13+$0x240 ss:$0x1], $0xffff;
	[tilespmem:v14+s13+$0x240 ss:$0x1] =	vst.idx.msk $0xffff, v0  }
0xac: {  	v55 =	vld.idx.msk [tilespmem:v14+s13+$0x250 ss:$0x1], $0xffff;
	[tilespmem:v14+s13+$0x250 ss:$0x1] =	vst.idx.msk $0xffff, v0  }
0xad: {  	v15 =	vld.idx.msk [tilespmem:v14+s13+$0x260 ss:$0x1], $0xffff;
	_ =	sdelay $0x3  }
0xae: {  	[tilespmem:v14+s13+$0x260 ss:$0x1] =	vst.idx.msk $0xffff, v0  }
0xaf: {  	[tilespmem:$0x1FE70] =	vst v15;
	v15 =	vld.idx.msk [tilespmem:v14+s13+$0x270 ss:$0x1], $0xffff;
	_ =	sdelay $0x2  }
0xb0: {  	[tilespmem:v14+s13+$0x270 ss:$0x1] =	vst.idx.msk $0xffff, v0  }
0xb1: {  	v63 =	vld.idx.msk [tilespmem:v14+s13+$0x280 ss:$0x1], $0xffff;
	[tilespmem:v14+s13+$0x280 ss:$0x1] =	vst.idx.msk $0xffff, v0  }
0xb2: {  	[tilespmem:$0x1FE80] =	vst v15  }
0xb3: {  	v15 =	vld.idx.msk [tilespmem:v14+s13+$0x290 ss:$0x1], $0xffff;
	[tilespmem:v14+s13+$0x290 ss:$0x1] =	vst.idx.msk $0xffff, v0  }
0xb4: {  	v62 =	vld.idx.msk [tilespmem:v14+s13+$0x2A0 ss:$0x1], $0xffff;
	[tilespmem:v14+s13+$0x2A0 ss:$0x1] =	vst.idx.msk $0xffff, v0  }
0xb5: {  	v57 =	vld.idx.msk [tilespmem:v14+s13+$0x2B0 ss:$0x1], $0xffff;
	[tilespmem:v14+s13+$0x2B0 ss:$0x1] =	vst.idx.msk $0xffff, v0  }
0xb6: {  	v21 =	vld.idx.msk [tilespmem:v14+s13+$0x2C0 ss:$0x1], $0xffff;
	[tilespmem:v14+s13+$0x2C0 ss:$0x1] =	vst.idx.msk $0xffff, v0  }
0xb7: {  	v26 =	vld.idx.msk [tilespmem:v14+s13+$0x2D0 ss:$0x1], $0xffff;
	[tilespmem:v14+s13+$0x2D0 ss:$0x1] =	vst.idx.msk $0xffff, v0  }
0xb8: {  	v22 =	vld.idx.msk [tilespmem:v14+s13+$0x2E0 ss:$0x1], $0xffff;
	[tilespmem:v14+s13+$0x2E0 ss:$0x1] =	vst.idx.msk $0xffff, v0  }
0xb9: {  	v61 =	vld.idx.msk [tilespmem:v14+s13+$0x2F0 ss:$0x1], $0xffff;
	_ =	sdelay $0x2  }
0xba: {  	[tilespmem:v14+s13+$0x2F0 ss:$0x1] =	vst.idx.msk $0xffff, v0  }
0xbb: {  	v59 =	vld.idx.msk [tilespmem:v14+s13+$0x300 ss:$0x1], $0xffff;
	[tilespmem:v14+s13+$0x300 ss:$0x1] =	vst.idx.msk $0xffff, v0  }
0xbc: {  	[tilespmem:$0x1FEC0] =	vst v61  }
0xbd: {  	v61 =	vld.idx.msk [tilespmem:v14+s13+$0x310 ss:$0x1], $0xffff;
	[tilespmem:v14+s13+$0x310 ss:$0x1] =	vst.idx.msk $0xffff, v0  }
0xbe: {  	v58 =	vld.idx.msk [tilespmem:v14+s13+$0x320 ss:$0x1], $0xffff;
	[tilespmem:v14+s13+$0x320 ss:$0x1] =	vst.idx.msk $0xffff, v0  }
0xbf: {  	v56 =	vld.idx.msk [tilespmem:v14+s13+$0x330 ss:$0x1], $0xffff;
	[tilespmem:v14+s13+$0x330 ss:$0x1] =	vst.idx.msk $0xffff, v0  }
0xc0: {  	v53 =	vld.idx.msk [tilespmem:v14+s13+$0x340 ss:$0x1], $0xffff;
	[tilespmem:v14+s13+$0x340 ss:$0x1] =	vst.idx.msk $0xffff, v0  }
0xc1: {  	v41 =	vld.idx.msk [tilespmem:v14+s13+$0x350 ss:$0x1], $0xffff;
	_ =	sdelay $0x3  }
0xc2: {  	[tilespmem:v14+s13+$0x350 ss:$0x1] =	vst.idx.msk $0xffff, v0  }
0xc3: {  	[tilespmem:$0x1FEA0] =	vst v41;
	v41 =	vld.idx.msk [tilespmem:v14+s13+$0x360 ss:$0x1], $0xffff;
	_ =	sdelay $0x3  }
0xc4: {  	[tilespmem:v14+s13+$0x360 ss:$0x1] =	vst.idx.msk $0xffff, v0  }
0xc5: {  	[tilespmem:$0x1FED0] =	vst v41;
	v41 =	vld.idx.msk [tilespmem:v14+s13+$0x370 ss:$0x1], $0xffff  }
0xc6: {  	[tilespmem:$0x1FE90] =	vst v22  }
0xc7: {  	[tilespmem:v14+s13+$0x370 ss:$0x1] =	vst.idx.msk $0xffff, v0  }
0xc8: {  	v23 =	vld.idx.msk [tilespmem:v14+s13+$0x380 ss:$0x1], $0xffff;
	[tilespmem:v14+s13+$0x380 ss:$0x1] =	vst.idx.msk $0xffff, v0  }
0xc9: {  	v22 =	vld.idx.msk [tilespmem:v14+s13+$0x390 ss:$0x1], $0xffff;
	[tilespmem:v14+s13+$0x390 ss:$0x1] =	vst.idx.msk $0xffff, v0  }
0xca: {  	[tilespmem:$0x1FF60] =	vst v41;
	v41 =	vld.idx.msk [tilespmem:v14+s13+$0x3A0 ss:$0x1], $0xffff;
	_ =	sdelay $0x3  }
0xcb: {  	[tilespmem:v14+s13+$0x3A0 ss:$0x1] =	vst.idx.msk $0xffff, v0  }
0xcc: {  	[tilespmem:$0x1FEB0] =	vst v41;
	v41 =	vld.idx.msk [tilespmem:v14+s13+$0x3B0 ss:$0x1], $0xffff;
	_ =	sdelay $0x3  }
0xcd: {  	[tilespmem:v14+s13+$0x3B0 ss:$0x1] =	vst.idx.msk $0xffff, v0  }
0xce: {  	[tilespmem:$0x1FEE0] =	vst v41;
	v41 =	vld.idx.msk [tilespmem:v14+s13+$0x3C0 ss:$0x1], $0xffff;
	_ =	sdelay $0x3  }
0xcf: {  	[tilespmem:v14+s13+$0x3C0 ss:$0x1] =	vst.idx.msk $0xffff, v0  }
0xd0: {  	[tilespmem:$0x1FEF0] =	vst v41;
	v41 =	vld.idx.msk [tilespmem:v14+s13+$0x3D0 ss:$0x1], $0xffff;
	_ =	sdelay $0x3  }
0xd1: {  	[tilespmem:v14+s13+$0x3D0 ss:$0x1] =	vst.idx.msk $0xffff, v0  }
0xd2: {  	[tilespmem:$0x1FF20] =	vst v41;
	v41 =	vld.idx.msk [tilespmem:v14+s13+$0x3E0 ss:$0x1], $0xffff;
	_ =	sdelay $0x3  }
0xd3: {  	[tilespmem:v14+s13+$0x3E0 ss:$0x1] =	vst.idx.msk $0xffff, v0  }
0xd4: {  	[tilespmem:$0x1FF40] =	vst v41;
	v41 =	vld.idx.msk [tilespmem:v14+s13+$0x3F0 ss:$0x1], $0xffff;
	_ =	sdelay $0x3  }
0xd5: {  	[tilespmem:v14+s13+$0x3F0 ss:$0x1] =	vst.idx.msk $0xffff, v0  }
0xd6: {  	[tilespmem:$0x1FF70] =	vst v41;
	v41 =	vld.idx.msk [tilespmem:v14+s13+$0x400 ss:$0x1], $0xffff;
	_ =	sdelay $0x3  }
0xd7: {  	v45 =	vmax.f32 v45, $0.0e+00;
	v49 =	vmax.f32 v49, $0.0e+00;
	[tilespmem:v14+s13+$0x400 ss:$0x1] =	vst.idx.msk $0xffff, v0  }
0xd8: {  	v45 =	vmul.f32 v45, v5;
	v49 =	vmul.f32 v49, v6;
	[tilespmem:$0x1FF00] =	vst v41;
	v41 =	vld.idx.msk [tilespmem:v14+s13+$0x410 ss:$0x1], $0xffff  }
0xd9: {  	v40 =	vmax.f32 v40, $0.0e+00  }
0xda: {  	v40 =	vmul.f32 v40, v7;
	v45 =	vadd.f32 v49, v45  }
0xdb: {  	v48 =	vmax.f32 v48, $0.0e+00;
	v43 =	vmax.f32 v43, $0.0e+00;
	v33 =	vmax.f32 v33, $0.0e+00  }
0xdc: {  	v40 =	vadd.f32 v40, v45;
	v33 =	vmul.f32 v33, v10;
	v3 =	vmax.f32 v3, $0.0e+00;
	[tilespmem:v14+s13+$0x410 ss:$0x1] =	vst.idx.msk $0xffff, v0  }
0xdd: {  	v3 =	vmul.f32 v3, v11;
	v16 =	vmax.f32 v16, $0.0e+00;
	v49 =	vmax.f32 v50, $0.0e+00;
	[tilespmem:$0x1FF10] =	vst v41;
	v41 =	vld.idx.msk [tilespmem:v14+s13+$0x420 ss:$0x1], $0xffff  }
0xde: {  	v16 =	vmul.f32 v16, v12;
	v50 =	vmax.f32 v51, $0.0e+00;
	v49 =	vmul.f32 v49, v5  }
0xdf: {  	v50 =	vmul.f32 v50, v6;
	v46 =	vmax.f32 v46, $0.0e+00;
	v37 =	vmax.f32 v37, $0.0e+00  }
0xe0: {  	v46 =	vmul.f32 v46, v7;
	v37 =	vmul.f32 v37, v8;
	v38 =	vmax.f32 v38, $0.0e+00  }
0xe1: {  	v29 =	vmax.f32 v29, $0.0e+00;
	v42 =	vmax.f32 v42, $0.0e+00;
	v47 =	vmax.f32 v47, $0.0e+00;
	[tilespmem:v14+s13+$0x420 ss:$0x1] =	vst.idx.msk $0xffff, v0  }
0xe2: {  	v17 =	vmax.f32 v17, $0.0e+00;
	v42 =	vmul.f32 v42, v5;
	v47 =	vmul.f32 v47, v6;
	[tilespmem:$0x1FF30] =	vst v41;
	v41 =	vld.idx.msk [tilespmem:v14+s13+$0x430 ss:$0x1], $0xffff  }
0xe3: {  	v29 =	vmul.f32 v29, v11;
	v17 =	vmul.f32 v17, v12;
	v36 =	vmax.f32 v36, $0.0e+00  }
0xe4: {  	v42 =	vadd.f32 v47, v42;
	v36 =	vmul.f32 v36, v8;
	v35 =	vmax.f32 v35, $0.0e+00  }
0xe5: {  	v35 =	vmul.f32 v35, v9;
	v31 =	vmax.f32 v31, $0.0e+00;
	v18 =	vmax.f32 v18, $0.0e+00  }
0xe6: {  	v31 =	vmul.f32 v31, v10;
	v18 =	vmul.f32 v18, v12;
	v30 =	vmax.f32 v30, $0.0e+00;
	[tilespmem:v14+s13+$0x430 ss:$0x1] =	vst.idx.msk $0xffff, v0  }
0xe7: {  	v4 =	vmax.f32 v4, $0.0e+00;
	v27 =	vmax.f32 v27, $0.0e+00;
	v28 =	vmax.f32 v28, $0.0e+00;
	[tilespmem:$0x1FF50] =	vst v41  }
0xe8: {  	v27 =	vmul.f32 v27, v5;
	v28 =	vmul.f32 v28, v6;
	v41 =	vld.idx.msk [tilespmem:v14+s13+$0x440 ss:$0x1], $0xffff;
	[tilespmem:v14+s13+$0x440 ss:$0x1] =	vst.idx.msk $0xffff, v0  }
0xe9: {  	v30 =	vmul.f32 v30, v7;
	v4 =	vmul.f32 v4, v10;
	v19 =	vmax.f32 v19, $0.0e+00;
	v51 =	vld.idx.msk [tilespmem:v14+s13+$0x450 ss:$0x1], $0xffff  }
0xea: {  	v19 =	vmul.f32 v19, v12;
	v13 =	vmax.f32 v13, $0.0e+00;
	v27 =	vadd.f32 v28, v27  }
0xeb: {  	v13 =	vmul.f32 v13, v8;
	v15 =	vmax.f32 v15, $0.0e+00;
	v21 =	vmax.f32 v21, $0.0e+00  }
0xec: {  	v2 =	vmax.f32 v2, $0.0e+00;
	v15 =	vmul.f32 v15, v6;
	v21 =	vmul.f32 v21, v9;
	[tilespmem:v14+s13+$0x450 ss:$0x1] =	vst.idx.msk $0xffff, v0  }
0xed: {  	v23 =	vmax.f32 v23, $0.0e+00;
	v22 =	vmax.f32 v22, $0.0e+00;
	[tilespmem:$0x1FF80] =	vst v41;
	v41 =	vmul.f32 v48, v8  }
0xee: {  	v23 =	vmul.f32 v23, v5;
	v22 =	vmul.f32 v22, v6;
	v48 =	vadd.f32 v50, v49;
	[tilespmem:$0x1FF90] =	vst v51  }
0xef: {  	v49 =	vmul.f32 v43, v9;
	v51 =	vld.idx.msk [tilespmem:v14+s13+$0x460 ss:$0x1], $0xffff;
	[tilespmem:v14+s13+$0x460 ss:$0x1] =	vst.idx.msk $0xffff, v0;
	v40 =	vadd.f32 v41, v40  }
0xf0: {  	v22 =	vadd.f32 v22, v23;
	v50 =	vld.idx.msk [tilespmem:v14+s13+$0x470 ss:$0x1], $0xffff;
	v45 =	vadd.f32 v46, v48;
	[tilespmem:v14+s13+$0x470 ss:$0x1] =	vst.idx.msk $0xffff, v0  }
0xf1: {  	v32 =	vmax.f32 v32, $0.0e+00;
	v41 =	vmax.f32 v44, $0.0e+00;
	v43 =	vld.idx.msk [tilespmem:v14+s13+$0x480 ss:$0x1], $0xffff;
	[tilespmem:v14+s13+$0x480 ss:$0x1] =	vst.idx.msk $0xffff, v0;
	v40 =	vadd.f32 v49, v40  }
0xf2: {  	v48 =	vld.idx.msk [tilespmem:v14+s13+$0x490 ss:$0x1], $0xffff;
	v37 =	vadd.f32 v37, v45;
	[tilespmem:v14+s13+$0x490 ss:$0x1] =	vst.idx.msk $0xffff, v0;
	v45 =	vmul.f32 v41, v7  }
0xf3: {  	v34 =	vmax.f32 v34, $0.0e+00;
	v49 =	vmul.f32 v38, v9;
	v41 =	vmax.f32 v60, $0.0e+00;
	v44 =	vld.idx.msk [tilespmem:v14+s13+$0x4A0 ss:$0x1], $0xffff;
	[tilespmem:v14+s13+$0x4A0 ss:$0x1] =	vst.idx.msk $0xffff, v0  }
0xf4: {  	v28 =	vmul.f32 v41, v11;
	v40 =	vadd.f32 v33, v40;
	v47 =	vadd.f32 v45, v42  }
0xf5: {  	v20 =	vmax.f32 v20, $0.0e+00;
	v38 =	vld.idx.msk [tilespmem:v14+s13+$0x4B0 ss:$0x1], $0xffff;
	v37 =	vadd.f32 v49, v37;
	[tilespmem:v14+s13+$0x4B0 ss:$0x1] =	vst.idx.msk $0xffff, v0;
	v49 =	vmax.f32 v39, $0.0e+00  }
0xf6: {  	v45 =	vmul.f32 v34, v6;
	v42 =	vmul.f32 v49, v10;
	v36 =	vadd.f32 v36, v47  }
0xf7: {  	v39 =	vld.idx.msk [tilespmem:v14+s13+$0x4C0 ss:$0x1], $0xffff;
	[tilespmem:v14+s13+$0x4C0 ss:$0x1] =	vst.idx.msk $0xffff, v0;
	v49 =	vmul.f32 v2, v11;
	v40 =	vadd.f32 v3, v40  }
0xf8: {  	v33 =	vld.idx.msk [tilespmem:v14+s13+$0x4D0 ss:$0x1], $0xffff;
	v47 =	vmax.f32 v25, $0.0e+00;
	v43 =	vmax.f32 v43, $0.0e+00;
	v35 =	vadd.f32 v35, v36  }
0xf9: {  	[tilespmem:v14+s13+$0x4D0 ss:$0x1] =	vst.idx.msk $0xffff, v0;
	v3 =	vadd.f32 v42, v37;
	v37 =	vmul.f32 v20, v9;
	v48 =	vmax.f32 v48, $0.0e+00  }
0xfa: {  	v42 =	vld.idx.msk [tilespmem:v14+s13+$0x4E0 ss:$0x1], $0xffff;
	v43 =	vmul.f32 v43, v5;
	v16 =	vadd.f32 v16, v40;
	v31 =	vadd.f32 v31, v35  }
0xfb: {  	[tilespmem:v14+s13+$0x4E0 ss:$0x1] =	vst.idx.msk $0xffff, v0;
	v40 =	vmax.f32 v24, $0.0e+00;
	v44 =	vmax.f32 v44, $0.0e+00;
	v29 =	vadd.f32 v29, v3  }
0xfc: {  	v46 =	vld.idx.msk [tilespmem:v14+s13+$0x4F0 ss:$0x1], $0xffff;
	v3 =	vmul.f32 v32, v5;
	v36 =	vadd.f32 v49, v31;
	v31 =	vmul.f32 v40, v7  }
0xfd: {  	[tilespmem:v14+s13+$0x4F0 ss:$0x1] =	vst.idx.msk $0xffff, v0;
	v48 =	vmul.f32 v48, v6;
	v44 =	vmul.f32 v44, v7;
	v38 =	vmax.f32 v38, $0.0e+00  }
0xfe: {  	v32 =	vadd.f32 v45, v3;
	v3 =	vld.idx.msk [tilespmem:v14+s13+$0x500 ss:$0x1], $0xffff;
	[tilespmem:v14+s13+$0x500 ss:$0x1] =	vst.idx.msk $0xffff, v0;
	v27 =	vadd.f32 v31, v27  }
0xff: {  	v43 =	vadd.f32 v48, v43;
	v38 =	vmul.f32 v38, v8;
	[tilespmem:$0x1FFA0] =	vst v42;
	v42 =	vmax.f32 v63, $0.0e+00  }
0x100: {  	v41 =	vld [tilespmem:$0x1FE70];
	v17 =	vadd.f32 v17, v29;
	v13 =	vadd.f32 v13, v27;
	v27 =	vmul.f32 v42, v5  }
0x101: {  	v25 =	vld.idx.msk [tilespmem:v14+s13+$0x510 ss:$0x1], $0xffff;
	v30 =	vadd.f32 v30, v32;
	v32 =	vmul.f32 v47, v8;
	v47 =	vmax.f32 v62, $0.0e+00  }
0x102: {  	[tilespmem:v14+s13+$0x510 ss:$0x1] =	vst.idx.msk $0xffff, v0;
	v40 =	vmax.f32 v61, $0.0e+00;
	v61 =	vld [tilespmem:$0x1FED0];
	v49 =	vmul.f32 v47, v7;
	v15 =	vadd.f32 v15, v27  }
0x103: {  	v26 =	vmax.f32 v26, $0.0e+00;
	v2 =	vld.idx.msk [tilespmem:v14+s13+$0x520 ss:$0x1], $0xffff;
	[tilespmem:v14+s13+$0x520 ss:$0x1] =	vst.idx.msk $0xffff, v0;
	v18 =	vadd.f32 v18, v36;
	v36 =	vmax.f32 v57, $0.0e+00  }
0x104: {  	v45 =	vmax.f32 v54, $0.0e+00;
	[tilespmem:$0x1FFB0] =	vst v46;
	v20 =	vld.idx.msk [tilespmem:v14+s13+$0x530 ss:$0x1], $0xffff;
	v27 =	vmul.f32 v36, v8;
	v15 =	vadd.f32 v49, v15  }
0x105: {  	v46 =	vmul.f32 v45, v9;
	v62 =	vmax.f32 v55, $0.0e+00;
	v45 =	vmax.f32 v56, $0.0e+00;
	[tilespmem:v14+s13+$0x530 ss:$0x1] =	vst.idx.msk $0xffff, v0;
	v57 =	vld [tilespmem:$0x1FEB0]  }
0x106: {  	v63 =	vmul.f32 v62, v10;
	v35 =	vmul.f32 v45, v8;
	v62 =	vld [tilespmem:$0x1FEE0];
	v15 =	vadd.f32 v27, v15  }
0x107: {  	v47 =	vmax.f32 v53, $0.0e+00;
	v30 =	vadd.f32 v32, v30;
	v24 =	vld.idx.msk [tilespmem:v14+s13+$0x540 ss:$0x1], $0xffff;
	v42 =	vmax.f32 v58, $0.0e+00  }
0x108: {  	v58 =	vld [tilespmem:$0x1FEC0];
	v13 =	vadd.f32 v46, v13;
	v46 =	vmul.f32 v26, v10;
	v15 =	vadd.f32 v21, v15  }
0x109: {  	v32 =	vmul.f32 v40, v6;
	v30 =	vadd.f32 v37, v30;
	v26 =	vmul.f32 v47, v9;
	v47 =	vld [tilespmem:$0x1FEF0]  }
0x10a: {  	[tilespmem:v14+s13+$0x540 ss:$0x1] =	vst.idx.msk $0xffff, v0;
	v3 =	vmax.f32 v3, $0.0e+00;
	v37 =	vmax.f32 v59, $0.0e+00;
	v21 =	vadd.f32 v46, v15;
	v15 =	vld [tilespmem:$0x1FE80]  }
0x10b: {  	v34 =	vmul.f32 v42, v7;
	v25 =	vmax.f32 v25, $0.0e+00;
	v30 =	vadd.f32 v4, v30;
	v4 =	vld.idx.msk [tilespmem:v14+s13+$0x550 ss:$0x1], $0xffff  }
0x10c: {  	v3 =	vmul.f32 v3, v5;
	v31 =	vmul.f32 v37, v5;
	[tilespmem:v14+s13+$0x550 ss:$0x1] =	vst.idx.msk $0xffff, v0;
	v40 =	vmax.f32 v62, $0.0e+00;
	v62 =	vld [tilespmem:$0x1FF60]  }
0x10d: {  	v37 =	vmax.f32 v61, $0.0e+00;
	v25 =	vmul.f32 v25, v6;
	v2 =	vmax.f32 v2, $0.0e+00;
	v60 =	vld.idx.msk [tilespmem:v14+s13+$0x560 ss:$0x1], $0xffff;
	[tilespmem:v14+s13+$0x560 ss:$0x1] =	vst.idx.msk $0xffff, v0  }
0x10e: {  	v33 =	vmax.f32 v33, $0.0e+00;
	v37 =	vmul.f32 v37, v11;
	v2 =	vmul.f32 v2, v7;
	v54 =	vld.idx.msk [tilespmem:v14+s13+$0x570 ss:$0x1], $0xffff  }
0x10f: {  	v20 =	vmax.f32 v20, $0.0e+00;
	v32 =	vadd.f32 v32, v31;
	[tilespmem:v14+s13+$0x570 ss:$0x1] =	vst.idx.msk $0xffff, v0;
	v49 =	vmax.f32 v15, $0.0e+00;
	v15 =	vld [tilespmem:$0x1FE90]  }
0x110: {  	v13 =	vadd.f32 v63, v13;
	v30 =	vadd.f32 v28, v30;
	v28 =	vld.idx.msk [tilespmem:v14+s13+$0x580 ss:$0x1], $0xffff;
	[tilespmem:v14+s13+$0x580 ss:$0x1] =	vst.idx.msk $0xffff, v0  }
0x111: {  	v40 =	vmul.f32 v40, v8;
	v34 =	vadd.f32 v34, v32;
	v29 =	vld.idx.msk [tilespmem:v14+s13+$0x590 ss:$0x1], $0xffff;
	[tilespmem:v14+s13+$0x590 ss:$0x1] =	vst.idx.msk $0xffff, v0  }
0x112: {  	v3 =	vadd.f32 v25, v3;
	v24 =	vmax.f32 v24, $0.0e+00;
	v19 =	vadd.f32 v19, v30;
	v30 =	vld.idx.msk [tilespmem:v14+s13+$0x5A0 ss:$0x1], $0xffff  }
0x113: {  	v27 =	vmax.f32 v41, $0.0e+00;
	[tilespmem:v14+s13+$0x5A0 ss:$0x1] =	vst.idx.msk $0xffff, v0;
	v34 =	vadd.f32 v35, v34;
	v35 =	vmax.f32 v57, $0.0e+00;
	v57 =	vld [tilespmem:$0x1FF30]  }
0x114: {  	v2 =	vadd.f32 v2, v3;
	v3 =	vmul.f32 v20, v8;
	v31 =	vld.idx.msk [tilespmem:v14+s13+$0x5B0 ss:$0x1], $0xffff;
	v15 =	vmax.f32 v15, $0.0e+00  }
0x115: {  	v36 =	vmax.f32 v58, $0.0e+00;
	v27 =	vmul.f32 v27, v11;
	[tilespmem:v14+s13+$0x5B0 ss:$0x1] =	vst.idx.msk $0xffff, v0;
	v53 =	vmul.f32 v15, v11;
	v15 =	vld [tilespmem:$0x1FEA0]  }
0x116: {  	v36 =	vmul.f32 v36, v12;
	v2 =	vadd.f32 v3, v2;
	v32 =	vld.idx.msk [tilespmem:v14+s13+$0x5C0 ss:$0x1], $0xffff;
	[tilespmem:v14+s13+$0x5C0 ss:$0x1] =	vst.idx.msk $0xffff, v0  }
0x117: {  	v3 =	vmul.f32 v24, v9;
	v24 =	vmul.f32 v33, v10;
	v13 =	vadd.f32 v27, v13;
	v27 =	vld.idx.msk [tilespmem:v14+s13+$0x5D0 ss:$0x1], $0xffff  }
0x118: {  	v43 =	vadd.f32 v44, v43;
	v59 =	vmul.f32 v35, v7;
	v56 =	vmul.f32 v49, v12;
	v49 =	vld [tilespmem:$0x1FF00]  }
0x119: {  	v39 =	vmax.f32 v39, $0.0e+00;
	v26 =	vadd.f32 v26, v34;
	[tilespmem:v14+s13+$0x5D0 ss:$0x1] =	vst.idx.msk $0xffff, v0;
	v21 =	vadd.f32 v53, v21;
	v53 =	vld [tilespmem:$0x1FF10]  }
0x11a: {  	v2 =	vadd.f32 v3, v2;
	v3 =	vmax.f32 v4, $0.0e+00;
	v55 =	vmax.f32 v15, $0.0e+00;
	v15 =	vld.idx.msk [tilespmem:v14+s13+$0x5E0 ss:$0x1], $0xffff;
	[tilespmem:v14+s13+$0x5E0 ss:$0x1] =	vst.idx.msk $0xffff, v0  }
0x11b: {  	v63 =	vadd.f32 v59, v22;
	v3 =	vmul.f32 v3, v10;
	v4 =	vmax.f32 v28, $0.0e+00;
	v41 =	vld.idx.msk [tilespmem:v14+s13+$0x5F0 ss:$0x1], $0xffff  }
0x11c: {  	v4 =	vmul.f32 v4, v5;
	v27 =	vmax.f32 v27, $0.0e+00;
	v34 =	vmul.f32 v55, v10;
	[tilespmem:v14+s13+$0x5F0 ss:$0x1] =	vst.idx.msk $0xffff, v0;
	v55 =	vld [tilespmem:$0x1FF20]  }
0x11d: {  	v46 =	vadd.f32 v40, v63;
	v3 =	vadd.f32 v3, v2;
	v27 =	vmul.f32 v27, v10;
	v35 =	vld.idx.msk [tilespmem:v14+s13+$0x600 ss:$0x1], $0xffff  }
0x11e: {  	v23 =	vadd.f32 v36, v21;
	[tilespmem:v14+s13+$0x600 ss:$0x1] =	vst.idx.msk $0xffff, v0;
	v36 =	vmax.f32 v53, $0.0e+00;
	v53 =	vld [tilespmem:$0x1FF70];
	v26 =	vadd.f32 v34, v26  }
0x11f: {  	v31 =	vmax.f32 v31, $0.0e+00;
	v22 =	vadd.f32 v56, v13;
	v45 =	vld.idx.msk [tilespmem:v14+s13+$0x610 ss:$0x1], $0xffff;
	[tilespmem:v14+s13+$0x610 ss:$0x1] =	vst.idx.msk $0xffff, v0;
	v34 =	vmax.f32 v49, $0.0e+00  }
0x120: {  	v58 =	vld [tilespmem:$0x1FF40];
	v36 =	vmul.f32 v36, v6;
	v34 =	vmul.f32 v34, v5;
	v13 =	vadd.f32 v37, v26  }
0x121: {  	v40 =	vld.idx.msk [tilespmem:v14+s13+$0x620 ss:$0x1], $0xffff;
	v26 =	vmax.f32 v47, $0.0e+00;
	v47 =	vmax.f32 v62, $0.0e+00;
	v15 =	vmax.f32 v15, $0.0e+00  }
0x122: {  	v61 =	vld [tilespmem:$0x1FF50];
	[tilespmem:v14+s13+$0x620 ss:$0x1] =	vst.idx.msk $0xffff, v0;
	v26 =	vmul.f32 v26, v9;
	v37 =	vmax.f32 v55, $0.0e+00;
	v63 =	vmul.f32 v47, v12  }
0x123: {  	v34 =	vadd.f32 v36, v34;
	v15 =	vmul.f32 v15, v11;
	v56 =	vmul.f32 v37, v10  }
0x124: {  	v42 =	vld.idx.msk [tilespmem:v14+s13+$0x630 ss:$0x1], $0xffff;
	v37 =	vmax.f32 v57, $0.0e+00;
	v47 =	vmax.f32 v53, $0.0e+00;
	v53 =	vmul.f32 v31, v8  }
0x125: {  	v55 =	vld [tilespmem:$0x1FF80];
	v35 =	vmax.f32 v35, $0.0e+00;
	v21 =	vadd.f32 v26, v46;
	v46 =	vmax.f32 v58, $0.0e+00  }
0x126: {  	[tilespmem:v14+s13+$0x630 ss:$0x1] =	vst.idx.msk $0xffff, v0;
	v37 =	vmul.f32 v37, v7;
	v47 =	vmul.f32 v47, v12;
	v58 =	vmax.f32 v51, $0.0e+00  }
0x127: {  	v36 =	vld.idx.msk [tilespmem:v14+s13+$0x640 ss:$0x1], $0xffff;
	v51 =	vmax.f32 v60, $0.0e+00;
	v59 =	vmul.f32 v46, v11;
	v46 =	vmax.f32 v61, $0.0e+00  }
0x128: {  	[tilespmem:v14+s13+$0x640 ss:$0x1] =	vst.idx.msk $0xffff, v0;
	v44 =	vmul.f32 v58, v11;
	v61 =	vmul.f32 v39, v9;
	v40 =	vmax.f32 v40, $0.0e+00  }
0x129: {  	v57 =	vld [tilespmem:$0x1FF90];
	v21 =	vadd.f32 v56, v21;
	v34 =	vadd.f32 v37, v34;
	v46 =	vmul.f32 v46, v8  }
0x12a: {  	v37 =	vld.idx.msk [tilespmem:v14+s13+$0x650 ss:$0x1], $0xffff;
	[tilespmem:v14+s13+$0x650 ss:$0x1] =	vst.idx.msk $0xffff, v0;
	v40 =	vmul.f32 v40, v7;
	v42 =	vmax.f32 v42, $0.0e+00;
	v56 =	vmax.f32 v55, $0.0e+00  }
0x12b: {  	v55 =	vmax.f32 v32, $0.0e+00;
	v26 =	vadd.f32 v59, v21;
	v46 =	vadd.f32 v46, v34;
	v34 =	vld.idx.msk [tilespmem:v14+s13+$0x660 ss:$0x1], $0xffff  }
0x12c: {  	v49 =	vmul.f32 v56, v9;
	[tilespmem:v14+s13+$0x660 ss:$0x1] =	vst.idx.msk $0xffff, v0;
	v21 =	vadd.f32 v63, v13;
	v63 =	vmax.f32 v50, $0.0e+00  }
0x12d: {  	v59 =	vadd.f32 v38, v43;
	v38 =	vmul.f32 v51, v11;
	v2 =	vmul.f32 v63, v12  }
0x12e: {  	v63 =	vmul.f32 v42, v8;
	v26 =	vadd.f32 v47, v26;
	v46 =	vadd.f32 v49, v46  }
0x12f: {  	v13 =	vld.idx.msk [tilespmem:v14+s13+$0x670 ss:$0x1], $0xffff;
	v47 =	vmax.f32 v57, $0.0e+00;
	v20 =	vadd.f32 v61, v59;
	v56 =	vadd.f32 v38, v3  }
0x130: {  	v50 =	vld [tilespmem:$0x1FFA0];
	[tilespmem:v14+s13+$0x670 ss:$0x1] =	vst.idx.msk $0xffff, v0;
	v57 =	vmul.f32 v55, v9;
	v59 =	vmax.f32 v45, $0.0e+00;
	v47 =	vmul.f32 v47, v10  }
0x131: {  	v48 =	vld.idx.msk [tilespmem:v14+s13+$0x680 ss:$0x1], $0xffff;
	[tilespmem:v14+s13+$0x680 ss:$0x1] =	vst.idx.msk $0xffff, v0;
	v61 =	vmax.f32 v54, $0.0e+00;
	v55 =	vmax.f32 v41, $0.0e+00;
	v60 =	vmul.f32 v59, v6  }
0x132: {  	v39 =	vmul.f32 v61, v12;
	v46 =	vadd.f32 v47, v46;
	v47 =	vld.idx.msk [tilespmem:v14+s13+$0x690 ss:$0x1], $0xffff;
	[tilespmem:v14+s13+$0x690 ss:$0x1] =	vst.idx.msk $0xffff, v0  }
0x133: {  	v37 =	vmax.f32 v37, $0.0e+00;
	v20 =	vadd.f32 v24, v20;
	v34 =	vmax.f32 v34, $0.0e+00;
	v25 =	vld.idx.msk [tilespmem:v14+s13+$0x6A0 ss:$0x1], $0xffff  }
0x134: {  	v58 =	vld [tilespmem:$0x1FFB0];
	[tilespmem:v14+s13+$0x6A0 ss:$0x1] =	vst.idx.msk $0xffff, v0;
	v34 =	vmul.f32 v34, v11;
	v13 =	vmax.f32 v13, $0.0e+00;
	v62 =	vadd.f32 v44, v46  }
0x135: {  	v49 =	vld.idx.msk [tilespmem:v14+s13+$0x6B0 ss:$0x1], $0xffff;
	v44 =	vmax.f32 v29, $0.0e+00;
	v46 =	vmax.f32 v30, $0.0e+00;
	v30 =	vmax.f32 v50, $0.0e+00  }
0x136: {  	[tilespmem:v14+s13+$0x6B0 ss:$0x1] =	vst.idx.msk $0xffff, v0;
	v50 =	vmax.f32 v48, $0.0e+00;
	v13 =	vmul.f32 v13, v12;
	v28 =	vmul.f32 v44, v6  }
0x137: {  	v43 =	vld.idx.msk [tilespmem:v14+s13+$0x6C0 ss:$0x1], $0xffff;
	[tilespmem:v14+s13+$0x6C0 ss:$0x1] =	vst.idx.msk $0xffff, v0;
	v29 =	vmul.f32 v46, v7;
	v30 =	vmul.f32 v30, v11  }
0x138: {  	v33 =	vld.idx.msk [tilespmem:v14+s13+$0x6D0 ss:$0x1], $0xffff;
	[tilespmem:v14+s13+$0x6D0 ss:$0x1] =	vst.idx.msk $0xffff, v0;
	v2 =	vadd.f32 v2, v62;
	v28 =	vadd.f32 v28, v4  }
0x139: {  	v24 =	vld.idx.msk [tilespmem:v14+s13+$0x6E0 ss:$0x1], $0xffff;
	[tilespmem:v14+s13+$0x6E0 ss:$0x1] =	vst.idx.msk $0xffff, v0;
	v20 =	vadd.f32 v30, v20;
	v30 =	vmax.f32 v58, $0.0e+00;
	v51 =	vmax.f32 v47, $0.0e+00  }
0x13a: {  	v4 =	vld.idx.msk [tilespmem:v14+s13+$0x6F0 ss:$0x1], $0xffff;
	[tilespmem:v14+s13+$0x6F0 ss:$0x1] =	vst.idx.msk $0xffff, v0;
	v30 =	vmul.f32 v30, v12;
	v28 =	vadd.f32 v29, v28  }
0x13b: {  	v46 =	vmax.f32 v36, $0.0e+00;
	v36 =	vmul.f32 v51, v6;
	v25 =	vmax.f32 v25, $0.0e+00;
	v31 =	vld.idx.msk [tilespmem:v14+s13+$0x700 ss:$0x1], $0xffff;
	[tilespmem:v14+s13+$0x700 ss:$0x1] =	vst.idx.msk $0xffff, v0  }
0x13c: {  	v25 =	vmul.f32 v25, v7;
	v29 =	vld.idx.msk [tilespmem:v14+s13+$0x710 ss:$0x1], $0xffff;
	v59 =	vmax.f32 v43, $0.0e+00;
	v3 =	vadd.f32 v53, v28  }
0x13d: {  	[tilespmem:v14+s13+$0x710 ss:$0x1] =	vst.idx.msk $0xffff, v0;
	v53 =	vmul.f32 v37, v10;
	v33 =	vmax.f32 v33, $0.0e+00;
	v37 =	vperm.xlane v23, v1  }
0x13e: {  	v38 =	vld.idx.msk [tilespmem:v14+s13+$0x720 ss:$0x1], $0xffff;
	v24 =	vmax.f32 v24, $0.0e+00;
	v28 =	vadd.f32 v57, v3;
	v3 =	vmul.f32 v35, v5  }
0x13f: {  	[tilespmem:v14+s13+$0x720 ss:$0x1] =	vst.idx.msk $0xffff, v0;
	v33 =	vmul.f32 v33, v10;
	v24 =	vmul.f32 v24, v11;
	v4 =	vmax.f32 v4, $0.0e+00  }
0x140: {  	v44 =	vld.idx.msk [tilespmem:v14+s13+$0x730 ss:$0x1], $0xffff;
	v31 =	vmax.f32 v31, $0.0e+00;
	v4 =	vmul.f32 v4, v12;
	v35 =	vadd.f32 v60, v3  }
0x141: {  	v3 =	vadd.f32 v30, v20;
	v20 =	vadd.f32 v39, v56;
	v30 =	vmul.f32 v46, v9  }
0x142: {  	[tilespmem:v14+s13+$0x730 ss:$0x1] =	vst.idx.msk $0xffff, v0;
	v56 =	vmax.f32 v49, $0.0e+00;
	v60 =	vmul.f32 v59, v9;
	v29 =	vmax.f32 v29, $0.0e+00  }
0x143: {  	v27 =	vadd.f32 v27, v28;
	v57 =	vmul.f32 v56, v8;
	v29 =	vmul.f32 v29, v6  }
0x144: {  	v62 =	vadd.f32 v40, v35;
	v40 =	vld.idx.msk [tilespmem:v14+s13+$0x740 ss:$0x1], $0xffff;
	[tilespmem:v14+s13+$0x740 ss:$0x1] =	vst.idx.msk $0xffff, v0;
	v35 =	vmul.f32 v50, v5  }
0x145: {  	v38 =	vmax.f32 v38, $0.0e+00;
	v15 =	vadd.f32 v15, v27;
	v44 =	vmax.f32 v44, $0.0e+00;
	v32 =	vld.idx.msk [tilespmem:v14+s13+$0x750 ss:$0x1], $0xffff;
	[tilespmem:v14+s13+$0x750 ss:$0x1] =	vst.idx.msk $0xffff, v0  }
0x146: {  	v46 =	vmul.f32 v44, v8;
	v44 =	vperm.xlane v3, v1;
	v45 =	vadd.f32 v63, v62  }
0x147: {  	v39 =	vld.idx.msk [tilespmem:v14+s13+$0x760 ss:$0x1], $0xffff;
	[tilespmem:v14+s13+$0x760 ss:$0x1] =	vst.idx.msk $0xffff, v0;
	v54 =	vadd.f32 v36, v35;
	v62 =	vmul.f32 v31, v5  }
0x148: {  	v36 =	vperm.xlane v18, v1;
	v35 =	vld.idx.msk [tilespmem:v14+s13+$0x770 ss:$0x1], $0xffff;
	[tilespmem:v14+s13+$0x770 ss:$0x1] =	vst.idx.msk $0xffff, v0;
	v28 =	vadd.f32 v30, v45  }
0x149: {  	v25 =	vadd.f32 v25, v54;
	v58 =	vld.idx.msk [tilespmem:v14+s13+$0x780 ss:$0x1], $0xffff;
	v30 =	vmul.f32 v55, v12;
	v27 =	vadd.f32 v29, v62  }
0x14a: {  	[tilespmem:v14+s13+$0x780 ss:$0x1] =	vst.idx.msk $0xffff, v0;
	v29 =	vmul.f32 v38, v7;
	v38 =	vperm.xlane v22, v1;
	v47 =	vmax.f32 v40, $0.0e+00  }
0x14b: {  	v40 =	vperm.xlane v26, v1;
	v28 =	vadd.f32 v53, v28;
	v25 =	vadd.f32 v57, v25  }
0x14c: {  	v61 =	vld.idx.msk [tilespmem:v14+s13+$0x790 ss:$0x1], $0xffff;
	v15 =	vadd.f32 v30, v15;
	v27 =	vadd.f32 v29, v27;
	v32 =	vmax.f32 v32, $0.0e+00  }
0x14d: {  	v49 =	vmul.f32 v47, v9;
	v32 =	vmul.f32 v32, v10;
	v25 =	vadd.f32 v60, v25  }
0x14e: {  	[tilespmem:v14+s13+$0x790 ss:$0x1] =	vst.idx.msk $0xffff, v0;
	v28 =	vadd.f32 v34, v28;
	v27 =	vadd.f32 v46, v27;
	v60 =	vmax.f32 v35, $0.0e+00  }
0x14f: {  	v63 =	vld.idx.msk [tilespmem:v14+s13+$0x7A0 ss:$0x1], $0xffff;
	v35 =	vperm.xlane v19, v1;
	v19 =	vsel vm0, v36, v19;
	v46 =	vperm.xlane v2, v1  }
0x150: {  	[tilespmem:v14+s13+$0x7A0 ss:$0x1] =	vst.idx.msk $0xffff, v0;
	v47 =	vperm.xlane v15, v1;
	v2 =	vsel vm0, v2, v44;
	v42 =	vmax.f32 v58, $0.0e+00  }
0x151: {  	v41 =	vld.idx.msk [tilespmem:v14+s13+$0x7B0 ss:$0x1], $0xffff;
	[tilespmem:v14+s13+$0x7B0 ss:$0x1] =	vst.idx.msk $0xffff, v0;
	v58 =	vmax.f32 v39, $0.0e+00;
	v25 =	vadd.f32 v33, v25;
	v43 =	vmax.f32 v61, $0.0e+00  }
0x152: {  	v33 =	vmul.f32 v42, v5;
	v27 =	vadd.f32 v49, v27;
	v13 =	vadd.f32 v13, v28  }
0x153: {  	v28 =	vmul.f32 v58, v11;
	v61 =	vmul.f32 v60, v12;
	v18 =	vsel vm0, v18, v35  }
0x154: {  	v45 =	vld.idx.msk [tilespmem:v14+s13+$0x7C0 ss:$0x1], $0xffff;
	v42 =	vsel vm0, v38, v23;
	v3 =	vsel vm0, v46, v3;
	v34 =	vmul.f32 v43, v6  }
0x155: {  	[tilespmem:v14+s13+$0x7C0 ss:$0x1] =	vst.idx.msk $0xffff, v0;
	v31 =	vmax.f32 v63, $0.0e+00;
	v39 =	vadd.f32 v19, v18;
	v43 =	vperm.xlane v21, v1  }
0x156: {  	v48 =	vld.idx.msk [tilespmem:v14+s13+$0x7D0 ss:$0x1], $0xffff;
	v18 =	vsel vm0, v21, v40;
	v31 =	vmul.f32 v31, v7;
	v33 =	vadd.f32 v34, v33  }
0x157: {  	[tilespmem:v14+s13+$0x7D0 ss:$0x1] =	vst.idx.msk $0xffff, v0;
	v2 =	vadd.f32 v3, v2;
	v30 =	vmax.f32 v41, $0.0e+00;
	v24 =	vadd.f32 v24, v25  }
0x158: {  	v51 =	vld.idx.msk [tilespmem:v14+s13+$0x7E0 ss:$0x1], $0xffff;
	v56 =	vadd.f32 v32, v27;
	v30 =	vmul.f32 v30, v8;
	v31 =	vadd.f32 v31, v33  }
0x159: {  	[tilespmem:v14+s13+$0x7E0 ss:$0x1] =	vst.idx.msk $0xffff, v0;
	v41 =	vsel vm0, v22, v37;
	v50 =	vmax.f32 v45, $0.0e+00;
	v34 =	vperm.xlane v16, v1  }
0x15a: {  	v55 =	vld.idx.msk [tilespmem:v14+s13+$0x7F0 ss:$0x1], $0xffff;
	v19 =	vadd.f32 v42, v41;
	v29 =	vmul.f32 v50, v9;
	v30 =	vadd.f32 v30, v31  }
0x15b: {  	v45 =	vsel vm0, v43, v26;
	v58 =	vperm.xlane v2, v52;
	v53 =	vmax.f32 v48, $0.0e+00  }
0x15c: {  	v25 =	vadd.f32 v28, v56;
	v54 =	vmul.f32 v53, v10;
	v29 =	vadd.f32 v29, v30  }
0x15d: {  	v4 =	vadd.f32 v4, v24;
	v18 =	vadd.f32 v45, v18;
	v59 =	vmax.f32 v51, $0.0e+00  }
0x15e: {  	v48 =	vperm.xlane v20, v1;
	v57 =	vadd.f32 v54, v29;
	v29 =	vmul.f32 v59, v11  }
0x15f: {  	v20 =	vsel vm0, v20, v47;
	v50 =	vperm.xlane v13, v1;
	v62 =	vmax.f32 v55, $0.0e+00  }
0x160: {  	v33 =	vperm.xlane v17, v1;
	v63 =	vmul.f32 v62, v12;
	v27 =	vadd.f32 v29, v57  }
0x161: {  	v17 =	vsel vm0, v34, v17;
	v25 =	vadd.f32 v61, v25;
	v49 =	vperm.xlane v4, v1  }
0x162: {  	v15 =	vsel vm0, v48, v15;
	v16 =	vsel vm0, v16, v33;
	v27 =	vadd.f32 v63, v27  }
0x163: {  	v4 =	vsel vm0, v50, v4;
	v3 =	vadd.f32 v15, v20;
	v16 =	vadd.f32 v17, v16  }
0x164: {  	v15 =	vperm.xlane v25, v1;
	v13 =	vsel vm0, v13, v49;
	v51 =	vperm.xlane v27, v1  }
0x165: {  	v56 =	vperm.xlane v19, v52;
	v4 =	vadd.f32 v4, v13;
	v55 =	vperm.xlane v16, v52  }
0x166: {  	v54 =	vperm.xlane v39, v52;
	v15 =	vsel vm0, v15, v27;
	v53 =	vsel vm0, v25, v51  }
0x167: {  	v61 =	vld [tilespmem:$0x1FFE0];
	v60 =	vperm.xlane v4, v52;
	v57 =	vperm.xlane v3, v52;
	v13 =	vadd.f32 v15, v53  }
0x168: {  	v17 =	vsel vm1, v55, v39;
	v16 =	vsel vm1, v16, v54;
	v3 =	vsel vm1, v58, v3  }
0x169: {  	v2 =	vsel vm1, v2, v57;
	v15 =	vperm.xlane v18, v52;
	v59 =	vperm.xlane v13, v52  }
0x16a: {  	v16 =	vadd.f32 v17, v16;
	v2 =	vadd.f32 v3, v2;
	v18 =	vsel vm1, v56, v18  }
0x16b: {  	v15 =	vsel vm1, v19, v15;
	v13 =	vsel vm1, v60, v13;
	v4 =	vsel vm1, v4, v59  }
0x16c: {  	v15 =	vadd.f32 v18, v15;
	v3 =	vadd.f32 v13, v4;
	v13 =	vperm.xlane v16, v61  }
0x16d: {  	v63 =	vperm.xlane v2, v61  }
0x16e: {  	v4 =	vperm.xlane v15, v61;
	v62 =	vperm.xlane v3, v61;
	v13 =	vsel vm2, v13, v15;
	v15 =	vld [tilespmem:$0x1FFF0];
	_ =	sdelay $0x1  }
0x16f: {  	v4 =	vsel vm2, v16, v4;
	v3 =	vsel vm2, v63, v3;
	v2 =	vsel vm2, v2, v62  }
0x170: {  	v4 =	vadd.f32 v13, v4;
	v2 =	vadd.f32 v3, v2;
	_ =	sdelay $0x1  }
0x171: {  	v3 =	vperm.xlane v2, v15;
	v13 =	vperm.xlane v4, v15;
	_ =	sdelay $0x1  }
0x172: {  	v3 =	vsel vm3, v4, v3;
	v2 =	vsel vm3, v13, v2  }
0x173: {  	v2 =	vadd.f32 v2, v3;
	v3 =	vld [tilespmem:$0x1FFD0];
	_ =	sdelay $0x4  }
0x174: {  	v2 =	vadd.f32 v2, v3;
	_ =	sdelay $0x1  }
0x175: {  	v2 =	vsub.f32 $0.0e+00, v2;
	_ =	sdelay $0x1  }
0x176: {  	v2 =	vmul.f32 $1.442695020e+00, v2;
	_ =	sdelay $0x1  }
0x177: {  	(erf) = vpow2.f32 v2;
	_ =	sdelay $0x8  }
0x178: {  	v2 =	vpop (erf)  }
0x179: {  	v2 =	vadd.f32 $1.000000000e+00, v2;
	_ =	sdelay $0x1  }
0x17a: {  	(erf) = vrcp.f32 v2;
	_ =	sdelay $0x1  }
0x17b: {  	v4 =	vld [tilespmem:$0x1FFC0];
	_ =	sdelay $0x2  }
0x17c: {  	p0 =	sne.s32 s1, $0x4  }
.Ltmp1:
0x17d: {  	_ = 	snop;
	(pc) =	sbr.rel @p0 .LBB2_5-.Ltmp1, $4  }
0x17e: {  	_ = 	snop  }
0x17f: {  	s14 =	sshll.u32 s1, $0x4  }
0x180: {  	s14 =	sand.u32 $0x3FFFFFF0, s14;
	[tilespmem:v14+s13+$0x7F0 ss:$0x1] =	vst.idx.msk $0xffff, v0;
	v2 =	vpop (erf)  }
0x181: {  	s1 =	sadd.s32 $0x1, s1;
	[tilespmem:v4+s14+$0x0 ss:$0x1] =	vst.idx.msk $0xffff, v2  }
0x182: {  	p0 =	sgt.u32 s31, $0x78  }
0x183: {  	s1 =	sshll.u32 @!p0 s31, $0x7  }
0x184: {  	s14 =	simm.s32 @!p0 $0x50;
	s13 =	sadd.s32 @!p0 $0x200, s1  }
0x185: {  	[tilespmem:s0], [sflag:$0x1] =	stream.indirect.gather.add.f32 @!p0 [hbm:s3], $0x80, s13, s14, $0xb8;
	[tilespmem:$0x14880] =	vst v63  }
0x186: {  	s31 =	sadd.s32 $0x1, s31;
	s1 =	sadd.s32 @!p0 $0x4200, s1  }
0x187: {  	[tilespmem:s0], [sflag:$0x2] =	stream.indirect.gather.add.f32 @!p0 [hbm:s4], $0x80, s1, s14, $0xb8;
	[tilespmem:$0x14880] =	vst v63  }
0x188: {  	p0 =	sne.s32 s31, $0x7D  }
.Ltmp2:
0x189: {  	_ = 	snop;
	(pc) =	sbr.rel @p0 .LBB2_4-.Ltmp2, $1  }
0x18a: {  	_ =	sdelay $0x3  }
0x18b: {  	s30 =	sadd.s32 $0x1, s30  }
0x18c: {  	p0 =	sne.s32 s30, s10  }
.Ltmp3:
0x18d: {  	_ = 	snop;
	(pc) =	sbr.rel @p0 .LBB2_1-.Ltmp3, $4  }
0x18e: {  	[hbm4b:s9+s2] =	stream.linear.scatter [tilespmem:s29], [sflag:$0x3], $0x2710, $0x38;
	[tilespmem:$0x14880] =	vst v63  }
0x18f: {  	_ =	swait.ge [sflag:s11], $0x2710  }
0x190: {  	[sflag:s11] =	ssyncset.done $0x0  }
0x191: {  	[sflag:s11] =	ssyncadd.s32 $0xFFFFD8F0  }
0x192: {  	_ =	sfence.sel $0x180000  }
0x193: {  	[bflag:$0x0] =	sbarrier.arrive $0xFFFF  }
0x194: {  	_ =	strace $0x90000047  }
0x195: {  	s0 =	stileid.u32;
	[bflag:$0x2] =	sbarrier.arrive $0xFFFF  }
0x196: {  	p0 =	sne.s32 s0, $0x0;
	s0 =	rddreg [dreg:$0x2]  }
0x197: {  	s0 =	sadd.s32 @!p0 $0x100000, s0  }
0x198: {  	[sflag:s0] =	ssyncadd.tile.s32 @!p0 $0x1;
	_ =	shalt  }
.Lfunc_end2:
_tile_overlayer_lowered:
.L_overlay_start_2:
0x199: {  	(tag) =	ssettag $0x2  }
0x19a: {  	s0 =	rddreg [dreg:$0x0];
	s2 =	stileid.u32  }
0x19b: {  	s1 =	rddreg [dreg:$0x1];
	p0 =	sne.s32 s2, $0x0  }
0x19c: {  	s3 =	rddreg [dreg:$0x2];
	[bflag:$0x3] =	sbarrier.arrive $0xFFFF;
	s2 =	simm.s32 @!p0 $0x1C03  }
0x19d: {  	[timem:s3], [sflag:s2] =	dma.local @!p0 [hbm:s0], s1  }
0x19e: {  	s0 =	simm.s32 @!p0 $0x3  }
0x19f: {  	_ =	swait.ge @!p0 [sflag:s0], s1  }
0x1a0: {  	s1 =	ssub.s32 @!p0 $0x0, s1;
	[sflag:s0] =	ssyncset.done @!p0 $0x0  }
0x1a1: {  	[sflag:s0] =	ssyncadd.s32 @!p0 s1  }
0x1a2: {  	[bflag:$0x3] =	sbarrier.arrive $0xFFFF  }
0x1a3: {  	_ =	shalt  }

</sc_bundles>
